<compile_context>
chip_gen: v7x
topology: tpu7x:2x2x1
jax: 0.10.2.dev20260603
libtpu: 0.0.44.dev20260713+nightly
codegen_flags: <defaults>
</compile_context>

<pallas_src>
import functools

import jax
import jax.numpy as jnp
from jax import lax
from jax.experimental import pallas as pl
from jax.experimental.pallas import tpu as pltpu
from jax.experimental.pallas import tpu_sc as plsc

N = 10000
NNZ = 320000
H = 128
NE = 10000
OUT = 40
ALPHA = 0.5


BN = 2000
GRID = N // BN


def _ln(x, g, b):
    mu = jnp.mean(x, axis=-1, keepdims=True)
    var = jnp.mean((x - mu) ** 2, axis=-1, keepdims=True)
    return (x - mu) / jnp.sqrt(var + 1e-5) * g + b


def _mm(a, w):
    return lax.dot_general(a, w, (((1,), (0,)), ((), ())),
                           preferred_element_type=jnp.float32)


def _rowspec():
    return pl.BlockSpec((1, H), lambda i: (0, 0))


def _matspec():
    return pl.BlockSpec((H, H), lambda i: (0, 0))


def _blkspec():
    return pl.BlockSpec((BN, H), lambda i: (i, 0))


def _pspec():
    return pl.BlockSpec((2, BN, H), lambda i: (0, i, 0))


def _pre_body(x_ref, win, bin_, g1, b1, w1, wb1, h0_ref, t_ref):
    h = jnp.maximum(_mm(x_ref[...], win[...]) + bin_[...], 0.0)
    h0_ref[...] = h
    t_ref[...] = _mm(_ln(h, g1[...], b1[...]), w1[...]) + wb1[...]


def _combine_body(xep_ref, xe_ref):
    xe_ref[...] = xep_ref[0] + xep_ref[1]


def _mid_body(xvp_ref, h0_ref, g3, b3, w3, wb3, g1, b1, w1, wb1, t_ref):
    xv = xvp_ref[0] + xvp_ref[1]
    hn = (1.0 - ALPHA) * xv + ALPHA * h0_ref[...]
    hn = _mm(_ln(hn, g3[...], b3[...]), w3[...]) + wb3[...]
    h = jnp.maximum(hn, 0.0)
    t_ref[...] = _mm(_ln(h, g1[...], b1[...]), w1[...]) + wb1[...]


def _final_body(xvp_ref, h0_ref, g3, b3, w3, wb3, cw1, cb1, clng, clnb,
                cw2, cb2, out_ref):
    xv = xvp_ref[0] + xvp_ref[1]
    hn = (1.0 - ALPHA) * xv + ALPHA * h0_ref[...]
    hn = _mm(_ln(hn, g3[...], b3[...]), w3[...]) + wb3[...]
    h = jnp.maximum(hn, 0.0)
    c = jnp.maximum(_mm(h, cw1[...]) + cb1[...], 0.0)
    c = _ln(c, clng[...], clnb[...])
    out_ref[...] = _mm(c, cw2[...]) + cb2[...]


def _tc_pre(x, W_in, b_in, ln1_g, ln1_b, W1_w, W1_b):
    return pl.pallas_call(
        _pre_body,
        grid=(GRID,),
        in_specs=[_blkspec(), _matspec(), _rowspec(), _rowspec(), _rowspec(),
                  _matspec(), _rowspec()],
        out_specs=[_blkspec(), _blkspec()],
        out_shape=[jax.ShapeDtypeStruct((N, H), jnp.float32)] * 2,
    )(x, W_in, b_in.reshape(1, H), ln1_g.reshape(1, H), ln1_b.reshape(1, H),
      W1_w, W1_b.reshape(1, H))


def _tc_combine(xep):
    return pl.pallas_call(
        _combine_body,
        grid=(GRID,),
        in_specs=[_pspec()],
        out_specs=_blkspec(),
        out_shape=jax.ShapeDtypeStruct((NE, H), jnp.float32),
    )(xep)


def _tc_mid(xvp, h0, ln3_g, ln3_b, W3_w, W3_b, ln1_g, ln1_b, W1_w, W1_b):
    return pl.pallas_call(
        _mid_body,
        grid=(GRID,),
        in_specs=[_pspec(), _blkspec(), _rowspec(), _rowspec(), _matspec(),
                  _rowspec(), _rowspec(), _rowspec(), _matspec(), _rowspec()],
        out_specs=_blkspec(),
        out_shape=jax.ShapeDtypeStruct((N, H), jnp.float32),
    )(xvp, h0, ln3_g.reshape(1, H), ln3_b.reshape(1, H), W3_w,
      W3_b.reshape(1, H), ln1_g.reshape(1, H), ln1_b.reshape(1, H), W1_w,
      W1_b.reshape(1, H))


def _tc_final(xvp, h0, ln3_g, ln3_b, W3_w, W3_b, cls_w1, cls_b1, cls_lng,
              cls_lnb, cls_w2p, cls_b2p):
    return pl.pallas_call(
        _final_body,
        grid=(GRID,),
        in_specs=[_pspec(), _blkspec(), _rowspec(), _rowspec(), _matspec(),
                  _rowspec(), _matspec(), _rowspec(), _rowspec(), _rowspec(),
                  _matspec(), _rowspec()],
        out_specs=_blkspec(),
        out_shape=jax.ShapeDtypeStruct((N, H), jnp.float32),
    )(xvp, h0, ln3_g.reshape(1, H), ln3_b.reshape(1, H), W3_w,
      W3_b.reshape(1, H), cls_w1, cls_b1.reshape(1, H),
      cls_lng.reshape(1, H), cls_lnb.reshape(1, H), cls_w2p,
      cls_b2p.reshape(1, H))



NW = 32
PT = NNZ // NW
CH = 80
NCH = PT // CH
SB = CH
NSB = NE // SB
MAXSB = -(-NSB // 16)

_sc_mesh = plsc.VectorSubcoreMesh(core_axis_name="c", subcore_axis_name="s")


@functools.partial(
    pl.kernel,
    mesh=_sc_mesh,
    out_type=jax.ShapeDtypeStruct((2, NE, H), jnp.float32),
    scratch_types=[
        pltpu.VMEM((NCH, CH), jnp.int32),
        pltpu.VMEM((NCH, CH), jnp.int32),
        pltpu.VMEM((CH, H), jnp.float32),
        pltpu.VMEM_SHARED((NE, H), jnp.float32),
        pltpu.SemaphoreType.DMA,
    ],
)
def _sc_segsum(src, gidx, sidx, out, idx_g, idx_s, rows, acc, sem):
    c = lax.axis_index("c")
    s = lax.axis_index("s")
    wid = s * 2 + c
    pltpu.sync_copy(gidx.at[wid], idx_g)
    pltpu.sync_copy(sidx.at[wid], idx_s)

    def _zb(i, carry):
        rows[i // 8, pl.ds((i % 8) * 16, 16)] = jnp.zeros((16,), jnp.float32)
        return carry
    lax.fori_loop(0, SB * 8, _zb, 0)
    for i in range(MAXSB):
        k = s + 16 * i

        @pl.when(k < NSB)
        def _():
            pltpu.sync_copy(rows, acc.at[pl.ds(k * SB, SB)])
    plsc.subcore_barrier()

    def _chunk(g, carry):
        pltpu.async_copy(src.at[idx_g.at[g]], rows, sem).wait()
        pltpu.sync_copy(rows, acc.at[idx_s.at[g]], add=True)
        return carry
    lax.fori_loop(0, NCH, _chunk, 0)
    plsc.subcore_barrier()

    for i in range(MAXSB):
        k = s + 16 * i

        @pl.when(k < NSB)
        def _():
            pltpu.sync_copy(acc.at[pl.ds(k * SB, SB)], rows)
            pltpu.sync_copy(rows, out.at[c, pl.ds(k * SB, SB)])



def kernel(x, edge_index, W_in, b_in, ln1_g, ln1_b, W1_w, W1_b, ln3_g, ln3_b,
           W3_w, W3_b, cls_w1, cls_b1, cls_lng, cls_lnb, cls_w2, cls_b2):
    vtx = edge_index[0].reshape(NW, NCH, CH)
    edg = edge_index[1].reshape(NW, NCH, CH)
    cls_w2p = jnp.pad(cls_w2, ((0, 0), (0, H - OUT)))
    cls_b2p = jnp.pad(cls_b2, (0, H - OUT))

    h0, t = _tc_pre(x, W_in, b_in, ln1_g, ln1_b, W1_w, W1_b)

    xep = _sc_segsum(t, vtx, edg)
    xe = _tc_combine(xep)
    xvp = _sc_segsum(xe, edg, vtx)
    t = _tc_mid(xvp, h0, ln3_g, ln3_b, W3_w, W3_b, ln1_g, ln1_b, W1_w, W1_b)

    xep = _sc_segsum(t, vtx, edg)
    xe = _tc_combine(xep)
    xvp = _sc_segsum(xe, edg, vtx)
    outp = _tc_final(xvp, h0, ln3_g, ln3_b, W3_w, W3_b, cls_w1, cls_b1,
                     cls_lng, cls_lnb, cls_w2p, cls_b2p)
    return outp[:, :OUT]

# --- scband reference (transcript-rebuilt; emitter-appended) ---
"""Pipeline reference for scband-equiv-set-gnn-74509092651631 (READ-ONLY COPY).

The authoritative reference and input builder live on the scoring server;
editing this copy changes nothing except your own understanding.
"""

import jax, jax.numpy as jnp
import numpy as np

N = 10000        # nodes
NNZ = 320000     # incidences (vertex, hyperedge) pairs
D = 128          # input feature dim
H = 128          # hidden
NE = 10000       # hyperedges
OUT = 40         # classes
ALPHA = 0.5      # interpol_ratio
NUM_LAYERS = 2


def layer_norm(x, g, b):
    mu = jnp.mean(x, axis=-1, keepdims=True)
    var = jnp.mean((x - mu) ** 2, axis=-1, keepdims=True)
    return (x - mu) / jnp.sqrt(var + 1e-5) * g + b


def setup_inputs(seed: int = 0) -> dict:
    key = jax.random.key(seed)
    ks = jax.random.split(key, 16)

    def lin(k, fan_in, shape):
        bound = 1.0 / np.sqrt(fan_in)
        return jax.random.uniform(k, shape, jnp.float32, -bound, bound)

    inp = {}
    inp["x"] = jax.random.normal(ks[0], (N, D), jnp.float32)
    inp["edge_index"] = jax.random.randint(ks[1], (2, NNZ), 0, N, jnp.int32)
    # lin_in
    inp["W_in"] = lin(ks[2], D, (D, H))
    inp["b_in"] = lin(ks[3], D, (H,))
    # conv.W1 (MLP, 1 layer, InputNorm=True -> LayerNorm then Linear)
    inp["ln1_g"] = jnp.ones((H,), jnp.float32)
    inp["ln1_b"] = jnp.zeros((H,), jnp.float32)
    inp["W1_w"] = lin(ks[4], H, (H, H))
    inp["W1_b"] = lin(ks[5], H, (H,))
    # conv.W (MLP, 1 layer, InputNorm=True)
    inp["ln3_g"] = jnp.ones((H,), jnp.float32)
    inp["ln3_b"] = jnp.zeros((H,), jnp.float32)
    inp["W3_w"] = lin(ks[6], H, (H, H))
    inp["W3_b"] = lin(ks[7], H, (H,))
    # classifier MLP: Linear -> ReLU -> LN -> Linear (InputNorm=False)
    inp["cls_w1"] = lin(ks[8], H, (H, H))
    inp["cls_b1"] = lin(ks[9], H, (H,))
    inp["cls_lng"] = jnp.ones((H,), jnp.float32)
    inp["cls_lnb"] = jnp.zeros((H,), jnp.float32)
    inp["cls_w2"] = lin(ks[10], H, (H, OUT))
    inp["cls_b2"] = lin(ks[11], H, (OUT,))
    return inp


def reference(x, edge_index, W_in, b_in, ln1_g, ln1_b, W1_w, W1_b,
              ln3_g, ln3_b, W3_w, W3_b, cls_w1, cls_b1, cls_lng, cls_lnb,
              cls_w2, cls_b2):
    vertex = edge_index[0]
    edges = edge_index[1]
    # input dropout disabled (eval mode)
    h = jax.nn.relu(x @ W_in + b_in)
    h0 = h
    xe_emb_list = []
    for _ in range(NUM_LAYERS):
        # EquivSetConv (ED-HNN), disen_spec=0 -> edge_attr None
        Xve = (layer_norm(h, ln1_g, ln1_b) @ W1_w + W1_b)[vertex]        # [nnz, H]
        Xe = jax.ops.segment_sum(Xve, edges, num_segments=NE)            # [NE, H]
        Xev = Xe[edges]                                                  # [nnz, H]
        # mlp2_layers=0 -> W2 = lambda X: X[..., in_features:] (slice of concat)
        cat = jnp.concatenate([h[vertex], Xev], axis=-1)
        Xev = cat[..., H:]
        Xv = jax.ops.segment_sum(Xev, vertex, num_segments=N)            # [N, H]
        hn = (1.0 - ALPHA) * Xv + ALPHA * h0
        hn = layer_norm(hn, ln3_g, ln3_b) @ W3_w + W3_b
        xe_emb_list.append(Xe)
        h = jax.nn.relu(hn)
    # classifier (dropout disabled)
    c = jax.nn.relu(h @ cls_w1 + cls_b1)
    c = layer_norm(c, cls_lng, cls_lnb)
    out = c @ cls_w2 + cls_b2
    return out

if __name__ == "__main__":
    import jax
    _d = setup_inputs()
    print(jax.jit(kernel)(*tuple(_d.values())))

</pallas_src>

<mosaic_0001>
#map = affine_map<(d0, d1) -> (0, 0)>
#map1 = affine_map<(d0, d1) -> (0, 0, 0)>
module attributes {stable_mosaic.version = 14 : i64} {
  func.func @_sc_segsum(%arg0: i32, %arg1: i32, %arg2: memref<10000x128xf32, #tpu.memory_space<hbm>>, %arg3: memref<32x125x80xi32, #tpu.memory_space<hbm>>, %arg4: memref<32x125x80xi32, #tpu.memory_space<hbm>>, %arg5: memref<2x10000x128xf32, #tpu.memory_space<hbm>>, %arg6: memref<125x80xi32, #tpu.memory_space<vmem>>, %arg7: memref<125x80xi32, #tpu.memory_space<vmem>>, %arg8: memref<80x128xf32, #tpu.memory_space<vmem>>, %arg9: memref<10000x128xf32, #tpu.memory_space<vmem_shared>>, %arg10: memref<!tpu.dma_semaphore, #tpu.memory_space<semaphore_mem>>) attributes {dimension_semantics = [#tpu.dimension_semantics<core_parallel>, #tpu.dimension_semantics<subcore_parallel>], iteration_bounds = array<i64: 2, 16>, scalar_prefetch = 0 : i64, scratch_operands = 5 : i64, tpu.core_type = #tpu.core_type<sc_vector_subcore>, window_params = [{transform_indices = #map}, {transform_indices = #map1}, {transform_indices = #map1}, {transform_indices = #map1}]} {
    %mul3A = arith.constant 2 : i32
    %mul3A_0 = arith.muli %arg1, %mul3A : i32
    %add3A = arith.addi %mul3A_0, %arg0 : i32
    "tpu.region"() ({
      %run_scoped3A = tpu.sem_alloc : memref<!tpu.dma_semaphore, #tpu.memory_space<semaphore_mem>>
      %dma_start3A = arith.constant 0 : i32
      %dma_start3A_122 = arith.constant 0 : i32
      %dma_start3A_123 = tpu.memref_slice %arg3[%add3A, %dma_start3A, %dma_start3A_122] : memref<32x125x80xi32, #tpu.memory_space<hbm>> -> memref<1x125x80xi32, #tpu.memory_space<hbm>>
      %dma_start3A_124 = tpu.memref_squeeze %dma_start3A_123 : memref<1x125x80xi32, #tpu.memory_space<hbm>> -> memref<125x80xi32, #tpu.memory_space<hbm>>
      %dma_start3A_125 = arith.constant 0 : i32
      %dma_start3A_126 = arith.constant 0 : i32
      %dma_start3A_127 = tpu.memref_slice %arg3[%add3A, %dma_start3A_125, %dma_start3A_126] : memref<32x125x80xi32, #tpu.memory_space<hbm>> -> memref<1x125x80xi32, #tpu.memory_space<hbm>>
      %dma_start3A_128 = tpu.memref_squeeze %dma_start3A_127 : memref<1x125x80xi32, #tpu.memory_space<hbm>> -> memref<125x80xi32, #tpu.memory_space<hbm>>
      tpu.enqueue_dma source(%dma_start3A_128 : memref<125x80xi32, #tpu.memory_space<hbm>>) target(%arg6 : memref<125x80xi32, #tpu.memory_space<vmem>>) target_semaphore(%run_scoped3A : memref<!tpu.dma_semaphore, #tpu.memory_space<semaphore_mem>>)
      %dma_wait3A = arith.constant 0 : i32
      %dma_wait3A_129 = arith.constant 0 : i32
      %dma_wait3A_130 = tpu.memref_slice %arg3[%add3A, %dma_wait3A, %dma_wait3A_129] : memref<32x125x80xi32, #tpu.memory_space<hbm>> -> memref<1x125x80xi32, #tpu.memory_space<hbm>>
      %dma_wait3A_131 = tpu.memref_squeeze %dma_wait3A_130 : memref<1x125x80xi32, #tpu.memory_space<hbm>> -> memref<125x80xi32, #tpu.memory_space<hbm>>
      %dma_wait3A_132 = arith.constant 0 : i32
      %dma_wait3A_133 = arith.constant 0 : i32
      %dma_wait3A_134 = tpu.memref_slice %arg3[%add3A, %dma_wait3A_132, %dma_wait3A_133] : memref<32x125x80xi32, #tpu.memory_space<hbm>> -> memref<1x125x80xi32, #tpu.memory_space<hbm>>
      %dma_wait3A_135 = tpu.memref_squeeze %dma_wait3A_134 : memref<1x125x80xi32, #tpu.memory_space<hbm>> -> memref<125x80xi32, #tpu.memory_space<hbm>>
      tpu.wait_dma2 semaphore(%run_scoped3A : memref<!tpu.dma_semaphore, #tpu.memory_space<semaphore_mem>>) src(%dma_wait3A_135 : memref<125x80xi32, #tpu.memory_space<hbm>>) dst(%arg6 : memref<125x80xi32, #tpu.memory_space<vmem>>)
      tpu.yield
    }) : () -> ()
    "tpu.region"() ({
      %run_scoped3A = tpu.sem_alloc : memref<!tpu.dma_semaphore, #tpu.memory_space<semaphore_mem>>
      %dma_start3A = arith.constant 0 : i32
      %dma_start3A_122 = arith.constant 0 : i32
      %dma_start3A_123 = tpu.memref_slice %arg4[%add3A, %dma_start3A, %dma_start3A_122] : memref<32x125x80xi32, #tpu.memory_space<hbm>> -> memref<1x125x80xi32, #tpu.memory_space<hbm>>
      %dma_start3A_124 = tpu.memref_squeeze %dma_start3A_123 : memref<1x125x80xi32, #tpu.memory_space<hbm>> -> memref<125x80xi32, #tpu.memory_space<hbm>>
      %dma_start3A_125 = arith.constant 0 : i32
      %dma_start3A_126 = arith.constant 0 : i32
      %dma_start3A_127 = tpu.memref_slice %arg4[%add3A, %dma_start3A_125, %dma_start3A_126] : memref<32x125x80xi32, #tpu.memory_space<hbm>> -> memref<1x125x80xi32, #tpu.memory_space<hbm>>
      %dma_start3A_128 = tpu.memref_squeeze %dma_start3A_127 : memref<1x125x80xi32, #tpu.memory_space<hbm>> -> memref<125x80xi32, #tpu.memory_space<hbm>>
      tpu.enqueue_dma source(%dma_start3A_128 : memref<125x80xi32, #tpu.memory_space<hbm>>) target(%arg7 : memref<125x80xi32, #tpu.memory_space<vmem>>) target_semaphore(%run_scoped3A : memref<!tpu.dma_semaphore, #tpu.memory_space<semaphore_mem>>)
      %dma_wait3A = arith.constant 0 : i32
      %dma_wait3A_129 = arith.constant 0 : i32
      %dma_wait3A_130 = tpu.memref_slice %arg4[%add3A, %dma_wait3A, %dma_wait3A_129] : memref<32x125x80xi32, #tpu.memory_space<hbm>> -> memref<1x125x80xi32, #tpu.memory_space<hbm>>
      %dma_wait3A_131 = tpu.memref_squeeze %dma_wait3A_130 : memref<1x125x80xi32, #tpu.memory_space<hbm>> -> memref<125x80xi32, #tpu.memory_space<hbm>>
      %dma_wait3A_132 = arith.constant 0 : i32
      %dma_wait3A_133 = arith.constant 0 : i32
      %dma_wait3A_134 = tpu.memref_slice %arg4[%add3A, %dma_wait3A_132, %dma_wait3A_133] : memref<32x125x80xi32, #tpu.memory_space<hbm>> -> memref<1x125x80xi32, #tpu.memory_space<hbm>>
      %dma_wait3A_135 = tpu.memref_squeeze %dma_wait3A_134 : memref<1x125x80xi32, #tpu.memory_space<hbm>> -> memref<125x80xi32, #tpu.memory_space<hbm>>
      tpu.wait_dma2 semaphore(%run_scoped3A : memref<!tpu.dma_semaphore, #tpu.memory_space<semaphore_mem>>) src(%dma_wait3A_135 : memref<125x80xi32, #tpu.memory_space<hbm>>) dst(%arg7 : memref<125x80xi32, #tpu.memory_space<vmem>>)
      tpu.yield
    }) : () -> ()
    %scan3A = arith.constant 0 : i32
    %scan3A_1 = arith.constant 0 : i32
    %scan3A_2 = arith.constant 640 : i32
    %scan3A_3 = arith.addi %scan3A_1, %scan3A_2 : i32
    %scan3A_4 = arith.constant 1 : i32
    scf.for %scan3A_122 = %scan3A_1 to %scan3A_3 step %scan3A_4  : i32 {
      %broadcast_in_dim3A = arith.constant 0.000000e+00 : f32
      %broadcast_in_dim3A_123 = vector.broadcast %broadcast_in_dim3A : f32 to vector<16xf32>
      %jit3A = arith.constant 8 : i32
      %div3A = arith.divsi %scan3A_122, %jit3A : i32
      %sign3A = arith.constant 0 : i32
      %sign3A_124 = arith.cmpi sgt, %scan3A_122, %sign3A : i32
      %sign3A_125 = arith.extui %sign3A_124 : i1 to i32
      %sign3A_126 = arith.constant 0 : i32
      %sign3A_127 = arith.cmpi slt, %scan3A_122, %sign3A_126 : i32
      %sign3A_128 = arith.extui %sign3A_127 : i1 to i32
      %sign3A_129 = arith.subi %sign3A_125, %sign3A_128 : i32
      %sign3A_130 = arith.constant 0 : i32
      %sign3A_131 = arith.cmpi sgt, %jit3A, %sign3A_130 : i32
      %sign3A_132 = arith.extui %sign3A_131 : i1 to i32
      %sign3A_133 = arith.constant 0 : i32
      %sign3A_134 = arith.cmpi slt, %jit3A, %sign3A_133 : i32
      %sign3A_135 = arith.extui %sign3A_134 : i1 to i32
      %sign3A_136 = arith.subi %sign3A_132, %sign3A_135 : i32
      %ne3A = arith.cmpi ne, %sign3A_129, %sign3A_136 : i32
      %rem3A = arith.remsi %scan3A_122, %jit3A : i32
      %ne3A_137 = arith.constant 0 : i32
      %ne3A_138 = arith.cmpi ne, %rem3A, %ne3A_137 : i32
      %and3A = arith.andi %ne3A, %ne3A_138 : i1
      %sub3A = arith.constant 1 : i32
      %sub3A_139 = arith.subi %div3A, %sub3A : i32
      %select_n3A = arith.select %and3A, %sub3A_139, %div3A : i32
      %jit3A_140 = arith.constant 8 : i32
      %eq3A = arith.constant 0 : i32
      %eq3A_141 = arith.cmpi eq, %jit3A_140, %eq3A : i32
      %jit3A_142 = arith.constant 1 : i32
      %select_n3A_143 = arith.select %eq3A_141, %jit3A_142, %jit3A_140 : i32
      %rem3A_144 = arith.remsi %scan3A_122, %select_n3A_143 : i32
      %ne3A_145 = arith.constant 0 : i32
      %ne3A_146 = arith.cmpi ne, %rem3A_144, %ne3A_145 : i32
      %lt3A_147 = arith.constant 0 : i32
      %lt3A_148 = arith.cmpi slt, %rem3A_144, %lt3A_147 : i32
      %lt3A_149 = arith.constant 0 : i32
      %lt3A_150 = arith.cmpi slt, %select_n3A_143, %lt3A_149 : i32
      %ne3A_151 = arith.xori %lt3A_148, %lt3A_150 : i1
      %and3A_152 = arith.andi %ne3A_151, %ne3A_146 : i1
      %add3A_153 = arith.addi %rem3A_144, %select_n3A_143 : i32
      %select_n3A_154 = arith.select %and3A_152, %add3A_153, %rem3A_144 : i32
      %mul3A_155 = arith.constant 16 : i32
      %mul3A_156 = arith.muli %select_n3A_154, %mul3A_155 : i32
      %swap3A = arith.index_cast %select_n3A : i32 to index
      %swap3A_157 = arith.index_cast %mul3A_156 : i32 to index
      %swap3A_158 = tpu.vector_load %arg8[%swap3A, %swap3A_157] {strides = array<i32>} : memref<80x128xf32, #tpu.memory_space<vmem>>, vector<1x16xf32>,
      %swap3A_159 = vector.shape_cast %swap3A_158 : vector<1x16xf32> to vector<16xf32>
      %swap3A_160 = vector.shape_cast %broadcast_in_dim3A_123 : vector<16xf32> to vector<1x16xf32>
      tpu.vector_store %arg8[%swap3A, %swap3A_157], %swap3A_160 {strides = array<i32>} : memref<80x128xf32, #tpu.memory_space<vmem>>, vector<1x16xf32>,
    }
    %scan3A_5 = arith.constant 640 : i32
    %add3A_6 = arith.constant 0 : i32
    %add3A_7 = arith.addi %arg1, %add3A_6 : i32
    %lt3A = arith.constant 125 : i32
    %lt3A_8 = arith.cmpi slt, %add3A_7, %lt3A : i32
    %convert_element_type3A = arith.extui %lt3A_8 : i1 to i32
    %cond3A = arith.constant 0 : i32
    %cond3A_9 = arith.cmpi ne, %convert_element_type3A, %cond3A : i32
    scf.if %cond3A_9 {
      %mul3A_122 = arith.constant 80 : i32
      %mul3A_123 = arith.muli %add3A_7, %mul3A_122 : i32
      "tpu.region"() ({
        %run_scoped3A = tpu.sem_alloc : memref<!tpu.dma_semaphore, #tpu.memory_space<semaphore_mem>>
        %dma_start3A = arith.constant 0 : i32
        %dma_start3A_124 = tpu.memref_slice %arg9[%mul3A_123, %dma_start3A] : memref<10000x128xf32, #tpu.memory_space<vmem_shared>> -> memref<80x128xf32, #tpu.memory_space<vmem_shared>>
        %dma_start3A_125 = arith.constant 0 : i32
        %dma_start3A_126 = tpu.memref_slice %arg9[%mul3A_123, %dma_start3A_125] : memref<10000x128xf32, #tpu.memory_space<vmem_shared>> -> memref<80x128xf32, #tpu.memory_space<vmem_shared>>
        tpu.enqueue_dma source(%arg8 : memref<80x128xf32, #tpu.memory_space<vmem>>) target(%dma_start3A_126 : memref<80x128xf32, #tpu.memory_space<vmem_shared>>) target_semaphore(%run_scoped3A : memref<!tpu.dma_semaphore, #tpu.memory_space<semaphore_mem>>)
        %dma_wait3A = arith.constant 0 : i32
        %dma_wait3A_127 = tpu.memref_slice %arg9[%mul3A_123, %dma_wait3A] : memref<10000x128xf32, #tpu.memory_space<vmem_shared>> -> memref<80x128xf32, #tpu.memory_space<vmem_shared>>
        %dma_wait3A_128 = arith.constant 0 : i32
        %dma_wait3A_129 = tpu.memref_slice %arg9[%mul3A_123, %dma_wait3A_128] : memref<10000x128xf32, #tpu.memory_space<vmem_shared>> -> memref<80x128xf32, #tpu.memory_space<vmem_shared>>
        tpu.wait_dma2 semaphore(%run_scoped3A : memref<!tpu.dma_semaphore, #tpu.memory_space<semaphore_mem>>) src(%arg8 : memref<80x128xf32, #tpu.memory_space<vmem>>) dst(%dma_wait3A_129 : memref<80x128xf32, #tpu.memory_space<vmem_shared>>)
        tpu.yield
      }) : () -> ()
    } else {
    }
    %add3A_10 = arith.constant 16 : i32
    %add3A_11 = arith.addi %arg1, %add3A_10 : i32
    %lt3A_12 = arith.constant 125 : i32
    %lt3A_13 = arith.cmpi slt, %add3A_11, %lt3A_12 : i32
    %convert_element_type3A_14 = arith.extui %lt3A_13 : i1 to i32
    %cond3A_15 = arith.constant 0 : i32
    %cond3A_16 = arith.cmpi ne, %convert_element_type3A_14, %cond3A_15 : i32
    scf.if %cond3A_16 {
      %mul3A_122 = arith.constant 80 : i32
      %mul3A_123 = arith.muli %add3A_11, %mul3A_122 : i32
      "tpu.region"() ({
        %run_scoped3A = tpu.sem_alloc : memref<!tpu.dma_semaphore, #tpu.memory_space<semaphore_mem>>
        %dma_start3A = arith.constant 0 : i32
        %dma_start3A_124 = tpu.memref_slice %arg9[%mul3A_123, %dma_start3A] : memref<10000x128xf32, #tpu.memory_space<vmem_shared>> -> memref<80x128xf32, #tpu.memory_space<vmem_shared>>
        %dma_start3A_125 = arith.constant 0 : i32
        %dma_start3A_126 = tpu.memref_slice %arg9[%mul3A_123, %dma_start3A_125] : memref<10000x128xf32, #tpu.memory_space<vmem_shared>> -> memref<80x128xf32, #tpu.memory_space<vmem_shared>>
        tpu.enqueue_dma source(%arg8 : memref<80x128xf32, #tpu.memory_space<vmem>>) target(%dma_start3A_126 : memref<80x128xf32, #tpu.memory_space<vmem_shared>>) target_semaphore(%run_scoped3A : memref<!tpu.dma_semaphore, #tpu.memory_space<semaphore_mem>>)
        %dma_wait3A = arith.constant 0 : i32
        %dma_wait3A_127 = tpu.memref_slice %arg9[%mul3A_123, %dma_wait3A] : memref<10000x128xf32, #tpu.memory_space<vmem_shared>> -> memref<80x128xf32, #tpu.memory_space<vmem_shared>>
        %dma_wait3A_128 = arith.constant 0 : i32
        %dma_wait3A_129 = tpu.memref_slice %arg9[%mul3A_123, %dma_wait3A_128] : memref<10000x128xf32, #tpu.memory_space<vmem_shared>> -> memref<80x128xf32, #tpu.memory_space<vmem_shared>>
        tpu.wait_dma2 semaphore(%run_scoped3A : memref<!tpu.dma_semaphore, #tpu.memory_space<semaphore_mem>>) src(%arg8 : memref<80x128xf32, #tpu.memory_space<vmem>>) dst(%dma_wait3A_129 : memref<80x128xf32, #tpu.memory_space<vmem_shared>>)
        tpu.yield
      }) : () -> ()
    } else {
    }
    %add3A_17 = arith.constant 32 : i32
    %add3A_18 = arith.addi %arg1, %add3A_17 : i32
    %lt3A_19 = arith.constant 125 : i32
    %lt3A_20 = arith.cmpi slt, %add3A_18, %lt3A_19 : i32
    %convert_element_type3A_21 = arith.extui %lt3A_20 : i1 to i32
    %cond3A_22 = arith.constant 0 : i32
    %cond3A_23 = arith.cmpi ne, %convert_element_type3A_21, %cond3A_22 : i32
    scf.if %cond3A_23 {
      %mul3A_122 = arith.constant 80 : i32
      %mul3A_123 = arith.muli %add3A_18, %mul3A_122 : i32
      "tpu.region"() ({
        %run_scoped3A = tpu.sem_alloc : memref<!tpu.dma_semaphore, #tpu.memory_space<semaphore_mem>>
        %dma_start3A = arith.constant 0 : i32
        %dma_start3A_124 = tpu.memref_slice %arg9[%mul3A_123, %dma_start3A] : memref<10000x128xf32, #tpu.memory_space<vmem_shared>> -> memref<80x128xf32, #tpu.memory_space<vmem_shared>>
        %dma_start3A_125 = arith.constant 0 : i32
        %dma_start3A_126 = tpu.memref_slice %arg9[%mul3A_123, %dma_start3A_125] : memref<10000x128xf32, #tpu.memory_space<vmem_shared>> -> memref<80x128xf32, #tpu.memory_space<vmem_shared>>
        tpu.enqueue_dma source(%arg8 : memref<80x128xf32, #tpu.memory_space<vmem>>) target(%dma_start3A_126 : memref<80x128xf32, #tpu.memory_space<vmem_shared>>) target_semaphore(%run_scoped3A : memref<!tpu.dma_semaphore, #tpu.memory_space<semaphore_mem>>)
        %dma_wait3A = arith.constant 0 : i32
        %dma_wait3A_127 = tpu.memref_slice %arg9[%mul3A_123, %dma_wait3A] : memref<10000x128xf32, #tpu.memory_space<vmem_shared>> -> memref<80x128xf32, #tpu.memory_space<vmem_shared>>
        %dma_wait3A_128 = arith.constant 0 : i32
        %dma_wait3A_129 = tpu.memref_slice %arg9[%mul3A_123, %dma_wait3A_128] : memref<10000x128xf32, #tpu.memory_space<vmem_shared>> -> memref<80x128xf32, #tpu.memory_space<vmem_shared>>
        tpu.wait_dma2 semaphore(%run_scoped3A : memref<!tpu.dma_semaphore, #tpu.memory_space<semaphore_mem>>) src(%arg8 : memref<80x128xf32, #tpu.memory_space<vmem>>) dst(%dma_wait3A_129 : memref<80x128xf32, #tpu.memory_space<vmem_shared>>)
        tpu.yield
      }) : () -> ()
    } else {
    }
    %add3A_24 = arith.constant 48 : i32
    %add3A_25 = arith.addi %arg1, %add3A_24 : i32
    %lt3A_26 = arith.constant 125 : i32
    %lt3A_27 = arith.cmpi slt, %add3A_25, %lt3A_26 : i32
    %convert_element_type3A_28 = arith.extui %lt3A_27 : i1 to i32
    %cond3A_29 = arith.constant 0 : i32
    %cond3A_30 = arith.cmpi ne, %convert_element_type3A_28, %cond3A_29 : i32
    scf.if %cond3A_30 {
      %mul3A_122 = arith.constant 80 : i32
      %mul3A_123 = arith.muli %add3A_25, %mul3A_122 : i32
      "tpu.region"() ({
        %run_scoped3A = tpu.sem_alloc : memref<!tpu.dma_semaphore, #tpu.memory_space<semaphore_mem>>
        %dma_start3A = arith.constant 0 : i32
        %dma_start3A_124 = tpu.memref_slice %arg9[%mul3A_123, %dma_start3A] : memref<10000x128xf32, #tpu.memory_space<vmem_shared>> -> memref<80x128xf32, #tpu.memory_space<vmem_shared>>
        %dma_start3A_125 = arith.constant 0 : i32
        %dma_start3A_126 = tpu.memref_slice %arg9[%mul3A_123, %dma_start3A_125] : memref<10000x128xf32, #tpu.memory_space<vmem_shared>> -> memref<80x128xf32, #tpu.memory_space<vmem_shared>>
        tpu.enqueue_dma source(%arg8 : memref<80x128xf32, #tpu.memory_space<vmem>>) target(%dma_start3A_126 : memref<80x128xf32, #tpu.memory_space<vmem_shared>>) target_semaphore(%run_scoped3A : memref<!tpu.dma_semaphore, #tpu.memory_space<semaphore_mem>>)
        %dma_wait3A = arith.constant 0 : i32
        %dma_wait3A_127 = tpu.memref_slice %arg9[%mul3A_123, %dma_wait3A] : memref<10000x128xf32, #tpu.memory_space<vmem_shared>> -> memref<80x128xf32, #tpu.memory_space<vmem_shared>>
        %dma_wait3A_128 = arith.constant 0 : i32
        %dma_wait3A_129 = tpu.memref_slice %arg9[%mul3A_123, %dma_wait3A_128] : memref<10000x128xf32, #tpu.memory_space<vmem_shared>> -> memref<80x128xf32, #tpu.memory_space<vmem_shared>>
        tpu.wait_dma2 semaphore(%run_scoped3A : memref<!tpu.dma_semaphore, #tpu.memory_space<semaphore_mem>>) src(%arg8 : memref<80x128xf32, #tpu.memory_space<vmem>>) dst(%dma_wait3A_129 : memref<80x128xf32, #tpu.memory_space<vmem_shared>>)
        tpu.yield
      }) : () -> ()
    } else {
    }
    %add3A_31 = arith.constant 64 : i32
    %add3A_32 = arith.addi %arg1, %add3A_31 : i32
    %lt3A_33 = arith.constant 125 : i32
    %lt3A_34 = arith.cmpi slt, %add3A_32, %lt3A_33 : i32
    %convert_element_type3A_35 = arith.extui %lt3A_34 : i1 to i32
    %cond3A_36 = arith.constant 0 : i32
    %cond3A_37 = arith.cmpi ne, %convert_element_type3A_35, %cond3A_36 : i32
    scf.if %cond3A_37 {
      %mul3A_122 = arith.constant 80 : i32
      %mul3A_123 = arith.muli %add3A_32, %mul3A_122 : i32
      "tpu.region"() ({
        %run_scoped3A = tpu.sem_alloc : memref<!tpu.dma_semaphore, #tpu.memory_space<semaphore_mem>>
        %dma_start3A = arith.constant 0 : i32
        %dma_start3A_124 = tpu.memref_slice %arg9[%mul3A_123, %dma_start3A] : memref<10000x128xf32, #tpu.memory_space<vmem_shared>> -> memref<80x128xf32, #tpu.memory_space<vmem_shared>>
        %dma_start3A_125 = arith.constant 0 : i32
        %dma_start3A_126 = tpu.memref_slice %arg9[%mul3A_123, %dma_start3A_125] : memref<10000x128xf32, #tpu.memory_space<vmem_shared>> -> memref<80x128xf32, #tpu.memory_space<vmem_shared>>
        tpu.enqueue_dma source(%arg8 : memref<80x128xf32, #tpu.memory_space<vmem>>) target(%dma_start3A_126 : memref<80x128xf32, #tpu.memory_space<vmem_shared>>) target_semaphore(%run_scoped3A : memref<!tpu.dma_semaphore, #tpu.memory_space<semaphore_mem>>)
        %dma_wait3A = arith.constant 0 : i32
        %dma_wait3A_127 = tpu.memref_slice %arg9[%mul3A_123, %dma_wait3A] : memref<10000x128xf32, #tpu.memory_space<vmem_shared>> -> memref<80x128xf32, #tpu.memory_space<vmem_shared>>
        %dma_wait3A_128 = arith.constant 0 : i32
        %dma_wait3A_129 = tpu.memref_slice %arg9[%mul3A_123, %dma_wait3A_128] : memref<10000x128xf32, #tpu.memory_space<vmem_shared>> -> memref<80x128xf32, #tpu.memory_space<vmem_shared>>
        tpu.wait_dma2 semaphore(%run_scoped3A : memref<!tpu.dma_semaphore, #tpu.memory_space<semaphore_mem>>) src(%arg8 : memref<80x128xf32, #tpu.memory_space<vmem>>) dst(%dma_wait3A_129 : memref<80x128xf32, #tpu.memory_space<vmem_shared>>)
        tpu.yield
      }) : () -> ()
    } else {
    }
    %add3A_38 = arith.constant 80 : i32
    %add3A_39 = arith.addi %arg1, %add3A_38 : i32
    %lt3A_40 = arith.constant 125 : i32
    %lt3A_41 = arith.cmpi slt, %add3A_39, %lt3A_40 : i32
    %convert_element_type3A_42 = arith.extui %lt3A_41 : i1 to i32
    %cond3A_43 = arith.constant 0 : i32
    %cond3A_44 = arith.cmpi ne, %convert_element_type3A_42, %cond3A_43 : i32
    scf.if %cond3A_44 {
      %mul3A_122 = arith.constant 80 : i32
      %mul3A_123 = arith.muli %add3A_39, %mul3A_122 : i32
      "tpu.region"() ({
        %run_scoped3A = tpu.sem_alloc : memref<!tpu.dma_semaphore, #tpu.memory_space<semaphore_mem>>
        %dma_start3A = arith.constant 0 : i32
        %dma_start3A_124 = tpu.memref_slice %arg9[%mul3A_123, %dma_start3A] : memref<10000x128xf32, #tpu.memory_space<vmem_shared>> -> memref<80x128xf32, #tpu.memory_space<vmem_shared>>
        %dma_start3A_125 = arith.constant 0 : i32
        %dma_start3A_126 = tpu.memref_slice %arg9[%mul3A_123, %dma_start3A_125] : memref<10000x128xf32, #tpu.memory_space<vmem_shared>> -> memref<80x128xf32, #tpu.memory_space<vmem_shared>>
        tpu.enqueue_dma source(%arg8 : memref<80x128xf32, #tpu.memory_space<vmem>>) target(%dma_start3A_126 : memref<80x128xf32, #tpu.memory_space<vmem_shared>>) target_semaphore(%run_scoped3A : memref<!tpu.dma_semaphore, #tpu.memory_space<semaphore_mem>>)
        %dma_wait3A = arith.constant 0 : i32
        %dma_wait3A_127 = tpu.memref_slice %arg9[%mul3A_123, %dma_wait3A] : memref<10000x128xf32, #tpu.memory_space<vmem_shared>> -> memref<80x128xf32, #tpu.memory_space<vmem_shared>>
        %dma_wait3A_128 = arith.constant 0 : i32
        %dma_wait3A_129 = tpu.memref_slice %arg9[%mul3A_123, %dma_wait3A_128] : memref<10000x128xf32, #tpu.memory_space<vmem_shared>> -> memref<80x128xf32, #tpu.memory_space<vmem_shared>>
        tpu.wait_dma2 semaphore(%run_scoped3A : memref<!tpu.dma_semaphore, #tpu.memory_space<semaphore_mem>>) src(%arg8 : memref<80x128xf32, #tpu.memory_space<vmem>>) dst(%dma_wait3A_129 : memref<80x128xf32, #tpu.memory_space<vmem_shared>>)
        tpu.yield
      }) : () -> ()
    } else {
    }
    %add3A_45 = arith.constant 96 : i32
    %add3A_46 = arith.addi %arg1, %add3A_45 : i32
    %lt3A_47 = arith.constant 125 : i32
    %lt3A_48 = arith.cmpi slt, %add3A_46, %lt3A_47 : i32
    %convert_element_type3A_49 = arith.extui %lt3A_48 : i1 to i32
    %cond3A_50 = arith.constant 0 : i32
    %cond3A_51 = arith.cmpi ne, %convert_element_type3A_49, %cond3A_50 : i32
    scf.if %cond3A_51 {
      %mul3A_122 = arith.constant 80 : i32
      %mul3A_123 = arith.muli %add3A_46, %mul3A_122 : i32
      "tpu.region"() ({
        %run_scoped3A = tpu.sem_alloc : memref<!tpu.dma_semaphore, #tpu.memory_space<semaphore_mem>>
        %dma_start3A = arith.constant 0 : i32
        %dma_start3A_124 = tpu.memref_slice %arg9[%mul3A_123, %dma_start3A] : memref<10000x128xf32, #tpu.memory_space<vmem_shared>> -> memref<80x128xf32, #tpu.memory_space<vmem_shared>>
        %dma_start3A_125 = arith.constant 0 : i32
        %dma_start3A_126 = tpu.memref_slice %arg9[%mul3A_123, %dma_start3A_125] : memref<10000x128xf32, #tpu.memory_space<vmem_shared>> -> memref<80x128xf32, #tpu.memory_space<vmem_shared>>
        tpu.enqueue_dma source(%arg8 : memref<80x128xf32, #tpu.memory_space<vmem>>) target(%dma_start3A_126 : memref<80x128xf32, #tpu.memory_space<vmem_shared>>) target_semaphore(%run_scoped3A : memref<!tpu.dma_semaphore, #tpu.memory_space<semaphore_mem>>)
        %dma_wait3A = arith.constant 0 : i32
        %dma_wait3A_127 = tpu.memref_slice %arg9[%mul3A_123, %dma_wait3A] : memref<10000x128xf32, #tpu.memory_space<vmem_shared>> -> memref<80x128xf32, #tpu.memory_space<vmem_shared>>
        %dma_wait3A_128 = arith.constant 0 : i32
        %dma_wait3A_129 = tpu.memref_slice %arg9[%mul3A_123, %dma_wait3A_128] : memref<10000x128xf32, #tpu.memory_space<vmem_shared>> -> memref<80x128xf32, #tpu.memory_space<vmem_shared>>
        tpu.wait_dma2 semaphore(%run_scoped3A : memref<!tpu.dma_semaphore, #tpu.memory_space<semaphore_mem>>) src(%arg8 : memref<80x128xf32, #tpu.memory_space<vmem>>) dst(%dma_wait3A_129 : memref<80x128xf32, #tpu.memory_space<vmem_shared>>)
        tpu.yield
      }) : () -> ()
    } else {
    }
    %add3A_52 = arith.constant 112 : i32
    %add3A_53 = arith.addi %arg1, %add3A_52 : i32
    %lt3A_54 = arith.constant 125 : i32
    %lt3A_55 = arith.cmpi slt, %add3A_53, %lt3A_54 : i32
    %convert_element_type3A_56 = arith.extui %lt3A_55 : i1 to i32
    %cond3A_57 = arith.constant 0 : i32
    %cond3A_58 = arith.cmpi ne, %convert_element_type3A_56, %cond3A_57 : i32
    scf.if %cond3A_58 {
      %mul3A_122 = arith.constant 80 : i32
      %mul3A_123 = arith.muli %add3A_53, %mul3A_122 : i32
      "tpu.region"() ({
        %run_scoped3A = tpu.sem_alloc : memref<!tpu.dma_semaphore, #tpu.memory_space<semaphore_mem>>
        %dma_start3A = arith.constant 0 : i32
        %dma_start3A_124 = tpu.memref_slice %arg9[%mul3A_123, %dma_start3A] : memref<10000x128xf32, #tpu.memory_space<vmem_shared>> -> memref<80x128xf32, #tpu.memory_space<vmem_shared>>
        %dma_start3A_125 = arith.constant 0 : i32
        %dma_start3A_126 = tpu.memref_slice %arg9[%mul3A_123, %dma_start3A_125] : memref<10000x128xf32, #tpu.memory_space<vmem_shared>> -> memref<80x128xf32, #tpu.memory_space<vmem_shared>>
        tpu.enqueue_dma source(%arg8 : memref<80x128xf32, #tpu.memory_space<vmem>>) target(%dma_start3A_126 : memref<80x128xf32, #tpu.memory_space<vmem_shared>>) target_semaphore(%run_scoped3A : memref<!tpu.dma_semaphore, #tpu.memory_space<semaphore_mem>>)
        %dma_wait3A = arith.constant 0 : i32
        %dma_wait3A_127 = tpu.memref_slice %arg9[%mul3A_123, %dma_wait3A] : memref<10000x128xf32, #tpu.memory_space<vmem_shared>> -> memref<80x128xf32, #tpu.memory_space<vmem_shared>>
        %dma_wait3A_128 = arith.constant 0 : i32
        %dma_wait3A_129 = tpu.memref_slice %arg9[%mul3A_123, %dma_wait3A_128] : memref<10000x128xf32, #tpu.memory_space<vmem_shared>> -> memref<80x128xf32, #tpu.memory_space<vmem_shared>>
        tpu.wait_dma2 semaphore(%run_scoped3A : memref<!tpu.dma_semaphore, #tpu.memory_space<semaphore_mem>>) src(%arg8 : memref<80x128xf32, #tpu.memory_space<vmem>>) dst(%dma_wait3A_129 : memref<80x128xf32, #tpu.memory_space<vmem_shared>>)
        tpu.yield
      }) : () -> ()
    } else {
    }
    %barrier3A = arith.constant 0 : index
    tpu.barrier barrier_id(%barrier3A)
    %scan3A_59 = arith.constant 0 : i32
    %scan3A_60 = arith.constant 0 : i32
    %scan3A_61 = arith.constant 125 : i32
    %scan3A_62 = arith.addi %scan3A_60, %scan3A_61 : i32
    %scan3A_63 = arith.constant 1 : i32
    scf.for %scan3A_122 = %scan3A_60 to %scan3A_62 step %scan3A_63  : i32 {
      %dma_start3A = arith.constant 0 : i32
      %dma_start3A_123 = tpu.memref_slice %arg6[%scan3A_122, %dma_start3A] : memref<125x80xi32, #tpu.memory_space<vmem>> -> memref<1x80xi32, #tpu.memory_space<vmem>>
      %dma_start3A_124 = tpu.memref_squeeze %dma_start3A_123 : memref<1x80xi32, #tpu.memory_space<vmem>> -> memref<80xi32, #tpu.memory_space<vmem>>
      %dma_start3A_125 = arith.constant 0 : i32
      %dma_start3A_126 = arith.constant 0 : i32
      %dma_start3A_127 = tpu.memref_slice %arg2[%dma_start3A_125, %dma_start3A_126] : memref<10000x128xf32, #tpu.memory_space<hbm>> -> memref<10000x128xf32, #tpu.memory_space<hbm>>
      tpu.enqueue_indirect_dma source(%dma_start3A_127 : memref<10000x128xf32, #tpu.memory_space<hbm>>) target(%arg8 : memref<80x128xf32, #tpu.memory_space<vmem>>) offsets(%dma_start3A_124 : memref<80xi32, #tpu.memory_space<vmem>>) semaphore(%arg10 : memref<!tpu.dma_semaphore, #tpu.memory_space<semaphore_mem>>)
      %dma_wait3A = arith.constant 0 : i32
      %dma_wait3A_128 = tpu.memref_slice %arg6[%scan3A_122, %dma_wait3A] : memref<125x80xi32, #tpu.memory_space<vmem>> -> memref<1x80xi32, #tpu.memory_space<vmem>>
      %dma_wait3A_129 = tpu.memref_squeeze %dma_wait3A_128 : memref<1x80xi32, #tpu.memory_space<vmem>> -> memref<80xi32, #tpu.memory_space<vmem>>
      %dma_wait3A_130 = arith.constant 0 : i32
      %dma_wait3A_131 = arith.constant 0 : i32
      %dma_wait3A_132 = tpu.memref_slice %arg2[%dma_wait3A_130, %dma_wait3A_131] : memref<10000x128xf32, #tpu.memory_space<hbm>> -> memref<10000x128xf32, #tpu.memory_space<hbm>>
      tpu.wait_indirect_dma semaphore(%arg10 : memref<!tpu.dma_semaphore, #tpu.memory_space<semaphore_mem>>) src(%dma_wait3A_132 : memref<10000x128xf32, #tpu.memory_space<hbm>>) dst(%arg8 : memref<80x128xf32, #tpu.memory_space<vmem>>)
      "tpu.region"() ({
        %run_scoped3A = tpu.sem_alloc : memref<!tpu.dma_semaphore, #tpu.memory_space<semaphore_mem>>
        %dma_start3A_133 = arith.constant 0 : i32
        %dma_start3A_134 = tpu.memref_slice %arg7[%scan3A_122, %dma_start3A_133] : memref<125x80xi32, #tpu.memory_space<vmem>> -> memref<1x80xi32, #tpu.memory_space<vmem>>
        %dma_start3A_135 = tpu.memref_squeeze %dma_start3A_134 : memref<1x80xi32, #tpu.memory_space<vmem>> -> memref<80xi32, #tpu.memory_space<vmem>>
        %dma_start3A_136 = arith.constant 0 : i32
        %dma_start3A_137 = arith.constant 0 : i32
        %dma_start3A_138 = tpu.memref_slice %arg9[%dma_start3A_136, %dma_start3A_137] : memref<10000x128xf32, #tpu.memory_space<vmem_shared>> -> memref<10000x128xf32, #tpu.memory_space<vmem_shared>>
        tpu.enqueue_indirect_dma source(%arg8 : memref<80x128xf32, #tpu.memory_space<vmem>>) target(%dma_start3A_138 : memref<10000x128xf32, #tpu.memory_space<vmem_shared>>) offsets(%dma_start3A_135 : memref<80xi32, #tpu.memory_space<vmem>>) semaphore(%run_scoped3A : memref<!tpu.dma_semaphore, #tpu.memory_space<semaphore_mem>>) {add = true}
        %dma_wait3A_139 = arith.constant 0 : i32
        %dma_wait3A_140 = tpu.memref_slice %arg7[%scan3A_122, %dma_wait3A_139] : memref<125x80xi32, #tpu.memory_space<vmem>> -> memref<1x80xi32, #tpu.memory_space<vmem>>
        %dma_wait3A_141 = tpu.memref_squeeze %dma_wait3A_140 : memref<1x80xi32, #tpu.memory_space<vmem>> -> memref<80xi32, #tpu.memory_space<vmem>>
        %dma_wait3A_142 = arith.constant 0 : i32
        %dma_wait3A_143 = arith.constant 0 : i32
        %dma_wait3A_144 = tpu.memref_slice %arg9[%dma_wait3A_142, %dma_wait3A_143] : memref<10000x128xf32, #tpu.memory_space<vmem_shared>> -> memref<10000x128xf32, #tpu.memory_space<vmem_shared>>
        tpu.wait_indirect_dma semaphore(%run_scoped3A : memref<!tpu.dma_semaphore, #tpu.memory_space<semaphore_mem>>) src(%arg8 : memref<80x128xf32, #tpu.memory_space<vmem>>) dst(%dma_wait3A_144 : memref<10000x128xf32, #tpu.memory_space<vmem_shared>>)
        tpu.yield
      }) : () -> ()
    }
    %scan3A_64 = arith.constant 125 : i32
    %barrier3A_65 = arith.constant 0 : index
    tpu.barrier barrier_id(%barrier3A_65)
    %add3A_66 = arith.constant 0 : i32
    %add3A_67 = arith.addi %arg1, %add3A_66 : i32
    %lt3A_68 = arith.constant 125 : i32
    %lt3A_69 = arith.cmpi slt, %add3A_67, %lt3A_68 : i32
    %convert_element_type3A_70 = arith.extui %lt3A_69 : i1 to i32
    %cond3A_71 = arith.constant 0 : i32
    %cond3A_72 = arith.cmpi ne, %convert_element_type3A_70, %cond3A_71 : i32
    scf.if %cond3A_72 {
      %mul3A_122 = arith.constant 80 : i32
      %mul3A_123 = arith.muli %add3A_67, %mul3A_122 : i32
      "tpu.region"() ({
        %run_scoped3A = tpu.sem_alloc : memref<!tpu.dma_semaphore, #tpu.memory_space<semaphore_mem>>
        %dma_start3A = arith.constant 0 : i32
        %dma_start3A_126 = tpu.memref_slice %arg9[%mul3A_123, %dma_start3A] : memref<10000x128xf32, #tpu.memory_space<vmem_shared>> -> memref<80x128xf32, #tpu.memory_space<vmem_shared>>
        %dma_start3A_127 = arith.constant 0 : i32
        %dma_start3A_128 = tpu.memref_slice %arg9[%mul3A_123, %dma_start3A_127] : memref<10000x128xf32, #tpu.memory_space<vmem_shared>> -> memref<80x128xf32, #tpu.memory_space<vmem_shared>>
        tpu.enqueue_dma source(%dma_start3A_128 : memref<80x128xf32, #tpu.memory_space<vmem_shared>>) target(%arg8 : memref<80x128xf32, #tpu.memory_space<vmem>>) target_semaphore(%run_scoped3A : memref<!tpu.dma_semaphore, #tpu.memory_space<semaphore_mem>>)
        %dma_wait3A = arith.constant 0 : i32
        %dma_wait3A_129 = tpu.memref_slice %arg9[%mul3A_123, %dma_wait3A] : memref<10000x128xf32, #tpu.memory_space<vmem_shared>> -> memref<80x128xf32, #tpu.memory_space<vmem_shared>>
        %dma_wait3A_130 = arith.constant 0 : i32
        %dma_wait3A_131 = tpu.memref_slice %arg9[%mul3A_123, %dma_wait3A_130] : memref<10000x128xf32, #tpu.memory_space<vmem_shared>> -> memref<80x128xf32, #tpu.memory_space<vmem_shared>>
        tpu.wait_dma2 semaphore(%run_scoped3A : memref<!tpu.dma_semaphore, #tpu.memory_space<semaphore_mem>>) src(%dma_wait3A_131 : memref<80x128xf32, #tpu.memory_space<vmem_shared>>) dst(%arg8 : memref<80x128xf32, #tpu.memory_space<vmem>>)
        tpu.yield
      }) : () -> ()
      %mul3A_124 = arith.constant 80 : i32
      %mul3A_125 = arith.muli %add3A_67, %mul3A_124 : i32
      "tpu.region"() ({
        %run_scoped3A = tpu.sem_alloc : memref<!tpu.dma_semaphore, #tpu.memory_space<semaphore_mem>>
        %dma_start3A = arith.constant 0 : i32
        %dma_start3A_126 = tpu.memref_slice %arg5[%arg0, %mul3A_125, %dma_start3A] : memref<2x10000x128xf32, #tpu.memory_space<hbm>> -> memref<1x80x128xf32, #tpu.memory_space<hbm>>
        %dma_start3A_127 = tpu.memref_squeeze %dma_start3A_126 : memref<1x80x128xf32, #tpu.memory_space<hbm>> -> memref<80x128xf32, #tpu.memory_space<hbm>>
        %dma_start3A_128 = arith.constant 0 : i32
        %dma_start3A_129 = tpu.memref_slice %arg5[%arg0, %mul3A_125, %dma_start3A_128] : memref<2x10000x128xf32, #tpu.memory_space<hbm>> -> memref<1x80x128xf32, #tpu.memory_space<hbm>>
        %dma_start3A_130 = tpu.memref_squeeze %dma_start3A_129 : memref<1x80x128xf32, #tpu.memory_space<hbm>> -> memref<80x128xf32, #tpu.memory_space<hbm>>
        tpu.enqueue_dma source(%arg8 : memref<80x128xf32, #tpu.memory_space<vmem>>) target(%dma_start3A_130 : memref<80x128xf32, #tpu.memory_space<hbm>>) target_semaphore(%run_scoped3A : memref<!tpu.dma_semaphore, #tpu.memory_space<semaphore_mem>>)
        %dma_wait3A = arith.constant 0 : i32
        %dma_wait3A_131 = tpu.memref_slice %arg5[%arg0, %mul3A_125, %dma_wait3A] : memref<2x10000x128xf32, #tpu.memory_space<hbm>> -> memref<1x80x128xf32, #tpu.memory_space<hbm>>
        %dma_wait3A_132 = tpu.memref_squeeze %dma_wait3A_131 : memref<1x80x128xf32, #tpu.memory_space<hbm>> -> memref<80x128xf32, #tpu.memory_space<hbm>>
        %dma_wait3A_133 = arith.constant 0 : i32
        %dma_wait3A_134 = tpu.memref_slice %arg5[%arg0, %mul3A_125, %dma_wait3A_133] : memref<2x10000x128xf32, #tpu.memory_space<hbm>> -> memref<1x80x128xf32, #tpu.memory_space<hbm>>
        %dma_wait3A_135 = tpu.memref_squeeze %dma_wait3A_134 : memref<1x80x128xf32, #tpu.memory_space<hbm>> -> memref<80x128xf32, #tpu.memory_space<hbm>>
        tpu.wait_dma2 semaphore(%run_scoped3A : memref<!tpu.dma_semaphore, #tpu.memory_space<semaphore_mem>>) src(%arg8 : memref<80x128xf32, #tpu.memory_space<vmem>>) dst(%dma_wait3A_135 : memref<80x128xf32, #tpu.memory_space<hbm>>)
        tpu.yield
      }) : () -> ()
    } else {
    }
    %add3A_73 = arith.constant 16 : i32
    %add3A_74 = arith.addi %arg1, %add3A_73 : i32
    %lt3A_75 = arith.constant 125 : i32
    %lt3A_76 = arith.cmpi slt, %add3A_74, %lt3A_75 : i32
    %convert_element_type3A_77 = arith.extui %lt3A_76 : i1 to i32
    %cond3A_78 = arith.constant 0 : i32
    %cond3A_79 = arith.cmpi ne, %convert_element_type3A_77, %cond3A_78 : i32
    scf.if %cond3A_79 {
      %mul3A_122 = arith.constant 80 : i32
      %mul3A_123 = arith.muli %add3A_74, %mul3A_122 : i32
      "tpu.region"() ({
        %run_scoped3A = tpu.sem_alloc : memref<!tpu.dma_semaphore, #tpu.memory_space<semaphore_mem>>
        %dma_start3A = arith.constant 0 : i32
        %dma_start3A_126 = tpu.memref_slice %arg9[%mul3A_123, %dma_start3A] : memref<10000x128xf32, #tpu.memory_space<vmem_shared>> -> memref<80x128xf32, #tpu.memory_space<vmem_shared>>
        %dma_start3A_127 = arith.constant 0 : i32
        %dma_start3A_128 = tpu.memref_slice %arg9[%mul3A_123, %dma_start3A_127] : memref<10000x128xf32, #tpu.memory_space<vmem_shared>> -> memref<80x128xf32, #tpu.memory_space<vmem_shared>>
        tpu.enqueue_dma source(%dma_start3A_128 : memref<80x128xf32, #tpu.memory_space<vmem_shared>>) target(%arg8 : memref<80x128xf32, #tpu.memory_space<vmem>>) target_semaphore(%run_scoped3A : memref<!tpu.dma_semaphore, #tpu.memory_space<semaphore_mem>>)
        %dma_wait3A = arith.constant 0 : i32
        %dma_wait3A_129 = tpu.memref_slice %arg9[%mul3A_123, %dma_wait3A] : memref<10000x128xf32, #tpu.memory_space<vmem_shared>> -> memref<80x128xf32, #tpu.memory_space<vmem_shared>>
        %dma_wait3A_130 = arith.constant 0 : i32
        %dma_wait3A_131 = tpu.memref_slice %arg9[%mul3A_123, %dma_wait3A_130] : memref<10000x128xf32, #tpu.memory_space<vmem_shared>> -> memref<80x128xf32, #tpu.memory_space<vmem_shared>>
        tpu.wait_dma2 semaphore(%run_scoped3A : memref<!tpu.dma_semaphore, #tpu.memory_space<semaphore_mem>>) src(%dma_wait3A_131 : memref<80x128xf32, #tpu.memory_space<vmem_shared>>) dst(%arg8 : memref<80x128xf32, #tpu.memory_space<vmem>>)
        tpu.yield
      }) : () -> ()
      %mul3A_124 = arith.constant 80 : i32
      %mul3A_125 = arith.muli %add3A_74, %mul3A_124 : i32
      "tpu.region"() ({
        %run_scoped3A = tpu.sem_alloc : memref<!tpu.dma_semaphore, #tpu.memory_space<semaphore_mem>>
        %dma_start3A = arith.constant 0 : i32
        %dma_start3A_126 = tpu.memref_slice %arg5[%arg0, %mul3A_125, %dma_start3A] : memref<2x10000x128xf32, #tpu.memory_space<hbm>> -> memref<1x80x128xf32, #tpu.memory_space<hbm>>
        %dma_start3A_127 = tpu.memref_squeeze %dma_start3A_126 : memref<1x80x128xf32, #tpu.memory_space<hbm>> -> memref<80x128xf32, #tpu.memory_space<hbm>>
        %dma_start3A_128 = arith.constant 0 : i32
        %dma_start3A_129 = tpu.memref_slice %arg5[%arg0, %mul3A_125, %dma_start3A_128] : memref<2x10000x128xf32, #tpu.memory_space<hbm>> -> memref<1x80x128xf32, #tpu.memory_space<hbm>>
        %dma_start3A_130 = tpu.memref_squeeze %dma_start3A_129 : memref<1x80x128xf32, #tpu.memory_space<hbm>> -> memref<80x128xf32, #tpu.memory_space<hbm>>
        tpu.enqueue_dma source(%arg8 : memref<80x128xf32, #tpu.memory_space<vmem>>) target(%dma_start3A_130 : memref<80x128xf32, #tpu.memory_space<hbm>>) target_semaphore(%run_scoped3A : memref<!tpu.dma_semaphore, #tpu.memory_space<semaphore_mem>>)
        %dma_wait3A = arith.constant 0 : i32
        %dma_wait3A_131 = tpu.memref_slice %arg5[%arg0, %mul3A_125, %dma_wait3A] : memref<2x10000x128xf32, #tpu.memory_space<hbm>> -> memref<1x80x128xf32, #tpu.memory_space<hbm>>
        %dma_wait3A_132 = tpu.memref_squeeze %dma_wait3A_131 : memref<1x80x128xf32, #tpu.memory_space<hbm>> -> memref<80x128xf32, #tpu.memory_space<hbm>>
        %dma_wait3A_133 = arith.constant 0 : i32
        %dma_wait3A_134 = tpu.memref_slice %arg5[%arg0, %mul3A_125, %dma_wait3A_133] : memref<2x10000x128xf32, #tpu.memory_space<hbm>> -> memref<1x80x128xf32, #tpu.memory_space<hbm>>
        %dma_wait3A_135 = tpu.memref_squeeze %dma_wait3A_134 : memref<1x80x128xf32, #tpu.memory_space<hbm>> -> memref<80x128xf32, #tpu.memory_space<hbm>>
        tpu.wait_dma2 semaphore(%run_scoped3A : memref<!tpu.dma_semaphore, #tpu.memory_space<semaphore_mem>>) src(%arg8 : memref<80x128xf32, #tpu.memory_space<vmem>>) dst(%dma_wait3A_135 : memref<80x128xf32, #tpu.memory_space<hbm>>)
        tpu.yield
      }) : () -> ()
    } else {
    }
    %add3A_80 = arith.constant 32 : i32
    %add3A_81 = arith.addi %arg1, %add3A_80 : i32
    %lt3A_82 = arith.constant 125 : i32
    %lt3A_83 = arith.cmpi slt, %add3A_81, %lt3A_82 : i32
    %convert_element_type3A_84 = arith.extui %lt3A_83 : i1 to i32
    %cond3A_85 = arith.constant 0 : i32
    %cond3A_86 = arith.cmpi ne, %convert_element_type3A_84, %cond3A_85 : i32
    scf.if %cond3A_86 {
      %mul3A_122 = arith.constant 80 : i32
      %mul3A_123 = arith.muli %add3A_81, %mul3A_122 : i32
      "tpu.region"() ({
        %run_scoped3A = tpu.sem_alloc : memref<!tpu.dma_semaphore, #tpu.memory_space<semaphore_mem>>
        %dma_start3A = arith.constant 0 : i32
        %dma_start3A_126 = tpu.memref_slice %arg9[%mul3A_123, %dma_start3A] : memref<10000x128xf32, #tpu.memory_space<vmem_shared>> -> memref<80x128xf32, #tpu.memory_space<vmem_shared>>
        %dma_start3A_127 = arith.constant 0 : i32
        %dma_start3A_128 = tpu.memref_slice %arg9[%mul3A_123, %dma_start3A_127] : memref<10000x128xf32, #tpu.memory_space<vmem_shared>> -> memref<80x128xf32, #tpu.memory_space<vmem_shared>>
        tpu.enqueue_dma source(%dma_start3A_128 : memref<80x128xf32, #tpu.memory_space<vmem_shared>>) target(%arg8 : memref<80x128xf32, #tpu.memory_space<vmem>>) target_semaphore(%run_scoped3A : memref<!tpu.dma_semaphore, #tpu.memory_space<semaphore_mem>>)
        %dma_wait3A = arith.constant 0 : i32
        %dma_wait3A_129 = tpu.memref_slice %arg9[%mul3A_123, %dma_wait3A] : memref<10000x128xf32, #tpu.memory_space<vmem_shared>> -> memref<80x128xf32, #tpu.memory_space<vmem_shared>>
        %dma_wait3A_130 = arith.constant 0 : i32
        %dma_wait3A_131 = tpu.memref_slice %arg9[%mul3A_123, %dma_wait3A_130] : memref<10000x128xf32, #tpu.memory_space<vmem_shared>> -> memref<80x128xf32, #tpu.memory_space<vmem_shared>>
        tpu.wait_dma2 semaphore(%run_scoped3A : memref<!tpu.dma_semaphore, #tpu.memory_space<semaphore_mem>>) src(%dma_wait3A_131 : memref<80x128xf32, #tpu.memory_space<vmem_shared>>) dst(%arg8 : memref<80x128xf32, #tpu.memory_space<vmem>>)
        tpu.yield
      }) : () -> ()
      %mul3A_124 = arith.constant 80 : i32
      %mul3A_125 = arith.muli %add3A_81, %mul3A_124 : i32
      "tpu.region"() ({
        %run_scoped3A = tpu.sem_alloc : memref<!tpu.dma_semaphore, #tpu.memory_space<semaphore_mem>>
        %dma_start3A = arith.constant 0 : i32
        %dma_start3A_126 = tpu.memref_slice %arg5[%arg0, %mul3A_125, %dma_start3A] : memref<2x10000x128xf32, #tpu.memory_space<hbm>> -> memref<1x80x128xf32, #tpu.memory_space<hbm>>
        %dma_start3A_127 = tpu.memref_squeeze %dma_start3A_126 : memref<1x80x128xf32, #tpu.memory_space<hbm>> -> memref<80x128xf32, #tpu.memory_space<hbm>>
        %dma_start3A_128 = arith.constant 0 : i32
        %dma_start3A_129 = tpu.memref_slice %arg5[%arg0, %mul3A_125, %dma_start3A_128] : memref<2x10000x128xf32, #tpu.memory_space<hbm>> -> memref<1x80x128xf32, #tpu.memory_space<hbm>>
        %dma_start3A_130 = tpu.memref_squeeze %dma_start3A_129 : memref<1x80x128xf32, #tpu.memory_space<hbm>> -> memref<80x128xf32, #tpu.memory_space<hbm>>
        tpu.enqueue_dma source(%arg8 : memref<80x128xf32, #tpu.memory_space<vmem>>) target(%dma_start3A_130 : memref<80x128xf32, #tpu.memory_space<hbm>>) target_semaphore(%run_scoped3A : memref<!tpu.dma_semaphore, #tpu.memory_space<semaphore_mem>>)
        %dma_wait3A = arith.constant 0 : i32
        %dma_wait3A_131 = tpu.memref_slice %arg5[%arg0, %mul3A_125, %dma_wait3A] : memref<2x10000x128xf32, #tpu.memory_space<hbm>> -> memref<1x80x128xf32, #tpu.memory_space<hbm>>
        %dma_wait3A_132 = tpu.memref_squeeze %dma_wait3A_131 : memref<1x80x128xf32, #tpu.memory_space<hbm>> -> memref<80x128xf32, #tpu.memory_space<hbm>>
        %dma_wait3A_133 = arith.constant 0 : i32
        %dma_wait3A_134 = tpu.memref_slice %arg5[%arg0, %mul3A_125, %dma_wait3A_133] : memref<2x10000x128xf32, #tpu.memory_space<hbm>> -> memref<1x80x128xf32, #tpu.memory_space<hbm>>
        %dma_wait3A_135 = tpu.memref_squeeze %dma_wait3A_134 : memref<1x80x128xf32, #tpu.memory_space<hbm>> -> memref<80x128xf32, #tpu.memory_space<hbm>>
        tpu.wait_dma2 semaphore(%run_scoped3A : memref<!tpu.dma_semaphore, #tpu.memory_space<semaphore_mem>>) src(%arg8 : memref<80x128xf32, #tpu.memory_space<vmem>>) dst(%dma_wait3A_135 : memref<80x128xf32, #tpu.memory_space<hbm>>)
        tpu.yield
      }) : () -> ()
    } else {
    }
    %add3A_87 = arith.constant 48 : i32
    %add3A_88 = arith.addi %arg1, %add3A_87 : i32
    %lt3A_89 = arith.constant 125 : i32
    %lt3A_90 = arith.cmpi slt, %add3A_88, %lt3A_89 : i32
    %convert_element_type3A_91 = arith.extui %lt3A_90 : i1 to i32
    %cond3A_92 = arith.constant 0 : i32
    %cond3A_93 = arith.cmpi ne, %convert_element_type3A_91, %cond3A_92 : i32
    scf.if %cond3A_93 {
      %mul3A_122 = arith.constant 80 : i32
      %mul3A_123 = arith.muli %add3A_88, %mul3A_122 : i32
      "tpu.region"() ({
        %run_scoped3A = tpu.sem_alloc : memref<!tpu.dma_semaphore, #tpu.memory_space<semaphore_mem>>
        %dma_start3A = arith.constant 0 : i32
        %dma_start3A_126 = tpu.memref_slice %arg9[%mul3A_123, %dma_start3A] : memref<10000x128xf32, #tpu.memory_space<vmem_shared>> -> memref<80x128xf32, #tpu.memory_space<vmem_shared>>
        %dma_start3A_127 = arith.constant 0 : i32
        %dma_start3A_128 = tpu.memref_slice %arg9[%mul3A_123, %dma_start3A_127] : memref<10000x128xf32, #tpu.memory_space<vmem_shared>> -> memref<80x128xf32, #tpu.memory_space<vmem_shared>>
        tpu.enqueue_dma source(%dma_start3A_128 : memref<80x128xf32, #tpu.memory_space<vmem_shared>>) target(%arg8 : memref<80x128xf32, #tpu.memory_space<vmem>>) target_semaphore(%run_scoped3A : memref<!tpu.dma_semaphore, #tpu.memory_space<semaphore_mem>>)
        %dma_wait3A = arith.constant 0 : i32
        %dma_wait3A_129 = tpu.memref_slice %arg9[%mul3A_123, %dma_wait3A] : memref<10000x128xf32, #tpu.memory_space<vmem_shared>> -> memref<80x128xf32, #tpu.memory_space<vmem_shared>>
        %dma_wait3A_130 = arith.constant 0 : i32
        %dma_wait3A_131 = tpu.memref_slice %arg9[%mul3A_123, %dma_wait3A_130] : memref<10000x128xf32, #tpu.memory_space<vmem_shared>> -> memref<80x128xf32, #tpu.memory_space<vmem_shared>>
        tpu.wait_dma2 semaphore(%run_scoped3A : memref<!tpu.dma_semaphore, #tpu.memory_space<semaphore_mem>>) src(%dma_wait3A_131 : memref<80x128xf32, #tpu.memory_space<vmem_shared>>) dst(%arg8 : memref<80x128xf32, #tpu.memory_space<vmem>>)
        tpu.yield
      }) : () -> ()
      %mul3A_124 = arith.constant 80 : i32
      %mul3A_125 = arith.muli %add3A_88, %mul3A_124 : i32
      "tpu.region"() ({
        %run_scoped3A = tpu.sem_alloc : memref<!tpu.dma_semaphore, #tpu.memory_space<semaphore_mem>>
        %dma_start3A = arith.constant 0 : i32
        %dma_start3A_126 = tpu.memref_slice %arg5[%arg0, %mul3A_125, %dma_start3A] : memref<2x10000x128xf32, #tpu.memory_space<hbm>> -> memref<1x80x128xf32, #tpu.memory_space<hbm>>
        %dma_start3A_127 = tpu.memref_squeeze %dma_start3A_126 : memref<1x80x128xf32, #tpu.memory_space<hbm>> -> memref<80x128xf32, #tpu.memory_space<hbm>>
        %dma_start3A_128 = arith.constant 0 : i32
        %dma_start3A_129 = tpu.memref_slice %arg5[%arg0, %mul3A_125, %dma_start3A_128] : memref<2x10000x128xf32, #tpu.memory_space<hbm>> -> memref<1x80x128xf32, #tpu.memory_space<hbm>>
        %dma_start3A_130 = tpu.memref_squeeze %dma_start3A_129 : memref<1x80x128xf32, #tpu.memory_space<hbm>> -> memref<80x128xf32, #tpu.memory_space<hbm>>
        tpu.enqueue_dma source(%arg8 : memref<80x128xf32, #tpu.memory_space<vmem>>) target(%dma_start3A_130 : memref<80x128xf32, #tpu.memory_space<hbm>>) target_semaphore(%run_scoped3A : memref<!tpu.dma_semaphore, #tpu.memory_space<semaphore_mem>>)
        %dma_wait3A = arith.constant 0 : i32
        %dma_wait3A_131 = tpu.memref_slice %arg5[%arg0, %mul3A_125, %dma_wait3A] : memref<2x10000x128xf32, #tpu.memory_space<hbm>> -> memref<1x80x128xf32, #tpu.memory_space<hbm>>
        %dma_wait3A_132 = tpu.memref_squeeze %dma_wait3A_131 : memref<1x80x128xf32, #tpu.memory_space<hbm>> -> memref<80x128xf32, #tpu.memory_space<hbm>>
        %dma_wait3A_133 = arith.constant 0 : i32
        %dma_wait3A_134 = tpu.memref_slice %arg5[%arg0, %mul3A_125, %dma_wait3A_133] : memref<2x10000x128xf32, #tpu.memory_space<hbm>> -> memref<1x80x128xf32, #tpu.memory_space<hbm>>
        %dma_wait3A_135 = tpu.memref_squeeze %dma_wait3A_134 : memref<1x80x128xf32, #tpu.memory_space<hbm>> -> memref<80x128xf32, #tpu.memory_space<hbm>>
        tpu.wait_dma2 semaphore(%run_scoped3A : memref<!tpu.dma_semaphore, #tpu.memory_space<semaphore_mem>>) src(%arg8 : memref<80x128xf32, #tpu.memory_space<vmem>>) dst(%dma_wait3A_135 : memref<80x128xf32, #tpu.memory_space<hbm>>)
        tpu.yield
      }) : () -> ()
    } else {
    }
    %add3A_94 = arith.constant 64 : i32
    %add3A_95 = arith.addi %arg1, %add3A_94 : i32
    %lt3A_96 = arith.constant 125 : i32
    %lt3A_97 = arith.cmpi slt, %add3A_95, %lt3A_96 : i32
    %convert_element_type3A_98 = arith.extui %lt3A_97 : i1 to i32
    %cond3A_99 = arith.constant 0 : i32
    %cond3A_100 = arith.cmpi ne, %convert_element_type3A_98, %cond3A_99 : i32
    scf.if %cond3A_100 {
      %mul3A_122 = arith.constant 80 : i32
      %mul3A_123 = arith.muli %add3A_95, %mul3A_122 : i32
      "tpu.region"() ({
        %run_scoped3A = tpu.sem_alloc : memref<!tpu.dma_semaphore, #tpu.memory_space<semaphore_mem>>
        %dma_start3A = arith.constant 0 : i32
        %dma_start3A_126 = tpu.memref_slice %arg9[%mul3A_123, %dma_start3A] : memref<10000x128xf32, #tpu.memory_space<vmem_shared>> -> memref<80x128xf32, #tpu.memory_space<vmem_shared>>
        %dma_start3A_127 = arith.constant 0 : i32
        %dma_start3A_128 = tpu.memref_slice %arg9[%mul3A_123, %dma_start3A_127] : memref<10000x128xf32, #tpu.memory_space<vmem_shared>> -> memref<80x128xf32, #tpu.memory_space<vmem_shared>>
        tpu.enqueue_dma source(%dma_start3A_128 : memref<80x128xf32, #tpu.memory_space<vmem_shared>>) target(%arg8 : memref<80x128xf32, #tpu.memory_space<vmem>>) target_semaphore(%run_scoped3A : memref<!tpu.dma_semaphore, #tpu.memory_space<semaphore_mem>>)
        %dma_wait3A = arith.constant 0 : i32
        %dma_wait3A_129 = tpu.memref_slice %arg9[%mul3A_123, %dma_wait3A] : memref<10000x128xf32, #tpu.memory_space<vmem_shared>> -> memref<80x128xf32, #tpu.memory_space<vmem_shared>>
        %dma_wait3A_130 = arith.constant 0 : i32
        %dma_wait3A_131 = tpu.memref_slice %arg9[%mul3A_123, %dma_wait3A_130] : memref<10000x128xf32, #tpu.memory_space<vmem_shared>> -> memref<80x128xf32, #tpu.memory_space<vmem_shared>>
        tpu.wait_dma2 semaphore(%run_scoped3A : memref<!tpu.dma_semaphore, #tpu.memory_space<semaphore_mem>>) src(%dma_wait3A_131 : memref<80x128xf32, #tpu.memory_space<vmem_shared>>) dst(%arg8 : memref<80x128xf32, #tpu.memory_space<vmem>>)
        tpu.yield
      }) : () -> ()
      %mul3A_124 = arith.constant 80 : i32
      %mul3A_125 = arith.muli %add3A_95, %mul3A_124 : i32
      "tpu.region"() ({
        %run_scoped3A = tpu.sem_alloc : memref<!tpu.dma_semaphore, #tpu.memory_space<semaphore_mem>>
        %dma_start3A = arith.constant 0 : i32
        %dma_start3A_126 = tpu.memref_slice %arg5[%arg0, %mul3A_125, %dma_start3A] : memref<2x10000x128xf32, #tpu.memory_space<hbm>> -> memref<1x80x128xf32, #tpu.memory_space<hbm>>
        %dma_start3A_127 = tpu.memref_squeeze %dma_start3A_126 : memref<1x80x128xf32, #tpu.memory_space<hbm>> -> memref<80x128xf32, #tpu.memory_space<hbm>>
        %dma_start3A_128 = arith.constant 0 : i32
        %dma_start3A_129 = tpu.memref_slice %arg5[%arg0, %mul3A_125, %dma_start3A_128] : memref<2x10000x128xf32, #tpu.memory_space<hbm>> -> memref<1x80x128xf32, #tpu.memory_space<hbm>>
        %dma_start3A_130 = tpu.memref_squeeze %dma_start3A_129 : memref<1x80x128xf32, #tpu.memory_space<hbm>> -> memref<80x128xf32, #tpu.memory_space<hbm>>
        tpu.enqueue_dma source(%arg8 : memref<80x128xf32, #tpu.memory_space<vmem>>) target(%dma_start3A_130 : memref<80x128xf32, #tpu.memory_space<hbm>>) target_semaphore(%run_scoped3A : memref<!tpu.dma_semaphore, #tpu.memory_space<semaphore_mem>>)
        %dma_wait3A = arith.constant 0 : i32
        %dma_wait3A_131 = tpu.memref_slice %arg5[%arg0, %mul3A_125, %dma_wait3A] : memref<2x10000x128xf32, #tpu.memory_space<hbm>> -> memref<1x80x128xf32, #tpu.memory_space<hbm>>
        %dma_wait3A_132 = tpu.memref_squeeze %dma_wait3A_131 : memref<1x80x128xf32, #tpu.memory_space<hbm>> -> memref<80x128xf32, #tpu.memory_space<hbm>>
        %dma_wait3A_133 = arith.constant 0 : i32
        %dma_wait3A_134 = tpu.memref_slice %arg5[%arg0, %mul3A_125, %dma_wait3A_133] : memref<2x10000x128xf32, #tpu.memory_space<hbm>> -> memref<1x80x128xf32, #tpu.memory_space<hbm>>
        %dma_wait3A_135 = tpu.memref_squeeze %dma_wait3A_134 : memref<1x80x128xf32, #tpu.memory_space<hbm>> -> memref<80x128xf32, #tpu.memory_space<hbm>>
        tpu.wait_dma2 semaphore(%run_scoped3A : memref<!tpu.dma_semaphore, #tpu.memory_space<semaphore_mem>>) src(%arg8 : memref<80x128xf32, #tpu.memory_space<vmem>>) dst(%dma_wait3A_135 : memref<80x128xf32, #tpu.memory_space<hbm>>)
        tpu.yield
      }) : () -> ()
    } else {
    }
    %add3A_101 = arith.constant 80 : i32
    %add3A_102 = arith.addi %arg1, %add3A_101 : i32
    %lt3A_103 = arith.constant 125 : i32
    %lt3A_104 = arith.cmpi slt, %add3A_102, %lt3A_103 : i32
    %convert_element_type3A_105 = arith.extui %lt3A_104 : i1 to i32
    %cond3A_106 = arith.constant 0 : i32
    %cond3A_107 = arith.cmpi ne, %convert_element_type3A_105, %cond3A_106 : i32
    scf.if %cond3A_107 {
      %mul3A_122 = arith.constant 80 : i32
      %mul3A_123 = arith.muli %add3A_102, %mul3A_122 : i32
      "tpu.region"() ({
        %run_scoped3A = tpu.sem_alloc : memref<!tpu.dma_semaphore, #tpu.memory_space<semaphore_mem>>
        %dma_start3A = arith.constant 0 : i32
        %dma_start3A_126 = tpu.memref_slice %arg9[%mul3A_123, %dma_start3A] : memref<10000x128xf32, #tpu.memory_space<vmem_shared>> -> memref<80x128xf32, #tpu.memory_space<vmem_shared>>
        %dma_start3A_127 = arith.constant 0 : i32
        %dma_start3A_128 = tpu.memref_slice %arg9[%mul3A_123, %dma_start3A_127] : memref<10000x128xf32, #tpu.memory_space<vmem_shared>> -> memref<80x128xf32, #tpu.memory_space<vmem_shared>>
        tpu.enqueue_dma source(%dma_start3A_128 : memref<80x128xf32, #tpu.memory_space<vmem_shared>>) target(%arg8 : memref<80x128xf32, #tpu.memory_space<vmem>>) target_semaphore(%run_scoped3A : memref<!tpu.dma_semaphore, #tpu.memory_space<semaphore_mem>>)
        %dma_wait3A = arith.constant 0 : i32
        %dma_wait3A_129 = tpu.memref_slice %arg9[%mul3A_123, %dma_wait3A] : memref<10000x128xf32, #tpu.memory_space<vmem_shared>> -> memref<80x128xf32, #tpu.memory_space<vmem_shared>>
        %dma_wait3A_130 = arith.constant 0 : i32
        %dma_wait3A_131 = tpu.memref_slice %arg9[%mul3A_123, %dma_wait3A_130] : memref<10000x128xf32, #tpu.memory_space<vmem_shared>> -> memref<80x128xf32, #tpu.memory_space<vmem_shared>>
        tpu.wait_dma2 semaphore(%run_scoped3A : memref<!tpu.dma_semaphore, #tpu.memory_space<semaphore_mem>>) src(%dma_wait3A_131 : memref<80x128xf32, #tpu.memory_space<vmem_shared>>) dst(%arg8 : memref<80x128xf32, #tpu.memory_space<vmem>>)
        tpu.yield
      }) : () -> ()
      %mul3A_124 = arith.constant 80 : i32
      %mul3A_125 = arith.muli %add3A_102, %mul3A_124 : i32
      "tpu.region"() ({
        %run_scoped3A = tpu.sem_alloc : memref<!tpu.dma_semaphore, #tpu.memory_space<semaphore_mem>>
        %dma_start3A = arith.constant 0 : i32
        %dma_start3A_126 = tpu.memref_slice %arg5[%arg0, %mul3A_125, %dma_start3A] : memref<2x10000x128xf32, #tpu.memory_space<hbm>> -> memref<1x80x128xf32, #tpu.memory_space<hbm>>
        %dma_start3A_127 = tpu.memref_squeeze %dma_start3A_126 : memref<1x80x128xf32, #tpu.memory_space<hbm>> -> memref<80x128xf32, #tpu.memory_space<hbm>>
        %dma_start3A_128 = arith.constant 0 : i32
        %dma_start3A_129 = tpu.memref_slice %arg5[%arg0, %mul3A_125, %dma_start3A_128] : memref<2x10000x128xf32, #tpu.memory_space<hbm>> -> memref<1x80x128xf32, #tpu.memory_space<hbm>>
        %dma_start3A_130 = tpu.memref_squeeze %dma_start3A_129 : memref<1x80x128xf32, #tpu.memory_space<hbm>> -> memref<80x128xf32, #tpu.memory_space<hbm>>
        tpu.enqueue_dma source(%arg8 : memref<80x128xf32, #tpu.memory_space<vmem>>) target(%dma_start3A_130 : memref<80x128xf32, #tpu.memory_space<hbm>>) target_semaphore(%run_scoped3A : memref<!tpu.dma_semaphore, #tpu.memory_space<semaphore_mem>>)
        %dma_wait3A = arith.constant 0 : i32
        %dma_wait3A_131 = tpu.memref_slice %arg5[%arg0, %mul3A_125, %dma_wait3A] : memref<2x10000x128xf32, #tpu.memory_space<hbm>> -> memref<1x80x128xf32, #tpu.memory_space<hbm>>
        %dma_wait3A_132 = tpu.memref_squeeze %dma_wait3A_131 : memref<1x80x128xf32, #tpu.memory_space<hbm>> -> memref<80x128xf32, #tpu.memory_space<hbm>>
        %dma_wait3A_133 = arith.constant 0 : i32
        %dma_wait3A_134 = tpu.memref_slice %arg5[%arg0, %mul3A_125, %dma_wait3A_133] : memref<2x10000x128xf32, #tpu.memory_space<hbm>> -> memref<1x80x128xf32, #tpu.memory_space<hbm>>
        %dma_wait3A_135 = tpu.memref_squeeze %dma_wait3A_134 : memref<1x80x128xf32, #tpu.memory_space<hbm>> -> memref<80x128xf32, #tpu.memory_space<hbm>>
        tpu.wait_dma2 semaphore(%run_scoped3A : memref<!tpu.dma_semaphore, #tpu.memory_space<semaphore_mem>>) src(%arg8 : memref<80x128xf32, #tpu.memory_space<vmem>>) dst(%dma_wait3A_135 : memref<80x128xf32, #tpu.memory_space<hbm>>)
        tpu.yield
      }) : () -> ()
    } else {
    }
    %add3A_108 = arith.constant 96 : i32
    %add3A_109 = arith.addi %arg1, %add3A_108 : i32
    %lt3A_110 = arith.constant 125 : i32
    %lt3A_111 = arith.cmpi slt, %add3A_109, %lt3A_110 : i32
    %convert_element_type3A_112 = arith.extui %lt3A_111 : i1 to i32
    %cond3A_113 = arith.constant 0 : i32
    %cond3A_114 = arith.cmpi ne, %convert_element_type3A_112, %cond3A_113 : i32
    scf.if %cond3A_114 {
      %mul3A_122 = arith.constant 80 : i32
      %mul3A_123 = arith.muli %add3A_109, %mul3A_122 : i32
      "tpu.region"() ({
        %run_scoped3A = tpu.sem_alloc : memref<!tpu.dma_semaphore, #tpu.memory_space<semaphore_mem>>
        %dma_start3A = arith.constant 0 : i32
        %dma_start3A_126 = tpu.memref_slice %arg9[%mul3A_123, %dma_start3A] : memref<10000x128xf32, #tpu.memory_space<vmem_shared>> -> memref<80x128xf32, #tpu.memory_space<vmem_shared>>
        %dma_start3A_127 = arith.constant 0 : i32
        %dma_start3A_128 = tpu.memref_slice %arg9[%mul3A_123, %dma_start3A_127] : memref<10000x128xf32, #tpu.memory_space<vmem_shared>> -> memref<80x128xf32, #tpu.memory_space<vmem_shared>>
        tpu.enqueue_dma source(%dma_start3A_128 : memref<80x128xf32, #tpu.memory_space<vmem_shared>>) target(%arg8 : memref<80x128xf32, #tpu.memory_space<vmem>>) target_semaphore(%run_scoped3A : memref<!tpu.dma_semaphore, #tpu.memory_space<semaphore_mem>>)
        %dma_wait3A = arith.constant 0 : i32
        %dma_wait3A_129 = tpu.memref_slice %arg9[%mul3A_123, %dma_wait3A] : memref<10000x128xf32, #tpu.memory_space<vmem_shared>> -> memref<80x128xf32, #tpu.memory_space<vmem_shared>>
        %dma_wait3A_130 = arith.constant 0 : i32
        %dma_wait3A_131 = tpu.memref_slice %arg9[%mul3A_123, %dma_wait3A_130] : memref<10000x128xf32, #tpu.memory_space<vmem_shared>> -> memref<80x128xf32, #tpu.memory_space<vmem_shared>>
        tpu.wait_dma2 semaphore(%run_scoped3A : memref<!tpu.dma_semaphore, #tpu.memory_space<semaphore_mem>>) src(%dma_wait3A_131 : memref<80x128xf32, #tpu.memory_space<vmem_shared>>) dst(%arg8 : memref<80x128xf32, #tpu.memory_space<vmem>>)
        tpu.yield
      }) : () -> ()
      %mul3A_124 = arith.constant 80 : i32
      %mul3A_125 = arith.muli %add3A_109, %mul3A_124 : i32
      "tpu.region"() ({
        %run_scoped3A = tpu.sem_alloc : memref<!tpu.dma_semaphore, #tpu.memory_space<semaphore_mem>>
        %dma_start3A = arith.constant 0 : i32
        %dma_start3A_126 = tpu.memref_slice %arg5[%arg0, %mul3A_125, %dma_start3A] : memref<2x10000x128xf32, #tpu.memory_space<hbm>> -> memref<1x80x128xf32, #tpu.memory_space<hbm>>
        %dma_start3A_127 = tpu.memref_squeeze %dma_start3A_126 : memref<1x80x128xf32, #tpu.memory_space<hbm>> -> memref<80x128xf32, #tpu.memory_space<hbm>>
        %dma_start3A_128 = arith.constant 0 : i32
        %dma_start3A_129 = tpu.memref_slice %arg5[%arg0, %mul3A_125, %dma_start3A_128] : memref<2x10000x128xf32, #tpu.memory_space<hbm>> -> memref<1x80x128xf32, #tpu.memory_space<hbm>>
        %dma_start3A_130 = tpu.memref_squeeze %dma_start3A_129 : memref<1x80x128xf32, #tpu.memory_space<hbm>> -> memref<80x128xf32, #tpu.memory_space<hbm>>
        tpu.enqueue_dma source(%arg8 : memref<80x128xf32, #tpu.memory_space<vmem>>) target(%dma_start3A_130 : memref<80x128xf32, #tpu.memory_space<hbm>>) target_semaphore(%run_scoped3A : memref<!tpu.dma_semaphore, #tpu.memory_space<semaphore_mem>>)
        %dma_wait3A = arith.constant 0 : i32
        %dma_wait3A_131 = tpu.memref_slice %arg5[%arg0, %mul3A_125, %dma_wait3A] : memref<2x10000x128xf32, #tpu.memory_space<hbm>> -> memref<1x80x128xf32, #tpu.memory_space<hbm>>
        %dma_wait3A_132 = tpu.memref_squeeze %dma_wait3A_131 : memref<1x80x128xf32, #tpu.memory_space<hbm>> -> memref<80x128xf32, #tpu.memory_space<hbm>>
        %dma_wait3A_133 = arith.constant 0 : i32
        %dma_wait3A_134 = tpu.memref_slice %arg5[%arg0, %mul3A_125, %dma_wait3A_133] : memref<2x10000x128xf32, #tpu.memory_space<hbm>> -> memref<1x80x128xf32, #tpu.memory_space<hbm>>
        %dma_wait3A_135 = tpu.memref_squeeze %dma_wait3A_134 : memref<1x80x128xf32, #tpu.memory_space<hbm>> -> memref<80x128xf32, #tpu.memory_space<hbm>>
        tpu.wait_dma2 semaphore(%run_scoped3A : memref<!tpu.dma_semaphore, #tpu.memory_space<semaphore_mem>>) src(%arg8 : memref<80x128xf32, #tpu.memory_space<vmem>>) dst(%dma_wait3A_135 : memref<80x128xf32, #tpu.memory_space<hbm>>)
        tpu.yield
      }) : () -> ()
    } else {
    }
    %add3A_115 = arith.constant 112 : i32
    %add3A_116 = arith.addi %arg1, %add3A_115 : i32
    %lt3A_117 = arith.constant 125 : i32
    %lt3A_118 = arith.cmpi slt, %add3A_116, %lt3A_117 : i32
    %convert_element_type3A_119 = arith.extui %lt3A_118 : i1 to i32
    %cond3A_120 = arith.constant 0 : i32
    %cond3A_121 = arith.cmpi ne, %convert_element_type3A_119, %cond3A_120 : i32
    scf.if %cond3A_121 {
      %mul3A_122 = arith.constant 80 : i32
      %mul3A_123 = arith.muli %add3A_116, %mul3A_122 : i32
      "tpu.region"() ({
        %run_scoped3A = tpu.sem_alloc : memref<!tpu.dma_semaphore, #tpu.memory_space<semaphore_mem>>
        %dma_start3A = arith.constant 0 : i32
        %dma_start3A_126 = tpu.memref_slice %arg9[%mul3A_123, %dma_start3A] : memref<10000x128xf32, #tpu.memory_space<vmem_shared>> -> memref<80x128xf32, #tpu.memory_space<vmem_shared>>
        %dma_start3A_127 = arith.constant 0 : i32
        %dma_start3A_128 = tpu.memref_slice %arg9[%mul3A_123, %dma_start3A_127] : memref<10000x128xf32, #tpu.memory_space<vmem_shared>> -> memref<80x128xf32, #tpu.memory_space<vmem_shared>>
        tpu.enqueue_dma source(%dma_start3A_128 : memref<80x128xf32, #tpu.memory_space<vmem_shared>>) target(%arg8 : memref<80x128xf32, #tpu.memory_space<vmem>>) target_semaphore(%run_scoped3A : memref<!tpu.dma_semaphore, #tpu.memory_space<semaphore_mem>>)
        %dma_wait3A = arith.constant 0 : i32
        %dma_wait3A_129 = tpu.memref_slice %arg9[%mul3A_123, %dma_wait3A] : memref<10000x128xf32, #tpu.memory_space<vmem_shared>> -> memref<80x128xf32, #tpu.memory_space<vmem_shared>>
        %dma_wait3A_130 = arith.constant 0 : i32
        %dma_wait3A_131 = tpu.memref_slice %arg9[%mul3A_123, %dma_wait3A_130] : memref<10000x128xf32, #tpu.memory_space<vmem_shared>> -> memref<80x128xf32, #tpu.memory_space<vmem_shared>>
        tpu.wait_dma2 semaphore(%run_scoped3A : memref<!tpu.dma_semaphore, #tpu.memory_space<semaphore_mem>>) src(%dma_wait3A_131 : memref<80x128xf32, #tpu.memory_space<vmem_shared>>) dst(%arg8 : memref<80x128xf32, #tpu.memory_space<vmem>>)
        tpu.yield
      }) : () -> ()
      %mul3A_124 = arith.constant 80 : i32
      %mul3A_125 = arith.muli %add3A_116, %mul3A_124 : i32
      "tpu.region"() ({
        %run_scoped3A = tpu.sem_alloc : memref<!tpu.dma_semaphore, #tpu.memory_space<semaphore_mem>>
        %dma_start3A = arith.constant 0 : i32
        %dma_start3A_126 = tpu.memref_slice %arg5[%arg0, %mul3A_125, %dma_start3A] : memref<2x10000x128xf32, #tpu.memory_space<hbm>> -> memref<1x80x128xf32, #tpu.memory_space<hbm>>
        %dma_start3A_127 = tpu.memref_squeeze %dma_start3A_126 : memref<1x80x128xf32, #tpu.memory_space<hbm>> -> memref<80x128xf32, #tpu.memory_space<hbm>>
        %dma_start3A_128 = arith.constant 0 : i32
        %dma_start3A_129 = tpu.memref_slice %arg5[%arg0, %mul3A_125, %dma_start3A_128] : memref<2x10000x128xf32, #tpu.memory_space<hbm>> -> memref<1x80x128xf32, #tpu.memory_space<hbm>>
        %dma_start3A_130 = tpu.memref_squeeze %dma_start3A_129 : memref<1x80x128xf32, #tpu.memory_space<hbm>> -> memref<80x128xf32, #tpu.memory_space<hbm>>
        tpu.enqueue_dma source(%arg8 : memref<80x128xf32, #tpu.memory_space<vmem>>) target(%dma_start3A_130 : memref<80x128xf32, #tpu.memory_space<hbm>>) target_semaphore(%run_scoped3A : memref<!tpu.dma_semaphore, #tpu.memory_space<semaphore_mem>>)
        %dma_wait3A = arith.constant 0 : i32
        %dma_wait3A_131 = tpu.memref_slice %arg5[%arg0, %mul3A_125, %dma_wait3A] : memref<2x10000x128xf32, #tpu.memory_space<hbm>> -> memref<1x80x128xf32, #tpu.memory_space<hbm>>
        %dma_wait3A_132 = tpu.memref_squeeze %dma_wait3A_131 : memref<1x80x128xf32, #tpu.memory_space<hbm>> -> memref<80x128xf32, #tpu.memory_space<hbm>>
        %dma_wait3A_133 = arith.constant 0 : i32
        %dma_wait3A_134 = tpu.memref_slice %arg5[%arg0, %mul3A_125, %dma_wait3A_133] : memref<2x10000x128xf32, #tpu.memory_space<hbm>> -> memref<1x80x128xf32, #tpu.memory_space<hbm>>
        %dma_wait3A_135 = tpu.memref_squeeze %dma_wait3A_134 : memref<1x80x128xf32, #tpu.memory_space<hbm>> -> memref<80x128xf32, #tpu.memory_space<hbm>>
        tpu.wait_dma2 semaphore(%run_scoped3A : memref<!tpu.dma_semaphore, #tpu.memory_space<semaphore_mem>>) src(%arg8 : memref<80x128xf32, #tpu.memory_space<vmem>>) dst(%dma_wait3A_135 : memref<80x128xf32, #tpu.memory_space<hbm>>)
        tpu.yield
      }) : () -> ()
    } else {
    }
    return
  }
}

#map = affine_map<(d0, d1) -> (0, 0)>
#map1 = affine_map<(d0, d1) -> (0, 0, 0)>
module attributes {stable_mosaic.version = 14 : i64} {
  func.func @_sc_segsum(%arg0: i32, %arg1: i32, %arg2: memref<10000x128xf32, #tpu.memory_space<hbm>>, %arg3: memref<32x125x80xi32, #tpu.memory_space<hbm>>, %arg4: memref<32x125x80xi32, #tpu.memory_space<hbm>>, %arg5: memref<2x10000x128xf32, #tpu.memory_space<hbm>>, %arg6: memref<125x80xi32, #tpu.memory_space<vmem>>, %arg7: memref<125x80xi32, #tpu.memory_space<vmem>>, %arg8: memref<80x128xf32, #tpu.memory_space<vmem>>, %arg9: memref<10000x128xf32, #tpu.memory_space<vmem_shared>>, %arg10: memref<!tpu.dma_semaphore, #tpu.memory_space<semaphore_mem>>) attributes {dimension_semantics = [#tpu.dimension_semantics<core_parallel>, #tpu.dimension_semantics<subcore_parallel>], iteration_bounds = array<i64: 2, 16>, scalar_prefetch = 0 : i64, scratch_operands = 5 : i64, tpu.core_type = #tpu.core_type<sc_vector_subcore>, window_params = [{transform_indices = #map}, {transform_indices = #map1}, {transform_indices = #map1}, {transform_indices = #map1}]} {
    %mul3A = arith.constant 2 : i32
    %mul3A_0 = arith.muli %arg1, %mul3A : i32
    %add3A = arith.addi %mul3A_0, %arg0 : i32
    "tpu.region"() ({
      %run_scoped3A = tpu.sem_alloc : memref<!tpu.dma_semaphore, #tpu.memory_space<semaphore_mem>>
      %dma_start3A = arith.constant 0 : i32
      %dma_start3A_122 = arith.constant 0 : i32
      %dma_start3A_123 = tpu.memref_slice %arg3[%add3A, %dma_start3A, %dma_start3A_122] : memref<32x125x80xi32, #tpu.memory_space<hbm>> -> memref<1x125x80xi32, #tpu.memory_space<hbm>>
      %dma_start3A_124 = tpu.memref_squeeze %dma_start3A_123 : memref<1x125x80xi32, #tpu.memory_space<hbm>> -> memref<125x80xi32, #tpu.memory_space<hbm>>
      %dma_start3A_125 = arith.constant 0 : i32
      %dma_start3A_126 = arith.constant 0 : i32
      %dma_start3A_127 = tpu.memref_slice %arg3[%add3A, %dma_start3A_125, %dma_start3A_126] : memref<32x125x80xi32, #tpu.memory_space<hbm>> -> memref<1x125x80xi32, #tpu.memory_space<hbm>>
      %dma_start3A_128 = tpu.memref_squeeze %dma_start3A_127 : memref<1x125x80xi32, #tpu.memory_space<hbm>> -> memref<125x80xi32, #tpu.memory_space<hbm>>
      tpu.enqueue_dma source(%dma_start3A_128 : memref<125x80xi32, #tpu.memory_space<hbm>>) target(%arg6 : memref<125x80xi32, #tpu.memory_space<vmem>>) target_semaphore(%run_scoped3A : memref<!tpu.dma_semaphore, #tpu.memory_space<semaphore_mem>>)
      %dma_wait3A = arith.constant 0 : i32
      %dma_wait3A_129 = arith.constant 0 : i32
      %dma_wait3A_130 = tpu.memref_slice %arg3[%add3A, %dma_wait3A, %dma_wait3A_129] : memref<32x125x80xi32, #tpu.memory_space<hbm>> -> memref<1x125x80xi32, #tpu.memory_space<hbm>>
      %dma_wait3A_131 = tpu.memref_squeeze %dma_wait3A_130 : memref<1x125x80xi32, #tpu.memory_space<hbm>> -> memref<125x80xi32, #tpu.memory_space<hbm>>
      %dma_wait3A_132 = arith.constant 0 : i32
      %dma_wait3A_133 = arith.constant 0 : i32
      %dma_wait3A_134 = tpu.memref_slice %arg3[%add3A, %dma_wait3A_132, %dma_wait3A_133] : memref<32x125x80xi32, #tpu.memory_space<hbm>> -> memref<1x125x80xi32, #tpu.memory_space<hbm>>
      %dma_wait3A_135 = tpu.memref_squeeze %dma_wait3A_134 : memref<1x125x80xi32, #tpu.memory_space<hbm>> -> memref<125x80xi32, #tpu.memory_space<hbm>>
      tpu.wait_dma2 semaphore(%run_scoped3A : memref<!tpu.dma_semaphore, #tpu.memory_space<semaphore_mem>>) src(%dma_wait3A_135 : memref<125x80xi32, #tpu.memory_space<hbm>>) dst(%arg6 : memref<125x80xi32, #tpu.memory_space<vmem>>)
      tpu.yield
    }) : () -> ()
    "tpu.region"() ({
      %run_scoped3A = tpu.sem_alloc : memref<!tpu.dma_semaphore, #tpu.memory_space<semaphore_mem>>
      %dma_start3A = arith.constant 0 : i32
      %dma_start3A_122 = arith.constant 0 : i32
      %dma_start3A_123 = tpu.memref_slice %arg4[%add3A, %dma_start3A, %dma_start3A_122] : memref<32x125x80xi32, #tpu.memory_space<hbm>> -> memref<1x125x80xi32, #tpu.memory_space<hbm>>
      %dma_start3A_124 = tpu.memref_squeeze %dma_start3A_123 : memref<1x125x80xi32, #tpu.memory_space<hbm>> -> memref<125x80xi32, #tpu.memory_space<hbm>>
      %dma_start3A_125 = arith.constant 0 : i32
      %dma_start3A_126 = arith.constant 0 : i32
      %dma_start3A_127 = tpu.memref_slice %arg4[%add3A, %dma_start3A_125, %dma_start3A_126] : memref<32x125x80xi32, #tpu.memory_space<hbm>> -> memref<1x125x80xi32, #tpu.memory_space<hbm>>
      %dma_start3A_128 = tpu.memref_squeeze %dma_start3A_127 : memref<1x125x80xi32, #tpu.memory_space<hbm>> -> memref<125x80xi32, #tpu.memory_space<hbm>>
      tpu.enqueue_dma source(%dma_start3A_128 : memref<125x80xi32, #tpu.memory_space<hbm>>) target(%arg7 : memref<125x80xi32, #tpu.memory_space<vmem>>) target_semaphore(%run_scoped3A : memref<!tpu.dma_semaphore, #tpu.memory_space<semaphore_mem>>)
      %dma_wait3A = arith.constant 0 : i32
      %dma_wait3A_129 = arith.constant 0 : i32
      %dma_wait3A_130 = tpu.memref_slice %arg4[%add3A, %dma_wait3A, %dma_wait3A_129] : memref<32x125x80xi32, #tpu.memory_space<hbm>> -> memref<1x125x80xi32, #tpu.memory_space<hbm>>
      %dma_wait3A_131 = tpu.memref_squeeze %dma_wait3A_130 : memref<1x125x80xi32, #tpu.memory_space<hbm>> -> memref<125x80xi32, #tpu.memory_space<hbm>>
      %dma_wait3A_132 = arith.constant 0 : i32
      %dma_wait3A_133 = arith.constant 0 : i32
      %dma_wait3A_134 = tpu.memref_slice %arg4[%add3A, %dma_wait3A_132, %dma_wait3A_133] : memref<32x125x80xi32, #tpu.memory_space<hbm>> -> memref<1x125x80xi32, #tpu.memory_space<hbm>>
      %dma_wait3A_135 = tpu.memref_squeeze %dma_wait3A_134 : memref<1x125x80xi32, #tpu.memory_space<hbm>> -> memref<125x80xi32, #tpu.memory_space<hbm>>
      tpu.wait_dma2 semaphore(%run_scoped3A : memref<!tpu.dma_semaphore, #tpu.memory_space<semaphore_mem>>) src(%dma_wait3A_135 : memref<125x80xi32, #tpu.memory_space<hbm>>) dst(%arg7 : memref<125x80xi32, #tpu.memory_space<vmem>>)
      tpu.yield
    }) : () -> ()
    %scan3A = arith.constant 0 : i32
    %scan3A_1 = arith.constant 0 : i32
    %scan3A_2 = arith.constant 640 : i32
    %scan3A_3 = arith.addi %scan3A_1, %scan3A_2 : i32
    %scan3A_4 = arith.constant 1 : i32
    scf.for %scan3A_122 = %scan3A_1 to %scan3A_3 step %scan3A_4  : i32 {
      %broadcast_in_dim3A = arith.constant 0.000000e+00 : f32
      %broadcast_in_dim3A_123 = vector.broadcast %broadcast_in_dim3A : f32 to vector<16xf32>
      %jit3A = arith.constant 8 : i32
      %div3A = arith.divsi %scan3A_122, %jit3A : i32
      %sign3A = arith.constant 0 : i32
      %sign3A_124 = arith.cmpi sgt, %scan3A_122, %sign3A : i32
      %sign3A_125 = arith.extui %sign3A_124 : i1 to i32
      %sign3A_126 = arith.constant 0 : i32
      %sign3A_127 = arith.cmpi slt, %scan3A_122, %sign3A_126 : i32
      %sign3A_128 = arith.extui %sign3A_127 : i1 to i32
      %sign3A_129 = arith.subi %sign3A_125, %sign3A_128 : i32
      %sign3A_130 = arith.constant 0 : i32
      %sign3A_131 = arith.cmpi sgt, %jit3A, %sign3A_130 : i32
      %sign3A_132 = arith.extui %sign3A_131 : i1 to i32
      %sign3A_133 = arith.constant 0 : i32
      %sign3A_134 = arith.cmpi slt, %jit3A, %sign3A_133 : i32
      %sign3A_135 = arith.extui %sign3A_134 : i1 to i32
      %sign3A_136 = arith.subi %sign3A_132, %sign3A_135 : i32
      %ne3A = arith.cmpi ne, %sign3A_129, %sign3A_136 : i32
      %rem3A = arith.remsi %scan3A_122, %jit3A : i32
      %ne3A_137 = arith.constant 0 : i32
      %ne3A_138 = arith.cmpi ne, %rem3A, %ne3A_137 : i32
      %and3A = arith.andi %ne3A, %ne3A_138 : i1
      %sub3A = arith.constant 1 : i32
      %sub3A_139 = arith.subi %div3A, %sub3A : i32
      %select_n3A = arith.select %and3A, %sub3A_139, %div3A : i32
      %jit3A_140 = arith.constant 8 : i32
      %eq3A = arith.constant 0 : i32
      %eq3A_141 = arith.cmpi eq, %jit3A_140, %eq3A : i32
      %jit3A_142 = arith.constant 1 : i32
      %select_n3A_143 = arith.select %eq3A_141, %jit3A_142, %jit3A_140 : i32
      %rem3A_144 = arith.remsi %scan3A_122, %select_n3A_143 : i32
      %ne3A_145 = arith.constant 0 : i32
      %ne3A_146 = arith.cmpi ne, %rem3A_144, %ne3A_145 : i32
      %lt3A_147 = arith.constant 0 : i32
      %lt3A_148 = arith.cmpi slt, %rem3A_144, %lt3A_147 : i32
      %lt3A_149 = arith.constant 0 : i32
      %lt3A_150 = arith.cmpi slt, %select_n3A_143, %lt3A_149 : i32
      %ne3A_151 = arith.xori %lt3A_148, %lt3A_150 : i1
      %and3A_152 = arith.andi %ne3A_151, %ne3A_146 : i1
      %add3A_153 = arith.addi %rem3A_144, %select_n3A_143 : i32
      %select_n3A_154 = arith.select %and3A_152, %add3A_153, %rem3A_144 : i32
      %mul3A_155 = arith.constant 16 : i32
      %mul3A_156 = arith.muli %select_n3A_154, %mul3A_155 : i32
      %swap3A = arith.index_cast %select_n3A : i32 to index
      %swap3A_157 = arith.index_cast %mul3A_156 : i32 to index
      %swap3A_158 = tpu.vector_load %arg8[%swap3A, %swap3A_157] {strides = array<i32>} : memref<80x128xf32, #tpu.memory_space<vmem>>, vector<1x16xf32>,
      %swap3A_159 = vector.shape_cast %swap3A_158 : vector<1x16xf32> to vector<16xf32>
      %swap3A_160 = vector.shape_cast %broadcast_in_dim3A_123 : vector<16xf32> to vector<1x16xf32>
      tpu.vector_store %arg8[%swap3A, %swap3A_157], %swap3A_160 {strides = array<i32>} : memref<80x128xf32, #tpu.memory_space<vmem>>, vector<1x16xf32>,
    }
    %scan3A_5 = arith.constant 640 : i32
    %add3A_6 = arith.constant 0 : i32
    %add3A_7 = arith.addi %arg1, %add3A_6 : i32
    %lt3A = arith.constant 125 : i32
    %lt3A_8 = arith.cmpi slt, %add3A_7, %lt3A : i32
    %convert_element_type3A = arith.extui %lt3A_8 : i1 to i32
    %cond3A = arith.constant 0 : i32
    %cond3A_9 = arith.cmpi ne, %convert_element_type3A, %cond3A : i32
    scf.if %cond3A_9 {
      %mul3A_122 = arith.constant 80 : i32
      %mul3A_123 = arith.muli %add3A_7, %mul3A_122 : i32
      "tpu.region"() ({
        %run_scoped3A = tpu.sem_alloc : memref<!tpu.dma_semaphore, #tpu.memory_space<semaphore_mem>>
        %dma_start3A = arith.constant 0 : i32
        %dma_start3A_124 = tpu.memref_slice %arg9[%mul3A_123, %dma_start3A] : memref<10000x128xf32, #tpu.memory_space<vmem_shared>> -> memref<80x128xf32, #tpu.memory_space<vmem_shared>>
        %dma_start3A_125 = arith.constant 0 : i32
        %dma_start3A_126 = tpu.memref_slice %arg9[%mul3A_123, %dma_start3A_125] : memref<10000x128xf32, #tpu.memory_space<vmem_shared>> -> memref<80x128xf32, #tpu.memory_space<vmem_shared>>
        tpu.enqueue_dma source(%arg8 : memref<80x128xf32, #tpu.memory_space<vmem>>) target(%dma_start3A_126 : memref<80x128xf32, #tpu.memory_space<vmem_shared>>) target_semaphore(%run_scoped3A : memref<!tpu.dma_semaphore, #tpu.memory_space<semaphore_mem>>)
        %dma_wait3A = arith.constant 0 : i32
        %dma_wait3A_127 = tpu.memref_slice %arg9[%mul3A_123, %dma_wait3A] : memref<10000x128xf32, #tpu.memory_space<vmem_shared>> -> memref<80x128xf32, #tpu.memory_space<vmem_shared>>
        %dma_wait3A_128 = arith.constant 0 : i32
        %dma_wait3A_129 = tpu.memref_slice %arg9[%mul3A_123, %dma_wait3A_128] : memref<10000x128xf32, #tpu.memory_space<vmem_shared>> -> memref<80x128xf32, #tpu.memory_space<vmem_shared>>
        tpu.wait_dma2 semaphore(%run_scoped3A : memref<!tpu.dma_semaphore, #tpu.memory_space<semaphore_mem>>) src(%arg8 : memref<80x128xf32, #tpu.memory_space<vmem>>) dst(%dma_wait3A_129 : memref<80x128xf32, #tpu.memory_space<vmem_shared>>)
        tpu.yield
      }) : () -> ()
    } else {
    }
    %add3A_10 = arith.constant 16 : i32
    %add3A_11 = arith.addi %arg1, %add3A_10 : i32
    %lt3A_12 = arith.constant 125 : i32
    %lt3A_13 = arith.cmpi slt, %add3A_11, %lt3A_12 : i32
    %convert_element_type3A_14 = arith.extui %lt3A_13 : i1 to i32
    %cond3A_15 = arith.constant 0 : i32
    %cond3A_16 = arith.cmpi ne, %convert_element_type3A_14, %cond3A_15 : i32
    scf.if %cond3A_16 {
      %mul3A_122 = arith.constant 80 : i32
      %mul3A_123 = arith.muli %add3A_11, %mul3A_122 : i32
      "tpu.region"() ({
        %run_scoped3A = tpu.sem_alloc : memref<!tpu.dma_semaphore, #tpu.memory_space<semaphore_mem>>
        %dma_start3A = arith.constant 0 : i32
        %dma_start3A_124 = tpu.memref_slice %arg9[%mul3A_123, %dma_start3A] : memref<10000x128xf32, #tpu.memory_space<vmem_shared>> -> memref<80x128xf32, #tpu.memory_space<vmem_shared>>
        %dma_start3A_125 = arith.constant 0 : i32
        %dma_start3A_126 = tpu.memref_slice %arg9[%mul3A_123, %dma_start3A_125] : memref<10000x128xf32, #tpu.memory_space<vmem_shared>> -> memref<80x128xf32, #tpu.memory_space<vmem_shared>>
        tpu.enqueue_dma source(%arg8 : memref<80x128xf32, #tpu.memory_space<vmem>>) target(%dma_start3A_126 : memref<80x128xf32, #tpu.memory_space<vmem_shared>>) target_semaphore(%run_scoped3A : memref<!tpu.dma_semaphore, #tpu.memory_space<semaphore_mem>>)
        %dma_wait3A = arith.constant 0 : i32
        %dma_wait3A_127 = tpu.memref_slice %arg9[%mul3A_123, %dma_wait3A] : memref<10000x128xf32, #tpu.memory_space<vmem_shared>> -> memref<80x128xf32, #tpu.memory_space<vmem_shared>>
        %dma_wait3A_128 = arith.constant 0 : i32
        %dma_wait3A_129 = tpu.memref_slice %arg9[%mul3A_123, %dma_wait3A_128] : memref<10000x128xf32, #tpu.memory_space<vmem_shared>> -> memref<80x128xf32, #tpu.memory_space<vmem_shared>>
        tpu.wait_dma2 semaphore(%run_scoped3A : memref<!tpu.dma_semaphore, #tpu.memory_space<semaphore_mem>>) src(%arg8 : memref<80x128xf32, #tpu.memory_space<vmem>>) dst(%dma_wait3A_129 : memref<80x128xf32, #tpu.memory_space<vmem_shared>>)
        tpu.yield
      }) : () -> ()
    } else {
    }
    %add3A_17 = arith.constant 32 : i32
    %add3A_18 = arith.addi %arg1, %add3A_17 : i32
    %lt3A_19 = arith.constant 125 : i32
    %lt3A_20 = arith.cmpi slt, %add3A_18, %lt3A_19 : i32
    %convert_element_type3A_21 = arith.extui %lt3A_20 : i1 to i32
    %cond3A_22 = arith.constant 0 : i32
    %cond3A_23 = arith.cmpi ne, %convert_element_type3A_21, %cond3A_22 : i32
    scf.if %cond3A_23 {
      %mul3A_122 = arith.constant 80 : i32
      %mul3A_123 = arith.muli %add3A_18, %mul3A_122 : i32
      "tpu.region"() ({
        %run_scoped3A = tpu.sem_alloc : memref<!tpu.dma_semaphore, #tpu.memory_space<semaphore_mem>>
        %dma_start3A = arith.constant 0 : i32
        %dma_start3A_124 = tpu.memref_slice %arg9[%mul3A_123, %dma_start3A] : memref<10000x128xf32, #tpu.memory_space<vmem_shared>> -> memref<80x128xf32, #tpu.memory_space<vmem_shared>>
        %dma_start3A_125 = arith.constant 0 : i32
        %dma_start3A_126 = tpu.memref_slice %arg9[%mul3A_123, %dma_start3A_125] : memref<10000x128xf32, #tpu.memory_space<vmem_shared>> -> memref<80x128xf32, #tpu.memory_space<vmem_shared>>
        tpu.enqueue_dma source(%arg8 : memref<80x128xf32, #tpu.memory_space<vmem>>) target(%dma_start3A_126 : memref<80x128xf32, #tpu.memory_space<vmem_shared>>) target_semaphore(%run_scoped3A : memref<!tpu.dma_semaphore, #tpu.memory_space<semaphore_mem>>)
        %dma_wait3A = arith.constant 0 : i32
        %dma_wait3A_127 = tpu.memref_slice %arg9[%mul3A_123, %dma_wait3A] : memref<10000x128xf32, #tpu.memory_space<vmem_shared>> -> memref<80x128xf32, #tpu.memory_space<vmem_shared>>
        %dma_wait3A_128 = arith.constant 0 : i32
        %dma_wait3A_129 = tpu.memref_slice %arg9[%mul3A_123, %dma_wait3A_128] : memref<10000x128xf32, #tpu.memory_space<vmem_shared>> -> memref<80x128xf32, #tpu.memory_space<vmem_shared>>
        tpu.wait_dma2 semaphore(%run_scoped3A : memref<!tpu.dma_semaphore, #tpu.memory_space<semaphore_mem>>) src(%arg8 : memref<80x128xf32, #tpu.memory_space<vmem>>) dst(%dma_wait3A_129 : memref<80x128xf32, #tpu.memory_space<vmem_shared>>)
        tpu.yield
      }) : () -> ()
    } else {
    }
    %add3A_24 = arith.constant 48 : i32
    %add3A_25 = arith.addi %arg1, %add3A_24 : i32
    %lt3A_26 = arith.constant 125 : i32
    %lt3A_27 = arith.cmpi slt, %add3A_25, %lt3A_26 : i32
    %convert_element_type3A_28 = arith.extui %lt3A_27 : i1 to i32
    %cond3A_29 = arith.constant 0 : i32
    %cond3A_30 = arith.cmpi ne, %convert_element_type3A_28, %cond3A_29 : i32
    scf.if %cond3A_30 {
      %mul3A_122 = arith.constant 80 : i32
      %mul3A_123 = arith.muli %add3A_25, %mul3A_122 : i32
      "tpu.region"() ({
        %run_scoped3A = tpu.sem_alloc : memref<!tpu.dma_semaphore, #tpu.memory_space<semaphore_mem>>
        %dma_start3A = arith.constant 0 : i32
        %dma_start3A_124 = tpu.memref_slice %arg9[%mul3A_123, %dma_start3A] : memref<10000x128xf32, #tpu.memory_space<vmem_shared>> -> memref<80x128xf32, #tpu.memory_space<vmem_shared>>
        %dma_start3A_125 = arith.constant 0 : i32
        %dma_start3A_126 = tpu.memref_slice %arg9[%mul3A_123, %dma_start3A_125] : memref<10000x128xf32, #tpu.memory_space<vmem_shared>> -> memref<80x128xf32, #tpu.memory_space<vmem_shared>>
        tpu.enqueue_dma source(%arg8 : memref<80x128xf32, #tpu.memory_space<vmem>>) target(%dma_start3A_126 : memref<80x128xf32, #tpu.memory_space<vmem_shared>>) target_semaphore(%run_scoped3A : memref<!tpu.dma_semaphore, #tpu.memory_space<semaphore_mem>>)
        %dma_wait3A = arith.constant 0 : i32
        %dma_wait3A_127 = tpu.memref_slice %arg9[%mul3A_123, %dma_wait3A] : memref<10000x128xf32, #tpu.memory_space<vmem_shared>> -> memref<80x128xf32, #tpu.memory_space<vmem_shared>>
        %dma_wait3A_128 = arith.constant 0 : i32
        %dma_wait3A_129 = tpu.memref_slice %arg9[%mul3A_123, %dma_wait3A_128] : memref<10000x128xf32, #tpu.memory_space<vmem_shared>> -> memref<80x128xf32, #tpu.memory_space<vmem_shared>>
        tpu.wait_dma2 semaphore(%run_scoped3A : memref<!tpu.dma_semaphore, #tpu.memory_space<semaphore_mem>>) src(%arg8 : memref<80x128xf32, #tpu.memory_space<vmem>>) dst(%dma_wait3A_129 : memref<80x128xf32, #tpu.memory_space<vmem_shared>>)
        tpu.yield
      }) : () -> ()
    } else {
    }
    %add3A_31 = arith.constant 64 : i32
    %add3A_32 = arith.addi %arg1, %add3A_31 : i32
    %lt3A_33 = arith.constant 125 : i32
    %lt3A_34 = arith.cmpi slt, %add3A_32, %lt3A_33 : i32
    %convert_element_type3A_35 = arith.extui %lt3A_34 : i1 to i32
    %cond3A_36 = arith.constant 0 : i32
    %cond3A_37 = arith.cmpi ne, %convert_element_type3A_35, %cond3A_36 : i32
    scf.if %cond3A_37 {
      %mul3A_122 = arith.constant 80 : i32
      %mul3A_123 = arith.muli %add3A_32, %mul3A_122 : i32
      "tpu.region"() ({
        %run_scoped3A = tpu.sem_alloc : memref<!tpu.dma_semaphore, #tpu.memory_space<semaphore_mem>>
        %dma_start3A = arith.constant 0 : i32
        %dma_start3A_124 = tpu.memref_slice %arg9[%mul3A_123, %dma_start3A] : memref<10000x128xf32, #tpu.memory_space<vmem_shared>> -> memref<80x128xf32, #tpu.memory_space<vmem_shared>>
        %dma_start3A_125 = arith.constant 0 : i32
        %dma_start3A_126 = tpu.memref_slice %arg9[%mul3A_123, %dma_start3A_125] : memref<10000x128xf32, #tpu.memory_space<vmem_shared>> -> memref<80x128xf32, #tpu.memory_space<vmem_shared>>
        tpu.enqueue_dma source(%arg8 : memref<80x128xf32, #tpu.memory_space<vmem>>) target(%dma_start3A_126 : memref<80x128xf32, #tpu.memory_space<vmem_shared>>) target_semaphore(%run_scoped3A : memref<!tpu.dma_semaphore, #tpu.memory_space<semaphore_mem>>)
        %dma_wait3A = arith.constant 0 : i32
        %dma_wait3A_127 = tpu.memref_slice %arg9[%mul3A_123, %dma_wait3A] : memref<10000x128xf32, #tpu.memory_space<vmem_shared>> -> memref<80x128xf32, #tpu.memory_space<vmem_shared>>
        %dma_wait3A_128 = arith.constant 0 : i32
        %dma_wait3A_129 = tpu.memref_slice %arg9[%mul3A_123, %dma_wait3A_128] : memref<10000x128xf32, #tpu.memory_space<vmem_shared>> -> memref<80x128xf32, #tpu.memory_space<vmem_shared>>
        tpu.wait_dma2 semaphore(%run_scoped3A : memref<!tpu.dma_semaphore, #tpu.memory_space<semaphore_mem>>) src(%arg8 : memref<80x128xf32, #tpu.memory_space<vmem>>) dst(%dma_wait3A_129 : memref<80x128xf32, #tpu.memory_space<vmem_shared>>)
        tpu.yield
      }) : () -> ()
    } else {
    }
    %add3A_38 = arith.constant 80 : i32
    %add3A_39 = arith.addi %arg1, %add3A_38 : i32
    %lt3A_40 = arith.constant 125 : i32
    %lt3A_41 = arith.cmpi slt, %add3A_39, %lt3A_40 : i32
    %convert_element_type3A_42 = arith.extui %lt3A_41 : i1 to i32
    %cond3A_43 = arith.constant 0 : i32
    %cond3A_44 = arith.cmpi ne, %convert_element_type3A_42, %cond3A_43 : i32
    scf.if %cond3A_44 {
      %mul3A_122 = arith.constant 80 : i32
      %mul3A_123 = arith.muli %add3A_39, %mul3A_122 : i32
      "tpu.region"() ({
        %run_scoped3A = tpu.sem_alloc : memref<!tpu.dma_semaphore, #tpu.memory_space<semaphore_mem>>
        %dma_start3A = arith.constant 0 : i32
        %dma_start3A_124 = tpu.memref_slice %arg9[%mul3A_123, %dma_start3A] : memref<10000x128xf32, #tpu.memory_space<vmem_shared>> -> memref<80x128xf32, #tpu.memory_space<vmem_shared>>
        %dma_start3A_125 = arith.constant 0 : i32
        %dma_start3A_126 = tpu.memref_slice %arg9[%mul3A_123, %dma_start3A_125] : memref<10000x128xf32, #tpu.memory_space<vmem_shared>> -> memref<80x128xf32, #tpu.memory_space<vmem_shared>>
        tpu.enqueue_dma source(%arg8 : memref<80x128xf32, #tpu.memory_space<vmem>>) target(%dma_start3A_126 : memref<80x128xf32, #tpu.memory_space<vmem_shared>>) target_semaphore(%run_scoped3A : memref<!tpu.dma_semaphore, #tpu.memory_space<semaphore_mem>>)
        %dma_wait3A = arith.constant 0 : i32
        %dma_wait3A_127 = tpu.memref_slice %arg9[%mul3A_123, %dma_wait3A] : memref<10000x128xf32, #tpu.memory_space<vmem_shared>> -> memref<80x128xf32, #tpu.memory_space<vmem_shared>>
        %dma_wait3A_128 = arith.constant 0 : i32
        %dma_wait3A_129 = tpu.memref_slice %arg9[%mul3A_123, %dma_wait3A_128] : memref<10000x128xf32, #tpu.memory_space<vmem_shared>> -> memref<80x128xf32, #tpu.memory_space<vmem_shared>>
        tpu.wait_dma2 semaphore(%run_scoped3A : memref<!tpu.dma_semaphore, #tpu.memory_space<semaphore_mem>>) src(%arg8 : memref<80x128xf32, #tpu.memory_space<vmem>>) dst(%dma_wait3A_129 : memref<80x128xf32, #tpu.memory_space<vmem_shared>>)
        tpu.yield
      }) : () -> ()
    } else {
    }
    %add3A_45 = arith.constant 96 : i32
    %add3A_46 = arith.addi %arg1, %add3A_45 : i32
    %lt3A_47 = arith.constant 125 : i32
    %lt3A_48 = arith.cmpi slt, %add3A_46, %lt3A_47 : i32
    %convert_element_type3A_49 = arith.extui %lt3A_48 : i1 to i32
    %cond3A_50 = arith.constant 0 : i32
    %cond3A_51 = arith.cmpi ne, %convert_element_type3A_49, %cond3A_50 : i32
    scf.if %cond3A_51 {
      %mul3A_122 = arith.constant 80 : i32
      %mul3A_123 = arith.muli %add3A_46, %mul3A_122 : i32
      "tpu.region"() ({
        %run_scoped3A = tpu.sem_alloc : memref<!tpu.dma_semaphore, #tpu.memory_space<semaphore_mem>>
        %dma_start3A = arith.constant 0 : i32
        %dma_start3A_124 = tpu.memref_slice %arg9[%mul3A_123, %dma_start3A] : memref<10000x128xf32, #tpu.memory_space<vmem_shared>> -> memref<80x128xf32, #tpu.memory_space<vmem_shared>>
        %dma_start3A_125 = arith.constant 0 : i32
        %dma_start3A_126 = tpu.memref_slice %arg9[%mul3A_123, %dma_start3A_125] : memref<10000x128xf32, #tpu.memory_space<vmem_shared>> -> memref<80x128xf32, #tpu.memory_space<vmem_shared>>
        tpu.enqueue_dma source(%arg8 : memref<80x128xf32, #tpu.memory_space<vmem>>) target(%dma_start3A_126 : memref<80x128xf32, #tpu.memory_space<vmem_shared>>) target_semaphore(%run_scoped3A : memref<!tpu.dma_semaphore, #tpu.memory_space<semaphore_mem>>)
        %dma_wait3A = arith.constant 0 : i32
        %dma_wait3A_127 = tpu.memref_slice %arg9[%mul3A_123, %dma_wait3A] : memref<10000x128xf32, #tpu.memory_space<vmem_shared>> -> memref<80x128xf32, #tpu.memory_space<vmem_shared>>
        %dma_wait3A_128 = arith.constant 0 : i32
        %dma_wait3A_129 = tpu.memref_slice %arg9[%mul3A_123, %dma_wait3A_128] : memref<10000x128xf32, #tpu.memory_space<vmem_shared>> -> memref<80x128xf32, #tpu.memory_space<vmem_shared>>
        tpu.wait_dma2 semaphore(%run_scoped3A : memref<!tpu.dma_semaphore, #tpu.memory_space<semaphore_mem>>) src(%arg8 : memref<80x128xf32, #tpu.memory_space<vmem>>) dst(%dma_wait3A_129 : memref<80x128xf32, #tpu.memory_space<vmem_shared>>)
        tpu.yield
      }) : () -> ()
    } else {
    }
    %add3A_52 = arith.constant 112 : i32
    %add3A_53 = arith.addi %arg1, %add3A_52 : i32
    %lt3A_54 = arith.constant 125 : i32
    %lt3A_55 = arith.cmpi slt, %add3A_53, %lt3A_54 : i32
    %convert_element_type3A_56 = arith.extui %lt3A_55 : i1 to i32
    %cond3A_57 = arith.constant 0 : i32
    %cond3A_58 = arith.cmpi ne, %convert_element_type3A_56, %cond3A_57 : i32
    scf.if %cond3A_58 {
      %mul3A_122 = arith.constant 80 : i32
      %mul3A_123 = arith.muli %add3A_53, %mul3A_122 : i32
      "tpu.region"() ({
        %run_scoped3A = tpu.sem_alloc : memref<!tpu.dma_semaphore, #tpu.memory_space<semaphore_mem>>
        %dma_start3A = arith.constant 0 : i32
        %dma_start3A_124 = tpu.memref_slice %arg9[%mul3A_123, %dma_start3A] : memref<10000x128xf32, #tpu.memory_space<vmem_shared>> -> memref<80x128xf32, #tpu.memory_space<vmem_shared>>
        %dma_start3A_125 = arith.constant 0 : i32
        %dma_start3A_126 = tpu.memref_slice %arg9[%mul3A_123, %dma_start3A_125] : memref<10000x128xf32, #tpu.memory_space<vmem_shared>> -> memref<80x128xf32, #tpu.memory_space<vmem_shared>>
        tpu.enqueue_dma source(%arg8 : memref<80x128xf32, #tpu.memory_space<vmem>>) target(%dma_start3A_126 : memref<80x128xf32, #tpu.memory_space<vmem_shared>>) target_semaphore(%run_scoped3A : memref<!tpu.dma_semaphore, #tpu.memory_space<semaphore_mem>>)
        %dma_wait3A = arith.constant 0 : i32
        %dma_wait3A_127 = tpu.memref_slice %arg9[%mul3A_123, %dma_wait3A] : memref<10000x128xf32, #tpu.memory_space<vmem_shared>> -> memref<80x128xf32, #tpu.memory_space<vmem_shared>>
        %dma_wait3A_128 = arith.constant 0 : i32
        %dma_wait3A_129 = tpu.memref_slice %arg9[%mul3A_123, %dma_wait3A_128] : memref<10000x128xf32, #tpu.memory_space<vmem_shared>> -> memref<80x128xf32, #tpu.memory_space<vmem_shared>>
        tpu.wait_dma2 semaphore(%run_scoped3A : memref<!tpu.dma_semaphore, #tpu.memory_space<semaphore_mem>>) src(%arg8 : memref<80x128xf32, #tpu.memory_space<vmem>>) dst(%dma_wait3A_129 : memref<80x128xf32, #tpu.memory_space<vmem_shared>>)
        tpu.yield
      }) : () -> ()
    } else {
    }
    %barrier3A = arith.constant 0 : index
    tpu.barrier barrier_id(%barrier3A)
    %scan3A_59 = arith.constant 0 : i32
    %scan3A_60 = arith.constant 0 : i32
    %scan3A_61 = arith.constant 125 : i32
    %scan3A_62 = arith.addi %scan3A_60, %scan3A_61 : i32
    %scan3A_63 = arith.constant 1 : i32
    scf.for %scan3A_122 = %scan3A_60 to %scan3A_62 step %scan3A_63  : i32 {
      %dma_start3A = arith.constant 0 : i32
      %dma_start3A_123 = tpu.memref_slice %arg6[%scan3A_122, %dma_start3A] : memref<125x80xi32, #tpu.memory_space<vmem>> -> memref<1x80xi32, #tpu.memory_space<vmem>>
      %dma_start3A_124 = tpu.memref_squeeze %dma_start3A_123 : memref<1x80xi32, #tpu.memory_space<vmem>> -> memref<80xi32, #tpu.memory_space<vmem>>
      %dma_start3A_125 = arith.constant 0 : i32
      %dma_start3A_126 = arith.constant 0 : i32
      %dma_start3A_127 = tpu.memref_slice %arg2[%dma_start3A_125, %dma_start3A_126] : memref<10000x128xf32, #tpu.memory_space<hbm>> -> memref<10000x128xf32, #tpu.memory_space<hbm>>
      tpu.enqueue_indirect_dma source(%dma_start3A_127 : memref<10000x128xf32, #tpu.memory_space<hbm>>) target(%arg8 : memref<80x128xf32, #tpu.memory_space<vmem>>) offsets(%dma_start3A_124 : memref<80xi32, #tpu.memory_space<vmem>>) semaphore(%arg10 : memref<!tpu.dma_semaphore, #tpu.memory_space<semaphore_mem>>)
      %dma_wait3A = arith.constant 0 : i32
      %dma_wait3A_128 = tpu.memref_slice %arg6[%scan3A_122, %dma_wait3A] : memref<125x80xi32, #tpu.memory_space<vmem>> -> memref<1x80xi32, #tpu.memory_space<vmem>>
      %dma_wait3A_129 = tpu.memref_squeeze %dma_wait3A_128 : memref<1x80xi32, #tpu.memory_space<vmem>> -> memref<80xi32, #tpu.memory_space<vmem>>
      %dma_wait3A_130 = arith.constant 0 : i32
      %dma_wait3A_131 = arith.constant 0 : i32
      %dma_wait3A_132 = tpu.memref_slice %arg2[%dma_wait3A_130, %dma_wait3A_131] : memref<10000x128xf32, #tpu.memory_space<hbm>> -> memref<10000x128xf32, #tpu.memory_space<hbm>>
      tpu.wait_indirect_dma semaphore(%arg10 : memref<!tpu.dma_semaphore, #tpu.memory_space<semaphore_mem>>) src(%dma_wait3A_132 : memref<10000x128xf32, #tpu.memory_space<hbm>>) dst(%arg8 : memref<80x128xf32, #tpu.memory_space<vmem>>)
      "tpu.region"() ({
        %run_scoped3A = tpu.sem_alloc : memref<!tpu.dma_semaphore, #tpu.memory_space<semaphore_mem>>
        %dma_start3A_133 = arith.constant 0 : i32
        %dma_start3A_134 = tpu.memref_slice %arg7[%scan3A_122, %dma_start3A_133] : memref<125x80xi32, #tpu.memory_space<vmem>> -> memref<1x80xi32, #tpu.memory_space<vmem>>
        %dma_start3A_135 = tpu.memref_squeeze %dma_start3A_134 : memref<1x80xi32, #tpu.memory_space<vmem>> -> memref<80xi32, #tpu.memory_space<vmem>>
        %dma_start3A_136 = arith.constant 0 : i32
        %dma_start3A_137 = arith.constant 0 : i32
        %dma_start3A_138 = tpu.memref_slice %arg9[%dma_start3A_136, %dma_start3A_137] : memref<10000x128xf32, #tpu.memory_space<vmem_shared>> -> memref<10000x128xf32, #tpu.memory_space<vmem_shared>>
        tpu.enqueue_indirect_dma source(%arg8 : memref<80x128xf32, #tpu.memory_space<vmem>>) target(%dma_start3A_138 : memref<10000x128xf32, #tpu.memory_space<vmem_shared>>) offsets(%dma_start3A_135 : memref<80xi32, #tpu.memory_space<vmem>>) semaphore(%run_scoped3A : memref<!tpu.dma_semaphore, #tpu.memory_space<semaphore_mem>>) {add = true}
        %dma_wait3A_139 = arith.constant 0 : i32
        %dma_wait3A_140 = tpu.memref_slice %arg7[%scan3A_122, %dma_wait3A_139] : memref<125x80xi32, #tpu.memory_space<vmem>> -> memref<1x80xi32, #tpu.memory_space<vmem>>
        %dma_wait3A_141 = tpu.memref_squeeze %dma_wait3A_140 : memref<1x80xi32, #tpu.memory_space<vmem>> -> memref<80xi32, #tpu.memory_space<vmem>>
        %dma_wait3A_142 = arith.constant 0 : i32
        %dma_wait3A_143 = arith.constant 0 : i32
        %dma_wait3A_144 = tpu.memref_slice %arg9[%dma_wait3A_142, %dma_wait3A_143] : memref<10000x128xf32, #tpu.memory_space<vmem_shared>> -> memref<10000x128xf32, #tpu.memory_space<vmem_shared>>
        tpu.wait_indirect_dma semaphore(%run_scoped3A : memref<!tpu.dma_semaphore, #tpu.memory_space<semaphore_mem>>) src(%arg8 : memref<80x128xf32, #tpu.memory_space<vmem>>) dst(%dma_wait3A_144 : memref<10000x128xf32, #tpu.memory_space<vmem_shared>>)
        tpu.yield
      }) : () -> ()
    }
    %scan3A_64 = arith.constant 125 : i32
    %barrier3A_65 = arith.constant 0 : index
    tpu.barrier barrier_id(%barrier3A_65)
    %add3A_66 = arith.constant 0 : i32
    %add3A_67 = arith.addi %arg1, %add3A_66 : i32
    %lt3A_68 = arith.constant 125 : i32
    %lt3A_69 = arith.cmpi slt, %add3A_67, %lt3A_68 : i32
    %convert_element_type3A_70 = arith.extui %lt3A_69 : i1 to i32
    %cond3A_71 = arith.constant 0 : i32
    %cond3A_72 = arith.cmpi ne, %convert_element_type3A_70, %cond3A_71 : i32
    scf.if %cond3A_72 {
      %mul3A_122 = arith.constant 80 : i32
      %mul3A_123 = arith.muli %add3A_67, %mul3A_122 : i32
      "tpu.region"() ({
        %run_scoped3A = tpu.sem_alloc : memref<!tpu.dma_semaphore, #tpu.memory_space<semaphore_mem>>
        %dma_start3A = arith.constant 0 : i32
        %dma_start3A_126 = tpu.memref_slice %arg9[%mul3A_123, %dma_start3A] : memref<10000x128xf32, #tpu.memory_space<vmem_shared>> -> memref<80x128xf32, #tpu.memory_space<vmem_shared>>
        %dma_start3A_127 = arith.constant 0 : i32
        %dma_start3A_128 = tpu.memref_slice %arg9[%mul3A_123, %dma_start3A_127] : memref<10000x128xf32, #tpu.memory_space<vmem_shared>> -> memref<80x128xf32, #tpu.memory_space<vmem_shared>>
        tpu.enqueue_dma source(%dma_start3A_128 : memref<80x128xf32, #tpu.memory_space<vmem_shared>>) target(%arg8 : memref<80x128xf32, #tpu.memory_space<vmem>>) target_semaphore(%run_scoped3A : memref<!tpu.dma_semaphore, #tpu.memory_space<semaphore_mem>>)
        %dma_wait3A = arith.constant 0 : i32
        %dma_wait3A_129 = tpu.memref_slice %arg9[%mul3A_123, %dma_wait3A] : memref<10000x128xf32, #tpu.memory_space<vmem_shared>> -> memref<80x128xf32, #tpu.memory_space<vmem_shared>>
        %dma_wait3A_130 = arith.constant 0 : i32
        %dma_wait3A_131 = tpu.memref_slice %arg9[%mul3A_123, %dma_wait3A_130] : memref<10000x128xf32, #tpu.memory_space<vmem_shared>> -> memref<80x128xf32, #tpu.memory_space<vmem_shared>>
        tpu.wait_dma2 semaphore(%run_scoped3A : memref<!tpu.dma_semaphore, #tpu.memory_space<semaphore_mem>>) src(%dma_wait3A_131 : memref<80x128xf32, #tpu.memory_space<vmem_shared>>) dst(%arg8 : memref<80x128xf32, #tpu.memory_space<vmem>>)
        tpu.yield
      }) : () -> ()
      %mul3A_124 = arith.constant 80 : i32
      %mul3A_125 = arith.muli %add3A_67, %mul3A_124 : i32
      "tpu.region"() ({
        %run_scoped3A = tpu.sem_alloc : memref<!tpu.dma_semaphore, #tpu.memory_space<semaphore_mem>>
        %dma_start3A = arith.constant 0 : i32
        %dma_start3A_126 = tpu.memref_slice %arg5[%arg0, %mul3A_125, %dma_start3A] : memref<2x10000x128xf32, #tpu.memory_space<hbm>> -> memref<1x80x128xf32, #tpu.memory_space<hbm>>
        %dma_start3A_127 = tpu.memref_squeeze %dma_start3A_126 : memref<1x80x128xf32, #tpu.memory_space<hbm>> -> memref<80x128xf32, #tpu.memory_space<hbm>>
        %dma_start3A_128 = arith.constant 0 : i32
        %dma_start3A_129 = tpu.memref_slice %arg5[%arg0, %mul3A_125, %dma_start3A_128] : memref<2x10000x128xf32, #tpu.memory_space<hbm>> -> memref<1x80x128xf32, #tpu.memory_space<hbm>>
        %dma_start3A_130 = tpu.memref_squeeze %dma_start3A_129 : memref<1x80x128xf32, #tpu.memory_space<hbm>> -> memref<80x128xf32, #tpu.memory_space<hbm>>
        tpu.enqueue_dma source(%arg8 : memref<80x128xf32, #tpu.memory_space<vmem>>) target(%dma_start3A_130 : memref<80x128xf32, #tpu.memory_space<hbm>>) target_semaphore(%run_scoped3A : memref<!tpu.dma_semaphore, #tpu.memory_space<semaphore_mem>>)
        %dma_wait3A = arith.constant 0 : i32
        %dma_wait3A_131 = tpu.memref_slice %arg5[%arg0, %mul3A_125, %dma_wait3A] : memref<2x10000x128xf32, #tpu.memory_space<hbm>> -> memref<1x80x128xf32, #tpu.memory_space<hbm>>
        %dma_wait3A_132 = tpu.memref_squeeze %dma_wait3A_131 : memref<1x80x128xf32, #tpu.memory_space<hbm>> -> memref<80x128xf32, #tpu.memory_space<hbm>>
        %dma_wait3A_133 = arith.constant 0 : i32
        %dma_wait3A_134 = tpu.memref_slice %arg5[%arg0, %mul3A_125, %dma_wait3A_133] : memref<2x10000x128xf32, #tpu.memory_space<hbm>> -> memref<1x80x128xf32, #tpu.memory_space<hbm>>
        %dma_wait3A_135 = tpu.memref_squeeze %dma_wait3A_134 : memref<1x80x128xf32, #tpu.memory_space<hbm>> -> memref<80x128xf32, #tpu.memory_space<hbm>>
        tpu.wait_dma2 semaphore(%run_scoped3A : memref<!tpu.dma_semaphore, #tpu.memory_space<semaphore_mem>>) src(%arg8 : memref<80x128xf32, #tpu.memory_space<vmem>>) dst(%dma_wait3A_135 : memref<80x128xf32, #tpu.memory_space<hbm>>)
        tpu.yield
      }) : () -> ()
    } else {
    }
    %add3A_73 = arith.constant 16 : i32
    %add3A_74 = arith.addi %arg1, %add3A_73 : i32
    %lt3A_75 = arith.constant 125 : i32
    %lt3A_76 = arith.cmpi slt, %add3A_74, %lt3A_75 : i32
    %convert_element_type3A_77 = arith.extui %lt3A_76 : i1 to i32
    %cond3A_78 = arith.constant 0 : i32
    %cond3A_79 = arith.cmpi ne, %convert_element_type3A_77, %cond3A_78 : i32
    scf.if %cond3A_79 {
      %mul3A_122 = arith.constant 80 : i32
      %mul3A_123 = arith.muli %add3A_74, %mul3A_122 : i32
      "tpu.region"() ({
        %run_scoped3A = tpu.sem_alloc : memref<!tpu.dma_semaphore, #tpu.memory_space<semaphore_mem>>
        %dma_start3A = arith.constant 0 : i32
        %dma_start3A_126 = tpu.memref_slice %arg9[%mul3A_123, %dma_start3A] : memref<10000x128xf32, #tpu.memory_space<vmem_shared>> -> memref<80x128xf32, #tpu.memory_space<vmem_shared>>
        %dma_start3A_127 = arith.constant 0 : i32
        %dma_start3A_128 = tpu.memref_slice %arg9[%mul3A_123, %dma_start3A_127] : memref<10000x128xf32, #tpu.memory_space<vmem_shared>> -> memref<80x128xf32, #tpu.memory_space<vmem_shared>>
        tpu.enqueue_dma source(%dma_start3A_128 : memref<80x128xf32, #tpu.memory_space<vmem_shared>>) target(%arg8 : memref<80x128xf32, #tpu.memory_space<vmem>>) target_semaphore(%run_scoped3A : memref<!tpu.dma_semaphore, #tpu.memory_space<semaphore_mem>>)
        %dma_wait3A = arith.constant 0 : i32
        %dma_wait3A_129 = tpu.memref_slice %arg9[%mul3A_123, %dma_wait3A] : memref<10000x128xf32, #tpu.memory_space<vmem_shared>> -> memref<80x128xf32, #tpu.memory_space<vmem_shared>>
        %dma_wait3A_130 = arith.constant 0 : i32
        %dma_wait3A_131 = tpu.memref_slice %arg9[%mul3A_123, %dma_wait3A_130] : memref<10000x128xf32, #tpu.memory_space<vmem_shared>> -> memref<80x128xf32, #tpu.memory_space<vmem_shared>>
        tpu.wait_dma2 semaphore(%run_scoped3A : memref<!tpu.dma_semaphore, #tpu.memory_space<semaphore_mem>>) src(%dma_wait3A_131 : memref<80x128xf32, #tpu.memory_space<vmem_shared>>) dst(%arg8 : memref<80x128xf32, #tpu.memory_space<vmem>>)
        tpu.yield
      }) : () -> ()
      %mul3A_124 = arith.constant 80 : i32
      %mul3A_125 = arith.muli %add3A_74, %mul3A_124 : i32
      "tpu.region"() ({
        %run_scoped3A = tpu.sem_alloc : memref<!tpu.dma_semaphore, #tpu.memory_space<semaphore_mem>>
        %dma_start3A = arith.constant 0 : i32
        %dma_start3A_126 = tpu.memref_slice %arg5[%arg0, %mul3A_125, %dma_start3A] : memref<2x10000x128xf32, #tpu.memory_space<hbm>> -> memref<1x80x128xf32, #tpu.memory_space<hbm>>
        %dma_start3A_127 = tpu.memref_squeeze %dma_start3A_126 : memref<1x80x128xf32, #tpu.memory_space<hbm>> -> memref<80x128xf32, #tpu.memory_space<hbm>>
        %dma_start3A_128 = arith.constant 0 : i32
        %dma_start3A_129 = tpu.memref_slice %arg5[%arg0, %mul3A_125, %dma_start3A_128] : memref<2x10000x128xf32, #tpu.memory_space<hbm>> -> memref<1x80x128xf32, #tpu.memory_space<hbm>>
        %dma_start3A_130 = tpu.memref_squeeze %dma_start3A_129 : memref<1x80x128xf32, #tpu.memory_space<hbm>> -> memref<80x128xf32, #tpu.memory_space<hbm>>
        tpu.enqueue_dma source(%arg8 : memref<80x128xf32, #tpu.memory_space<vmem>>) target(%dma_start3A_130 : memref<80x128xf32, #tpu.memory_space<hbm>>) target_semaphore(%run_scoped3A : memref<!tpu.dma_semaphore, #tpu.memory_space<semaphore_mem>>)
        %dma_wait3A = arith.constant 0 : i32
        %dma_wait3A_131 = tpu.memref_slice %arg5[%arg0, %mul3A_125, %dma_wait3A] : memref<2x10000x128xf32, #tpu.memory_space<hbm>> -> memref<1x80x128xf32, #tpu.memory_space<hbm>>
        %dma_wait3A_132 = tpu.memref_squeeze %dma_wait3A_131 : memref<1x80x128xf32, #tpu.memory_space<hbm>> -> memref<80x128xf32, #tpu.memory_space<hbm>>
        %dma_wait3A_133 = arith.constant 0 : i32
        %dma_wait3A_134 = tpu.memref_slice %arg5[%arg0, %mul3A_125, %dma_wait3A_133] : memref<2x10000x128xf32, #tpu.memory_space<hbm>> -> memref<1x80x128xf32, #tpu.memory_space<hbm>>
        %dma_wait3A_135 = tpu.memref_squeeze %dma_wait3A_134 : memref<1x80x128xf32, #tpu.memory_space<hbm>> -> memref<80x128xf32, #tpu.memory_space<hbm>>
        tpu.wait_dma2 semaphore(%run_scoped3A : memref<!tpu.dma_semaphore, #tpu.memory_space<semaphore_mem>>) src(%arg8 : memref<80x128xf32, #tpu.memory_space<vmem>>) dst(%dma_wait3A_135 : memref<80x128xf32, #tpu.memory_space<hbm>>)
        tpu.yield
      }) : () -> ()
    } else {
    }
    %add3A_80 = arith.constant 32 : i32
    %add3A_81 = arith.addi %arg1, %add3A_80 : i32
    %lt3A_82 = arith.constant 125 : i32
    %lt3A_83 = arith.cmpi slt, %add3A_81, %lt3A_82 : i32
    %convert_element_type3A_84 = arith.extui %lt3A_83 : i1 to i32
    %cond3A_85 = arith.constant 0 : i32
    %cond3A_86 = arith.cmpi ne, %convert_element_type3A_84, %cond3A_85 : i32
    scf.if %cond3A_86 {
      %mul3A_122 = arith.constant 80 : i32
      %mul3A_123 = arith.muli %add3A_81, %mul3A_122 : i32
      "tpu.region"() ({
        %run_scoped3A = tpu.sem_alloc : memref<!tpu.dma_semaphore, #tpu.memory_space<semaphore_mem>>
        %dma_start3A = arith.constant 0 : i32
        %dma_start3A_126 = tpu.memref_slice %arg9[%mul3A_123, %dma_start3A] : memref<10000x128xf32, #tpu.memory_space<vmem_shared>> -> memref<80x128xf32, #tpu.memory_space<vmem_shared>>
        %dma_start3A_127 = arith.constant 0 : i32
        %dma_start3A_128 = tpu.memref_slice %arg9[%mul3A_123, %dma_start3A_127] : memref<10000x128xf32, #tpu.memory_space<vmem_shared>> -> memref<80x128xf32, #tpu.memory_space<vmem_shared>>
        tpu.enqueue_dma source(%dma_start3A_128 : memref<80x128xf32, #tpu.memory_space<vmem_shared>>) target(%arg8 : memref<80x128xf32, #tpu.memory_space<vmem>>) target_semaphore(%run_scoped3A : memref<!tpu.dma_semaphore, #tpu.memory_space<semaphore_mem>>)
        %dma_wait3A = arith.constant 0 : i32
        %dma_wait3A_129 = tpu.memref_slice %arg9[%mul3A_123, %dma_wait3A] : memref<10000x128xf32, #tpu.memory_space<vmem_shared>> -> memref<80x128xf32, #tpu.memory_space<vmem_shared>>
        %dma_wait3A_130 = arith.constant 0 : i32
        %dma_wait3A_131 = tpu.memref_slice %arg9[%mul3A_123, %dma_wait3A_130] : memref<10000x128xf32, #tpu.memory_space<vmem_shared>> -> memref<80x128xf32, #tpu.memory_space<vmem_shared>>
        tpu.wait_dma2 semaphore(%run_scoped3A : memref<!tpu.dma_semaphore, #tpu.memory_space<semaphore_mem>>) src(%dma_wait3A_131 : memref<80x128xf32, #tpu.memory_space<vmem_shared>>) dst(%arg8 : memref<80x128xf32, #tpu.memory_space<vmem>>)
        tpu.yield
      }) : () -> ()
      %mul3A_124 = arith.constant 80 : i32
      %mul3A_125 = arith.muli %add3A_81, %mul3A_124 : i32
      "tpu.region"() ({
        %run_scoped3A = tpu.sem_alloc : memref<!tpu.dma_semaphore, #tpu.memory_space<semaphore_mem>>
        %dma_start3A = arith.constant 0 : i32
        %dma_start3A_126 = tpu.memref_slice %arg5[%arg0, %mul3A_125, %dma_start3A] : memref<2x10000x128xf32, #tpu.memory_space<hbm>> -> memref<1x80x128xf32, #tpu.memory_space<hbm>>
        %dma_start3A_127 = tpu.memref_squeeze %dma_start3A_126 : memref<1x80x128xf32, #tpu.memory_space<hbm>> -> memref<80x128xf32, #tpu.memory_space<hbm>>
        %dma_start3A_128 = arith.constant 0 : i32
        %dma_start3A_129 = tpu.memref_slice %arg5[%arg0, %mul3A_125, %dma_start3A_128] : memref<2x10000x128xf32, #tpu.memory_space<hbm>> -> memref<1x80x128xf32, #tpu.memory_space<hbm>>
        %dma_start3A_130 = tpu.memref_squeeze %dma_start3A_129 : memref<1x80x128xf32, #tpu.memory_space<hbm>> -> memref<80x128xf32, #tpu.memory_space<hbm>>
        tpu.enqueue_dma source(%arg8 : memref<80x128xf32, #tpu.memory_space<vmem>>) target(%dma_start3A_130 : memref<80x128xf32, #tpu.memory_space<hbm>>) target_semaphore(%run_scoped3A : memref<!tpu.dma_semaphore, #tpu.memory_space<semaphore_mem>>)
        %dma_wait3A = arith.constant 0 : i32
        %dma_wait3A_131 = tpu.memref_slice %arg5[%arg0, %mul3A_125, %dma_wait3A] : memref<2x10000x128xf32, #tpu.memory_space<hbm>> -> memref<1x80x128xf32, #tpu.memory_space<hbm>>
        %dma_wait3A_132 = tpu.memref_squeeze %dma_wait3A_131 : memref<1x80x128xf32, #tpu.memory_space<hbm>> -> memref<80x128xf32, #tpu.memory_space<hbm>>
        %dma_wait3A_133 = arith.constant 0 : i32
        %dma_wait3A_134 = tpu.memref_slice %arg5[%arg0, %mul3A_125, %dma_wait3A_133] : memref<2x10000x128xf32, #tpu.memory_space<hbm>> -> memref<1x80x128xf32, #tpu.memory_space<hbm>>
        %dma_wait3A_135 = tpu.memref_squeeze %dma_wait3A_134 : memref<1x80x128xf32, #tpu.memory_space<hbm>> -> memref<80x128xf32, #tpu.memory_space<hbm>>
        tpu.wait_dma2 semaphore(%run_scoped3A : memref<!tpu.dma_semaphore, #tpu.memory_space<semaphore_mem>>) src(%arg8 : memref<80x128xf32, #tpu.memory_space<vmem>>) dst(%dma_wait3A_135 : memref<80x128xf32, #tpu.memory_space<hbm>>)
        tpu.yield
      }) : () -> ()
    } else {
    }
    %add3A_87 = arith.constant 48 : i32
    %add3A_88 = arith.addi %arg1, %add3A_87 : i32
    %lt3A_89 = arith.constant 125 : i32
    %lt3A_90 = arith.cmpi slt, %add3A_88, %lt3A_89 : i32
    %convert_element_type3A_91 = arith.extui %lt3A_90 : i1 to i32
    %cond3A_92 = arith.constant 0 : i32
    %cond3A_93 = arith.cmpi ne, %convert_element_type3A_91, %cond3A_92 : i32
    scf.if %cond3A_93 {
      %mul3A_122 = arith.constant 80 : i32
      %mul3A_123 = arith.muli %add3A_88, %mul3A_122 : i32
      "tpu.region"() ({
        %run_scoped3A = tpu.sem_alloc : memref<!tpu.dma_semaphore, #tpu.memory_space<semaphore_mem>>
        %dma_start3A = arith.constant 0 : i32
        %dma_start3A_126 = tpu.memref_slice %arg9[%mul3A_123, %dma_start3A] : memref<10000x128xf32, #tpu.memory_space<vmem_shared>> -> memref<80x128xf32, #tpu.memory_space<vmem_shared>>
        %dma_start3A_127 = arith.constant 0 : i32
        %dma_start3A_128 = tpu.memref_slice %arg9[%mul3A_123, %dma_start3A_127] : memref<10000x128xf32, #tpu.memory_space<vmem_shared>> -> memref<80x128xf32, #tpu.memory_space<vmem_shared>>
        tpu.enqueue_dma source(%dma_start3A_128 : memref<80x128xf32, #tpu.memory_space<vmem_shared>>) target(%arg8 : memref<80x128xf32, #tpu.memory_space<vmem>>) target_semaphore(%run_scoped3A : memref<!tpu.dma_semaphore, #tpu.memory_space<semaphore_mem>>)
        %dma_wait3A = arith.constant 0 : i32
        %dma_wait3A_129 = tpu.memref_slice %arg9[%mul3A_123, %dma_wait3A] : memref<10000x128xf32, #tpu.memory_space<vmem_shared>> -> memref<80x128xf32, #tpu.memory_space<vmem_shared>>
        %dma_wait3A_130 = arith.constant 0 : i32
        %dma_wait3A_131 = tpu.memref_slice %arg9[%mul3A_123, %dma_wait3A_130] : memref<10000x128xf32, #tpu.memory_space<vmem_shared>> -> memref<80x128xf32, #tpu.memory_space<vmem_shared>>
        tpu.wait_dma2 semaphore(%run_scoped3A : memref<!tpu.dma_semaphore, #tpu.memory_space<semaphore_mem>>) src(%dma_wait3A_131 : memref<80x128xf32, #tpu.memory_space<vmem_shared>>) dst(%arg8 : memref<80x128xf32, #tpu.memory_space<vmem>>)
        tpu.yield
      }) : () -> ()
      %mul3A_124 = arith.constant 80 : i32
      %mul3A_125 = arith.muli %add3A_88, %mul3A_124 : i32
      "tpu.region"() ({
        %run_scoped3A = tpu.sem_alloc : memref<!tpu.dma_semaphore, #tpu.memory_space<semaphore_mem>>
        %dma_start3A = arith.constant 0 : i32
        %dma_start3A_126 = tpu.memref_slice %arg5[%arg0, %mul3A_125, %dma_start3A] : memref<2x10000x128xf32, #tpu.memory_space<hbm>> -> memref<1x80x128xf32, #tpu.memory_space<hbm>>
        %dma_start3A_127 = tpu.memref_squeeze %dma_start3A_126 : memref<1x80x128xf32, #tpu.memory_space<hbm>> -> memref<80x128xf32, #tpu.memory_space<hbm>>
        %dma_start3A_128 = arith.constant 0 : i32
        %dma_start3A_129 = tpu.memref_slice %arg5[%arg0, %mul3A_125, %dma_start3A_128] : memref<2x10000x128xf32, #tpu.memory_space<hbm>> -> memref<1x80x128xf32, #tpu.memory_space<hbm>>
        %dma_start3A_130 = tpu.memref_squeeze %dma_start3A_129 : memref<1x80x128xf32, #tpu.memory_space<hbm>> -> memref<80x128xf32, #tpu.memory_space<hbm>>
        tpu.enqueue_dma source(%arg8 : memref<80x128xf32, #tpu.memory_space<vmem>>) target(%dma_start3A_130 : memref<80x128xf32, #tpu.memory_space<hbm>>) target_semaphore(%run_scoped3A : memref<!tpu.dma_semaphore, #tpu.memory_space<semaphore_mem>>)
        %dma_wait3A = arith.constant 0 : i32
        %dma_wait3A_131 = tpu.memref_slice %arg5[%arg0, %mul3A_125, %dma_wait3A] : memref<2x10000x128xf32, #tpu.memory_space<hbm>> -> memref<1x80x128xf32, #tpu.memory_space<hbm>>
        %dma_wait3A_132 = tpu.memref_squeeze %dma_wait3A_131 : memref<1x80x128xf32, #tpu.memory_space<hbm>> -> memref<80x128xf32, #tpu.memory_space<hbm>>
        %dma_wait3A_133 = arith.constant 0 : i32
        %dma_wait3A_134 = tpu.memref_slice %arg5[%arg0, %mul3A_125, %dma_wait3A_133] : memref<2x10000x128xf32, #tpu.memory_space<hbm>> -> memref<1x80x128xf32, #tpu.memory_space<hbm>>
        %dma_wait3A_135 = tpu.memref_squeeze %dma_wait3A_134 : memref<1x80x128xf32, #tpu.memory_space<hbm>> -> memref<80x128xf32, #tpu.memory_space<hbm>>
        tpu.wait_dma2 semaphore(%run_scoped3A : memref<!tpu.dma_semaphore, #tpu.memory_space<semaphore_mem>>) src(%arg8 : memref<80x128xf32, #tpu.memory_space<vmem>>) dst(%dma_wait3A_135 : memref<80x128xf32, #tpu.memory_space<hbm>>)
        tpu.yield
      }) : () -> ()
    } else {
    }
    %add3A_94 = arith.constant 64 : i32
    %add3A_95 = arith.addi %arg1, %add3A_94 : i32
    %lt3A_96 = arith.constant 125 : i32
    %lt3A_97 = arith.cmpi slt, %add3A_95, %lt3A_96 : i32
    %convert_element_type3A_98 = arith.extui %lt3A_97 : i1 to i32
    %cond3A_99 = arith.constant 0 : i32
    %cond3A_100 = arith.cmpi ne, %convert_element_type3A_98, %cond3A_99 : i32
    scf.if %cond3A_100 {
      %mul3A_122 = arith.constant 80 : i32
      %mul3A_123 = arith.muli %add3A_95, %mul3A_122 : i32
      "tpu.region"() ({
        %run_scoped3A = tpu.sem_alloc : memref<!tpu.dma_semaphore, #tpu.memory_space<semaphore_mem>>
        %dma_start3A = arith.constant 0 : i32
        %dma_start3A_126 = tpu.memref_slice %arg9[%mul3A_123, %dma_start3A] : memref<10000x128xf32, #tpu.memory_space<vmem_shared>> -> memref<80x128xf32, #tpu.memory_space<vmem_shared>>
        %dma_start3A_127 = arith.constant 0 : i32
        %dma_start3A_128 = tpu.memref_slice %arg9[%mul3A_123, %dma_start3A_127] : memref<10000x128xf32, #tpu.memory_space<vmem_shared>> -> memref<80x128xf32, #tpu.memory_space<vmem_shared>>
        tpu.enqueue_dma source(%dma_start3A_128 : memref<80x128xf32, #tpu.memory_space<vmem_shared>>) target(%arg8 : memref<80x128xf32, #tpu.memory_space<vmem>>) target_semaphore(%run_scoped3A : memref<!tpu.dma_semaphore, #tpu.memory_space<semaphore_mem>>)
        %dma_wait3A = arith.constant 0 : i32
        %dma_wait3A_129 = tpu.memref_slice %arg9[%mul3A_123, %dma_wait3A] : memref<10000x128xf32, #tpu.memory_space<vmem_shared>> -> memref<80x128xf32, #tpu.memory_space<vmem_shared>>
        %dma_wait3A_130 = arith.constant 0 : i32
        %dma_wait3A_131 = tpu.memref_slice %arg9[%mul3A_123, %dma_wait3A_130] : memref<10000x128xf32, #tpu.memory_space<vmem_shared>> -> memref<80x128xf32, #tpu.memory_space<vmem_shared>>
        tpu.wait_dma2 semaphore(%run_scoped3A : memref<!tpu.dma_semaphore, #tpu.memory_space<semaphore_mem>>) src(%dma_wait3A_131 : memref<80x128xf32, #tpu.memory_space<vmem_shared>>) dst(%arg8 : memref<80x128xf32, #tpu.memory_space<vmem>>)
        tpu.yield
      }) : () -> ()
      %mul3A_124 = arith.constant 80 : i32
      %mul3A_125 = arith.muli %add3A_95, %mul3A_124 : i32
      "tpu.region"() ({
        %run_scoped3A = tpu.sem_alloc : memref<!tpu.dma_semaphore, #tpu.memory_space<semaphore_mem>>
        %dma_start3A = arith.constant 0 : i32
        %dma_start3A_126 = tpu.memref_slice %arg5[%arg0, %mul3A_125, %dma_start3A] : memref<2x10000x128xf32, #tpu.memory_space<hbm>> -> memref<1x80x128xf32, #tpu.memory_space<hbm>>
        %dma_start3A_127 = tpu.memref_squeeze %dma_start3A_126 : memref<1x80x128xf32, #tpu.memory_space<hbm>> -> memref<80x128xf32, #tpu.memory_space<hbm>>
        %dma_start3A_128 = arith.constant 0 : i32
        %dma_start3A_129 = tpu.memref_slice %arg5[%arg0, %mul3A_125, %dma_start3A_128] : memref<2x10000x128xf32, #tpu.memory_space<hbm>> -> memref<1x80x128xf32, #tpu.memory_space<hbm>>
        %dma_start3A_130 = tpu.memref_squeeze %dma_start3A_129 : memref<1x80x128xf32, #tpu.memory_space<hbm>> -> memref<80x128xf32, #tpu.memory_space<hbm>>
        tpu.enqueue_dma source(%arg8 : memref<80x128xf32, #tpu.memory_space<vmem>>) target(%dma_start3A_130 : memref<80x128xf32, #tpu.memory_space<hbm>>) target_semaphore(%run_scoped3A : memref<!tpu.dma_semaphore, #tpu.memory_space<semaphore_mem>>)
        %dma_wait3A = arith.constant 0 : i32
        %dma_wait3A_131 = tpu.memref_slice %arg5[%arg0, %mul3A_125, %dma_wait3A] : memref<2x10000x128xf32, #tpu.memory_space<hbm>> -> memref<1x80x128xf32, #tpu.memory_space<hbm>>
        %dma_wait3A_132 = tpu.memref_squeeze %dma_wait3A_131 : memref<1x80x128xf32, #tpu.memory_space<hbm>> -> memref<80x128xf32, #tpu.memory_space<hbm>>
        %dma_wait3A_133 = arith.constant 0 : i32
        %dma_wait3A_134 = tpu.memref_slice %arg5[%arg0, %mul3A_125, %dma_wait3A_133] : memref<2x10000x128xf32, #tpu.memory_space<hbm>> -> memref<1x80x128xf32, #tpu.memory_space<hbm>>
        %dma_wait3A_135 = tpu.memref_squeeze %dma_wait3A_134 : memref<1x80x128xf32, #tpu.memory_space<hbm>> -> memref<80x128xf32, #tpu.memory_space<hbm>>
        tpu.wait_dma2 semaphore(%run_scoped3A : memref<!tpu.dma_semaphore, #tpu.memory_space<semaphore_mem>>) src(%arg8 : memref<80x128xf32, #tpu.memory_space<vmem>>) dst(%dma_wait3A_135 : memref<80x128xf32, #tpu.memory_space<hbm>>)
        tpu.yield
      }) : () -> ()
    } else {
    }
    %add3A_101 = arith.constant 80 : i32
    %add3A_102 = arith.addi %arg1, %add3A_101 : i32
    %lt3A_103 = arith.constant 125 : i32
    %lt3A_104 = arith.cmpi slt, %add3A_102, %lt3A_103 : i32
    %convert_element_type3A_105 = arith.extui %lt3A_104 : i1 to i32
    %cond3A_106 = arith.constant 0 : i32
    %cond3A_107 = arith.cmpi ne, %convert_element_type3A_105, %cond3A_106 : i32
    scf.if %cond3A_107 {
      %mul3A_122 = arith.constant 80 : i32
      %mul3A_123 = arith.muli %add3A_102, %mul3A_122 : i32
      "tpu.region"() ({
        %run_scoped3A = tpu.sem_alloc : memref<!tpu.dma_semaphore, #tpu.memory_space<semaphore_mem>>
        %dma_start3A = arith.constant 0 : i32
        %dma_start3A_126 = tpu.memref_slice %arg9[%mul3A_123, %dma_start3A] : memref<10000x128xf32, #tpu.memory_space<vmem_shared>> -> memref<80x128xf32, #tpu.memory_space<vmem_shared>>
        %dma_start3A_127 = arith.constant 0 : i32
        %dma_start3A_128 = tpu.memref_slice %arg9[%mul3A_123, %dma_start3A_127] : memref<10000x128xf32, #tpu.memory_space<vmem_shared>> -> memref<80x128xf32, #tpu.memory_space<vmem_shared>>
        tpu.enqueue_dma source(%dma_start3A_128 : memref<80x128xf32, #tpu.memory_space<vmem_shared>>) target(%arg8 : memref<80x128xf32, #tpu.memory_space<vmem>>) target_semaphore(%run_scoped3A : memref<!tpu.dma_semaphore, #tpu.memory_space<semaphore_mem>>)
        %dma_wait3A = arith.constant 0 : i32
        %dma_wait3A_129 = tpu.memref_slice %arg9[%mul3A_123, %dma_wait3A] : memref<10000x128xf32, #tpu.memory_space<vmem_shared>> -> memref<80x128xf32, #tpu.memory_space<vmem_shared>>
        %dma_wait3A_130 = arith.constant 0 : i32
        %dma_wait3A_131 = tpu.memref_slice %arg9[%mul3A_123, %dma_wait3A_130] : memref<10000x128xf32, #tpu.memory_space<vmem_shared>> -> memref<80x128xf32, #tpu.memory_space<vmem_shared>>
        tpu.wait_dma2 semaphore(%run_scoped3A : memref<!tpu.dma_semaphore, #tpu.memory_space<semaphore_mem>>) src(%dma_wait3A_131 : memref<80x128xf32, #tpu.memory_space<vmem_shared>>) dst(%arg8 : memref<80x128xf32, #tpu.memory_space<vmem>>)
        tpu.yield
      }) : () -> ()
      %mul3A_124 = arith.constant 80 : i32
      %mul3A_125 = arith.muli %add3A_102, %mul3A_124 : i32
      "tpu.region"() ({
        %run_scoped3A = tpu.sem_alloc : memref<!tpu.dma_semaphore, #tpu.memory_space<semaphore_mem>>
        %dma_start3A = arith.constant 0 : i32
        %dma_start3A_126 = tpu.memref_slice %arg5[%arg0, %mul3A_125, %dma_start3A] : memref<2x10000x128xf32, #tpu.memory_space<hbm>> -> memref<1x80x128xf32, #tpu.memory_space<hbm>>
        %dma_start3A_127 = tpu.memref_squeeze %dma_start3A_126 : memref<1x80x128xf32, #tpu.memory_space<hbm>> -> memref<80x128xf32, #tpu.memory_space<hbm>>
        %dma_start3A_128 = arith.constant 0 : i32
        %dma_start3A_129 = tpu.memref_slice %arg5[%arg0, %mul3A_125, %dma_start3A_128] : memref<2x10000x128xf32, #tpu.memory_space<hbm>> -> memref<1x80x128xf32, #tpu.memory_space<hbm>>
        %dma_start3A_130 = tpu.memref_squeeze %dma_start3A_129 : memref<1x80x128xf32, #tpu.memory_space<hbm>> -> memref<80x128xf32, #tpu.memory_space<hbm>>
        tpu.enqueue_dma source(%arg8 : memref<80x128xf32, #tpu.memory_space<vmem>>) target(%dma_start3A_130 : memref<80x128xf32, #tpu.memory_space<hbm>>) target_semaphore(%run_scoped3A : memref<!tpu.dma_semaphore, #tpu.memory_space<semaphore_mem>>)
        %dma_wait3A = arith.constant 0 : i32
        %dma_wait3A_131 = tpu.memref_slice %arg5[%arg0, %mul3A_125, %dma_wait3A] : memref<2x10000x128xf32, #tpu.memory_space<hbm>> -> memref<1x80x128xf32, #tpu.memory_space<hbm>>
        %dma_wait3A_132 = tpu.memref_squeeze %dma_wait3A_131 : memref<1x80x128xf32, #tpu.memory_space<hbm>> -> memref<80x128xf32, #tpu.memory_space<hbm>>
        %dma_wait3A_133 = arith.constant 0 : i32
        %dma_wait3A_134 = tpu.memref_slice %arg5[%arg0, %mul3A_125, %dma_wait3A_133] : memref<2x10000x128xf32, #tpu.memory_space<hbm>> -> memref<1x80x128xf32, #tpu.memory_space<hbm>>
        %dma_wait3A_135 = tpu.memref_squeeze %dma_wait3A_134 : memref<1x80x128xf32, #tpu.memory_space<hbm>> -> memref<80x128xf32, #tpu.memory_space<hbm>>
        tpu.wait_dma2 semaphore(%run_scoped3A : memref<!tpu.dma_semaphore, #tpu.memory_space<semaphore_mem>>) src(%arg8 : memref<80x128xf32, #tpu.memory_space<vmem>>) dst(%dma_wait3A_135 : memref<80x128xf32, #tpu.memory_space<hbm>>)
        tpu.yield
      }) : () -> ()
    } else {
    }
    %add3A_108 = arith.constant 96 : i32
    %add3A_109 = arith.addi %arg1, %add3A_108 : i32
    %lt3A_110 = arith.constant 125 : i32
    %lt3A_111 = arith.cmpi slt, %add3A_109, %lt3A_110 : i32
    %convert_element_type3A_112 = arith.extui %lt3A_111 : i1 to i32
    %cond3A_113 = arith.constant 0 : i32
    %cond3A_114 = arith.cmpi ne, %convert_element_type3A_112, %cond3A_113 : i32
    scf.if %cond3A_114 {
      %mul3A_122 = arith.constant 80 : i32
      %mul3A_123 = arith.muli %add3A_109, %mul3A_122 : i32
      "tpu.region"() ({
        %run_scoped3A = tpu.sem_alloc : memref<!tpu.dma_semaphore, #tpu.memory_space<semaphore_mem>>
        %dma_start3A = arith.constant 0 : i32
        %dma_start3A_126 = tpu.memref_slice %arg9[%mul3A_123, %dma_start3A] : memref<10000x128xf32, #tpu.memory_space<vmem_shared>> -> memref<80x128xf32, #tpu.memory_space<vmem_shared>>
        %dma_start3A_127 = arith.constant 0 : i32
        %dma_start3A_128 = tpu.memref_slice %arg9[%mul3A_123, %dma_start3A_127] : memref<10000x128xf32, #tpu.memory_space<vmem_shared>> -> memref<80x128xf32, #tpu.memory_space<vmem_shared>>
        tpu.enqueue_dma source(%dma_start3A_128 : memref<80x128xf32, #tpu.memory_space<vmem_shared>>) target(%arg8 : memref<80x128xf32, #tpu.memory_space<vmem>>) target_semaphore(%run_scoped3A : memref<!tpu.dma_semaphore, #tpu.memory_space<semaphore_mem>>)
        %dma_wait3A = arith.constant 0 : i32
        %dma_wait3A_129 = tpu.memref_slice %arg9[%mul3A_123, %dma_wait3A] : memref<10000x128xf32, #tpu.memory_space<vmem_shared>> -> memref<80x128xf32, #tpu.memory_space<vmem_shared>>
        %dma_wait3A_130 = arith.constant 0 : i32
        %dma_wait3A_131 = tpu.memref_slice %arg9[%mul3A_123, %dma_wait3A_130] : memref<10000x128xf32, #tpu.memory_space<vmem_shared>> -> memref<80x128xf32, #tpu.memory_space<vmem_shared>>
        tpu.wait_dma2 semaphore(%run_scoped3A : memref<!tpu.dma_semaphore, #tpu.memory_space<semaphore_mem>>) src(%dma_wait3A_131 : memref<80x128xf32, #tpu.memory_space<vmem_shared>>) dst(%arg8 : memref<80x128xf32, #tpu.memory_space<vmem>>)
        tpu.yield
      }) : () -> ()
      %mul3A_124 = arith.constant 80 : i32
      %mul3A_125 = arith.muli %add3A_109, %mul3A_124 : i32
      "tpu.region"() ({
        %run_scoped3A = tpu.sem_alloc : memref<!tpu.dma_semaphore, #tpu.memory_space<semaphore_mem>>
        %dma_start3A = arith.constant 0 : i32
        %dma_start3A_126 = tpu.memref_slice %arg5[%arg0, %mul3A_125, %dma_start3A] : memref<2x10000x128xf32, #tpu.memory_space<hbm>> -> memref<1x80x128xf32, #tpu.memory_space<hbm>>
        %dma_start3A_127 = tpu.memref_squeeze %dma_start3A_126 : memref<1x80x128xf32, #tpu.memory_space<hbm>> -> memref<80x128xf32, #tpu.memory_space<hbm>>
        %dma_start3A_128 = arith.constant 0 : i32
        %dma_start3A_129 = tpu.memref_slice %arg5[%arg0, %mul3A_125, %dma_start3A_128] : memref<2x10000x128xf32, #tpu.memory_space<hbm>> -> memref<1x80x128xf32, #tpu.memory_space<hbm>>
        %dma_start3A_130 = tpu.memref_squeeze %dma_start3A_129 : memref<1x80x128xf32, #tpu.memory_space<hbm>> -> memref<80x128xf32, #tpu.memory_space<hbm>>
        tpu.enqueue_dma source(%arg8 : memref<80x128xf32, #tpu.memory_space<vmem>>) target(%dma_start3A_130 : memref<80x128xf32, #tpu.memory_space<hbm>>) target_semaphore(%run_scoped3A : memref<!tpu.dma_semaphore, #tpu.memory_space<semaphore_mem>>)
        %dma_wait3A = arith.constant 0 : i32
        %dma_wait3A_131 = tpu.memref_slice %arg5[%arg0, %mul3A_125, %dma_wait3A] : memref<2x10000x128xf32, #tpu.memory_space<hbm>> -> memref<1x80x128xf32, #tpu.memory_space<hbm>>
        %dma_wait3A_132 = tpu.memref_squeeze %dma_wait3A_131 : memref<1x80x128xf32, #tpu.memory_space<hbm>> -> memref<80x128xf32, #tpu.memory_space<hbm>>
        %dma_wait3A_133 = arith.constant 0 : i32
        %dma_wait3A_134 = tpu.memref_slice %arg5[%arg0, %mul3A_125, %dma_wait3A_133] : memref<2x10000x128xf32, #tpu.memory_space<hbm>> -> memref<1x80x128xf32, #tpu.memory_space<hbm>>
        %dma_wait3A_135 = tpu.memref_squeeze %dma_wait3A_134 : memref<1x80x128xf32, #tpu.memory_space<hbm>> -> memref<80x128xf32, #tpu.memory_space<hbm>>
        tpu.wait_dma2 semaphore(%run_scoped3A : memref<!tpu.dma_semaphore, #tpu.memory_space<semaphore_mem>>) src(%arg8 : memref<80x128xf32, #tpu.memory_space<vmem>>) dst(%dma_wait3A_135 : memref<80x128xf32, #tpu.memory_space<hbm>>)
        tpu.yield
      }) : () -> ()
    } else {
    }
    %add3A_115 = arith.constant 112 : i32
    %add3A_116 = arith.addi %arg1, %add3A_115 : i32
    %lt3A_117 = arith.constant 125 : i32
    %lt3A_118 = arith.cmpi slt, %add3A_116, %lt3A_117 : i32
    %convert_element_type3A_119 = arith.extui %lt3A_118 : i1 to i32
    %cond3A_120 = arith.constant 0 : i32
    %cond3A_121 = arith.cmpi ne, %convert_element_type3A_119, %cond3A_120 : i32
    scf.if %cond3A_121 {
      %mul3A_122 = arith.constant 80 : i32
      %mul3A_123 = arith.muli %add3A_116, %mul3A_122 : i32
      "tpu.region"() ({
        %run_scoped3A = tpu.sem_alloc : memref<!tpu.dma_semaphore, #tpu.memory_space<semaphore_mem>>
        %dma_start3A = arith.constant 0 : i32
        %dma_start3A_126 = tpu.memref_slice %arg9[%mul3A_123, %dma_start3A] : memref<10000x128xf32, #tpu.memory_space<vmem_shared>> -> memref<80x128xf32, #tpu.memory_space<vmem_shared>>
        %dma_start3A_127 = arith.constant 0 : i32
        %dma_start3A_128 = tpu.memref_slice %arg9[%mul3A_123, %dma_start3A_127] : memref<10000x128xf32, #tpu.memory_space<vmem_shared>> -> memref<80x128xf32, #tpu.memory_space<vmem_shared>>
        tpu.enqueue_dma source(%dma_start3A_128 : memref<80x128xf32, #tpu.memory_space<vmem_shared>>) target(%arg8 : memref<80x128xf32, #tpu.memory_space<vmem>>) target_semaphore(%run_scoped3A : memref<!tpu.dma_semaphore, #tpu.memory_space<semaphore_mem>>)
        %dma_wait3A = arith.constant 0 : i32
        %dma_wait3A_129 = tpu.memref_slice %arg9[%mul3A_123, %dma_wait3A] : memref<10000x128xf32, #tpu.memory_space<vmem_shared>> -> memref<80x128xf32, #tpu.memory_space<vmem_shared>>
        %dma_wait3A_130 = arith.constant 0 : i32
        %dma_wait3A_131 = tpu.memref_slice %arg9[%mul3A_123, %dma_wait3A_130] : memref<10000x128xf32, #tpu.memory_space<vmem_shared>> -> memref<80x128xf32, #tpu.memory_space<vmem_shared>>
        tpu.wait_dma2 semaphore(%run_scoped3A : memref<!tpu.dma_semaphore, #tpu.memory_space<semaphore_mem>>) src(%dma_wait3A_131 : memref<80x128xf32, #tpu.memory_space<vmem_shared>>) dst(%arg8 : memref<80x128xf32, #tpu.memory_space<vmem>>)
        tpu.yield
      }) : () -> ()
      %mul3A_124 = arith.constant 80 : i32
      %mul3A_125 = arith.muli %add3A_116, %mul3A_124 : i32
      "tpu.region"() ({
        %run_scoped3A = tpu.sem_alloc : memref<!tpu.dma_semaphore, #tpu.memory_space<semaphore_mem>>
        %dma_start3A = arith.constant 0 : i32
        %dma_start3A_126 = tpu.memref_slice %arg5[%arg0, %mul3A_125, %dma_start3A] : memref<2x10000x128xf32, #tpu.memory_space<hbm>> -> memref<1x80x128xf32, #tpu.memory_space<hbm>>
        %dma_start3A_127 = tpu.memref_squeeze %dma_start3A_126 : memref<1x80x128xf32, #tpu.memory_space<hbm>> -> memref<80x128xf32, #tpu.memory_space<hbm>>
        %dma_start3A_128 = arith.constant 0 : i32
        %dma_start3A_129 = tpu.memref_slice %arg5[%arg0, %mul3A_125, %dma_start3A_128] : memref<2x10000x128xf32, #tpu.memory_space<hbm>> -> memref<1x80x128xf32, #tpu.memory_space<hbm>>
        %dma_start3A_130 = tpu.memref_squeeze %dma_start3A_129 : memref<1x80x128xf32, #tpu.memory_space<hbm>> -> memref<80x128xf32, #tpu.memory_space<hbm>>
        tpu.enqueue_dma source(%arg8 : memref<80x128xf32, #tpu.memory_space<vmem>>) target(%dma_start3A_130 : memref<80x128xf32, #tpu.memory_space<hbm>>) target_semaphore(%run_scoped3A : memref<!tpu.dma_semaphore, #tpu.memory_space<semaphore_mem>>)
        %dma_wait3A = arith.constant 0 : i32
        %dma_wait3A_131 = tpu.memref_slice %arg5[%arg0, %mul3A_125, %dma_wait3A] : memref<2x10000x128xf32, #tpu.memory_space<hbm>> -> memref<1x80x128xf32, #tpu.memory_space<hbm>>
        %dma_wait3A_132 = tpu.memref_squeeze %dma_wait3A_131 : memref<1x80x128xf32, #tpu.memory_space<hbm>> -> memref<80x128xf32, #tpu.memory_space<hbm>>
        %dma_wait3A_133 = arith.constant 0 : i32
        %dma_wait3A_134 = tpu.memref_slice %arg5[%arg0, %mul3A_125, %dma_wait3A_133] : memref<2x10000x128xf32, #tpu.memory_space<hbm>> -> memref<1x80x128xf32, #tpu.memory_space<hbm>>
        %dma_wait3A_135 = tpu.memref_squeeze %dma_wait3A_134 : memref<1x80x128xf32, #tpu.memory_space<hbm>> -> memref<80x128xf32, #tpu.memory_space<hbm>>
        tpu.wait_dma2 semaphore(%run_scoped3A : memref<!tpu.dma_semaphore, #tpu.memory_space<semaphore_mem>>) src(%arg8 : memref<80x128xf32, #tpu.memory_space<vmem>>) dst(%dma_wait3A_135 : memref<80x128xf32, #tpu.memory_space<hbm>>)
        tpu.yield
      }) : () -> ()
    } else {
    }
    return
  }
}

#map = affine_map<(d0, d1) -> (0, 0)>
#map1 = affine_map<(d0, d1) -> (0, 0, 0)>
module attributes {stable_mosaic.version = 14 : i64} {
  func.func @_sc_segsum(%arg0: i32, %arg1: i32, %arg2: memref<10000x128xf32, #tpu.memory_space<hbm>>, %arg3: memref<32x125x80xi32, #tpu.memory_space<hbm>>, %arg4: memref<32x125x80xi32, #tpu.memory_space<hbm>>, %arg5: memref<2x10000x128xf32, #tpu.memory_space<hbm>>, %arg6: memref<125x80xi32, #tpu.memory_space<vmem>>, %arg7: memref<125x80xi32, #tpu.memory_space<vmem>>, %arg8: memref<80x128xf32, #tpu.memory_space<vmem>>, %arg9: memref<10000x128xf32, #tpu.memory_space<vmem_shared>>, %arg10: memref<!tpu.dma_semaphore, #tpu.memory_space<semaphore_mem>>) attributes {dimension_semantics = [#tpu.dimension_semantics<core_parallel>, #tpu.dimension_semantics<subcore_parallel>], iteration_bounds = array<i64: 2, 16>, scalar_prefetch = 0 : i64, scratch_operands = 5 : i64, tpu.core_type = #tpu.core_type<sc_vector_subcore>, window_params = [{transform_indices = #map}, {transform_indices = #map1}, {transform_indices = #map1}, {transform_indices = #map1}]} {
    %mul3A = arith.constant 2 : i32
    %mul3A_0 = arith.muli %arg1, %mul3A : i32
    %add3A = arith.addi %mul3A_0, %arg0 : i32
    "tpu.region"() ({
      %run_scoped3A = tpu.sem_alloc : memref<!tpu.dma_semaphore, #tpu.memory_space<semaphore_mem>>
      %dma_start3A = arith.constant 0 : i32
      %dma_start3A_122 = arith.constant 0 : i32
      %dma_start3A_123 = tpu.memref_slice %arg3[%add3A, %dma_start3A, %dma_start3A_122] : memref<32x125x80xi32, #tpu.memory_space<hbm>> -> memref<1x125x80xi32, #tpu.memory_space<hbm>>
      %dma_start3A_124 = tpu.memref_squeeze %dma_start3A_123 : memref<1x125x80xi32, #tpu.memory_space<hbm>> -> memref<125x80xi32, #tpu.memory_space<hbm>>
      %dma_start3A_125 = arith.constant 0 : i32
      %dma_start3A_126 = arith.constant 0 : i32
      %dma_start3A_127 = tpu.memref_slice %arg3[%add3A, %dma_start3A_125, %dma_start3A_126] : memref<32x125x80xi32, #tpu.memory_space<hbm>> -> memref<1x125x80xi32, #tpu.memory_space<hbm>>
      %dma_start3A_128 = tpu.memref_squeeze %dma_start3A_127 : memref<1x125x80xi32, #tpu.memory_space<hbm>> -> memref<125x80xi32, #tpu.memory_space<hbm>>
      tpu.enqueue_dma source(%dma_start3A_128 : memref<125x80xi32, #tpu.memory_space<hbm>>) target(%arg6 : memref<125x80xi32, #tpu.memory_space<vmem>>) target_semaphore(%run_scoped3A : memref<!tpu.dma_semaphore, #tpu.memory_space<semaphore_mem>>)
      %dma_wait3A = arith.constant 0 : i32
      %dma_wait3A_129 = arith.constant 0 : i32
      %dma_wait3A_130 = tpu.memref_slice %arg3[%add3A, %dma_wait3A, %dma_wait3A_129] : memref<32x125x80xi32, #tpu.memory_space<hbm>> -> memref<1x125x80xi32, #tpu.memory_space<hbm>>
      %dma_wait3A_131 = tpu.memref_squeeze %dma_wait3A_130 : memref<1x125x80xi32, #tpu.memory_space<hbm>> -> memref<125x80xi32, #tpu.memory_space<hbm>>
      %dma_wait3A_132 = arith.constant 0 : i32
      %dma_wait3A_133 = arith.constant 0 : i32
      %dma_wait3A_134 = tpu.memref_slice %arg3[%add3A, %dma_wait3A_132, %dma_wait3A_133] : memref<32x125x80xi32, #tpu.memory_space<hbm>> -> memref<1x125x80xi32, #tpu.memory_space<hbm>>
      %dma_wait3A_135 = tpu.memref_squeeze %dma_wait3A_134 : memref<1x125x80xi32, #tpu.memory_space<hbm>> -> memref<125x80xi32, #tpu.memory_space<hbm>>
      tpu.wait_dma2 semaphore(%run_scoped3A : memref<!tpu.dma_semaphore, #tpu.memory_space<semaphore_mem>>) src(%dma_wait3A_135 : memref<125x80xi32, #tpu.memory_space<hbm>>) dst(%arg6 : memref<125x80xi32, #tpu.memory_space<vmem>>)
      tpu.yield
    }) : () -> ()
    "tpu.region"() ({
      %run_scoped3A = tpu.sem_alloc : memref<!tpu.dma_semaphore, #tpu.memory_space<semaphore_mem>>
      %dma_start3A = arith.constant 0 : i32
      %dma_start3A_122 = arith.constant 0 : i32
      %dma_start3A_123 = tpu.memref_slice %arg4[%add3A, %dma_start3A, %dma_start3A_122] : memref<32x125x80xi32, #tpu.memory_space<hbm>> -> memref<1x125x80xi32, #tpu.memory_space<hbm>>
      %dma_start3A_124 = tpu.memref_squeeze %dma_start3A_123 : memref<1x125x80xi32, #tpu.memory_space<hbm>> -> memref<125x80xi32, #tpu.memory_space<hbm>>
      %dma_start3A_125 = arith.constant 0 : i32
      %dma_start3A_126 = arith.constant 0 : i32
      %dma_start3A_127 = tpu.memref_slice %arg4[%add3A, %dma_start3A_125, %dma_start3A_126] : memref<32x125x80xi32, #tpu.memory_space<hbm>> -> memref<1x125x80xi32, #tpu.memory_space<hbm>>
      %dma_start3A_128 = tpu.memref_squeeze %dma_start3A_127 : memref<1x125x80xi32, #tpu.memory_space<hbm>> -> memref<125x80xi32, #tpu.memory_space<hbm>>
      tpu.enqueue_dma source(%dma_start3A_128 : memref<125x80xi32, #tpu.memory_space<hbm>>) target(%arg7 : memref<125x80xi32, #tpu.memory_space<vmem>>) target_semaphore(%run_scoped3A : memref<!tpu.dma_semaphore, #tpu.memory_space<semaphore_mem>>)
      %dma_wait3A = arith.constant 0 : i32
      %dma_wait3A_129 = arith.constant 0 : i32
      %dma_wait3A_130 = tpu.memref_slice %arg4[%add3A, %dma_wait3A, %dma_wait3A_129] : memref<32x125x80xi32, #tpu.memory_space<hbm>> -> memref<1x125x80xi32, #tpu.memory_space<hbm>>
      %dma_wait3A_131 = tpu.memref_squeeze %dma_wait3A_130 : memref<1x125x80xi32, #tpu.memory_space<hbm>> -> memref<125x80xi32, #tpu.memory_space<hbm>>
      %dma_wait3A_132 = arith.constant 0 : i32
      %dma_wait3A_133 = arith.constant 0 : i32
      %dma_wait3A_134 = tpu.memref_slice %arg4[%add3A, %dma_wait3A_132, %dma_wait3A_133] : memref<32x125x80xi32, #tpu.memory_space<hbm>> -> memref<1x125x80xi32, #tpu.memory_space<hbm>>
      %dma_wait3A_135 = tpu.memref_squeeze %dma_wait3A_134 : memref<1x125x80xi32, #tpu.memory_space<hbm>> -> memref<125x80xi32, #tpu.memory_space<hbm>>
      tpu.wait_dma2 semaphore(%run_scoped3A : memref<!tpu.dma_semaphore, #tpu.memory_space<semaphore_mem>>) src(%dma_wait3A_135 : memref<125x80xi32, #tpu.memory_space<hbm>>) dst(%arg7 : memref<125x80xi32, #tpu.memory_space<vmem>>)
      tpu.yield
    }) : () -> ()
    %scan3A = arith.constant 0 : i32
    %scan3A_1 = arith.constant 0 : i32
    %scan3A_2 = arith.constant 640 : i32
    %scan3A_3 = arith.addi %scan3A_1, %scan3A_2 : i32
    %scan3A_4 = arith.constant 1 : i32
    scf.for %scan3A_122 = %scan3A_1 to %scan3A_3 step %scan3A_4  : i32 {
      %broadcast_in_dim3A = arith.constant 0.000000e+00 : f32
      %broadcast_in_dim3A_123 = vector.broadcast %broadcast_in_dim3A : f32 to vector<16xf32>
      %jit3A = arith.constant 8 : i32
      %div3A = arith.divsi %scan3A_122, %jit3A : i32
      %sign3A = arith.constant 0 : i32
      %sign3A_124 = arith.cmpi sgt, %scan3A_122, %sign3A : i32
      %sign3A_125 = arith.extui %sign3A_124 : i1 to i32
      %sign3A_126 = arith.constant 0 : i32
      %sign3A_127 = arith.cmpi slt, %scan3A_122, %sign3A_126 : i32
      %sign3A_128 = arith.extui %sign3A_127 : i1 to i32
      %sign3A_129 = arith.subi %sign3A_125, %sign3A_128 : i32
      %sign3A_130 = arith.constant 0 : i32
      %sign3A_131 = arith.cmpi sgt, %jit3A, %sign3A_130 : i32
      %sign3A_132 = arith.extui %sign3A_131 : i1 to i32
      %sign3A_133 = arith.constant 0 : i32
      %sign3A_134 = arith.cmpi slt, %jit3A, %sign3A_133 : i32
      %sign3A_135 = arith.extui %sign3A_134 : i1 to i32
      %sign3A_136 = arith.subi %sign3A_132, %sign3A_135 : i32
      %ne3A = arith.cmpi ne, %sign3A_129, %sign3A_136 : i32
      %rem3A = arith.remsi %scan3A_122, %jit3A : i32
      %ne3A_137 = arith.constant 0 : i32
      %ne3A_138 = arith.cmpi ne, %rem3A, %ne3A_137 : i32
      %and3A = arith.andi %ne3A, %ne3A_138 : i1
      %sub3A = arith.constant 1 : i32
      %sub3A_139 = arith.subi %div3A, %sub3A : i32
      %select_n3A = arith.select %and3A, %sub3A_139, %div3A : i32
      %jit3A_140 = arith.constant 8 : i32
      %eq3A = arith.constant 0 : i32
      %eq3A_141 = arith.cmpi eq, %jit3A_140, %eq3A : i32
      %jit3A_142 = arith.constant 1 : i32
      %select_n3A_143 = arith.select %eq3A_141, %jit3A_142, %jit3A_140 : i32
      %rem3A_144 = arith.remsi %scan3A_122, %select_n3A_143 : i32
      %ne3A_145 = arith.constant 0 : i32
      %ne3A_146 = arith.cmpi ne, %rem3A_144, %ne3A_145 : i32
      %lt3A_147 = arith.constant 0 : i32
      %lt3A_148 = arith.cmpi slt, %rem3A_144, %lt3A_147 : i32
      %lt3A_149 = arith.constant 0 : i32
      %lt3A_150 = arith.cmpi slt, %select_n3A_143, %lt3A_149 : i32
      %ne3A_151 = arith.xori %lt3A_148, %lt3A_150 : i1
      %and3A_152 = arith.andi %ne3A_151, %ne3A_146 : i1
      %add3A_153 = arith.addi %rem3A_144, %select_n3A_143 : i32
      %select_n3A_154 = arith.select %and3A_152, %add3A_153, %rem3A_144 : i32
      %mul3A_155 = arith.constant 16 : i32
      %mul3A_156 = arith.muli %select_n3A_154, %mul3A_155 : i32
      %swap3A = arith.index_cast %select_n3A : i32 to index
      %swap3A_157 = arith.index_cast %mul3A_156 : i32 to index
      %swap3A_158 = tpu.vector_load %arg8[%swap3A, %swap3A_157] {strides = array<i32>} : memref<80x128xf32, #tpu.memory_space<vmem>>, vector<1x16xf32>,
      %swap3A_159 = vector.shape_cast %swap3A_158 : vector<1x16xf32> to vector<16xf32>
      %swap3A_160 = vector.shape_cast %broadcast_in_dim3A_123 : vector<16xf32> to vector<1x16xf32>
      tpu.vector_store %arg8[%swap3A, %swap3A_157], %swap3A_160 {strides = array<i32>} : memref<80x128xf32, #tpu.memory_space<vmem>>, vector<1x16xf32>,
    }
    %scan3A_5 = arith.constant 640 : i32
    %add3A_6 = arith.constant 0 : i32
    %add3A_7 = arith.addi %arg1, %add3A_6 : i32
    %lt3A = arith.constant 125 : i32
    %lt3A_8 = arith.cmpi slt, %add3A_7, %lt3A : i32
    %convert_element_type3A = arith.extui %lt3A_8 : i1 to i32
    %cond3A = arith.constant 0 : i32
    %cond3A_9 = arith.cmpi ne, %convert_element_type3A, %cond3A : i32
    scf.if %cond3A_9 {
      %mul3A_122 = arith.constant 80 : i32
      %mul3A_123 = arith.muli %add3A_7, %mul3A_122 : i32
      "tpu.region"() ({
        %run_scoped3A = tpu.sem_alloc : memref<!tpu.dma_semaphore, #tpu.memory_space<semaphore_mem>>
        %dma_start3A = arith.constant 0 : i32
        %dma_start3A_124 = tpu.memref_slice %arg9[%mul3A_123, %dma_start3A] : memref<10000x128xf32, #tpu.memory_space<vmem_shared>> -> memref<80x128xf32, #tpu.memory_space<vmem_shared>>
        %dma_start3A_125 = arith.constant 0 : i32
        %dma_start3A_126 = tpu.memref_slice %arg9[%mul3A_123, %dma_start3A_125] : memref<10000x128xf32, #tpu.memory_space<vmem_shared>> -> memref<80x128xf32, #tpu.memory_space<vmem_shared>>
        tpu.enqueue_dma source(%arg8 : memref<80x128xf32, #tpu.memory_space<vmem>>) target(%dma_start3A_126 : memref<80x128xf32, #tpu.memory_space<vmem_shared>>) target_semaphore(%run_scoped3A : memref<!tpu.dma_semaphore, #tpu.memory_space<semaphore_mem>>)
        %dma_wait3A = arith.constant 0 : i32
        %dma_wait3A_127 = tpu.memref_slice %arg9[%mul3A_123, %dma_wait3A] : memref<10000x128xf32, #tpu.memory_space<vmem_shared>> -> memref<80x128xf32, #tpu.memory_space<vmem_shared>>
        %dma_wait3A_128 = arith.constant 0 : i32
        %dma_wait3A_129 = tpu.memref_slice %arg9[%mul3A_123, %dma_wait3A_128] : memref<10000x128xf32, #tpu.memory_space<vmem_shared>> -> memref<80x128xf32, #tpu.memory_space<vmem_shared>>
        tpu.wait_dma2 semaphore(%run_scoped3A : memref<!tpu.dma_semaphore, #tpu.memory_space<semaphore_mem>>) src(%arg8 : memref<80x128xf32, #tpu.memory_space<vmem>>) dst(%dma_wait3A_129 : memref<80x128xf32, #tpu.memory_space<vmem_shared>>)
        tpu.yield
      }) : () -> ()
    } else {
    }
    %add3A_10 = arith.constant 16 : i32
    %add3A_11 = arith.addi %arg1, %add3A_10 : i32
    %lt3A_12 = arith.constant 125 : i32
    %lt3A_13 = arith.cmpi slt, %add3A_11, %lt3A_12 : i32
    %convert_element_type3A_14 = arith.extui %lt3A_13 : i1 to i32
    %cond3A_15 = arith.constant 0 : i32
    %cond3A_16 = arith.cmpi ne, %convert_element_type3A_14, %cond3A_15 : i32
    scf.if %cond3A_16 {
      %mul3A_122 = arith.constant 80 : i32
      %mul3A_123 = arith.muli %add3A_11, %mul3A_122 : i32
      "tpu.region"() ({
        %run_scoped3A = tpu.sem_alloc : memref<!tpu.dma_semaphore, #tpu.memory_space<semaphore_mem>>
        %dma_start3A = arith.constant 0 : i32
        %dma_start3A_124 = tpu.memref_slice %arg9[%mul3A_123, %dma_start3A] : memref<10000x128xf32, #tpu.memory_space<vmem_shared>> -> memref<80x128xf32, #tpu.memory_space<vmem_shared>>
        %dma_start3A_125 = arith.constant 0 : i32
        %dma_start3A_126 = tpu.memref_slice %arg9[%mul3A_123, %dma_start3A_125] : memref<10000x128xf32, #tpu.memory_space<vmem_shared>> -> memref<80x128xf32, #tpu.memory_space<vmem_shared>>
        tpu.enqueue_dma source(%arg8 : memref<80x128xf32, #tpu.memory_space<vmem>>) target(%dma_start3A_126 : memref<80x128xf32, #tpu.memory_space<vmem_shared>>) target_semaphore(%run_scoped3A : memref<!tpu.dma_semaphore, #tpu.memory_space<semaphore_mem>>)
        %dma_wait3A = arith.constant 0 : i32
        %dma_wait3A_127 = tpu.memref_slice %arg9[%mul3A_123, %dma_wait3A] : memref<10000x128xf32, #tpu.memory_space<vmem_shared>> -> memref<80x128xf32, #tpu.memory_space<vmem_shared>>
        %dma_wait3A_128 = arith.constant 0 : i32
        %dma_wait3A_129 = tpu.memref_slice %arg9[%mul3A_123, %dma_wait3A_128] : memref<10000x128xf32, #tpu.memory_space<vmem_shared>> -> memref<80x128xf32, #tpu.memory_space<vmem_shared>>
        tpu.wait_dma2 semaphore(%run_scoped3A : memref<!tpu.dma_semaphore, #tpu.memory_space<semaphore_mem>>) src(%arg8 : memref<80x128xf32, #tpu.memory_space<vmem>>) dst(%dma_wait3A_129 : memref<80x128xf32, #tpu.memory_space<vmem_shared>>)
        tpu.yield
      }) : () -> ()
    } else {
    }
    %add3A_17 = arith.constant 32 : i32
    %add3A_18 = arith.addi %arg1, %add3A_17 : i32
    %lt3A_19 = arith.constant 125 : i32
    %lt3A_20 = arith.cmpi slt, %add3A_18, %lt3A_19 : i32
    %convert_element_type3A_21 = arith.extui %lt3A_20 : i1 to i32
    %cond3A_22 = arith.constant 0 : i32
    %cond3A_23 = arith.cmpi ne, %convert_element_type3A_21, %cond3A_22 : i32
    scf.if %cond3A_23 {
      %mul3A_122 = arith.constant 80 : i32
      %mul3A_123 = arith.muli %add3A_18, %mul3A_122 : i32
      "tpu.region"() ({
        %run_scoped3A = tpu.sem_alloc : memref<!tpu.dma_semaphore, #tpu.memory_space<semaphore_mem>>
        %dma_start3A = arith.constant 0 : i32
        %dma_start3A_124 = tpu.memref_slice %arg9[%mul3A_123, %dma_start3A] : memref<10000x128xf32, #tpu.memory_space<vmem_shared>> -> memref<80x128xf32, #tpu.memory_space<vmem_shared>>
        %dma_start3A_125 = arith.constant 0 : i32
        %dma_start3A_126 = tpu.memref_slice %arg9[%mul3A_123, %dma_start3A_125] : memref<10000x128xf32, #tpu.memory_space<vmem_shared>> -> memref<80x128xf32, #tpu.memory_space<vmem_shared>>
        tpu.enqueue_dma source(%arg8 : memref<80x128xf32, #tpu.memory_space<vmem>>) target(%dma_start3A_126 : memref<80x128xf32, #tpu.memory_space<vmem_shared>>) target_semaphore(%run_scoped3A : memref<!tpu.dma_semaphore, #tpu.memory_space<semaphore_mem>>)
        %dma_wait3A = arith.constant 0 : i32
        %dma_wait3A_127 = tpu.memref_slice %arg9[%mul3A_123, %dma_wait3A] : memref<10000x128xf32, #tpu.memory_space<vmem_shared>> -> memref<80x128xf32, #tpu.memory_space<vmem_shared>>
        %dma_wait3A_128 = arith.constant 0 : i32
        %dma_wait3A_129 = tpu.memref_slice %arg9[%mul3A_123, %dma_wait3A_128] : memref<10000x128xf32, #tpu.memory_space<vmem_shared>> -> memref<80x128xf32, #tpu.memory_space<vmem_shared>>
        tpu.wait_dma2 semaphore(%run_scoped3A : memref<!tpu.dma_semaphore, #tpu.memory_space<semaphore_mem>>) src(%arg8 : memref<80x128xf32, #tpu.memory_space<vmem>>) dst(%dma_wait3A_129 : memref<80x128xf32, #tpu.memory_space<vmem_shared>>)
        tpu.yield
      }) : () -> ()
    } else {
    }
    %add3A_24 = arith.constant 48 : i32
    %add3A_25 = arith.addi %arg1, %add3A_24 : i32
    %lt3A_26 = arith.constant 125 : i32
    %lt3A_27 = arith.cmpi slt, %add3A_25, %lt3A_26 : i32
    %convert_element_type3A_28 = arith.extui %lt3A_27 : i1 to i32
    %cond3A_29 = arith.constant 0 : i32
    %cond3A_30 = arith.cmpi ne, %convert_element_type3A_28, %cond3A_29 : i32
    scf.if %cond3A_30 {
      %mul3A_122 = arith.constant 80 : i32
      %mul3A_123 = arith.muli %add3A_25, %mul3A_122 : i32
      "tpu.region"() ({
        %run_scoped3A = tpu.sem_alloc : memref<!tpu.dma_semaphore, #tpu.memory_space<semaphore_mem>>
        %dma_start3A = arith.constant 0 : i32
        %dma_start3A_124 = tpu.memref_slice %arg9[%mul3A_123, %dma_start3A] : memref<10000x128xf32, #tpu.memory_space<vmem_shared>> -> memref<80x128xf32, #tpu.memory_space<vmem_shared>>
        %dma_start3A_125 = arith.constant 0 : i32
        %dma_start3A_126 = tpu.memref_slice %arg9[%mul3A_123, %dma_start3A_125] : memref<10000x128xf32, #tpu.memory_space<vmem_shared>> -> memref<80x128xf32, #tpu.memory_space<vmem_shared>>
        tpu.enqueue_dma source(%arg8 : memref<80x128xf32, #tpu.memory_space<vmem>>) target(%dma_start3A_126 : memref<80x128xf32, #tpu.memory_space<vmem_shared>>) target_semaphore(%run_scoped3A : memref<!tpu.dma_semaphore, #tpu.memory_space<semaphore_mem>>)
        %dma_wait3A = arith.constant 0 : i32
        %dma_wait3A_127 = tpu.memref_slice %arg9[%mul3A_123, %dma_wait3A] : memref<10000x128xf32, #tpu.memory_space<vmem_shared>> -> memref<80x128xf32, #tpu.memory_space<vmem_shared>>
        %dma_wait3A_128 = arith.constant 0 : i32
        %dma_wait3A_129 = tpu.memref_slice %arg9[%mul3A_123, %dma_wait3A_128] : memref<10000x128xf32, #tpu.memory_space<vmem_shared>> -> memref<80x128xf32, #tpu.memory_space<vmem_shared>>
        tpu.wait_dma2 semaphore(%run_scoped3A : memref<!tpu.dma_semaphore, #tpu.memory_space<semaphore_mem>>) src(%arg8 : memref<80x128xf32, #tpu.memory_space<vmem>>) dst(%dma_wait3A_129 : memref<80x128xf32, #tpu.memory_space<vmem_shared>>)
        tpu.yield
      }) : () -> ()
    } else {
    }
    %add3A_31 = arith.constant 64 : i32
    %add3A_32 = arith.addi %arg1, %add3A_31 : i32
    %lt3A_33 = arith.constant 125 : i32
    %lt3A_34 = arith.cmpi slt, %add3A_32, %lt3A_33 : i32
    %convert_element_type3A_35 = arith.extui %lt3A_34 : i1 to i32
    %cond3A_36 = arith.constant 0 : i32
    %cond3A_37 = arith.cmpi ne, %convert_element_type3A_35, %cond3A_36 : i32
    scf.if %cond3A_37 {
      %mul3A_122 = arith.constant 80 : i32
      %mul3A_123 = arith.muli %add3A_32, %mul3A_122 : i32
      "tpu.region"() ({
        %run_scoped3A = tpu.sem_alloc : memref<!tpu.dma_semaphore, #tpu.memory_space<semaphore_mem>>
        %dma_start3A = arith.constant 0 : i32
        %dma_start3A_124 = tpu.memref_slice %arg9[%mul3A_123, %dma_start3A] : memref<10000x128xf32, #tpu.memory_space<vmem_shared>> -> memref<80x128xf32, #tpu.memory_space<vmem_shared>>
        %dma_start3A_125 = arith.constant 0 : i32
        %dma_start3A_126 = tpu.memref_slice %arg9[%mul3A_123, %dma_start3A_125] : memref<10000x128xf32, #tpu.memory_space<vmem_shared>> -> memref<80x128xf32, #tpu.memory_space<vmem_shared>>
        tpu.enqueue_dma source(%arg8 : memref<80x128xf32, #tpu.memory_space<vmem>>) target(%dma_start3A_126 : memref<80x128xf32, #tpu.memory_space<vmem_shared>>) target_semaphore(%run_scoped3A : memref<!tpu.dma_semaphore, #tpu.memory_space<semaphore_mem>>)
        %dma_wait3A = arith.constant 0 : i32
        %dma_wait3A_127 = tpu.memref_slice %arg9[%mul3A_123, %dma_wait3A] : memref<10000x128xf32, #tpu.memory_space<vmem_shared>> -> memref<80x128xf32, #tpu.memory_space<vmem_shared>>
        %dma_wait3A_128 = arith.constant 0 : i32
        %dma_wait3A_129 = tpu.memref_slice %arg9[%mul3A_123, %dma_wait3A_128] : memref<10000x128xf32, #tpu.memory_space<vmem_shared>> -> memref<80x128xf32, #tpu.memory_space<vmem_shared>>
        tpu.wait_dma2 semaphore(%run_scoped3A : memref<!tpu.dma_semaphore, #tpu.memory_space<semaphore_mem>>) src(%arg8 : memref<80x128xf32, #tpu.memory_space<vmem>>) dst(%dma_wait3A_129 : memref<80x128xf32, #tpu.memory_space<vmem_shared>>)
        tpu.yield
      }) : () -> ()
    } else {
    }
    %add3A_38 = arith.constant 80 : i32
    %add3A_39 = arith.addi %arg1, %add3A_38 : i32
    %lt3A_40 = arith.constant 125 : i32
    %lt3A_41 = arith.cmpi slt, %add3A_39, %lt3A_40 : i32
    %convert_element_type3A_42 = arith.extui %lt3A_41 : i1 to i32
    %cond3A_43 = arith.constant 0 : i32
    %cond3A_44 = arith.cmpi ne, %convert_element_type3A_42, %cond3A_43 : i32
    scf.if %cond3A_44 {
      %mul3A_122 = arith.constant 80 : i32
      %mul3A_123 = arith.muli %add3A_39, %mul3A_122 : i32
      "tpu.region"() ({
        %run_scoped3A = tpu.sem_alloc : memref<!tpu.dma_semaphore, #tpu.memory_space<semaphore_mem>>
        %dma_start3A = arith.constant 0 : i32
        %dma_start3A_124 = tpu.memref_slice %arg9[%mul3A_123, %dma_start3A] : memref<10000x128xf32, #tpu.memory_space<vmem_shared>> -> memref<80x128xf32, #tpu.memory_space<vmem_shared>>
        %dma_start3A_125 = arith.constant 0 : i32
        %dma_start3A_126 = tpu.memref_slice %arg9[%mul3A_123, %dma_start3A_125] : memref<10000x128xf32, #tpu.memory_space<vmem_shared>> -> memref<80x128xf32, #tpu.memory_space<vmem_shared>>
        tpu.enqueue_dma source(%arg8 : memref<80x128xf32, #tpu.memory_space<vmem>>) target(%dma_start3A_126 : memref<80x128xf32, #tpu.memory_space<vmem_shared>>) target_semaphore(%run_scoped3A : memref<!tpu.dma_semaphore, #tpu.memory_space<semaphore_mem>>)
        %dma_wait3A = arith.constant 0 : i32
        %dma_wait3A_127 = tpu.memref_slice %arg9[%mul3A_123, %dma_wait3A] : memref<10000x128xf32, #tpu.memory_space<vmem_shared>> -> memref<80x128xf32, #tpu.memory_space<vmem_shared>>
        %dma_wait3A_128 = arith.constant 0 : i32
        %dma_wait3A_129 = tpu.memref_slice %arg9[%mul3A_123, %dma_wait3A_128] : memref<10000x128xf32, #tpu.memory_space<vmem_shared>> -> memref<80x128xf32, #tpu.memory_space<vmem_shared>>
        tpu.wait_dma2 semaphore(%run_scoped3A : memref<!tpu.dma_semaphore, #tpu.memory_space<semaphore_mem>>) src(%arg8 : memref<80x128xf32, #tpu.memory_space<vmem>>) dst(%dma_wait3A_129 : memref<80x128xf32, #tpu.memory_space<vmem_shared>>)
        tpu.yield
      }) : () -> ()
    } else {
    }
    %add3A_45 = arith.constant 96 : i32
    %add3A_46 = arith.addi %arg1, %add3A_45 : i32
    %lt3A_47 = arith.constant 125 : i32
    %lt3A_48 = arith.cmpi slt, %add3A_46, %lt3A_47 : i32
    %convert_element_type3A_49 = arith.extui %lt3A_48 : i1 to i32
    %cond3A_50 = arith.constant 0 : i32
    %cond3A_51 = arith.cmpi ne, %convert_element_type3A_49, %cond3A_50 : i32
    scf.if %cond3A_51 {
      %mul3A_122 = arith.constant 80 : i32
      %mul3A_123 = arith.muli %add3A_46, %mul3A_122 : i32
      "tpu.region"() ({
        %run_scoped3A = tpu.sem_alloc : memref<!tpu.dma_semaphore, #tpu.memory_space<semaphore_mem>>
        %dma_start3A = arith.constant 0 : i32
        %dma_start3A_124 = tpu.memref_slice %arg9[%mul3A_123, %dma_start3A] : memref<10000x128xf32, #tpu.memory_space<vmem_shared>> -> memref<80x128xf32, #tpu.memory_space<vmem_shared>>
        %dma_start3A_125 = arith.constant 0 : i32
        %dma_start3A_126 = tpu.memref_slice %arg9[%mul3A_123, %dma_start3A_125] : memref<10000x128xf32, #tpu.memory_space<vmem_shared>> -> memref<80x128xf32, #tpu.memory_space<vmem_shared>>
        tpu.enqueue_dma source(%arg8 : memref<80x128xf32, #tpu.memory_space<vmem>>) target(%dma_start3A_126 : memref<80x128xf32, #tpu.memory_space<vmem_shared>>) target_semaphore(%run_scoped3A : memref<!tpu.dma_semaphore, #tpu.memory_space<semaphore_mem>>)
        %dma_wait3A = arith.constant 0 : i32
        %dma_wait3A_127 = tpu.memref_slice %arg9[%mul3A_123, %dma_wait3A] : memref<10000x128xf32, #tpu.memory_space<vmem_shared>> -> memref<80x128xf32, #tpu.memory_space<vmem_shared>>
        %dma_wait3A_128 = arith.constant 0 : i32
        %dma_wait3A_129 = tpu.memref_slice %arg9[%mul3A_123, %dma_wait3A_128] : memref<10000x128xf32, #tpu.memory_space<vmem_shared>> -> memref<80x128xf32, #tpu.memory_space<vmem_shared>>
        tpu.wait_dma2 semaphore(%run_scoped3A : memref<!tpu.dma_semaphore, #tpu.memory_space<semaphore_mem>>) src(%arg8 : memref<80x128xf32, #tpu.memory_space<vmem>>) dst(%dma_wait3A_129 : memref<80x128xf32, #tpu.memory_space<vmem_shared>>)
        tpu.yield
      }) : () -> ()
    } else {
    }
    %add3A_52 = arith.constant 112 : i32
    %add3A_53 = arith.addi %arg1, %add3A_52 : i32
    %lt3A_54 = arith.constant 125 : i32
    %lt3A_55 = arith.cmpi slt, %add3A_53, %lt3A_54 : i32
    %convert_element_type3A_56 = arith.extui %lt3A_55 : i1 to i32
    %cond3A_57 = arith.constant 0 : i32
    %cond3A_58 = arith.cmpi ne, %convert_element_type3A_56, %cond3A_57 : i32
    scf.if %cond3A_58 {
      %mul3A_122 = arith.constant 80 : i32
      %mul3A_123 = arith.muli %add3A_53, %mul3A_122 : i32
      "tpu.region"() ({
        %run_scoped3A = tpu.sem_alloc : memref<!tpu.dma_semaphore, #tpu.memory_space<semaphore_mem>>
        %dma_start3A = arith.constant 0 : i32
        %dma_start3A_124 = tpu.memref_slice %arg9[%mul3A_123, %dma_start3A] : memref<10000x128xf32, #tpu.memory_space<vmem_shared>> -> memref<80x128xf32, #tpu.memory_space<vmem_shared>>
        %dma_start3A_125 = arith.constant 0 : i32
        %dma_start3A_126 = tpu.memref_slice %arg9[%mul3A_123, %dma_start3A_125] : memref<10000x128xf32, #tpu.memory_space<vmem_shared>> -> memref<80x128xf32, #tpu.memory_space<vmem_shared>>
        tpu.enqueue_dma source(%arg8 : memref<80x128xf32, #tpu.memory_space<vmem>>) target(%dma_start3A_126 : memref<80x128xf32, #tpu.memory_space<vmem_shared>>) target_semaphore(%run_scoped3A : memref<!tpu.dma_semaphore, #tpu.memory_space<semaphore_mem>>)
        %dma_wait3A = arith.constant 0 : i32
        %dma_wait3A_127 = tpu.memref_slice %arg9[%mul3A_123, %dma_wait3A] : memref<10000x128xf32, #tpu.memory_space<vmem_shared>> -> memref<80x128xf32, #tpu.memory_space<vmem_shared>>
        %dma_wait3A_128 = arith.constant 0 : i32
        %dma_wait3A_129 = tpu.memref_slice %arg9[%mul3A_123, %dma_wait3A_128] : memref<10000x128xf32, #tpu.memory_space<vmem_shared>> -> memref<80x128xf32, #tpu.memory_space<vmem_shared>>
        tpu.wait_dma2 semaphore(%run_scoped3A : memref<!tpu.dma_semaphore, #tpu.memory_space<semaphore_mem>>) src(%arg8 : memref<80x128xf32, #tpu.memory_space<vmem>>) dst(%dma_wait3A_129 : memref<80x128xf32, #tpu.memory_space<vmem_shared>>)
        tpu.yield
      }) : () -> ()
    } else {
    }
    %barrier3A = arith.constant 0 : index
    tpu.barrier barrier_id(%barrier3A)
    %scan3A_59 = arith.constant 0 : i32
    %scan3A_60 = arith.constant 0 : i32
    %scan3A_61 = arith.constant 125 : i32
    %scan3A_62 = arith.addi %scan3A_60, %scan3A_61 : i32
    %scan3A_63 = arith.constant 1 : i32
    scf.for %scan3A_122 = %scan3A_60 to %scan3A_62 step %scan3A_63  : i32 {
      %dma_start3A = arith.constant 0 : i32
      %dma_start3A_123 = tpu.memref_slice %arg6[%scan3A_122, %dma_start3A] : memref<125x80xi32, #tpu.memory_space<vmem>> -> memref<1x80xi32, #tpu.memory_space<vmem>>
      %dma_start3A_124 = tpu.memref_squeeze %dma_start3A_123 : memref<1x80xi32, #tpu.memory_space<vmem>> -> memref<80xi32, #tpu.memory_space<vmem>>
      %dma_start3A_125 = arith.constant 0 : i32
      %dma_start3A_126 = arith.constant 0 : i32
      %dma_start3A_127 = tpu.memref_slice %arg2[%dma_start3A_125, %dma_start3A_126] : memref<10000x128xf32, #tpu.memory_space<hbm>> -> memref<10000x128xf32, #tpu.memory_space<hbm>>
      tpu.enqueue_indirect_dma source(%dma_start3A_127 : memref<10000x128xf32, #tpu.memory_space<hbm>>) target(%arg8 : memref<80x128xf32, #tpu.memory_space<vmem>>) offsets(%dma_start3A_124 : memref<80xi32, #tpu.memory_space<vmem>>) semaphore(%arg10 : memref<!tpu.dma_semaphore, #tpu.memory_space<semaphore_mem>>)
      %dma_wait3A = arith.constant 0 : i32
      %dma_wait3A_128 = tpu.memref_slice %arg6[%scan3A_122, %dma_wait3A] : memref<125x80xi32, #tpu.memory_space<vmem>> -> memref<1x80xi32, #tpu.memory_space<vmem>>
      %dma_wait3A_129 = tpu.memref_squeeze %dma_wait3A_128 : memref<1x80xi32, #tpu.memory_space<vmem>> -> memref<80xi32, #tpu.memory_space<vmem>>
      %dma_wait3A_130 = arith.constant 0 : i32
      %dma_wait3A_131 = arith.constant 0 : i32
      %dma_wait3A_132 = tpu.memref_slice %arg2[%dma_wait3A_130, %dma_wait3A_131] : memref<10000x128xf32, #tpu.memory_space<hbm>> -> memref<10000x128xf32, #tpu.memory_space<hbm>>
      tpu.wait_indirect_dma semaphore(%arg10 : memref<!tpu.dma_semaphore, #tpu.memory_space<semaphore_mem>>) src(%dma_wait3A_132 : memref<10000x128xf32, #tpu.memory_space<hbm>>) dst(%arg8 : memref<80x128xf32, #tpu.memory_space<vmem>>)
      "tpu.region"() ({
        %run_scoped3A = tpu.sem_alloc : memref<!tpu.dma_semaphore, #tpu.memory_space<semaphore_mem>>
        %dma_start3A_133 = arith.constant 0 : i32
        %dma_start3A_134 = tpu.memref_slice %arg7[%scan3A_122, %dma_start3A_133] : memref<125x80xi32, #tpu.memory_space<vmem>> -> memref<1x80xi32, #tpu.memory_space<vmem>>
        %dma_start3A_135 = tpu.memref_squeeze %dma_start3A_134 : memref<1x80xi32, #tpu.memory_space<vmem>> -> memref<80xi32, #tpu.memory_space<vmem>>
        %dma_start3A_136 = arith.constant 0 : i32
        %dma_start3A_137 = arith.constant 0 : i32
        %dma_start3A_138 = tpu.memref_slice %arg9[%dma_start3A_136, %dma_start3A_137] : memref<10000x128xf32, #tpu.memory_space<vmem_shared>> -> memref<10000x128xf32, #tpu.memory_space<vmem_shared>>
        tpu.enqueue_indirect_dma source(%arg8 : memref<80x128xf32, #tpu.memory_space<vmem>>) target(%dma_start3A_138 : memref<10000x128xf32, #tpu.memory_space<vmem_shared>>) offsets(%dma_start3A_135 : memref<80xi32, #tpu.memory_space<vmem>>) semaphore(%run_scoped3A : memref<!tpu.dma_semaphore, #tpu.memory_space<semaphore_mem>>) {add = true}
        %dma_wait3A_139 = arith.constant 0 : i32
        %dma_wait3A_140 = tpu.memref_slice %arg7[%scan3A_122, %dma_wait3A_139] : memref<125x80xi32, #tpu.memory_space<vmem>> -> memref<1x80xi32, #tpu.memory_space<vmem>>
        %dma_wait3A_141 = tpu.memref_squeeze %dma_wait3A_140 : memref<1x80xi32, #tpu.memory_space<vmem>> -> memref<80xi32, #tpu.memory_space<vmem>>
        %dma_wait3A_142 = arith.constant 0 : i32
        %dma_wait3A_143 = arith.constant 0 : i32
        %dma_wait3A_144 = tpu.memref_slice %arg9[%dma_wait3A_142, %dma_wait3A_143] : memref<10000x128xf32, #tpu.memory_space<vmem_shared>> -> memref<10000x128xf32, #tpu.memory_space<vmem_shared>>
        tpu.wait_indirect_dma semaphore(%run_scoped3A : memref<!tpu.dma_semaphore, #tpu.memory_space<semaphore_mem>>) src(%arg8 : memref<80x128xf32, #tpu.memory_space<vmem>>) dst(%dma_wait3A_144 : memref<10000x128xf32, #tpu.memory_space<vmem_shared>>)
        tpu.yield
      }) : () -> ()
    }
    %scan3A_64 = arith.constant 125 : i32
    %barrier3A_65 = arith.constant 0 : index
    tpu.barrier barrier_id(%barrier3A_65)
    %add3A_66 = arith.constant 0 : i32
    %add3A_67 = arith.addi %arg1, %add3A_66 : i32
    %lt3A_68 = arith.constant 125 : i32
    %lt3A_69 = arith.cmpi slt, %add3A_67, %lt3A_68 : i32
    %convert_element_type3A_70 = arith.extui %lt3A_69 : i1 to i32
    %cond3A_71 = arith.constant 0 : i32
    %cond3A_72 = arith.cmpi ne, %convert_element_type3A_70, %cond3A_71 : i32
    scf.if %cond3A_72 {
      %mul3A_122 = arith.constant 80 : i32
      %mul3A_123 = arith.muli %add3A_67, %mul3A_122 : i32
      "tpu.region"() ({
        %run_scoped3A = tpu.sem_alloc : memref<!tpu.dma_semaphore, #tpu.memory_space<semaphore_mem>>
        %dma_start3A = arith.constant 0 : i32
        %dma_start3A_126 = tpu.memref_slice %arg9[%mul3A_123, %dma_start3A] : memref<10000x128xf32, #tpu.memory_space<vmem_shared>> -> memref<80x128xf32, #tpu.memory_space<vmem_shared>>
        %dma_start3A_127 = arith.constant 0 : i32
        %dma_start3A_128 = tpu.memref_slice %arg9[%mul3A_123, %dma_start3A_127] : memref<10000x128xf32, #tpu.memory_space<vmem_shared>> -> memref<80x128xf32, #tpu.memory_space<vmem_shared>>
        tpu.enqueue_dma source(%dma_start3A_128 : memref<80x128xf32, #tpu.memory_space<vmem_shared>>) target(%arg8 : memref<80x128xf32, #tpu.memory_space<vmem>>) target_semaphore(%run_scoped3A : memref<!tpu.dma_semaphore, #tpu.memory_space<semaphore_mem>>)
        %dma_wait3A = arith.constant 0 : i32
        %dma_wait3A_129 = tpu.memref_slice %arg9[%mul3A_123, %dma_wait3A] : memref<10000x128xf32, #tpu.memory_space<vmem_shared>> -> memref<80x128xf32, #tpu.memory_space<vmem_shared>>
        %dma_wait3A_130 = arith.constant 0 : i32
        %dma_wait3A_131 = tpu.memref_slice %arg9[%mul3A_123, %dma_wait3A_130] : memref<10000x128xf32, #tpu.memory_space<vmem_shared>> -> memref<80x128xf32, #tpu.memory_space<vmem_shared>>
        tpu.wait_dma2 semaphore(%run_scoped3A : memref<!tpu.dma_semaphore, #tpu.memory_space<semaphore_mem>>) src(%dma_wait3A_131 : memref<80x128xf32, #tpu.memory_space<vmem_shared>>) dst(%arg8 : memref<80x128xf32, #tpu.memory_space<vmem>>)
        tpu.yield
      }) : () -> ()
      %mul3A_124 = arith.constant 80 : i32
      %mul3A_125 = arith.muli %add3A_67, %mul3A_124 : i32
      "tpu.region"() ({
        %run_scoped3A = tpu.sem_alloc : memref<!tpu.dma_semaphore, #tpu.memory_space<semaphore_mem>>
        %dma_start3A = arith.constant 0 : i32
        %dma_start3A_126 = tpu.memref_slice %arg5[%arg0, %mul3A_125, %dma_start3A] : memref<2x10000x128xf32, #tpu.memory_space<hbm>> -> memref<1x80x128xf32, #tpu.memory_space<hbm>>
        %dma_start3A_127 = tpu.memref_squeeze %dma_start3A_126 : memref<1x80x128xf32, #tpu.memory_space<hbm>> -> memref<80x128xf32, #tpu.memory_space<hbm>>
        %dma_start3A_128 = arith.constant 0 : i32
        %dma_start3A_129 = tpu.memref_slice %arg5[%arg0, %mul3A_125, %dma_start3A_128] : memref<2x10000x128xf32, #tpu.memory_space<hbm>> -> memref<1x80x128xf32, #tpu.memory_space<hbm>>
        %dma_start3A_130 = tpu.memref_squeeze %dma_start3A_129 : memref<1x80x128xf32, #tpu.memory_space<hbm>> -> memref<80x128xf32, #tpu.memory_space<hbm>>
        tpu.enqueue_dma source(%arg8 : memref<80x128xf32, #tpu.memory_space<vmem>>) target(%dma_start3A_130 : memref<80x128xf32, #tpu.memory_space<hbm>>) target_semaphore(%run_scoped3A : memref<!tpu.dma_semaphore, #tpu.memory_space<semaphore_mem>>)
        %dma_wait3A = arith.constant 0 : i32
        %dma_wait3A_131 = tpu.memref_slice %arg5[%arg0, %mul3A_125, %dma_wait3A] : memref<2x10000x128xf32, #tpu.memory_space<hbm>> -> memref<1x80x128xf32, #tpu.memory_space<hbm>>
        %dma_wait3A_132 = tpu.memref_squeeze %dma_wait3A_131 : memref<1x80x128xf32, #tpu.memory_space<hbm>> -> memref<80x128xf32, #tpu.memory_space<hbm>>
        %dma_wait3A_133 = arith.constant 0 : i32
        %dma_wait3A_134 = tpu.memref_slice %arg5[%arg0, %mul3A_125, %dma_wait3A_133] : memref<2x10000x128xf32, #tpu.memory_space<hbm>> -> memref<1x80x128xf32, #tpu.memory_space<hbm>>
        %dma_wait3A_135 = tpu.memref_squeeze %dma_wait3A_134 : memref<1x80x128xf32, #tpu.memory_space<hbm>> -> memref<80x128xf32, #tpu.memory_space<hbm>>
        tpu.wait_dma2 semaphore(%run_scoped3A : memref<!tpu.dma_semaphore, #tpu.memory_space<semaphore_mem>>) src(%arg8 : memref<80x128xf32, #tpu.memory_space<vmem>>) dst(%dma_wait3A_135 : memref<80x128xf32, #tpu.memory_space<hbm>>)
        tpu.yield
      }) : () -> ()
    } else {
    }
    %add3A_73 = arith.constant 16 : i32
    %add3A_74 = arith.addi %arg1, %add3A_73 : i32
    %lt3A_75 = arith.constant 125 : i32
    %lt3A_76 = arith.cmpi slt, %add3A_74, %lt3A_75 : i32
    %convert_element_type3A_77 = arith.extui %lt3A_76 : i1 to i32
    %cond3A_78 = arith.constant 0 : i32
    %cond3A_79 = arith.cmpi ne, %convert_element_type3A_77, %cond3A_78 : i32
    scf.if %cond3A_79 {
      %mul3A_122 = arith.constant 80 : i32
      %mul3A_123 = arith.muli %add3A_74, %mul3A_122 : i32
      "tpu.region"() ({
        %run_scoped3A = tpu.sem_alloc : memref<!tpu.dma_semaphore, #tpu.memory_space<semaphore_mem>>
        %dma_start3A = arith.constant 0 : i32
        %dma_start3A_126 = tpu.memref_slice %arg9[%mul3A_123, %dma_start3A] : memref<10000x128xf32, #tpu.memory_space<vmem_shared>> -> memref<80x128xf32, #tpu.memory_space<vmem_shared>>
        %dma_start3A_127 = arith.constant 0 : i32
        %dma_start3A_128 = tpu.memref_slice %arg9[%mul3A_123, %dma_start3A_127] : memref<10000x128xf32, #tpu.memory_space<vmem_shared>> -> memref<80x128xf32, #tpu.memory_space<vmem_shared>>
        tpu.enqueue_dma source(%dma_start3A_128 : memref<80x128xf32, #tpu.memory_space<vmem_shared>>) target(%arg8 : memref<80x128xf32, #tpu.memory_space<vmem>>) target_semaphore(%run_scoped3A : memref<!tpu.dma_semaphore, #tpu.memory_space<semaphore_mem>>)
        %dma_wait3A = arith.constant 0 : i32
        %dma_wait3A_129 = tpu.memref_slice %arg9[%mul3A_123, %dma_wait3A] : memref<10000x128xf32, #tpu.memory_space<vmem_shared>> -> memref<80x128xf32, #tpu.memory_space<vmem_shared>>
        %dma_wait3A_130 = arith.constant 0 : i32
        %dma_wait3A_131 = tpu.memref_slice %arg9[%mul3A_123, %dma_wait3A_130] : memref<10000x128xf32, #tpu.memory_space<vmem_shared>> -> memref<80x128xf32, #tpu.memory_space<vmem_shared>>
        tpu.wait_dma2 semaphore(%run_scoped3A : memref<!tpu.dma_semaphore, #tpu.memory_space<semaphore_mem>>) src(%dma_wait3A_131 : memref<80x128xf32, #tpu.memory_space<vmem_shared>>) dst(%arg8 : memref<80x128xf32, #tpu.memory_space<vmem>>)
        tpu.yield
      }) : () -> ()
      %mul3A_124 = arith.constant 80 : i32
      %mul3A_125 = arith.muli %add3A_74, %mul3A_124 : i32
      "tpu.region"() ({
        %run_scoped3A = tpu.sem_alloc : memref<!tpu.dma_semaphore, #tpu.memory_space<semaphore_mem>>
        %dma_start3A = arith.constant 0 : i32
        %dma_start3A_126 = tpu.memref_slice %arg5[%arg0, %mul3A_125, %dma_start3A] : memref<2x10000x128xf32, #tpu.memory_space<hbm>> -> memref<1x80x128xf32, #tpu.memory_space<hbm>>
        %dma_start3A_127 = tpu.memref_squeeze %dma_start3A_126 : memref<1x80x128xf32, #tpu.memory_space<hbm>> -> memref<80x128xf32, #tpu.memory_space<hbm>>
        %dma_start3A_128 = arith.constant 0 : i32
        %dma_start3A_129 = tpu.memref_slice %arg5[%arg0, %mul3A_125, %dma_start3A_128] : memref<2x10000x128xf32, #tpu.memory_space<hbm>> -> memref<1x80x128xf32, #tpu.memory_space<hbm>>
        %dma_start3A_130 = tpu.memref_squeeze %dma_start3A_129 : memref<1x80x128xf32, #tpu.memory_space<hbm>> -> memref<80x128xf32, #tpu.memory_space<hbm>>
        tpu.enqueue_dma source(%arg8 : memref<80x128xf32, #tpu.memory_space<vmem>>) target(%dma_start3A_130 : memref<80x128xf32, #tpu.memory_space<hbm>>) target_semaphore(%run_scoped3A : memref<!tpu.dma_semaphore, #tpu.memory_space<semaphore_mem>>)
        %dma_wait3A = arith.constant 0 : i32
        %dma_wait3A_131 = tpu.memref_slice %arg5[%arg0, %mul3A_125, %dma_wait3A] : memref<2x10000x128xf32, #tpu.memory_space<hbm>> -> memref<1x80x128xf32, #tpu.memory_space<hbm>>
        %dma_wait3A_132 = tpu.memref_squeeze %dma_wait3A_131 : memref<1x80x128xf32, #tpu.memory_space<hbm>> -> memref<80x128xf32, #tpu.memory_space<hbm>>
        %dma_wait3A_133 = arith.constant 0 : i32
        %dma_wait3A_134 = tpu.memref_slice %arg5[%arg0, %mul3A_125, %dma_wait3A_133] : memref<2x10000x128xf32, #tpu.memory_space<hbm>> -> memref<1x80x128xf32, #tpu.memory_space<hbm>>
        %dma_wait3A_135 = tpu.memref_squeeze %dma_wait3A_134 : memref<1x80x128xf32, #tpu.memory_space<hbm>> -> memref<80x128xf32, #tpu.memory_space<hbm>>
        tpu.wait_dma2 semaphore(%run_scoped3A : memref<!tpu.dma_semaphore, #tpu.memory_space<semaphore_mem>>) src(%arg8 : memref<80x128xf32, #tpu.memory_space<vmem>>) dst(%dma_wait3A_135 : memref<80x128xf32, #tpu.memory_space<hbm>>)
        tpu.yield
      }) : () -> ()
    } else {
    }
    %add3A_80 = arith.constant 32 : i32
    %add3A_81 = arith.addi %arg1, %add3A_80 : i32
    %lt3A_82 = arith.constant 125 : i32
    %lt3A_83 = arith.cmpi slt, %add3A_81, %lt3A_82 : i32
    %convert_element_type3A_84 = arith.extui %lt3A_83 : i1 to i32
    %cond3A_85 = arith.constant 0 : i32
    %cond3A_86 = arith.cmpi ne, %convert_element_type3A_84, %cond3A_85 : i32
    scf.if %cond3A_86 {
      %mul3A_122 = arith.constant 80 : i32
      %mul3A_123 = arith.muli %add3A_81, %mul3A_122 : i32
      "tpu.region"() ({
        %run_scoped3A = tpu.sem_alloc : memref<!tpu.dma_semaphore, #tpu.memory_space<semaphore_mem>>
        %dma_start3A = arith.constant 0 : i32
        %dma_start3A_126 = tpu.memref_slice %arg9[%mul3A_123, %dma_start3A] : memref<10000x128xf32, #tpu.memory_space<vmem_shared>> -> memref<80x128xf32, #tpu.memory_space<vmem_shared>>
        %dma_start3A_127 = arith.constant 0 : i32
        %dma_start3A_128 = tpu.memref_slice %arg9[%mul3A_123, %dma_start3A_127] : memref<10000x128xf32, #tpu.memory_space<vmem_shared>> -> memref<80x128xf32, #tpu.memory_space<vmem_shared>>
        tpu.enqueue_dma source(%dma_start3A_128 : memref<80x128xf32, #tpu.memory_space<vmem_shared>>) target(%arg8 : memref<80x128xf32, #tpu.memory_space<vmem>>) target_semaphore(%run_scoped3A : memref<!tpu.dma_semaphore, #tpu.memory_space<semaphore_mem>>)
        %dma_wait3A = arith.constant 0 : i32
        %dma_wait3A_129 = tpu.memref_slice %arg9[%mul3A_123, %dma_wait3A] : memref<10000x128xf32, #tpu.memory_space<vmem_shared>> -> memref<80x128xf32, #tpu.memory_space<vmem_shared>>
        %dma_wait3A_130 = arith.constant 0 : i32
        %dma_wait3A_131 = tpu.memref_slice %arg9[%mul3A_123, %dma_wait3A_130] : memref<10000x128xf32, #tpu.memory_space<vmem_shared>> -> memref<80x128xf32, #tpu.memory_space<vmem_shared>>
        tpu.wait_dma2 semaphore(%run_scoped3A : memref<!tpu.dma_semaphore, #tpu.memory_space<semaphore_mem>>) src(%dma_wait3A_131 : memref<80x128xf32, #tpu.memory_space<vmem_shared>>) dst(%arg8 : memref<80x128xf32, #tpu.memory_space<vmem>>)
        tpu.yield
      }) : () -> ()
      %mul3A_124 = arith.constant 80 : i32
      %mul3A_125 = arith.muli %add3A_81, %mul3A_124 : i32
      "tpu.region"() ({
        %run_scoped3A = tpu.sem_alloc : memref<!tpu.dma_semaphore, #tpu.memory_space<semaphore_mem>>
        %dma_start3A = arith.constant 0 : i32
        %dma_start3A_126 = tpu.memref_slice %arg5[%arg0, %mul3A_125, %dma_start3A] : memref<2x10000x128xf32, #tpu.memory_space<hbm>> -> memref<1x80x128xf32, #tpu.memory_space<hbm>>
        %dma_start3A_127 = tpu.memref_squeeze %dma_start3A_126 : memref<1x80x128xf32, #tpu.memory_space<hbm>> -> memref<80x128xf32, #tpu.memory_space<hbm>>
        %dma_start3A_128 = arith.constant 0 : i32
        %dma_start3A_129 = tpu.memref_slice %arg5[%arg0, %mul3A_125, %dma_start3A_128] : memref<2x10000x128xf32, #tpu.memory_space<hbm>> -> memref<1x80x128xf32, #tpu.memory_space<hbm>>
        %dma_start3A_130 = tpu.memref_squeeze %dma_start3A_129 : memref<1x80x128xf32, #tpu.memory_space<hbm>> -> memref<80x128xf32, #tpu.memory_space<hbm>>
        tpu.enqueue_dma source(%arg8 : memref<80x128xf32, #tpu.memory_space<vmem>>) target(%dma_start3A_130 : memref<80x128xf32, #tpu.memory_space<hbm>>) target_semaphore(%run_scoped3A : memref<!tpu.dma_semaphore, #tpu.memory_space<semaphore_mem>>)
        %dma_wait3A = arith.constant 0 : i32
        %dma_wait3A_131 = tpu.memref_slice %arg5[%arg0, %mul3A_125, %dma_wait3A] : memref<2x10000x128xf32, #tpu.memory_space<hbm>> -> memref<1x80x128xf32, #tpu.memory_space<hbm>>
        %dma_wait3A_132 = tpu.memref_squeeze %dma_wait3A_131 : memref<1x80x128xf32, #tpu.memory_space<hbm>> -> memref<80x128xf32, #tpu.memory_space<hbm>>
        %dma_wait3A_133 = arith.constant 0 : i32
        %dma_wait3A_134 = tpu.memref_slice %arg5[%arg0, %mul3A_125, %dma_wait3A_133] : memref<2x10000x128xf32, #tpu.memory_space<hbm>> -> memref<1x80x128xf32, #tpu.memory_space<hbm>>
        %dma_wait3A_135 = tpu.memref_squeeze %dma_wait3A_134 : memref<1x80x128xf32, #tpu.memory_space<hbm>> -> memref<80x128xf32, #tpu.memory_space<hbm>>
        tpu.wait_dma2 semaphore(%run_scoped3A : memref<!tpu.dma_semaphore, #tpu.memory_space<semaphore_mem>>) src(%arg8 : memref<80x128xf32, #tpu.memory_space<vmem>>) dst(%dma_wait3A_135 : memref<80x128xf32, #tpu.memory_space<hbm>>)
        tpu.yield
      }) : () -> ()
    } else {
    }
    %add3A_87 = arith.constant 48 : i32
    %add3A_88 = arith.addi %arg1, %add3A_87 : i32
    %lt3A_89 = arith.constant 125 : i32
    %lt3A_90 = arith.cmpi slt, %add3A_88, %lt3A_89 : i32
    %convert_element_type3A_91 = arith.extui %lt3A_90 : i1 to i32
    %cond3A_92 = arith.constant 0 : i32
    %cond3A_93 = arith.cmpi ne, %convert_element_type3A_91, %cond3A_92 : i32
    scf.if %cond3A_93 {
      %mul3A_122 = arith.constant 80 : i32
      %mul3A_123 = arith.muli %add3A_88, %mul3A_122 : i32
      "tpu.region"() ({
        %run_scoped3A = tpu.sem_alloc : memref<!tpu.dma_semaphore, #tpu.memory_space<semaphore_mem>>
        %dma_start3A = arith.constant 0 : i32
        %dma_start3A_126 = tpu.memref_slice %arg9[%mul3A_123, %dma_start3A] : memref<10000x128xf32, #tpu.memory_space<vmem_shared>> -> memref<80x128xf32, #tpu.memory_space<vmem_shared>>
        %dma_start3A_127 = arith.constant 0 : i32
        %dma_start3A_128 = tpu.memref_slice %arg9[%mul3A_123, %dma_start3A_127] : memref<10000x128xf32, #tpu.memory_space<vmem_shared>> -> memref<80x128xf32, #tpu.memory_space<vmem_shared>>
        tpu.enqueue_dma source(%dma_start3A_128 : memref<80x128xf32, #tpu.memory_space<vmem_shared>>) target(%arg8 : memref<80x128xf32, #tpu.memory_space<vmem>>) target_semaphore(%run_scoped3A : memref<!tpu.dma_semaphore, #tpu.memory_space<semaphore_mem>>)
        %dma_wait3A = arith.constant 0 : i32
        %dma_wait3A_129 = tpu.memref_slice %arg9[%mul3A_123, %dma_wait3A] : memref<10000x128xf32, #tpu.memory_space<vmem_shared>> -> memref<80x128xf32, #tpu.memory_space<vmem_shared>>
        %dma_wait3A_130 = arith.constant 0 : i32
        %dma_wait3A_131 = tpu.memref_slice %arg9[%mul3A_123, %dma_wait3A_130] : memref<10000x128xf32, #tpu.memory_space<vmem_shared>> -> memref<80x128xf32, #tpu.memory_space<vmem_shared>>
        tpu.wait_dma2 semaphore(%run_scoped3A : memref<!tpu.dma_semaphore, #tpu.memory_space<semaphore_mem>>) src(%dma_wait3A_131 : memref<80x128xf32, #tpu.memory_space<vmem_shared>>) dst(%arg8 : memref<80x128xf32, #tpu.memory_space<vmem>>)
        tpu.yield
      }) : () -> ()
      %mul3A_124 = arith.constant 80 : i32
      %mul3A_125 = arith.muli %add3A_88, %mul3A_124 : i32
      "tpu.region"() ({
        %run_scoped3A = tpu.sem_alloc : memref<!tpu.dma_semaphore, #tpu.memory_space<semaphore_mem>>
        %dma_start3A = arith.constant 0 : i32
        %dma_start3A_126 = tpu.memref_slice %arg5[%arg0, %mul3A_125, %dma_start3A] : memref<2x10000x128xf32, #tpu.memory_space<hbm>> -> memref<1x80x128xf32, #tpu.memory_space<hbm>>
        %dma_start3A_127 = tpu.memref_squeeze %dma_start3A_126 : memref<1x80x128xf32, #tpu.memory_space<hbm>> -> memref<80x128xf32, #tpu.memory_space<hbm>>
        %dma_start3A_128 = arith.constant 0 : i32
        %dma_start3A_129 = tpu.memref_slice %arg5[%arg0, %mul3A_125, %dma_start3A_128] : memref<2x10000x128xf32, #tpu.memory_space<hbm>> -> memref<1x80x128xf32, #tpu.memory_space<hbm>>
        %dma_start3A_130 = tpu.memref_squeeze %dma_start3A_129 : memref<1x80x128xf32, #tpu.memory_space<hbm>> -> memref<80x128xf32, #tpu.memory_space<hbm>>
        tpu.enqueue_dma source(%arg8 : memref<80x128xf32, #tpu.memory_space<vmem>>) target(%dma_start3A_130 : memref<80x128xf32, #tpu.memory_space<hbm>>) target_semaphore(%run_scoped3A : memref<!tpu.dma_semaphore, #tpu.memory_space<semaphore_mem>>)
        %dma_wait3A = arith.constant 0 : i32
        %dma_wait3A_131 = tpu.memref_slice %arg5[%arg0, %mul3A_125, %dma_wait3A] : memref<2x10000x128xf32, #tpu.memory_space<hbm>> -> memref<1x80x128xf32, #tpu.memory_space<hbm>>
        %dma_wait3A_132 = tpu.memref_squeeze %dma_wait3A_131 : memref<1x80x128xf32, #tpu.memory_space<hbm>> -> memref<80x128xf32, #tpu.memory_space<hbm>>
        %dma_wait3A_133 = arith.constant 0 : i32
        %dma_wait3A_134 = tpu.memref_slice %arg5[%arg0, %mul3A_125, %dma_wait3A_133] : memref<2x10000x128xf32, #tpu.memory_space<hbm>> -> memref<1x80x128xf32, #tpu.memory_space<hbm>>
        %dma_wait3A_135 = tpu.memref_squeeze %dma_wait3A_134 : memref<1x80x128xf32, #tpu.memory_space<hbm>> -> memref<80x128xf32, #tpu.memory_space<hbm>>
        tpu.wait_dma2 semaphore(%run_scoped3A : memref<!tpu.dma_semaphore, #tpu.memory_space<semaphore_mem>>) src(%arg8 : memref<80x128xf32, #tpu.memory_space<vmem>>) dst(%dma_wait3A_135 : memref<80x128xf32, #tpu.memory_space<hbm>>)
        tpu.yield
      }) : () -> ()
    } else {
    }
    %add3A_94 = arith.constant 64 : i32
    %add3A_95 = arith.addi %arg1, %add3A_94 : i32
    %lt3A_96 = arith.constant 125 : i32
    %lt3A_97 = arith.cmpi slt, %add3A_95, %lt3A_96 : i32
    %convert_element_type3A_98 = arith.extui %lt3A_97 : i1 to i32
    %cond3A_99 = arith.constant 0 : i32
    %cond3A_100 = arith.cmpi ne, %convert_element_type3A_98, %cond3A_99 : i32
    scf.if %cond3A_100 {
      %mul3A_122 = arith.constant 80 : i32
      %mul3A_123 = arith.muli %add3A_95, %mul3A_122 : i32
      "tpu.region"() ({
        %run_scoped3A = tpu.sem_alloc : memref<!tpu.dma_semaphore, #tpu.memory_space<semaphore_mem>>
        %dma_start3A = arith.constant 0 : i32
        %dma_start3A_126 = tpu.memref_slice %arg9[%mul3A_123, %dma_start3A] : memref<10000x128xf32, #tpu.memory_space<vmem_shared>> -> memref<80x128xf32, #tpu.memory_space<vmem_shared>>
        %dma_start3A_127 = arith.constant 0 : i32
        %dma_start3A_128 = tpu.memref_slice %arg9[%mul3A_123, %dma_start3A_127] : memref<10000x128xf32, #tpu.memory_space<vmem_shared>> -> memref<80x128xf32, #tpu.memory_space<vmem_shared>>
        tpu.enqueue_dma source(%dma_start3A_128 : memref<80x128xf32, #tpu.memory_space<vmem_shared>>) target(%arg8 : memref<80x128xf32, #tpu.memory_space<vmem>>) target_semaphore(%run_scoped3A : memref<!tpu.dma_semaphore, #tpu.memory_space<semaphore_mem>>)
        %dma_wait3A = arith.constant 0 : i32
        %dma_wait3A_129 = tpu.memref_slice %arg9[%mul3A_123, %dma_wait3A] : memref<10000x128xf32, #tpu.memory_space<vmem_shared>> -> memref<80x128xf32, #tpu.memory_space<vmem_shared>>
        %dma_wait3A_130 = arith.constant 0 : i32
        %dma_wait3A_131 = tpu.memref_slice %arg9[%mul3A_123, %dma_wait3A_130] : memref<10000x128xf32, #tpu.memory_space<vmem_shared>> -> memref<80x128xf32, #tpu.memory_space<vmem_shared>>
        tpu.wait_dma2 semaphore(%run_scoped3A : memref<!tpu.dma_semaphore, #tpu.memory_space<semaphore_mem>>) src(%dma_wait3A_131 : memref<80x128xf32, #tpu.memory_space<vmem_shared>>) dst(%arg8 : memref<80x128xf32, #tpu.memory_space<vmem>>)
        tpu.yield
      }) : () -> ()
      %mul3A_124 = arith.constant 80 : i32
      %mul3A_125 = arith.muli %add3A_95, %mul3A_124 : i32
      "tpu.region"() ({
        %run_scoped3A = tpu.sem_alloc : memref<!tpu.dma_semaphore, #tpu.memory_space<semaphore_mem>>
        %dma_start3A = arith.constant 0 : i32
        %dma_start3A_126 = tpu.memref_slice %arg5[%arg0, %mul3A_125, %dma_start3A] : memref<2x10000x128xf32, #tpu.memory_space<hbm>> -> memref<1x80x128xf32, #tpu.memory_space<hbm>>
        %dma_start3A_127 = tpu.memref_squeeze %dma_start3A_126 : memref<1x80x128xf32, #tpu.memory_space<hbm>> -> memref<80x128xf32, #tpu.memory_space<hbm>>
        %dma_start3A_128 = arith.constant 0 : i32
        %dma_start3A_129 = tpu.memref_slice %arg5[%arg0, %mul3A_125, %dma_start3A_128] : memref<2x10000x128xf32, #tpu.memory_space<hbm>> -> memref<1x80x128xf32, #tpu.memory_space<hbm>>
        %dma_start3A_130 = tpu.memref_squeeze %dma_start3A_129 : memref<1x80x128xf32, #tpu.memory_space<hbm>> -> memref<80x128xf32, #tpu.memory_space<hbm>>
        tpu.enqueue_dma source(%arg8 : memref<80x128xf32, #tpu.memory_space<vmem>>) target(%dma_start3A_130 : memref<80x128xf32, #tpu.memory_space<hbm>>) target_semaphore(%run_scoped3A : memref<!tpu.dma_semaphore, #tpu.memory_space<semaphore_mem>>)
        %dma_wait3A = arith.constant 0 : i32
        %dma_wait3A_131 = tpu.memref_slice %arg5[%arg0, %mul3A_125, %dma_wait3A] : memref<2x10000x128xf32, #tpu.memory_space<hbm>> -> memref<1x80x128xf32, #tpu.memory_space<hbm>>
        %dma_wait3A_132 = tpu.memref_squeeze %dma_wait3A_131 : memref<1x80x128xf32, #tpu.memory_space<hbm>> -> memref<80x128xf32, #tpu.memory_space<hbm>>
        %dma_wait3A_133 = arith.constant 0 : i32
        %dma_wait3A_134 = tpu.memref_slice %arg5[%arg0, %mul3A_125, %dma_wait3A_133] : memref<2x10000x128xf32, #tpu.memory_space<hbm>> -> memref<1x80x128xf32, #tpu.memory_space<hbm>>
        %dma_wait3A_135 = tpu.memref_squeeze %dma_wait3A_134 : memref<1x80x128xf32, #tpu.memory_space<hbm>> -> memref<80x128xf32, #tpu.memory_space<hbm>>
        tpu.wait_dma2 semaphore(%run_scoped3A : memref<!tpu.dma_semaphore, #tpu.memory_space<semaphore_mem>>) src(%arg8 : memref<80x128xf32, #tpu.memory_space<vmem>>) dst(%dma_wait3A_135 : memref<80x128xf32, #tpu.memory_space<hbm>>)
        tpu.yield
      }) : () -> ()
    } else {
    }
    %add3A_101 = arith.constant 80 : i32
    %add3A_102 = arith.addi %arg1, %add3A_101 : i32
    %lt3A_103 = arith.constant 125 : i32
    %lt3A_104 = arith.cmpi slt, %add3A_102, %lt3A_103 : i32
    %convert_element_type3A_105 = arith.extui %lt3A_104 : i1 to i32
    %cond3A_106 = arith.constant 0 : i32
    %cond3A_107 = arith.cmpi ne, %convert_element_type3A_105, %cond3A_106 : i32
    scf.if %cond3A_107 {
      %mul3A_122 = arith.constant 80 : i32
      %mul3A_123 = arith.muli %add3A_102, %mul3A_122 : i32
      "tpu.region"() ({
        %run_scoped3A = tpu.sem_alloc : memref<!tpu.dma_semaphore, #tpu.memory_space<semaphore_mem>>
        %dma_start3A = arith.constant 0 : i32
        %dma_start3A_126 = tpu.memref_slice %arg9[%mul3A_123, %dma_start3A] : memref<10000x128xf32, #tpu.memory_space<vmem_shared>> -> memref<80x128xf32, #tpu.memory_space<vmem_shared>>
        %dma_start3A_127 = arith.constant 0 : i32
        %dma_start3A_128 = tpu.memref_slice %arg9[%mul3A_123, %dma_start3A_127] : memref<10000x128xf32, #tpu.memory_space<vmem_shared>> -> memref<80x128xf32, #tpu.memory_space<vmem_shared>>
        tpu.enqueue_dma source(%dma_start3A_128 : memref<80x128xf32, #tpu.memory_space<vmem_shared>>) target(%arg8 : memref<80x128xf32, #tpu.memory_space<vmem>>) target_semaphore(%run_scoped3A : memref<!tpu.dma_semaphore, #tpu.memory_space<semaphore_mem>>)
        %dma_wait3A = arith.constant 0 : i32
        %dma_wait3A_129 = tpu.memref_slice %arg9[%mul3A_123, %dma_wait3A] : memref<10000x128xf32, #tpu.memory_space<vmem_shared>> -> memref<80x128xf32, #tpu.memory_space<vmem_shared>>
        %dma_wait3A_130 = arith.constant 0 : i32
        %dma_wait3A_131 = tpu.memref_slice %arg9[%mul3A_123, %dma_wait3A_130] : memref<10000x128xf32, #tpu.memory_space<vmem_shared>> -> memref<80x128xf32, #tpu.memory_space<vmem_shared>>
        tpu.wait_dma2 semaphore(%run_scoped3A : memref<!tpu.dma_semaphore, #tpu.memory_space<semaphore_mem>>) src(%dma_wait3A_131 : memref<80x128xf32, #tpu.memory_space<vmem_shared>>) dst(%arg8 : memref<80x128xf32, #tpu.memory_space<vmem>>)
        tpu.yield
      }) : () -> ()
      %mul3A_124 = arith.constant 80 : i32
      %mul3A_125 = arith.muli %add3A_102, %mul3A_124 : i32
      "tpu.region"() ({
        %run_scoped3A = tpu.sem_alloc : memref<!tpu.dma_semaphore, #tpu.memory_space<semaphore_mem>>
        %dma_start3A = arith.constant 0 : i32
        %dma_start3A_126 = tpu.memref_slice %arg5[%arg0, %mul3A_125, %dma_start3A] : memref<2x10000x128xf32, #tpu.memory_space<hbm>> -> memref<1x80x128xf32, #tpu.memory_space<hbm>>
        %dma_start3A_127 = tpu.memref_squeeze %dma_start3A_126 : memref<1x80x128xf32, #tpu.memory_space<hbm>> -> memref<80x128xf32, #tpu.memory_space<hbm>>
        %dma_start3A_128 = arith.constant 0 : i32
        %dma_start3A_129 = tpu.memref_slice %arg5[%arg0, %mul3A_125, %dma_start3A_128] : memref<2x10000x128xf32, #tpu.memory_space<hbm>> -> memref<1x80x128xf32, #tpu.memory_space<hbm>>
        %dma_start3A_130 = tpu.memref_squeeze %dma_start3A_129 : memref<1x80x128xf32, #tpu.memory_space<hbm>> -> memref<80x128xf32, #tpu.memory_space<hbm>>
        tpu.enqueue_dma source(%arg8 : memref<80x128xf32, #tpu.memory_space<vmem>>) target(%dma_start3A_130 : memref<80x128xf32, #tpu.memory_space<hbm>>) target_semaphore(%run_scoped3A : memref<!tpu.dma_semaphore, #tpu.memory_space<semaphore_mem>>)
        %dma_wait3A = arith.constant 0 : i32
        %dma_wait3A_131 = tpu.memref_slice %arg5[%arg0, %mul3A_125, %dma_wait3A] : memref<2x10000x128xf32, #tpu.memory_space<hbm>> -> memref<1x80x128xf32, #tpu.memory_space<hbm>>
        %dma_wait3A_132 = tpu.memref_squeeze %dma_wait3A_131 : memref<1x80x128xf32, #tpu.memory_space<hbm>> -> memref<80x128xf32, #tpu.memory_space<hbm>>
        %dma_wait3A_133 = arith.constant 0 : i32
        %dma_wait3A_134 = tpu.memref_slice %arg5[%arg0, %mul3A_125, %dma_wait3A_133] : memref<2x10000x128xf32, #tpu.memory_space<hbm>> -> memref<1x80x128xf32, #tpu.memory_space<hbm>>
        %dma_wait3A_135 = tpu.memref_squeeze %dma_wait3A_134 : memref<1x80x128xf32, #tpu.memory_space<hbm>> -> memref<80x128xf32, #tpu.memory_space<hbm>>
        tpu.wait_dma2 semaphore(%run_scoped3A : memref<!tpu.dma_semaphore, #tpu.memory_space<semaphore_mem>>) src(%arg8 : memref<80x128xf32, #tpu.memory_space<vmem>>) dst(%dma_wait3A_135 : memref<80x128xf32, #tpu.memory_space<hbm>>)
        tpu.yield
      }) : () -> ()
    } else {
    }
    %add3A_108 = arith.constant 96 : i32
    %add3A_109 = arith.addi %arg1, %add3A_108 : i32
    %lt3A_110 = arith.constant 125 : i32
    %lt3A_111 = arith.cmpi slt, %add3A_109, %lt3A_110 : i32
    %convert_element_type3A_112 = arith.extui %lt3A_111 : i1 to i32
    %cond3A_113 = arith.constant 0 : i32
    %cond3A_114 = arith.cmpi ne, %convert_element_type3A_112, %cond3A_113 : i32
    scf.if %cond3A_114 {
      %mul3A_122 = arith.constant 80 : i32
      %mul3A_123 = arith.muli %add3A_109, %mul3A_122 : i32
      "tpu.region"() ({
        %run_scoped3A = tpu.sem_alloc : memref<!tpu.dma_semaphore, #tpu.memory_space<semaphore_mem>>
        %dma_start3A = arith.constant 0 : i32
        %dma_start3A_126 = tpu.memref_slice %arg9[%mul3A_123, %dma_start3A] : memref<10000x128xf32, #tpu.memory_space<vmem_shared>> -> memref<80x128xf32, #tpu.memory_space<vmem_shared>>
        %dma_start3A_127 = arith.constant 0 : i32
        %dma_start3A_128 = tpu.memref_slice %arg9[%mul3A_123, %dma_start3A_127] : memref<10000x128xf32, #tpu.memory_space<vmem_shared>> -> memref<80x128xf32, #tpu.memory_space<vmem_shared>>
        tpu.enqueue_dma source(%dma_start3A_128 : memref<80x128xf32, #tpu.memory_space<vmem_shared>>) target(%arg8 : memref<80x128xf32, #tpu.memory_space<vmem>>) target_semaphore(%run_scoped3A : memref<!tpu.dma_semaphore, #tpu.memory_space<semaphore_mem>>)
        %dma_wait3A = arith.constant 0 : i32
        %dma_wait3A_129 = tpu.memref_slice %arg9[%mul3A_123, %dma_wait3A] : memref<10000x128xf32, #tpu.memory_space<vmem_shared>> -> memref<80x128xf32, #tpu.memory_space<vmem_shared>>
        %dma_wait3A_130 = arith.constant 0 : i32
        %dma_wait3A_131 = tpu.memref_slice %arg9[%mul3A_123, %dma_wait3A_130] : memref<10000x128xf32, #tpu.memory_space<vmem_shared>> -> memref<80x128xf32, #tpu.memory_space<vmem_shared>>
        tpu.wait_dma2 semaphore(%run_scoped3A : memref<!tpu.dma_semaphore, #tpu.memory_space<semaphore_mem>>) src(%dma_wait3A_131 : memref<80x128xf32, #tpu.memory_space<vmem_shared>>) dst(%arg8 : memref<80x128xf32, #tpu.memory_space<vmem>>)
        tpu.yield
      }) : () -> ()
      %mul3A_124 = arith.constant 80 : i32
      %mul3A_125 = arith.muli %add3A_109, %mul3A_124 : i32
      "tpu.region"() ({
        %run_scoped3A = tpu.sem_alloc : memref<!tpu.dma_semaphore, #tpu.memory_space<semaphore_mem>>
        %dma_start3A = arith.constant 0 : i32
        %dma_start3A_126 = tpu.memref_slice %arg5[%arg0, %mul3A_125, %dma_start3A] : memref<2x10000x128xf32, #tpu.memory_space<hbm>> -> memref<1x80x128xf32, #tpu.memory_space<hbm>>
        %dma_start3A_127 = tpu.memref_squeeze %dma_start3A_126 : memref<1x80x128xf32, #tpu.memory_space<hbm>> -> memref<80x128xf32, #tpu.memory_space<hbm>>
        %dma_start3A_128 = arith.constant 0 : i32
        %dma_start3A_129 = tpu.memref_slice %arg5[%arg0, %mul3A_125, %dma_start3A_128] : memref<2x10000x128xf32, #tpu.memory_space<hbm>> -> memref<1x80x128xf32, #tpu.memory_space<hbm>>
        %dma_start3A_130 = tpu.memref_squeeze %dma_start3A_129 : memref<1x80x128xf32, #tpu.memory_space<hbm>> -> memref<80x128xf32, #tpu.memory_space<hbm>>
        tpu.enqueue_dma source(%arg8 : memref<80x128xf32, #tpu.memory_space<vmem>>) target(%dma_start3A_130 : memref<80x128xf32, #tpu.memory_space<hbm>>) target_semaphore(%run_scoped3A : memref<!tpu.dma_semaphore, #tpu.memory_space<semaphore_mem>>)
        %dma_wait3A = arith.constant 0 : i32
        %dma_wait3A_131 = tpu.memref_slice %arg5[%arg0, %mul3A_125, %dma_wait3A] : memref<2x10000x128xf32, #tpu.memory_space<hbm>> -> memref<1x80x128xf32, #tpu.memory_space<hbm>>
        %dma_wait3A_132 = tpu.memref_squeeze %dma_wait3A_131 : memref<1x80x128xf32, #tpu.memory_space<hbm>> -> memref<80x128xf32, #tpu.memory_space<hbm>>
        %dma_wait3A_133 = arith.constant 0 : i32
        %dma_wait3A_134 = tpu.memref_slice %arg5[%arg0, %mul3A_125, %dma_wait3A_133] : memref<2x10000x128xf32, #tpu.memory_space<hbm>> -> memref<1x80x128xf32, #tpu.memory_space<hbm>>
        %dma_wait3A_135 = tpu.memref_squeeze %dma_wait3A_134 : memref<1x80x128xf32, #tpu.memory_space<hbm>> -> memref<80x128xf32, #tpu.memory_space<hbm>>
        tpu.wait_dma2 semaphore(%run_scoped3A : memref<!tpu.dma_semaphore, #tpu.memory_space<semaphore_mem>>) src(%arg8 : memref<80x128xf32, #tpu.memory_space<vmem>>) dst(%dma_wait3A_135 : memref<80x128xf32, #tpu.memory_space<hbm>>)
        tpu.yield
      }) : () -> ()
    } else {
    }
    %add3A_115 = arith.constant 112 : i32
    %add3A_116 = arith.addi %arg1, %add3A_115 : i32
    %lt3A_117 = arith.constant 125 : i32
    %lt3A_118 = arith.cmpi slt, %add3A_116, %lt3A_117 : i32
    %convert_element_type3A_119 = arith.extui %lt3A_118 : i1 to i32
    %cond3A_120 = arith.constant 0 : i32
    %cond3A_121 = arith.cmpi ne, %convert_element_type3A_119, %cond3A_120 : i32
    scf.if %cond3A_121 {
      %mul3A_122 = arith.constant 80 : i32
      %mul3A_123 = arith.muli %add3A_116, %mul3A_122 : i32
      "tpu.region"() ({
        %run_scoped3A = tpu.sem_alloc : memref<!tpu.dma_semaphore, #tpu.memory_space<semaphore_mem>>
        %dma_start3A = arith.constant 0 : i32
        %dma_start3A_126 = tpu.memref_slice %arg9[%mul3A_123, %dma_start3A] : memref<10000x128xf32, #tpu.memory_space<vmem_shared>> -> memref<80x128xf32, #tpu.memory_space<vmem_shared>>
        %dma_start3A_127 = arith.constant 0 : i32
        %dma_start3A_128 = tpu.memref_slice %arg9[%mul3A_123, %dma_start3A_127] : memref<10000x128xf32, #tpu.memory_space<vmem_shared>> -> memref<80x128xf32, #tpu.memory_space<vmem_shared>>
        tpu.enqueue_dma source(%dma_start3A_128 : memref<80x128xf32, #tpu.memory_space<vmem_shared>>) target(%arg8 : memref<80x128xf32, #tpu.memory_space<vmem>>) target_semaphore(%run_scoped3A : memref<!tpu.dma_semaphore, #tpu.memory_space<semaphore_mem>>)
        %dma_wait3A = arith.constant 0 : i32
        %dma_wait3A_129 = tpu.memref_slice %arg9[%mul3A_123, %dma_wait3A] : memref<10000x128xf32, #tpu.memory_space<vmem_shared>> -> memref<80x128xf32, #tpu.memory_space<vmem_shared>>
        %dma_wait3A_130 = arith.constant 0 : i32
        %dma_wait3A_131 = tpu.memref_slice %arg9[%mul3A_123, %dma_wait3A_130] : memref<10000x128xf32, #tpu.memory_space<vmem_shared>> -> memref<80x128xf32, #tpu.memory_space<vmem_shared>>
        tpu.wait_dma2 semaphore(%run_scoped3A : memref<!tpu.dma_semaphore, #tpu.memory_space<semaphore_mem>>) src(%dma_wait3A_131 : memref<80x128xf32, #tpu.memory_space<vmem_shared>>) dst(%arg8 : memref<80x128xf32, #tpu.memory_space<vmem>>)
        tpu.yield
      }) : () -> ()
      %mul3A_124 = arith.constant 80 : i32
      %mul3A_125 = arith.muli %add3A_116, %mul3A_124 : i32
      "tpu.region"() ({
        %run_scoped3A = tpu.sem_alloc : memref<!tpu.dma_semaphore, #tpu.memory_space<semaphore_mem>>
        %dma_start3A = arith.constant 0 : i32
        %dma_start3A_126 = tpu.memref_slice %arg5[%arg0, %mul3A_125, %dma_start3A] : memref<2x10000x128xf32, #tpu.memory_space<hbm>> -> memref<1x80x128xf32, #tpu.memory_space<hbm>>
        %dma_start3A_127 = tpu.memref_squeeze %dma_start3A_126 : memref<1x80x128xf32, #tpu.memory_space<hbm>> -> memref<80x128xf32, #tpu.memory_space<hbm>>
        %dma_start3A_128 = arith.constant 0 : i32
        %dma_start3A_129 = tpu.memref_slice %arg5[%arg0, %mul3A_125, %dma_start3A_128] : memref<2x10000x128xf32, #tpu.memory_space<hbm>> -> memref<1x80x128xf32, #tpu.memory_space<hbm>>
        %dma_start3A_130 = tpu.memref_squeeze %dma_start3A_129 : memref<1x80x128xf32, #tpu.memory_space<hbm>> -> memref<80x128xf32, #tpu.memory_space<hbm>>
        tpu.enqueue_dma source(%arg8 : memref<80x128xf32, #tpu.memory_space<vmem>>) target(%dma_start3A_130 : memref<80x128xf32, #tpu.memory_space<hbm>>) target_semaphore(%run_scoped3A : memref<!tpu.dma_semaphore, #tpu.memory_space<semaphore_mem>>)
        %dma_wait3A = arith.constant 0 : i32
        %dma_wait3A_131 = tpu.memref_slice %arg5[%arg0, %mul3A_125, %dma_wait3A] : memref<2x10000x128xf32, #tpu.memory_space<hbm>> -> memref<1x80x128xf32, #tpu.memory_space<hbm>>
        %dma_wait3A_132 = tpu.memref_squeeze %dma_wait3A_131 : memref<1x80x128xf32, #tpu.memory_space<hbm>> -> memref<80x128xf32, #tpu.memory_space<hbm>>
        %dma_wait3A_133 = arith.constant 0 : i32
        %dma_wait3A_134 = tpu.memref_slice %arg5[%arg0, %mul3A_125, %dma_wait3A_133] : memref<2x10000x128xf32, #tpu.memory_space<hbm>> -> memref<1x80x128xf32, #tpu.memory_space<hbm>>
        %dma_wait3A_135 = tpu.memref_squeeze %dma_wait3A_134 : memref<1x80x128xf32, #tpu.memory_space<hbm>> -> memref<80x128xf32, #tpu.memory_space<hbm>>
        tpu.wait_dma2 semaphore(%run_scoped3A : memref<!tpu.dma_semaphore, #tpu.memory_space<semaphore_mem>>) src(%arg8 : memref<80x128xf32, #tpu.memory_space<vmem>>) dst(%dma_wait3A_135 : memref<80x128xf32, #tpu.memory_space<hbm>>)
        tpu.yield
      }) : () -> ()
    } else {
    }
    return
  }
}

#map = affine_map<(d0, d1) -> (0, 0)>
#map1 = affine_map<(d0, d1) -> (0, 0, 0)>
module attributes {stable_mosaic.version = 14 : i64} {
  func.func @_sc_segsum(%arg0: i32, %arg1: i32, %arg2: memref<10000x128xf32, #tpu.memory_space<hbm>>, %arg3: memref<32x125x80xi32, #tpu.memory_space<hbm>>, %arg4: memref<32x125x80xi32, #tpu.memory_space<hbm>>, %arg5: memref<2x10000x128xf32, #tpu.memory_space<hbm>>, %arg6: memref<125x80xi32, #tpu.memory_space<vmem>>, %arg7: memref<125x80xi32, #tpu.memory_space<vmem>>, %arg8: memref<80x128xf32, #tpu.memory_space<vmem>>, %arg9: memref<10000x128xf32, #tpu.memory_space<vmem_shared>>, %arg10: memref<!tpu.dma_semaphore, #tpu.memory_space<semaphore_mem>>) attributes {dimension_semantics = [#tpu.dimension_semantics<core_parallel>, #tpu.dimension_semantics<subcore_parallel>], iteration_bounds = array<i64: 2, 16>, scalar_prefetch = 0 : i64, scratch_operands = 5 : i64, tpu.core_type = #tpu.core_type<sc_vector_subcore>, window_params = [{transform_indices = #map}, {transform_indices = #map1}, {transform_indices = #map1}, {transform_indices = #map1}]} {
    %mul3A = arith.constant 2 : i32
    %mul3A_0 = arith.muli %arg1, %mul3A : i32
    %add3A = arith.addi %mul3A_0, %arg0 : i32
    "tpu.region"() ({
      %run_scoped3A = tpu.sem_alloc : memref<!tpu.dma_semaphore, #tpu.memory_space<semaphore_mem>>
      %dma_start3A = arith.constant 0 : i32
      %dma_start3A_122 = arith.constant 0 : i32
      %dma_start3A_123 = tpu.memref_slice %arg3[%add3A, %dma_start3A, %dma_start3A_122] : memref<32x125x80xi32, #tpu.memory_space<hbm>> -> memref<1x125x80xi32, #tpu.memory_space<hbm>>
      %dma_start3A_124 = tpu.memref_squeeze %dma_start3A_123 : memref<1x125x80xi32, #tpu.memory_space<hbm>> -> memref<125x80xi32, #tpu.memory_space<hbm>>
      %dma_start3A_125 = arith.constant 0 : i32
      %dma_start3A_126 = arith.constant 0 : i32
      %dma_start3A_127 = tpu.memref_slice %arg3[%add3A, %dma_start3A_125, %dma_start3A_126] : memref<32x125x80xi32, #tpu.memory_space<hbm>> -> memref<1x125x80xi32, #tpu.memory_space<hbm>>
      %dma_start3A_128 = tpu.memref_squeeze %dma_start3A_127 : memref<1x125x80xi32, #tpu.memory_space<hbm>> -> memref<125x80xi32, #tpu.memory_space<hbm>>
      tpu.enqueue_dma source(%dma_start3A_128 : memref<125x80xi32, #tpu.memory_space<hbm>>) target(%arg6 : memref<125x80xi32, #tpu.memory_space<vmem>>) target_semaphore(%run_scoped3A : memref<!tpu.dma_semaphore, #tpu.memory_space<semaphore_mem>>)
      %dma_wait3A = arith.constant 0 : i32
      %dma_wait3A_129 = arith.constant 0 : i32
      %dma_wait3A_130 = tpu.memref_slice %arg3[%add3A, %dma_wait3A, %dma_wait3A_129] : memref<32x125x80xi32, #tpu.memory_space<hbm>> -> memref<1x125x80xi32, #tpu.memory_space<hbm>>
      %dma_wait3A_131 = tpu.memref_squeeze %dma_wait3A_130 : memref<1x125x80xi32, #tpu.memory_space<hbm>> -> memref<125x80xi32, #tpu.memory_space<hbm>>
      %dma_wait3A_132 = arith.constant 0 : i32
      %dma_wait3A_133 = arith.constant 0 : i32
      %dma_wait3A_134 = tpu.memref_slice %arg3[%add3A, %dma_wait3A_132, %dma_wait3A_133] : memref<32x125x80xi32, #tpu.memory_space<hbm>> -> memref<1x125x80xi32, #tpu.memory_space<hbm>>
      %dma_wait3A_135 = tpu.memref_squeeze %dma_wait3A_134 : memref<1x125x80xi32, #tpu.memory_space<hbm>> -> memref<125x80xi32, #tpu.memory_space<hbm>>
      tpu.wait_dma2 semaphore(%run_scoped3A : memref<!tpu.dma_semaphore, #tpu.memory_space<semaphore_mem>>) src(%dma_wait3A_135 : memref<125x80xi32, #tpu.memory_space<hbm>>) dst(%arg6 : memref<125x80xi32, #tpu.memory_space<vmem>>)
      tpu.yield
    }) : () -> ()
    "tpu.region"() ({
      %run_scoped3A = tpu.sem_alloc : memref<!tpu.dma_semaphore, #tpu.memory_space<semaphore_mem>>
      %dma_start3A = arith.constant 0 : i32
      %dma_start3A_122 = arith.constant 0 : i32
      %dma_start3A_123 = tpu.memref_slice %arg4[%add3A, %dma_start3A, %dma_start3A_122] : memref<32x125x80xi32, #tpu.memory_space<hbm>> -> memref<1x125x80xi32, #tpu.memory_space<hbm>>
      %dma_start3A_124 = tpu.memref_squeeze %dma_start3A_123 : memref<1x125x80xi32, #tpu.memory_space<hbm>> -> memref<125x80xi32, #tpu.memory_space<hbm>>
      %dma_start3A_125 = arith.constant 0 : i32
      %dma_start3A_126 = arith.constant 0 : i32
      %dma_start3A_127 = tpu.memref_slice %arg4[%add3A, %dma_start3A_125, %dma_start3A_126] : memref<32x125x80xi32, #tpu.memory_space<hbm>> -> memref<1x125x80xi32, #tpu.memory_space<hbm>>
      %dma_start3A_128 = tpu.memref_squeeze %dma_start3A_127 : memref<1x125x80xi32, #tpu.memory_space<hbm>> -> memref<125x80xi32, #tpu.memory_space<hbm>>
      tpu.enqueue_dma source(%dma_start3A_128 : memref<125x80xi32, #tpu.memory_space<hbm>>) target(%arg7 : memref<125x80xi32, #tpu.memory_space<vmem>>) target_semaphore(%run_scoped3A : memref<!tpu.dma_semaphore, #tpu.memory_space<semaphore_mem>>)
      %dma_wait3A = arith.constant 0 : i32
      %dma_wait3A_129 = arith.constant 0 : i32
      %dma_wait3A_130 = tpu.memref_slice %arg4[%add3A, %dma_wait3A, %dma_wait3A_129] : memref<32x125x80xi32, #tpu.memory_space<hbm>> -> memref<1x125x80xi32, #tpu.memory_space<hbm>>
      %dma_wait3A_131 = tpu.memref_squeeze %dma_wait3A_130 : memref<1x125x80xi32, #tpu.memory_space<hbm>> -> memref<125x80xi32, #tpu.memory_space<hbm>>
      %dma_wait3A_132 = arith.constant 0 : i32
      %dma_wait3A_133 = arith.constant 0 : i32
      %dma_wait3A_134 = tpu.memref_slice %arg4[%add3A, %dma_wait3A_132, %dma_wait3A_133] : memref<32x125x80xi32, #tpu.memory_space<hbm>> -> memref<1x125x80xi32, #tpu.memory_space<hbm>>
      %dma_wait3A_135 = tpu.memref_squeeze %dma_wait3A_134 : memref<1x125x80xi32, #tpu.memory_space<hbm>> -> memref<125x80xi32, #tpu.memory_space<hbm>>
      tpu.wait_dma2 semaphore(%run_scoped3A : memref<!tpu.dma_semaphore, #tpu.memory_space<semaphore_mem>>) src(%dma_wait3A_135 : memref<125x80xi32, #tpu.memory_space<hbm>>) dst(%arg7 : memref<125x80xi32, #tpu.memory_space<vmem>>)
      tpu.yield
    }) : () -> ()
    %scan3A = arith.constant 0 : i32
    %scan3A_1 = arith.constant 0 : i32
    %scan3A_2 = arith.constant 640 : i32
    %scan3A_3 = arith.addi %scan3A_1, %scan3A_2 : i32
    %scan3A_4 = arith.constant 1 : i32
    scf.for %scan3A_122 = %scan3A_1 to %scan3A_3 step %scan3A_4  : i32 {
      %broadcast_in_dim3A = arith.constant 0.000000e+00 : f32
      %broadcast_in_dim3A_123 = vector.broadcast %broadcast_in_dim3A : f32 to vector<16xf32>
      %jit3A = arith.constant 8 : i32
      %div3A = arith.divsi %scan3A_122, %jit3A : i32
      %sign3A = arith.constant 0 : i32
      %sign3A_124 = arith.cmpi sgt, %scan3A_122, %sign3A : i32
      %sign3A_125 = arith.extui %sign3A_124 : i1 to i32
      %sign3A_126 = arith.constant 0 : i32
      %sign3A_127 = arith.cmpi slt, %scan3A_122, %sign3A_126 : i32
      %sign3A_128 = arith.extui %sign3A_127 : i1 to i32
      %sign3A_129 = arith.subi %sign3A_125, %sign3A_128 : i32
      %sign3A_130 = arith.constant 0 : i32
      %sign3A_131 = arith.cmpi sgt, %jit3A, %sign3A_130 : i32
      %sign3A_132 = arith.extui %sign3A_131 : i1 to i32
      %sign3A_133 = arith.constant 0 : i32
      %sign3A_134 = arith.cmpi slt, %jit3A, %sign3A_133 : i32
      %sign3A_135 = arith.extui %sign3A_134 : i1 to i32
      %sign3A_136 = arith.subi %sign3A_132, %sign3A_135 : i32
      %ne3A = arith.cmpi ne, %sign3A_129, %sign3A_136 : i32
      %rem3A = arith.remsi %scan3A_122, %jit3A : i32
      %ne3A_137 = arith.constant 0 : i32
      %ne3A_138 = arith.cmpi ne, %rem3A, %ne3A_137 : i32
      %and3A = arith.andi %ne3A, %ne3A_138 : i1
      %sub3A = arith.constant 1 : i32
      %sub3A_139 = arith.subi %div3A, %sub3A : i32
      %select_n3A = arith.select %and3A, %sub3A_139, %div3A : i32
      %jit3A_140 = arith.constant 8 : i32
      %eq3A = arith.constant 0 : i32
      %eq3A_141 = arith.cmpi eq, %jit3A_140, %eq3A : i32
      %jit3A_142 = arith.constant 1 : i32
      %select_n3A_143 = arith.select %eq3A_141, %jit3A_142, %jit3A_140 : i32
      %rem3A_144 = arith.remsi %scan3A_122, %select_n3A_143 : i32
      %ne3A_145 = arith.constant 0 : i32
      %ne3A_146 = arith.cmpi ne, %rem3A_144, %ne3A_145 : i32
      %lt3A_147 = arith.constant 0 : i32
      %lt3A_148 = arith.cmpi slt, %rem3A_144, %lt3A_147 : i32
      %lt3A_149 = arith.constant 0 : i32
      %lt3A_150 = arith.cmpi slt, %select_n3A_143, %lt3A_149 : i32
      %ne3A_151 = arith.xori %lt3A_148, %lt3A_150 : i1
      %and3A_152 = arith.andi %ne3A_151, %ne3A_146 : i1
      %add3A_153 = arith.addi %rem3A_144, %select_n3A_143 : i32
      %select_n3A_154 = arith.select %and3A_152, %add3A_153, %rem3A_144 : i32
      %mul3A_155 = arith.constant 16 : i32
      %mul3A_156 = arith.muli %select_n3A_154, %mul3A_155 : i32
      %swap3A = arith.index_cast %select_n3A : i32 to index
      %swap3A_157 = arith.index_cast %mul3A_156 : i32 to index
      %swap3A_158 = tpu.vector_load %arg8[%swap3A, %swap3A_157] {strides = array<i32>} : memref<80x128xf32, #tpu.memory_space<vmem>>, vector<1x16xf32>,
      %swap3A_159 = vector.shape_cast %swap3A_158 : vector<1x16xf32> to vector<16xf32>
      %swap3A_160 = vector.shape_cast %broadcast_in_dim3A_123 : vector<16xf32> to vector<1x16xf32>
      tpu.vector_store %arg8[%swap3A, %swap3A_157], %swap3A_160 {strides = array<i32>} : memref<80x128xf32, #tpu.memory_space<vmem>>, vector<1x16xf32>,
    }
    %scan3A_5 = arith.constant 640 : i32
    %add3A_6 = arith.constant 0 : i32
    %add3A_7 = arith.addi %arg1, %add3A_6 : i32
    %lt3A = arith.constant 125 : i32
    %lt3A_8 = arith.cmpi slt, %add3A_7, %lt3A : i32
    %convert_element_type3A = arith.extui %lt3A_8 : i1 to i32
    %cond3A = arith.constant 0 : i32
    %cond3A_9 = arith.cmpi ne, %convert_element_type3A, %cond3A : i32
    scf.if %cond3A_9 {
      %mul3A_122 = arith.constant 80 : i32
      %mul3A_123 = arith.muli %add3A_7, %mul3A_122 : i32
      "tpu.region"() ({
        %run_scoped3A = tpu.sem_alloc : memref<!tpu.dma_semaphore, #tpu.memory_space<semaphore_mem>>
        %dma_start3A = arith.constant 0 : i32
        %dma_start3A_124 = tpu.memref_slice %arg9[%mul3A_123, %dma_start3A] : memref<10000x128xf32, #tpu.memory_space<vmem_shared>> -> memref<80x128xf32, #tpu.memory_space<vmem_shared>>
        %dma_start3A_125 = arith.constant 0 : i32
        %dma_start3A_126 = tpu.memref_slice %arg9[%mul3A_123, %dma_start3A_125] : memref<10000x128xf32, #tpu.memory_space<vmem_shared>> -> memref<80x128xf32, #tpu.memory_space<vmem_shared>>
        tpu.enqueue_dma source(%arg8 : memref<80x128xf32, #tpu.memory_space<vmem>>) target(%dma_start3A_126 : memref<80x128xf32, #tpu.memory_space<vmem_shared>>) target_semaphore(%run_scoped3A : memref<!tpu.dma_semaphore, #tpu.memory_space<semaphore_mem>>)
        %dma_wait3A = arith.constant 0 : i32
        %dma_wait3A_127 = tpu.memref_slice %arg9[%mul3A_123, %dma_wait3A] : memref<10000x128xf32, #tpu.memory_space<vmem_shared>> -> memref<80x128xf32, #tpu.memory_space<vmem_shared>>
        %dma_wait3A_128 = arith.constant 0 : i32
        %dma_wait3A_129 = tpu.memref_slice %arg9[%mul3A_123, %dma_wait3A_128] : memref<10000x128xf32, #tpu.memory_space<vmem_shared>> -> memref<80x128xf32, #tpu.memory_space<vmem_shared>>
        tpu.wait_dma2 semaphore(%run_scoped3A : memref<!tpu.dma_semaphore, #tpu.memory_space<semaphore_mem>>) src(%arg8 : memref<80x128xf32, #tpu.memory_space<vmem>>) dst(%dma_wait3A_129 : memref<80x128xf32, #tpu.memory_space<vmem_shared>>)
        tpu.yield
      }) : () -> ()
    } else {
    }
    %add3A_10 = arith.constant 16 : i32
    %add3A_11 = arith.addi %arg1, %add3A_10 : i32
    %lt3A_12 = arith.constant 125 : i32
    %lt3A_13 = arith.cmpi slt, %add3A_11, %lt3A_12 : i32
    %convert_element_type3A_14 = arith.extui %lt3A_13 : i1 to i32
    %cond3A_15 = arith.constant 0 : i32
    %cond3A_16 = arith.cmpi ne, %convert_element_type3A_14, %cond3A_15 : i32
    scf.if %cond3A_16 {
      %mul3A_122 = arith.constant 80 : i32
      %mul3A_123 = arith.muli %add3A_11, %mul3A_122 : i32
      "tpu.region"() ({
        %run_scoped3A = tpu.sem_alloc : memref<!tpu.dma_semaphore, #tpu.memory_space<semaphore_mem>>
        %dma_start3A = arith.constant 0 : i32
        %dma_start3A_124 = tpu.memref_slice %arg9[%mul3A_123, %dma_start3A] : memref<10000x128xf32, #tpu.memory_space<vmem_shared>> -> memref<80x128xf32, #tpu.memory_space<vmem_shared>>
        %dma_start3A_125 = arith.constant 0 : i32
        %dma_start3A_126 = tpu.memref_slice %arg9[%mul3A_123, %dma_start3A_125] : memref<10000x128xf32, #tpu.memory_space<vmem_shared>> -> memref<80x128xf32, #tpu.memory_space<vmem_shared>>
        tpu.enqueue_dma source(%arg8 : memref<80x128xf32, #tpu.memory_space<vmem>>) target(%dma_start3A_126 : memref<80x128xf32, #tpu.memory_space<vmem_shared>>) target_semaphore(%run_scoped3A : memref<!tpu.dma_semaphore, #tpu.memory_space<semaphore_mem>>)
        %dma_wait3A = arith.constant 0 : i32
        %dma_wait3A_127 = tpu.memref_slice %arg9[%mul3A_123, %dma_wait3A] : memref<10000x128xf32, #tpu.memory_space<vmem_shared>> -> memref<80x128xf32, #tpu.memory_space<vmem_shared>>
        %dma_wait3A_128 = arith.constant 0 : i32
        %dma_wait3A_129 = tpu.memref_slice %arg9[%mul3A_123, %dma_wait3A_128] : memref<10000x128xf32, #tpu.memory_space<vmem_shared>> -> memref<80x128xf32, #tpu.memory_space<vmem_shared>>
        tpu.wait_dma2 semaphore(%run_scoped3A : memref<!tpu.dma_semaphore, #tpu.memory_space<semaphore_mem>>) src(%arg8 : memref<80x128xf32, #tpu.memory_space<vmem>>) dst(%dma_wait3A_129 : memref<80x128xf32, #tpu.memory_space<vmem_shared>>)
        tpu.yield
      }) : () -> ()
    } else {
    }
    %add3A_17 = arith.constant 32 : i32
    %add3A_18 = arith.addi %arg1, %add3A_17 : i32
    %lt3A_19 = arith.constant 125 : i32
    %lt3A_20 = arith.cmpi slt, %add3A_18, %lt3A_19 : i32
    %convert_element_type3A_21 = arith.extui %lt3A_20 : i1 to i32
    %cond3A_22 = arith.constant 0 : i32
    %cond3A_23 = arith.cmpi ne, %convert_element_type3A_21, %cond3A_22 : i32
    scf.if %cond3A_23 {
      %mul3A_122 = arith.constant 80 : i32
      %mul3A_123 = arith.muli %add3A_18, %mul3A_122 : i32
      "tpu.region"() ({
        %run_scoped3A = tpu.sem_alloc : memref<!tpu.dma_semaphore, #tpu.memory_space<semaphore_mem>>
        %dma_start3A = arith.constant 0 : i32
        %dma_start3A_124 = tpu.memref_slice %arg9[%mul3A_123, %dma_start3A] : memref<10000x128xf32, #tpu.memory_space<vmem_shared>> -> memref<80x128xf32, #tpu.memory_space<vmem_shared>>
        %dma_start3A_125 = arith.constant 0 : i32
        %dma_start3A_126 = tpu.memref_slice %arg9[%mul3A_123, %dma_start3A_125] : memref<10000x128xf32, #tpu.memory_space<vmem_shared>> -> memref<80x128xf32, #tpu.memory_space<vmem_shared>>
        tpu.enqueue_dma source(%arg8 : memref<80x128xf32, #tpu.memory_space<vmem>>) target(%dma_start3A_126 : memref<80x128xf32, #tpu.memory_space<vmem_shared>>) target_semaphore(%run_scoped3A : memref<!tpu.dma_semaphore, #tpu.memory_space<semaphore_mem>>)
        %dma_wait3A = arith.constant 0 : i32
        %dma_wait3A_127 = tpu.memref_slice %arg9[%mul3A_123, %dma_wait3A] : memref<10000x128xf32, #tpu.memory_space<vmem_shared>> -> memref<80x128xf32, #tpu.memory_space<vmem_shared>>
        %dma_wait3A_128 = arith.constant 0 : i32
        %dma_wait3A_129 = tpu.memref_slice %arg9[%mul3A_123, %dma_wait3A_128] : memref<10000x128xf32, #tpu.memory_space<vmem_shared>> -> memref<80x128xf32, #tpu.memory_space<vmem_shared>>
        tpu.wait_dma2 semaphore(%run_scoped3A : memref<!tpu.dma_semaphore, #tpu.memory_space<semaphore_mem>>) src(%arg8 : memref<80x128xf32, #tpu.memory_space<vmem>>) dst(%dma_wait3A_129 : memref<80x128xf32, #tpu.memory_space<vmem_shared>>)
        tpu.yield
      }) : () -> ()
    } else {
    }
    %add3A_24 = arith.constant 48 : i32
    %add3A_25 = arith.addi %arg1, %add3A_24 : i32
    %lt3A_26 = arith.constant 125 : i32
    %lt3A_27 = arith.cmpi slt, %add3A_25, %lt3A_26 : i32
    %convert_element_type3A_28 = arith.extui %lt3A_27 : i1 to i32
    %cond3A_29 = arith.constant 0 : i32
    %cond3A_30 = arith.cmpi ne, %convert_element_type3A_28, %cond3A_29 : i32
    scf.if %cond3A_30 {
      %mul3A_122 = arith.constant 80 : i32
      %mul3A_123 = arith.muli %add3A_25, %mul3A_122 : i32
      "tpu.region"() ({
        %run_scoped3A = tpu.sem_alloc : memref<!tpu.dma_semaphore, #tpu.memory_space<semaphore_mem>>
        %dma_start3A = arith.constant 0 : i32
        %dma_start3A_124 = tpu.memref_slice %arg9[%mul3A_123, %dma_start3A] : memref<10000x128xf32, #tpu.memory_space<vmem_shared>> -> memref<80x128xf32, #tpu.memory_space<vmem_shared>>
        %dma_start3A_125 = arith.constant 0 : i32
        %dma_start3A_126 = tpu.memref_slice %arg9[%mul3A_123, %dma_start3A_125] : memref<10000x128xf32, #tpu.memory_space<vmem_shared>> -> memref<80x128xf32, #tpu.memory_space<vmem_shared>>
        tpu.enqueue_dma source(%arg8 : memref<80x128xf32, #tpu.memory_space<vmem>>) target(%dma_start3A_126 : memref<80x128xf32, #tpu.memory_space<vmem_shared>>) target_semaphore(%run_scoped3A : memref<!tpu.dma_semaphore, #tpu.memory_space<semaphore_mem>>)
        %dma_wait3A = arith.constant 0 : i32
        %dma_wait3A_127 = tpu.memref_slice %arg9[%mul3A_123, %dma_wait3A] : memref<10000x128xf32, #tpu.memory_space<vmem_shared>> -> memref<80x128xf32, #tpu.memory_space<vmem_shared>>
        %dma_wait3A_128 = arith.constant 0 : i32
        %dma_wait3A_129 = tpu.memref_slice %arg9[%mul3A_123, %dma_wait3A_128] : memref<10000x128xf32, #tpu.memory_space<vmem_shared>> -> memref<80x128xf32, #tpu.memory_space<vmem_shared>>
        tpu.wait_dma2 semaphore(%run_scoped3A : memref<!tpu.dma_semaphore, #tpu.memory_space<semaphore_mem>>) src(%arg8 : memref<80x128xf32, #tpu.memory_space<vmem>>) dst(%dma_wait3A_129 : memref<80x128xf32, #tpu.memory_space<vmem_shared>>)
        tpu.yield
      }) : () -> ()
    } else {
    }
    %add3A_31 = arith.constant 64 : i32
    %add3A_32 = arith.addi %arg1, %add3A_31 : i32
    %lt3A_33 = arith.constant 125 : i32
    %lt3A_34 = arith.cmpi slt, %add3A_32, %lt3A_33 : i32
    %convert_element_type3A_35 = arith.extui %lt3A_34 : i1 to i32
    %cond3A_36 = arith.constant 0 : i32
    %cond3A_37 = arith.cmpi ne, %convert_element_type3A_35, %cond3A_36 : i32
    scf.if %cond3A_37 {
      %mul3A_122 = arith.constant 80 : i32
      %mul3A_123 = arith.muli %add3A_32, %mul3A_122 : i32
      "tpu.region"() ({
        %run_scoped3A = tpu.sem_alloc : memref<!tpu.dma_semaphore, #tpu.memory_space<semaphore_mem>>
        %dma_start3A = arith.constant 0 : i32
        %dma_start3A_124 = tpu.memref_slice %arg9[%mul3A_123, %dma_start3A] : memref<10000x128xf32, #tpu.memory_space<vmem_shared>> -> memref<80x128xf32, #tpu.memory_space<vmem_shared>>
        %dma_start3A_125 = arith.constant 0 : i32
        %dma_start3A_126 = tpu.memref_slice %arg9[%mul3A_123, %dma_start3A_125] : memref<10000x128xf32, #tpu.memory_space<vmem_shared>> -> memref<80x128xf32, #tpu.memory_space<vmem_shared>>
        tpu.enqueue_dma source(%arg8 : memref<80x128xf32, #tpu.memory_space<vmem>>) target(%dma_start3A_126 : memref<80x128xf32, #tpu.memory_space<vmem_shared>>) target_semaphore(%run_scoped3A : memref<!tpu.dma_semaphore, #tpu.memory_space<semaphore_mem>>)
        %dma_wait3A = arith.constant 0 : i32
        %dma_wait3A_127 = tpu.memref_slice %arg9[%mul3A_123, %dma_wait3A] : memref<10000x128xf32, #tpu.memory_space<vmem_shared>> -> memref<80x128xf32, #tpu.memory_space<vmem_shared>>
        %dma_wait3A_128 = arith.constant 0 : i32
        %dma_wait3A_129 = tpu.memref_slice %arg9[%mul3A_123, %dma_wait3A_128] : memref<10000x128xf32, #tpu.memory_space<vmem_shared>> -> memref<80x128xf32, #tpu.memory_space<vmem_shared>>
        tpu.wait_dma2 semaphore(%run_scoped3A : memref<!tpu.dma_semaphore, #tpu.memory_space<semaphore_mem>>) src(%arg8 : memref<80x128xf32, #tpu.memory_space<vmem>>) dst(%dma_wait3A_129 : memref<80x128xf32, #tpu.memory_space<vmem_shared>>)
        tpu.yield
      }) : () -> ()
    } else {
    }
    %add3A_38 = arith.constant 80 : i32
    %add3A_39 = arith.addi %arg1, %add3A_38 : i32
    %lt3A_40 = arith.constant 125 : i32
    %lt3A_41 = arith.cmpi slt, %add3A_39, %lt3A_40 : i32
    %convert_element_type3A_42 = arith.extui %lt3A_41 : i1 to i32
    %cond3A_43 = arith.constant 0 : i32
    %cond3A_44 = arith.cmpi ne, %convert_element_type3A_42, %cond3A_43 : i32
    scf.if %cond3A_44 {
      %mul3A_122 = arith.constant 80 : i32
      %mul3A_123 = arith.muli %add3A_39, %mul3A_122 : i32
      "tpu.region"() ({
        %run_scoped3A = tpu.sem_alloc : memref<!tpu.dma_semaphore, #tpu.memory_space<semaphore_mem>>
        %dma_start3A = arith.constant 0 : i32
        %dma_start3A_124 = tpu.memref_slice %arg9[%mul3A_123, %dma_start3A] : memref<10000x128xf32, #tpu.memory_space<vmem_shared>> -> memref<80x128xf32, #tpu.memory_space<vmem_shared>>
        %dma_start3A_125 = arith.constant 0 : i32
        %dma_start3A_126 = tpu.memref_slice %arg9[%mul3A_123, %dma_start3A_125] : memref<10000x128xf32, #tpu.memory_space<vmem_shared>> -> memref<80x128xf32, #tpu.memory_space<vmem_shared>>
        tpu.enqueue_dma source(%arg8 : memref<80x128xf32, #tpu.memory_space<vmem>>) target(%dma_start3A_126 : memref<80x128xf32, #tpu.memory_space<vmem_shared>>) target_semaphore(%run_scoped3A : memref<!tpu.dma_semaphore, #tpu.memory_space<semaphore_mem>>)
        %dma_wait3A = arith.constant 0 : i32
        %dma_wait3A_127 = tpu.memref_slice %arg9[%mul3A_123, %dma_wait3A] : memref<10000x128xf32, #tpu.memory_space<vmem_shared>> -> memref<80x128xf32, #tpu.memory_space<vmem_shared>>
        %dma_wait3A_128 = arith.constant 0 : i32
        %dma_wait3A_129 = tpu.memref_slice %arg9[%mul3A_123, %dma_wait3A_128] : memref<10000x128xf32, #tpu.memory_space<vmem_shared>> -> memref<80x128xf32, #tpu.memory_space<vmem_shared>>
        tpu.wait_dma2 semaphore(%run_scoped3A : memref<!tpu.dma_semaphore, #tpu.memory_space<semaphore_mem>>) src(%arg8 : memref<80x128xf32, #tpu.memory_space<vmem>>) dst(%dma_wait3A_129 : memref<80x128xf32, #tpu.memory_space<vmem_shared>>)
        tpu.yield
      }) : () -> ()
    } else {
    }
    %add3A_45 = arith.constant 96 : i32
    %add3A_46 = arith.addi %arg1, %add3A_45 : i32
    %lt3A_47 = arith.constant 125 : i32
    %lt3A_48 = arith.cmpi slt, %add3A_46, %lt3A_47 : i32
    %convert_element_type3A_49 = arith.extui %lt3A_48 : i1 to i32
    %cond3A_50 = arith.constant 0 : i32
    %cond3A_51 = arith.cmpi ne, %convert_element_type3A_49, %cond3A_50 : i32
    scf.if %cond3A_51 {
      %mul3A_122 = arith.constant 80 : i32
      %mul3A_123 = arith.muli %add3A_46, %mul3A_122 : i32
      "tpu.region"() ({
        %run_scoped3A = tpu.sem_alloc : memref<!tpu.dma_semaphore, #tpu.memory_space<semaphore_mem>>
        %dma_start3A = arith.constant 0 : i32
        %dma_start3A_124 = tpu.memref_slice %arg9[%mul3A_123, %dma_start3A] : memref<10000x128xf32, #tpu.memory_space<vmem_shared>> -> memref<80x128xf32, #tpu.memory_space<vmem_shared>>
        %dma_start3A_125 = arith.constant 0 : i32
        %dma_start3A_126 = tpu.memref_slice %arg9[%mul3A_123, %dma_start3A_125] : memref<10000x128xf32, #tpu.memory_space<vmem_shared>> -> memref<80x128xf32, #tpu.memory_space<vmem_shared>>
        tpu.enqueue_dma source(%arg8 : memref<80x128xf32, #tpu.memory_space<vmem>>) target(%dma_start3A_126 : memref<80x128xf32, #tpu.memory_space<vmem_shared>>) target_semaphore(%run_scoped3A : memref<!tpu.dma_semaphore, #tpu.memory_space<semaphore_mem>>)
        %dma_wait3A = arith.constant 0 : i32
        %dma_wait3A_127 = tpu.memref_slice %arg9[%mul3A_123, %dma_wait3A] : memref<10000x128xf32, #tpu.memory_space<vmem_shared>> -> memref<80x128xf32, #tpu.memory_space<vmem_shared>>
        %dma_wait3A_128 = arith.constant 0 : i32
        %dma_wait3A_129 = tpu.memref_slice %arg9[%mul3A_123, %dma_wait3A_128] : memref<10000x128xf32, #tpu.memory_space<vmem_shared>> -> memref<80x128xf32, #tpu.memory_space<vmem_shared>>
        tpu.wait_dma2 semaphore(%run_scoped3A : memref<!tpu.dma_semaphore, #tpu.memory_space<semaphore_mem>>) src(%arg8 : memref<80x128xf32, #tpu.memory_space<vmem>>) dst(%dma_wait3A_129 : memref<80x128xf32, #tpu.memory_space<vmem_shared>>)
        tpu.yield
      }) : () -> ()
    } else {
    }
    %add3A_52 = arith.constant 112 : i32
    %add3A_53 = arith.addi %arg1, %add3A_52 : i32
    %lt3A_54 = arith.constant 125 : i32
    %lt3A_55 = arith.cmpi slt, %add3A_53, %lt3A_54 : i32
    %convert_element_type3A_56 = arith.extui %lt3A_55 : i1 to i32
    %cond3A_57 = arith.constant 0 : i32
    %cond3A_58 = arith.cmpi ne, %convert_element_type3A_56, %cond3A_57 : i32
    scf.if %cond3A_58 {
      %mul3A_122 = arith.constant 80 : i32
      %mul3A_123 = arith.muli %add3A_53, %mul3A_122 : i32
      "tpu.region"() ({
        %run_scoped3A = tpu.sem_alloc : memref<!tpu.dma_semaphore, #tpu.memory_space<semaphore_mem>>
        %dma_start3A = arith.constant 0 : i32
        %dma_start3A_124 = tpu.memref_slice %arg9[%mul3A_123, %dma_start3A] : memref<10000x128xf32, #tpu.memory_space<vmem_shared>> -> memref<80x128xf32, #tpu.memory_space<vmem_shared>>
        %dma_start3A_125 = arith.constant 0 : i32
        %dma_start3A_126 = tpu.memref_slice %arg9[%mul3A_123, %dma_start3A_125] : memref<10000x128xf32, #tpu.memory_space<vmem_shared>> -> memref<80x128xf32, #tpu.memory_space<vmem_shared>>
        tpu.enqueue_dma source(%arg8 : memref<80x128xf32, #tpu.memory_space<vmem>>) target(%dma_start3A_126 : memref<80x128xf32, #tpu.memory_space<vmem_shared>>) target_semaphore(%run_scoped3A : memref<!tpu.dma_semaphore, #tpu.memory_space<semaphore_mem>>)
        %dma_wait3A = arith.constant 0 : i32
        %dma_wait3A_127 = tpu.memref_slice %arg9[%mul3A_123, %dma_wait3A] : memref<10000x128xf32, #tpu.memory_space<vmem_shared>> -> memref<80x128xf32, #tpu.memory_space<vmem_shared>>
        %dma_wait3A_128 = arith.constant 0 : i32
        %dma_wait3A_129 = tpu.memref_slice %arg9[%mul3A_123, %dma_wait3A_128] : memref<10000x128xf32, #tpu.memory_space<vmem_shared>> -> memref<80x128xf32, #tpu.memory_space<vmem_shared>>
        tpu.wait_dma2 semaphore(%run_scoped3A : memref<!tpu.dma_semaphore, #tpu.memory_space<semaphore_mem>>) src(%arg8 : memref<80x128xf32, #tpu.memory_space<vmem>>) dst(%dma_wait3A_129 : memref<80x128xf32, #tpu.memory_space<vmem_shared>>)
        tpu.yield
      }) : () -> ()
    } else {
    }
    %barrier3A = arith.constant 0 : index
    tpu.barrier barrier_id(%barrier3A)
    %scan3A_59 = arith.constant 0 : i32
    %scan3A_60 = arith.constant 0 : i32
    %scan3A_61 = arith.constant 125 : i32
    %scan3A_62 = arith.addi %scan3A_60, %scan3A_61 : i32
    %scan3A_63 = arith.constant 1 : i32
    scf.for %scan3A_122 = %scan3A_60 to %scan3A_62 step %scan3A_63  : i32 {
      %dma_start3A = arith.constant 0 : i32
      %dma_start3A_123 = tpu.memref_slice %arg6[%scan3A_122, %dma_start3A] : memref<125x80xi32, #tpu.memory_space<vmem>> -> memref<1x80xi32, #tpu.memory_space<vmem>>
      %dma_start3A_124 = tpu.memref_squeeze %dma_start3A_123 : memref<1x80xi32, #tpu.memory_space<vmem>> -> memref<80xi32, #tpu.memory_space<vmem>>
      %dma_start3A_125 = arith.constant 0 : i32
      %dma_start3A_126 = arith.constant 0 : i32
      %dma_start3A_127 = tpu.memref_slice %arg2[%dma_start3A_125, %dma_start3A_126] : memref<10000x128xf32, #tpu.memory_space<hbm>> -> memref<10000x128xf32, #tpu.memory_space<hbm>>
      tpu.enqueue_indirect_dma source(%dma_start3A_127 : memref<10000x128xf32, #tpu.memory_space<hbm>>) target(%arg8 : memref<80x128xf32, #tpu.memory_space<vmem>>) offsets(%dma_start3A_124 : memref<80xi32, #tpu.memory_space<vmem>>) semaphore(%arg10 : memref<!tpu.dma_semaphore, #tpu.memory_space<semaphore_mem>>)
      %dma_wait3A = arith.constant 0 : i32
      %dma_wait3A_128 = tpu.memref_slice %arg6[%scan3A_122, %dma_wait3A] : memref<125x80xi32, #tpu.memory_space<vmem>> -> memref<1x80xi32, #tpu.memory_space<vmem>>
      %dma_wait3A_129 = tpu.memref_squeeze %dma_wait3A_128 : memref<1x80xi32, #tpu.memory_space<vmem>> -> memref<80xi32, #tpu.memory_space<vmem>>
      %dma_wait3A_130 = arith.constant 0 : i32
      %dma_wait3A_131 = arith.constant 0 : i32
      %dma_wait3A_132 = tpu.memref_slice %arg2[%dma_wait3A_130, %dma_wait3A_131] : memref<10000x128xf32, #tpu.memory_space<hbm>> -> memref<10000x128xf32, #tpu.memory_space<hbm>>
      tpu.wait_indirect_dma semaphore(%arg10 : memref<!tpu.dma_semaphore, #tpu.memory_space<semaphore_mem>>) src(%dma_wait3A_132 : memref<10000x128xf32, #tpu.memory_space<hbm>>) dst(%arg8 : memref<80x128xf32, #tpu.memory_space<vmem>>)
      "tpu.region"() ({
        %run_scoped3A = tpu.sem_alloc : memref<!tpu.dma_semaphore, #tpu.memory_space<semaphore_mem>>
        %dma_start3A_133 = arith.constant 0 : i32
        %dma_start3A_134 = tpu.memref_slice %arg7[%scan3A_122, %dma_start3A_133] : memref<125x80xi32, #tpu.memory_space<vmem>> -> memref<1x80xi32, #tpu.memory_space<vmem>>
        %dma_start3A_135 = tpu.memref_squeeze %dma_start3A_134 : memref<1x80xi32, #tpu.memory_space<vmem>> -> memref<80xi32, #tpu.memory_space<vmem>>
        %dma_start3A_136 = arith.constant 0 : i32
        %dma_start3A_137 = arith.constant 0 : i32
        %dma_start3A_138 = tpu.memref_slice %arg9[%dma_start3A_136, %dma_start3A_137] : memref<10000x128xf32, #tpu.memory_space<vmem_shared>> -> memref<10000x128xf32, #tpu.memory_space<vmem_shared>>
        tpu.enqueue_indirect_dma source(%arg8 : memref<80x128xf32, #tpu.memory_space<vmem>>) target(%dma_start3A_138 : memref<10000x128xf32, #tpu.memory_space<vmem_shared>>) offsets(%dma_start3A_135 : memref<80xi32, #tpu.memory_space<vmem>>) semaphore(%run_scoped3A : memref<!tpu.dma_semaphore, #tpu.memory_space<semaphore_mem>>) {add = true}
        %dma_wait3A_139 = arith.constant 0 : i32
        %dma_wait3A_140 = tpu.memref_slice %arg7[%scan3A_122, %dma_wait3A_139] : memref<125x80xi32, #tpu.memory_space<vmem>> -> memref<1x80xi32, #tpu.memory_space<vmem>>
        %dma_wait3A_141 = tpu.memref_squeeze %dma_wait3A_140 : memref<1x80xi32, #tpu.memory_space<vmem>> -> memref<80xi32, #tpu.memory_space<vmem>>
        %dma_wait3A_142 = arith.constant 0 : i32
        %dma_wait3A_143 = arith.constant 0 : i32
        %dma_wait3A_144 = tpu.memref_slice %arg9[%dma_wait3A_142, %dma_wait3A_143] : memref<10000x128xf32, #tpu.memory_space<vmem_shared>> -> memref<10000x128xf32, #tpu.memory_space<vmem_shared>>
        tpu.wait_indirect_dma semaphore(%run_scoped3A : memref<!tpu.dma_semaphore, #tpu.memory_space<semaphore_mem>>) src(%arg8 : memref<80x128xf32, #tpu.memory_space<vmem>>) dst(%dma_wait3A_144 : memref<10000x128xf32, #tpu.memory_space<vmem_shared>>)
        tpu.yield
      }) : () -> ()
    }
    %scan3A_64 = arith.constant 125 : i32
    %barrier3A_65 = arith.constant 0 : index
    tpu.barrier barrier_id(%barrier3A_65)
    %add3A_66 = arith.constant 0 : i32
    %add3A_67 = arith.addi %arg1, %add3A_66 : i32
    %lt3A_68 = arith.constant 125 : i32
    %lt3A_69 = arith.cmpi slt, %add3A_67, %lt3A_68 : i32
    %convert_element_type3A_70 = arith.extui %lt3A_69 : i1 to i32
    %cond3A_71 = arith.constant 0 : i32
    %cond3A_72 = arith.cmpi ne, %convert_element_type3A_70, %cond3A_71 : i32
    scf.if %cond3A_72 {
      %mul3A_122 = arith.constant 80 : i32
      %mul3A_123 = arith.muli %add3A_67, %mul3A_122 : i32
      "tpu.region"() ({
        %run_scoped3A = tpu.sem_alloc : memref<!tpu.dma_semaphore, #tpu.memory_space<semaphore_mem>>
        %dma_start3A = arith.constant 0 : i32
        %dma_start3A_126 = tpu.memref_slice %arg9[%mul3A_123, %dma_start3A] : memref<10000x128xf32, #tpu.memory_space<vmem_shared>> -> memref<80x128xf32, #tpu.memory_space<vmem_shared>>
        %dma_start3A_127 = arith.constant 0 : i32
        %dma_start3A_128 = tpu.memref_slice %arg9[%mul3A_123, %dma_start3A_127] : memref<10000x128xf32, #tpu.memory_space<vmem_shared>> -> memref<80x128xf32, #tpu.memory_space<vmem_shared>>
        tpu.enqueue_dma source(%dma_start3A_128 : memref<80x128xf32, #tpu.memory_space<vmem_shared>>) target(%arg8 : memref<80x128xf32, #tpu.memory_space<vmem>>) target_semaphore(%run_scoped3A : memref<!tpu.dma_semaphore, #tpu.memory_space<semaphore_mem>>)
        %dma_wait3A = arith.constant 0 : i32
        %dma_wait3A_129 = tpu.memref_slice %arg9[%mul3A_123, %dma_wait3A] : memref<10000x128xf32, #tpu.memory_space<vmem_shared>> -> memref<80x128xf32, #tpu.memory_space<vmem_shared>>
        %dma_wait3A_130 = arith.constant 0 : i32
        %dma_wait3A_131 = tpu.memref_slice %arg9[%mul3A_123, %dma_wait3A_130] : memref<10000x128xf32, #tpu.memory_space<vmem_shared>> -> memref<80x128xf32, #tpu.memory_space<vmem_shared>>
        tpu.wait_dma2 semaphore(%run_scoped3A : memref<!tpu.dma_semaphore, #tpu.memory_space<semaphore_mem>>) src(%dma_wait3A_131 : memref<80x128xf32, #tpu.memory_space<vmem_shared>>) dst(%arg8 : memref<80x128xf32, #tpu.memory_space<vmem>>)
        tpu.yield
      }) : () -> ()
      %mul3A_124 = arith.constant 80 : i32
      %mul3A_125 = arith.muli %add3A_67, %mul3A_124 : i32
      "tpu.region"() ({
        %run_scoped3A = tpu.sem_alloc : memref<!tpu.dma_semaphore, #tpu.memory_space<semaphore_mem>>
        %dma_start3A = arith.constant 0 : i32
        %dma_start3A_126 = tpu.memref_slice %arg5[%arg0, %mul3A_125, %dma_start3A] : memref<2x10000x128xf32, #tpu.memory_space<hbm>> -> memref<1x80x128xf32, #tpu.memory_space<hbm>>
        %dma_start3A_127 = tpu.memref_squeeze %dma_start3A_126 : memref<1x80x128xf32, #tpu.memory_space<hbm>> -> memref<80x128xf32, #tpu.memory_space<hbm>>
        %dma_start3A_128 = arith.constant 0 : i32
        %dma_start3A_129 = tpu.memref_slice %arg5[%arg0, %mul3A_125, %dma_start3A_128] : memref<2x10000x128xf32, #tpu.memory_space<hbm>> -> memref<1x80x128xf32, #tpu.memory_space<hbm>>
        %dma_start3A_130 = tpu.memref_squeeze %dma_start3A_129 : memref<1x80x128xf32, #tpu.memory_space<hbm>> -> memref<80x128xf32, #tpu.memory_space<hbm>>
        tpu.enqueue_dma source(%arg8 : memref<80x128xf32, #tpu.memory_space<vmem>>) target(%dma_start3A_130 : memref<80x128xf32, #tpu.memory_space<hbm>>) target_semaphore(%run_scoped3A : memref<!tpu.dma_semaphore, #tpu.memory_space<semaphore_mem>>)
        %dma_wait3A = arith.constant 0 : i32
        %dma_wait3A_131 = tpu.memref_slice %arg5[%arg0, %mul3A_125, %dma_wait3A] : memref<2x10000x128xf32, #tpu.memory_space<hbm>> -> memref<1x80x128xf32, #tpu.memory_space<hbm>>
        %dma_wait3A_132 = tpu.memref_squeeze %dma_wait3A_131 : memref<1x80x128xf32, #tpu.memory_space<hbm>> -> memref<80x128xf32, #tpu.memory_space<hbm>>
        %dma_wait3A_133 = arith.constant 0 : i32
        %dma_wait3A_134 = tpu.memref_slice %arg5[%arg0, %mul3A_125, %dma_wait3A_133] : memref<2x10000x128xf32, #tpu.memory_space<hbm>> -> memref<1x80x128xf32, #tpu.memory_space<hbm>>
        %dma_wait3A_135 = tpu.memref_squeeze %dma_wait3A_134 : memref<1x80x128xf32, #tpu.memory_space<hbm>> -> memref<80x128xf32, #tpu.memory_space<hbm>>
        tpu.wait_dma2 semaphore(%run_scoped3A : memref<!tpu.dma_semaphore, #tpu.memory_space<semaphore_mem>>) src(%arg8 : memref<80x128xf32, #tpu.memory_space<vmem>>) dst(%dma_wait3A_135 : memref<80x128xf32, #tpu.memory_space<hbm>>)
        tpu.yield
      }) : () -> ()
    } else {
    }
    %add3A_73 = arith.constant 16 : i32
    %add3A_74 = arith.addi %arg1, %add3A_73 : i32
    %lt3A_75 = arith.constant 125 : i32
    %lt3A_76 = arith.cmpi slt, %add3A_74, %lt3A_75 : i32
    %convert_element_type3A_77 = arith.extui %lt3A_76 : i1 to i32
    %cond3A_78 = arith.constant 0 : i32
    %cond3A_79 = arith.cmpi ne, %convert_element_type3A_77, %cond3A_78 : i32
    scf.if %cond3A_79 {
      %mul3A_122 = arith.constant 80 : i32
      %mul3A_123 = arith.muli %add3A_74, %mul3A_122 : i32
      "tpu.region"() ({
        %run_scoped3A = tpu.sem_alloc : memref<!tpu.dma_semaphore, #tpu.memory_space<semaphore_mem>>
        %dma_start3A = arith.constant 0 : i32
        %dma_start3A_126 = tpu.memref_slice %arg9[%mul3A_123, %dma_start3A] : memref<10000x128xf32, #tpu.memory_space<vmem_shared>> -> memref<80x128xf32, #tpu.memory_space<vmem_shared>>
        %dma_start3A_127 = arith.constant 0 : i32
        %dma_start3A_128 = tpu.memref_slice %arg9[%mul3A_123, %dma_start3A_127] : memref<10000x128xf32, #tpu.memory_space<vmem_shared>> -> memref<80x128xf32, #tpu.memory_space<vmem_shared>>
        tpu.enqueue_dma source(%dma_start3A_128 : memref<80x128xf32, #tpu.memory_space<vmem_shared>>) target(%arg8 : memref<80x128xf32, #tpu.memory_space<vmem>>) target_semaphore(%run_scoped3A : memref<!tpu.dma_semaphore, #tpu.memory_space<semaphore_mem>>)
        %dma_wait3A = arith.constant 0 : i32
        %dma_wait3A_129 = tpu.memref_slice %arg9[%mul3A_123, %dma_wait3A] : memref<10000x128xf32, #tpu.memory_space<vmem_shared>> -> memref<80x128xf32, #tpu.memory_space<vmem_shared>>
        %dma_wait3A_130 = arith.constant 0 : i32
        %dma_wait3A_131 = tpu.memref_slice %arg9[%mul3A_123, %dma_wait3A_130] : memref<10000x128xf32, #tpu.memory_space<vmem_shared>> -> memref<80x128xf32, #tpu.memory_space<vmem_shared>>
        tpu.wait_dma2 semaphore(%run_scoped3A : memref<!tpu.dma_semaphore, #tpu.memory_space<semaphore_mem>>) src(%dma_wait3A_131 : memref<80x128xf32, #tpu.memory_space<vmem_shared>>) dst(%arg8 : memref<80x128xf32, #tpu.memory_space<vmem>>)
        tpu.yield
      }) : () -> ()
      %mul3A_124 = arith.constant 80 : i32
      %mul3A_125 = arith.muli %add3A_74, %mul3A_124 : i32
      "tpu.region"() ({
        %run_scoped3A = tpu.sem_alloc : memref<!tpu.dma_semaphore, #tpu.memory_space<semaphore_mem>>
        %dma_start3A = arith.constant 0 : i32
        %dma_start3A_126 = tpu.memref_slice %arg5[%arg0, %mul3A_125, %dma_start3A] : memref<2x10000x128xf32, #tpu.memory_space<hbm>> -> memref<1x80x128xf32, #tpu.memory_space<hbm>>
        %dma_start3A_127 = tpu.memref_squeeze %dma_start3A_126 : memref<1x80x128xf32, #tpu.memory_space<hbm>> -> memref<80x128xf32, #tpu.memory_space<hbm>>
        %dma_start3A_128 = arith.constant 0 : i32
        %dma_start3A_129 = tpu.memref_slice %arg5[%arg0, %mul3A_125, %dma_start3A_128] : memref<2x10000x128xf32, #tpu.memory_space<hbm>> -> memref<1x80x128xf32, #tpu.memory_space<hbm>>
        %dma_start3A_130 = tpu.memref_squeeze %dma_start3A_129 : memref<1x80x128xf32, #tpu.memory_space<hbm>> -> memref<80x128xf32, #tpu.memory_space<hbm>>
        tpu.enqueue_dma source(%arg8 : memref<80x128xf32, #tpu.memory_space<vmem>>) target(%dma_start3A_130 : memref<80x128xf32, #tpu.memory_space<hbm>>) target_semaphore(%run_scoped3A : memref<!tpu.dma_semaphore, #tpu.memory_space<semaphore_mem>>)
        %dma_wait3A = arith.constant 0 : i32
        %dma_wait3A_131 = tpu.memref_slice %arg5[%arg0, %mul3A_125, %dma_wait3A] : memref<2x10000x128xf32, #tpu.memory_space<hbm>> -> memref<1x80x128xf32, #tpu.memory_space<hbm>>
        %dma_wait3A_132 = tpu.memref_squeeze %dma_wait3A_131 : memref<1x80x128xf32, #tpu.memory_space<hbm>> -> memref<80x128xf32, #tpu.memory_space<hbm>>
        %dma_wait3A_133 = arith.constant 0 : i32
        %dma_wait3A_134 = tpu.memref_slice %arg5[%arg0, %mul3A_125, %dma_wait3A_133] : memref<2x10000x128xf32, #tpu.memory_space<hbm>> -> memref<1x80x128xf32, #tpu.memory_space<hbm>>
        %dma_wait3A_135 = tpu.memref_squeeze %dma_wait3A_134 : memref<1x80x128xf32, #tpu.memory_space<hbm>> -> memref<80x128xf32, #tpu.memory_space<hbm>>
        tpu.wait_dma2 semaphore(%run_scoped3A : memref<!tpu.dma_semaphore, #tpu.memory_space<semaphore_mem>>) src(%arg8 : memref<80x128xf32, #tpu.memory_space<vmem>>) dst(%dma_wait3A_135 : memref<80x128xf32, #tpu.memory_space<hbm>>)
        tpu.yield
      }) : () -> ()
    } else {
    }
    %add3A_80 = arith.constant 32 : i32
    %add3A_81 = arith.addi %arg1, %add3A_80 : i32
    %lt3A_82 = arith.constant 125 : i32
    %lt3A_83 = arith.cmpi slt, %add3A_81, %lt3A_82 : i32
    %convert_element_type3A_84 = arith.extui %lt3A_83 : i1 to i32
    %cond3A_85 = arith.constant 0 : i32
    %cond3A_86 = arith.cmpi ne, %convert_element_type3A_84, %cond3A_85 : i32
    scf.if %cond3A_86 {
      %mul3A_122 = arith.constant 80 : i32
      %mul3A_123 = arith.muli %add3A_81, %mul3A_122 : i32
      "tpu.region"() ({
        %run_scoped3A = tpu.sem_alloc : memref<!tpu.dma_semaphore, #tpu.memory_space<semaphore_mem>>
        %dma_start3A = arith.constant 0 : i32
        %dma_start3A_126 = tpu.memref_slice %arg9[%mul3A_123, %dma_start3A] : memref<10000x128xf32, #tpu.memory_space<vmem_shared>> -> memref<80x128xf32, #tpu.memory_space<vmem_shared>>
        %dma_start3A_127 = arith.constant 0 : i32
        %dma_start3A_128 = tpu.memref_slice %arg9[%mul3A_123, %dma_start3A_127] : memref<10000x128xf32, #tpu.memory_space<vmem_shared>> -> memref<80x128xf32, #tpu.memory_space<vmem_shared>>
        tpu.enqueue_dma source(%dma_start3A_128 : memref<80x128xf32, #tpu.memory_space<vmem_shared>>) target(%arg8 : memref<80x128xf32, #tpu.memory_space<vmem>>) target_semaphore(%run_scoped3A : memref<!tpu.dma_semaphore, #tpu.memory_space<semaphore_mem>>)
        %dma_wait3A = arith.constant 0 : i32
        %dma_wait3A_129 = tpu.memref_slice %arg9[%mul3A_123, %dma_wait3A] : memref<10000x128xf32, #tpu.memory_space<vmem_shared>> -> memref<80x128xf32, #tpu.memory_space<vmem_shared>>
        %dma_wait3A_130 = arith.constant 0 : i32
        %dma_wait3A_131 = tpu.memref_slice %arg9[%mul3A_123, %dma_wait3A_130] : memref<10000x128xf32, #tpu.memory_space<vmem_shared>> -> memref<80x128xf32, #tpu.memory_space<vmem_shared>>
        tpu.wait_dma2 semaphore(%run_scoped3A : memref<!tpu.dma_semaphore, #tpu.memory_space<semaphore_mem>>) src(%dma_wait3A_131 : memref<80x128xf32, #tpu.memory_space<vmem_shared>>) dst(%arg8 : memref<80x128xf32, #tpu.memory_space<vmem>>)
        tpu.yield
      }) : () -> ()
      %mul3A_124 = arith.constant 80 : i32
      %mul3A_125 = arith.muli %add3A_81, %mul3A_124 : i32
      "tpu.region"() ({
        %run_scoped3A = tpu.sem_alloc : memref<!tpu.dma_semaphore, #tpu.memory_space<semaphore_mem>>
        %dma_start3A = arith.constant 0 : i32
        %dma_start3A_126 = tpu.memref_slice %arg5[%arg0, %mul3A_125, %dma_start3A] : memref<2x10000x128xf32, #tpu.memory_space<hbm>> -> memref<1x80x128xf32, #tpu.memory_space<hbm>>
        %dma_start3A_127 = tpu.memref_squeeze %dma_start3A_126 : memref<1x80x128xf32, #tpu.memory_space<hbm>> -> memref<80x128xf32, #tpu.memory_space<hbm>>
        %dma_start3A_128 = arith.constant 0 : i32
        %dma_start3A_129 = tpu.memref_slice %arg5[%arg0, %mul3A_125, %dma_start3A_128] : memref<2x10000x128xf32, #tpu.memory_space<hbm>> -> memref<1x80x128xf32, #tpu.memory_space<hbm>>
        %dma_start3A_130 = tpu.memref_squeeze %dma_start3A_129 : memref<1x80x128xf32, #tpu.memory_space<hbm>> -> memref<80x128xf32, #tpu.memory_space<hbm>>
        tpu.enqueue_dma source(%arg8 : memref<80x128xf32, #tpu.memory_space<vmem>>) target(%dma_start3A_130 : memref<80x128xf32, #tpu.memory_space<hbm>>) target_semaphore(%run_scoped3A : memref<!tpu.dma_semaphore, #tpu.memory_space<semaphore_mem>>)
        %dma_wait3A = arith.constant 0 : i32
        %dma_wait3A_131 = tpu.memref_slice %arg5[%arg0, %mul3A_125, %dma_wait3A] : memref<2x10000x128xf32, #tpu.memory_space<hbm>> -> memref<1x80x128xf32, #tpu.memory_space<hbm>>
        %dma_wait3A_132 = tpu.memref_squeeze %dma_wait3A_131 : memref<1x80x128xf32, #tpu.memory_space<hbm>> -> memref<80x128xf32, #tpu.memory_space<hbm>>
        %dma_wait3A_133 = arith.constant 0 : i32
        %dma_wait3A_134 = tpu.memref_slice %arg5[%arg0, %mul3A_125, %dma_wait3A_133] : memref<2x10000x128xf32, #tpu.memory_space<hbm>> -> memref<1x80x128xf32, #tpu.memory_space<hbm>>
        %dma_wait3A_135 = tpu.memref_squeeze %dma_wait3A_134 : memref<1x80x128xf32, #tpu.memory_space<hbm>> -> memref<80x128xf32, #tpu.memory_space<hbm>>
        tpu.wait_dma2 semaphore(%run_scoped3A : memref<!tpu.dma_semaphore, #tpu.memory_space<semaphore_mem>>) src(%arg8 : memref<80x128xf32, #tpu.memory_space<vmem>>) dst(%dma_wait3A_135 : memref<80x128xf32, #tpu.memory_space<hbm>>)
        tpu.yield
      }) : () -> ()
    } else {
    }
    %add3A_87 = arith.constant 48 : i32
    %add3A_88 = arith.addi %arg1, %add3A_87 : i32
    %lt3A_89 = arith.constant 125 : i32
    %lt3A_90 = arith.cmpi slt, %add3A_88, %lt3A_89 : i32
    %convert_element_type3A_91 = arith.extui %lt3A_90 : i1 to i32
    %cond3A_92 = arith.constant 0 : i32
    %cond3A_93 = arith.cmpi ne, %convert_element_type3A_91, %cond3A_92 : i32
    scf.if %cond3A_93 {
      %mul3A_122 = arith.constant 80 : i32
      %mul3A_123 = arith.muli %add3A_88, %mul3A_122 : i32
      "tpu.region"() ({
        %run_scoped3A = tpu.sem_alloc : memref<!tpu.dma_semaphore, #tpu.memory_space<semaphore_mem>>
        %dma_start3A = arith.constant 0 : i32
        %dma_start3A_126 = tpu.memref_slice %arg9[%mul3A_123, %dma_start3A] : memref<10000x128xf32, #tpu.memory_space<vmem_shared>> -> memref<80x128xf32, #tpu.memory_space<vmem_shared>>
        %dma_start3A_127 = arith.constant 0 : i32
        %dma_start3A_128 = tpu.memref_slice %arg9[%mul3A_123, %dma_start3A_127] : memref<10000x128xf32, #tpu.memory_space<vmem_shared>> -> memref<80x128xf32, #tpu.memory_space<vmem_shared>>
        tpu.enqueue_dma source(%dma_start3A_128 : memref<80x128xf32, #tpu.memory_space<vmem_shared>>) target(%arg8 : memref<80x128xf32, #tpu.memory_space<vmem>>) target_semaphore(%run_scoped3A : memref<!tpu.dma_semaphore, #tpu.memory_space<semaphore_mem>>)
        %dma_wait3A = arith.constant 0 : i32
        %dma_wait3A_129 = tpu.memref_slice %arg9[%mul3A_123, %dma_wait3A] : memref<10000x128xf32, #tpu.memory_space<vmem_shared>> -> memref<80x128xf32, #tpu.memory_space<vmem_shared>>
        %dma_wait3A_130 = arith.constant 0 : i32
        %dma_wait3A_131 = tpu.memref_slice %arg9[%mul3A_123, %dma_wait3A_130] : memref<10000x128xf32, #tpu.memory_space<vmem_shared>> -> memref<80x128xf32, #tpu.memory_space<vmem_shared>>
        tpu.wait_dma2 semaphore(%run_scoped3A : memref<!tpu.dma_semaphore, #tpu.memory_space<semaphore_mem>>) src(%dma_wait3A_131 : memref<80x128xf32, #tpu.memory_space<vmem_shared>>) dst(%arg8 : memref<80x128xf32, #tpu.memory_space<vmem>>)
        tpu.yield
      }) : () -> ()
      %mul3A_124 = arith.constant 80 : i32
      %mul3A_125 = arith.muli %add3A_88, %mul3A_124 : i32
      "tpu.region"() ({
        %run_scoped3A = tpu.sem_alloc : memref<!tpu.dma_semaphore, #tpu.memory_space<semaphore_mem>>
        %dma_start3A = arith.constant 0 : i32
        %dma_start3A_126 = tpu.memref_slice %arg5[%arg0, %mul3A_125, %dma_start3A] : memref<2x10000x128xf32, #tpu.memory_space<hbm>> -> memref<1x80x128xf32, #tpu.memory_space<hbm>>
        %dma_start3A_127 = tpu.memref_squeeze %dma_start3A_126 : memref<1x80x128xf32, #tpu.memory_space<hbm>> -> memref<80x128xf32, #tpu.memory_space<hbm>>
        %dma_start3A_128 = arith.constant 0 : i32
        %dma_start3A_129 = tpu.memref_slice %arg5[%arg0, %mul3A_125, %dma_start3A_128] : memref<2x10000x128xf32, #tpu.memory_space<hbm>> -> memref<1x80x128xf32, #tpu.memory_space<hbm>>
        %dma_start3A_130 = tpu.memref_squeeze %dma_start3A_129 : memref<1x80x128xf32, #tpu.memory_space<hbm>> -> memref<80x128xf32, #tpu.memory_space<hbm>>
        tpu.enqueue_dma source(%arg8 : memref<80x128xf32, #tpu.memory_space<vmem>>) target(%dma_start3A_130 : memref<80x128xf32, #tpu.memory_space<hbm>>) target_semaphore(%run_scoped3A : memref<!tpu.dma_semaphore, #tpu.memory_space<semaphore_mem>>)
        %dma_wait3A = arith.constant 0 : i32
        %dma_wait3A_131 = tpu.memref_slice %arg5[%arg0, %mul3A_125, %dma_wait3A] : memref<2x10000x128xf32, #tpu.memory_space<hbm>> -> memref<1x80x128xf32, #tpu.memory_space<hbm>>
        %dma_wait3A_132 = tpu.memref_squeeze %dma_wait3A_131 : memref<1x80x128xf32, #tpu.memory_space<hbm>> -> memref<80x128xf32, #tpu.memory_space<hbm>>
        %dma_wait3A_133 = arith.constant 0 : i32
        %dma_wait3A_134 = tpu.memref_slice %arg5[%arg0, %mul3A_125, %dma_wait3A_133] : memref<2x10000x128xf32, #tpu.memory_space<hbm>> -> memref<1x80x128xf32, #tpu.memory_space<hbm>>
        %dma_wait3A_135 = tpu.memref_squeeze %dma_wait3A_134 : memref<1x80x128xf32, #tpu.memory_space<hbm>> -> memref<80x128xf32, #tpu.memory_space<hbm>>
        tpu.wait_dma2 semaphore(%run_scoped3A : memref<!tpu.dma_semaphore, #tpu.memory_space<semaphore_mem>>) src(%arg8 : memref<80x128xf32, #tpu.memory_space<vmem>>) dst(%dma_wait3A_135 : memref<80x128xf32, #tpu.memory_space<hbm>>)
        tpu.yield
      }) : () -> ()
    } else {
    }
    %add3A_94 = arith.constant 64 : i32
    %add3A_95 = arith.addi %arg1, %add3A_94 : i32
    %lt3A_96 = arith.constant 125 : i32
    %lt3A_97 = arith.cmpi slt, %add3A_95, %lt3A_96 : i32
    %convert_element_type3A_98 = arith.extui %lt3A_97 : i1 to i32
    %cond3A_99 = arith.constant 0 : i32
    %cond3A_100 = arith.cmpi ne, %convert_element_type3A_98, %cond3A_99 : i32
    scf.if %cond3A_100 {
      %mul3A_122 = arith.constant 80 : i32
      %mul3A_123 = arith.muli %add3A_95, %mul3A_122 : i32
      "tpu.region"() ({
        %run_scoped3A = tpu.sem_alloc : memref<!tpu.dma_semaphore, #tpu.memory_space<semaphore_mem>>
        %dma_start3A = arith.constant 0 : i32
        %dma_start3A_126 = tpu.memref_slice %arg9[%mul3A_123, %dma_start3A] : memref<10000x128xf32, #tpu.memory_space<vmem_shared>> -> memref<80x128xf32, #tpu.memory_space<vmem_shared>>
        %dma_start3A_127 = arith.constant 0 : i32
        %dma_start3A_128 = tpu.memref_slice %arg9[%mul3A_123, %dma_start3A_127] : memref<10000x128xf32, #tpu.memory_space<vmem_shared>> -> memref<80x128xf32, #tpu.memory_space<vmem_shared>>
        tpu.enqueue_dma source(%dma_start3A_128 : memref<80x128xf32, #tpu.memory_space<vmem_shared>>) target(%arg8 : memref<80x128xf32, #tpu.memory_space<vmem>>) target_semaphore(%run_scoped3A : memref<!tpu.dma_semaphore, #tpu.memory_space<semaphore_mem>>)
        %dma_wait3A = arith.constant 0 : i32
        %dma_wait3A_129 = tpu.memref_slice %arg9[%mul3A_123, %dma_wait3A] : memref<10000x128xf32, #tpu.memory_space<vmem_shared>> -> memref<80x128xf32, #tpu.memory_space<vmem_shared>>
        %dma_wait3A_130 = arith.constant 0 : i32
        %dma_wait3A_131 = tpu.memref_slice %arg9[%mul3A_123, %dma_wait3A_130] : memref<10000x128xf32, #tpu.memory_space<vmem_shared>> -> memref<80x128xf32, #tpu.memory_space<vmem_shared>>
        tpu.wait_dma2 semaphore(%run_scoped3A : memref<!tpu.dma_semaphore, #tpu.memory_space<semaphore_mem>>) src(%dma_wait3A_131 : memref<80x128xf32, #tpu.memory_space<vmem_shared>>) dst(%arg8 : memref<80x128xf32, #tpu.memory_space<vmem>>)
        tpu.yield
      }) : () -> ()
      %mul3A_124 = arith.constant 80 : i32
      %mul3A_125 = arith.muli %add3A_95, %mul3A_124 : i32
      "tpu.region"() ({
        %run_scoped3A = tpu.sem_alloc : memref<!tpu.dma_semaphore, #tpu.memory_space<semaphore_mem>>
        %dma_start3A = arith.constant 0 : i32
        %dma_start3A_126 = tpu.memref_slice %arg5[%arg0, %mul3A_125, %dma_start3A] : memref<2x10000x128xf32, #tpu.memory_space<hbm>> -> memref<1x80x128xf32, #tpu.memory_space<hbm>>
        %dma_start3A_127 = tpu.memref_squeeze %dma_start3A_126 : memref<1x80x128xf32, #tpu.memory_space<hbm>> -> memref<80x128xf32, #tpu.memory_space<hbm>>
        %dma_start3A_128 = arith.constant 0 : i32
        %dma_start3A_129 = tpu.memref_slice %arg5[%arg0, %mul3A_125, %dma_start3A_128] : memref<2x10000x128xf32, #tpu.memory_space<hbm>> -> memref<1x80x128xf32, #tpu.memory_space<hbm>>
        %dma_start3A_130 = tpu.memref_squeeze %dma_start3A_129 : memref<1x80x128xf32, #tpu.memory_space<hbm>> -> memref<80x128xf32, #tpu.memory_space<hbm>>
        tpu.enqueue_dma source(%arg8 : memref<80x128xf32, #tpu.memory_space<vmem>>) target(%dma_start3A_130 : memref<80x128xf32, #tpu.memory_space<hbm>>) target_semaphore(%run_scoped3A : memref<!tpu.dma_semaphore, #tpu.memory_space<semaphore_mem>>)
        %dma_wait3A = arith.constant 0 : i32
        %dma_wait3A_131 = tpu.memref_slice %arg5[%arg0, %mul3A_125, %dma_wait3A] : memref<2x10000x128xf32, #tpu.memory_space<hbm>> -> memref<1x80x128xf32, #tpu.memory_space<hbm>>
        %dma_wait3A_132 = tpu.memref_squeeze %dma_wait3A_131 : memref<1x80x128xf32, #tpu.memory_space<hbm>> -> memref<80x128xf32, #tpu.memory_space<hbm>>
        %dma_wait3A_133 = arith.constant 0 : i32
        %dma_wait3A_134 = tpu.memref_slice %arg5[%arg0, %mul3A_125, %dma_wait3A_133] : memref<2x10000x128xf32, #tpu.memory_space<hbm>> -> memref<1x80x128xf32, #tpu.memory_space<hbm>>
        %dma_wait3A_135 = tpu.memref_squeeze %dma_wait3A_134 : memref<1x80x128xf32, #tpu.memory_space<hbm>> -> memref<80x128xf32, #tpu.memory_space<hbm>>
        tpu.wait_dma2 semaphore(%run_scoped3A : memref<!tpu.dma_semaphore, #tpu.memory_space<semaphore_mem>>) src(%arg8 : memref<80x128xf32, #tpu.memory_space<vmem>>) dst(%dma_wait3A_135 : memref<80x128xf32, #tpu.memory_space<hbm>>)
        tpu.yield
      }) : () -> ()
    } else {
    }
    %add3A_101 = arith.constant 80 : i32
    %add3A_102 = arith.addi %arg1, %add3A_101 : i32
    %lt3A_103 = arith.constant 125 : i32
    %lt3A_104 = arith.cmpi slt, %add3A_102, %lt3A_103 : i32
    %convert_element_type3A_105 = arith.extui %lt3A_104 : i1 to i32
    %cond3A_106 = arith.constant 0 : i32
    %cond3A_107 = arith.cmpi ne, %convert_element_type3A_105, %cond3A_106 : i32
    scf.if %cond3A_107 {
      %mul3A_122 = arith.constant 80 : i32
      %mul3A_123 = arith.muli %add3A_102, %mul3A_122 : i32
      "tpu.region"() ({
        %run_scoped3A = tpu.sem_alloc : memref<!tpu.dma_semaphore, #tpu.memory_space<semaphore_mem>>
        %dma_start3A = arith.constant 0 : i32
        %dma_start3A_126 = tpu.memref_slice %arg9[%mul3A_123, %dma_start3A] : memref<10000x128xf32, #tpu.memory_space<vmem_shared>> -> memref<80x128xf32, #tpu.memory_space<vmem_shared>>
        %dma_start3A_127 = arith.constant 0 : i32
        %dma_start3A_128 = tpu.memref_slice %arg9[%mul3A_123, %dma_start3A_127] : memref<10000x128xf32, #tpu.memory_space<vmem_shared>> -> memref<80x128xf32, #tpu.memory_space<vmem_shared>>
        tpu.enqueue_dma source(%dma_start3A_128 : memref<80x128xf32, #tpu.memory_space<vmem_shared>>) target(%arg8 : memref<80x128xf32, #tpu.memory_space<vmem>>) target_semaphore(%run_scoped3A : memref<!tpu.dma_semaphore, #tpu.memory_space<semaphore_mem>>)
        %dma_wait3A = arith.constant 0 : i32
        %dma_wait3A_129 = tpu.memref_slice %arg9[%mul3A_123, %dma_wait3A] : memref<10000x128xf32, #tpu.memory_space<vmem_shared>> -> memref<80x128xf32, #tpu.memory_space<vmem_shared>>
        %dma_wait3A_130 = arith.constant 0 : i32
        %dma_wait3A_131 = tpu.memref_slice %arg9[%mul3A_123, %dma_wait3A_130] : memref<10000x128xf32, #tpu.memory_space<vmem_shared>> -> memref<80x128xf32, #tpu.memory_space<vmem_shared>>
        tpu.wait_dma2 semaphore(%run_scoped3A : memref<!tpu.dma_semaphore, #tpu.memory_space<semaphore_mem>>) src(%dma_wait3A_131 : memref<80x128xf32, #tpu.memory_space<vmem_shared>>) dst(%arg8 : memref<80x128xf32, #tpu.memory_space<vmem>>)
        tpu.yield
      }) : () -> ()
      %mul3A_124 = arith.constant 80 : i32
      %mul3A_125 = arith.muli %add3A_102, %mul3A_124 : i32
      "tpu.region"() ({
        %run_scoped3A = tpu.sem_alloc : memref<!tpu.dma_semaphore, #tpu.memory_space<semaphore_mem>>
        %dma_start3A = arith.constant 0 : i32
        %dma_start3A_126 = tpu.memref_slice %arg5[%arg0, %mul3A_125, %dma_start3A] : memref<2x10000x128xf32, #tpu.memory_space<hbm>> -> memref<1x80x128xf32, #tpu.memory_space<hbm>>
        %dma_start3A_127 = tpu.memref_squeeze %dma_start3A_126 : memref<1x80x128xf32, #tpu.memory_space<hbm>> -> memref<80x128xf32, #tpu.memory_space<hbm>>
        %dma_start3A_128 = arith.constant 0 : i32
        %dma_start3A_129 = tpu.memref_slice %arg5[%arg0, %mul3A_125, %dma_start3A_128] : memref<2x10000x128xf32, #tpu.memory_space<hbm>> -> memref<1x80x128xf32, #tpu.memory_space<hbm>>
        %dma_start3A_130 = tpu.memref_squeeze %dma_start3A_129 : memref<1x80x128xf32, #tpu.memory_space<hbm>> -> memref<80x128xf32, #tpu.memory_space<hbm>>
        tpu.enqueue_dma source(%arg8 : memref<80x128xf32, #tpu.memory_space<vmem>>) target(%dma_start3A_130 : memref<80x128xf32, #tpu.memory_space<hbm>>) target_semaphore(%run_scoped3A : memref<!tpu.dma_semaphore, #tpu.memory_space<semaphore_mem>>)
        %dma_wait3A = arith.constant 0 : i32
        %dma_wait3A_131 = tpu.memref_slice %arg5[%arg0, %mul3A_125, %dma_wait3A] : memref<2x10000x128xf32, #tpu.memory_space<hbm>> -> memref<1x80x128xf32, #tpu.memory_space<hbm>>
        %dma_wait3A_132 = tpu.memref_squeeze %dma_wait3A_131 : memref<1x80x128xf32, #tpu.memory_space<hbm>> -> memref<80x128xf32, #tpu.memory_space<hbm>>
        %dma_wait3A_133 = arith.constant 0 : i32
        %dma_wait3A_134 = tpu.memref_slice %arg5[%arg0, %mul3A_125, %dma_wait3A_133] : memref<2x10000x128xf32, #tpu.memory_space<hbm>> -> memref<1x80x128xf32, #tpu.memory_space<hbm>>
        %dma_wait3A_135 = tpu.memref_squeeze %dma_wait3A_134 : memref<1x80x128xf32, #tpu.memory_space<hbm>> -> memref<80x128xf32, #tpu.memory_space<hbm>>
        tpu.wait_dma2 semaphore(%run_scoped3A : memref<!tpu.dma_semaphore, #tpu.memory_space<semaphore_mem>>) src(%arg8 : memref<80x128xf32, #tpu.memory_space<vmem>>) dst(%dma_wait3A_135 : memref<80x128xf32, #tpu.memory_space<hbm>>)
        tpu.yield
      }) : () -> ()
    } else {
    }
    %add3A_108 = arith.constant 96 : i32
    %add3A_109 = arith.addi %arg1, %add3A_108 : i32
    %lt3A_110 = arith.constant 125 : i32
    %lt3A_111 = arith.cmpi slt, %add3A_109, %lt3A_110 : i32
    %convert_element_type3A_112 = arith.extui %lt3A_111 : i1 to i32
    %cond3A_113 = arith.constant 0 : i32
    %cond3A_114 = arith.cmpi ne, %convert_element_type3A_112, %cond3A_113 : i32
    scf.if %cond3A_114 {
      %mul3A_122 = arith.constant 80 : i32
      %mul3A_123 = arith.muli %add3A_109, %mul3A_122 : i32
      "tpu.region"() ({
        %run_scoped3A = tpu.sem_alloc : memref<!tpu.dma_semaphore, #tpu.memory_space<semaphore_mem>>
        %dma_start3A = arith.constant 0 : i32
        %dma_start3A_126 = tpu.memref_slice %arg9[%mul3A_123, %dma_start3A] : memref<10000x128xf32, #tpu.memory_space<vmem_shared>> -> memref<80x128xf32, #tpu.memory_space<vmem_shared>>
        %dma_start3A_127 = arith.constant 0 : i32
        %dma_start3A_128 = tpu.memref_slice %arg9[%mul3A_123, %dma_start3A_127] : memref<10000x128xf32, #tpu.memory_space<vmem_shared>> -> memref<80x128xf32, #tpu.memory_space<vmem_shared>>
        tpu.enqueue_dma source(%dma_start3A_128 : memref<80x128xf32, #tpu.memory_space<vmem_shared>>) target(%arg8 : memref<80x128xf32, #tpu.memory_space<vmem>>) target_semaphore(%run_scoped3A : memref<!tpu.dma_semaphore, #tpu.memory_space<semaphore_mem>>)
        %dma_wait3A = arith.constant 0 : i32
        %dma_wait3A_129 = tpu.memref_slice %arg9[%mul3A_123, %dma_wait3A] : memref<10000x128xf32, #tpu.memory_space<vmem_shared>> -> memref<80x128xf32, #tpu.memory_space<vmem_shared>>
        %dma_wait3A_130 = arith.constant 0 : i32
        %dma_wait3A_131 = tpu.memref_slice %arg9[%mul3A_123, %dma_wait3A_130] : memref<10000x128xf32, #tpu.memory_space<vmem_shared>> -> memref<80x128xf32, #tpu.memory_space<vmem_shared>>
        tpu.wait_dma2 semaphore(%run_scoped3A : memref<!tpu.dma_semaphore, #tpu.memory_space<semaphore_mem>>) src(%dma_wait3A_131 : memref<80x128xf32, #tpu.memory_space<vmem_shared>>) dst(%arg8 : memref<80x128xf32, #tpu.memory_space<vmem>>)
        tpu.yield
      }) : () -> ()
      %mul3A_124 = arith.constant 80 : i32
      %mul3A_125 = arith.muli %add3A_109, %mul3A_124 : i32
      "tpu.region"() ({
        %run_scoped3A = tpu.sem_alloc : memref<!tpu.dma_semaphore, #tpu.memory_space<semaphore_mem>>
        %dma_start3A = arith.constant 0 : i32
        %dma_start3A_126 = tpu.memref_slice %arg5[%arg0, %mul3A_125, %dma_start3A] : memref<2x10000x128xf32, #tpu.memory_space<hbm>> -> memref<1x80x128xf32, #tpu.memory_space<hbm>>
        %dma_start3A_127 = tpu.memref_squeeze %dma_start3A_126 : memref<1x80x128xf32, #tpu.memory_space<hbm>> -> memref<80x128xf32, #tpu.memory_space<hbm>>
        %dma_start3A_128 = arith.constant 0 : i32
        %dma_start3A_129 = tpu.memref_slice %arg5[%arg0, %mul3A_125, %dma_start3A_128] : memref<2x10000x128xf32, #tpu.memory_space<hbm>> -> memref<1x80x128xf32, #tpu.memory_space<hbm>>
        %dma_start3A_130 = tpu.memref_squeeze %dma_start3A_129 : memref<1x80x128xf32, #tpu.memory_space<hbm>> -> memref<80x128xf32, #tpu.memory_space<hbm>>
        tpu.enqueue_dma source(%arg8 : memref<80x128xf32, #tpu.memory_space<vmem>>) target(%dma_start3A_130 : memref<80x128xf32, #tpu.memory_space<hbm>>) target_semaphore(%run_scoped3A : memref<!tpu.dma_semaphore, #tpu.memory_space<semaphore_mem>>)
        %dma_wait3A = arith.constant 0 : i32
        %dma_wait3A_131 = tpu.memref_slice %arg5[%arg0, %mul3A_125, %dma_wait3A] : memref<2x10000x128xf32, #tpu.memory_space<hbm>> -> memref<1x80x128xf32, #tpu.memory_space<hbm>>
        %dma_wait3A_132 = tpu.memref_squeeze %dma_wait3A_131 : memref<1x80x128xf32, #tpu.memory_space<hbm>> -> memref<80x128xf32, #tpu.memory_space<hbm>>
        %dma_wait3A_133 = arith.constant 0 : i32
        %dma_wait3A_134 = tpu.memref_slice %arg5[%arg0, %mul3A_125, %dma_wait3A_133] : memref<2x10000x128xf32, #tpu.memory_space<hbm>> -> memref<1x80x128xf32, #tpu.memory_space<hbm>>
        %dma_wait3A_135 = tpu.memref_squeeze %dma_wait3A_134 : memref<1x80x128xf32, #tpu.memory_space<hbm>> -> memref<80x128xf32, #tpu.memory_space<hbm>>
        tpu.wait_dma2 semaphore(%run_scoped3A : memref<!tpu.dma_semaphore, #tpu.memory_space<semaphore_mem>>) src(%arg8 : memref<80x128xf32, #tpu.memory_space<vmem>>) dst(%dma_wait3A_135 : memref<80x128xf32, #tpu.memory_space<hbm>>)
        tpu.yield
      }) : () -> ()
    } else {
    }
    %add3A_115 = arith.constant 112 : i32
    %add3A_116 = arith.addi %arg1, %add3A_115 : i32
    %lt3A_117 = arith.constant 125 : i32
    %lt3A_118 = arith.cmpi slt, %add3A_116, %lt3A_117 : i32
    %convert_element_type3A_119 = arith.extui %lt3A_118 : i1 to i32
    %cond3A_120 = arith.constant 0 : i32
    %cond3A_121 = arith.cmpi ne, %convert_element_type3A_119, %cond3A_120 : i32
    scf.if %cond3A_121 {
      %mul3A_122 = arith.constant 80 : i32
      %mul3A_123 = arith.muli %add3A_116, %mul3A_122 : i32
      "tpu.region"() ({
        %run_scoped3A = tpu.sem_alloc : memref<!tpu.dma_semaphore, #tpu.memory_space<semaphore_mem>>
        %dma_start3A = arith.constant 0 : i32
        %dma_start3A_126 = tpu.memref_slice %arg9[%mul3A_123, %dma_start3A] : memref<10000x128xf32, #tpu.memory_space<vmem_shared>> -> memref<80x128xf32, #tpu.memory_space<vmem_shared>>
        %dma_start3A_127 = arith.constant 0 : i32
        %dma_start3A_128 = tpu.memref_slice %arg9[%mul3A_123, %dma_start3A_127] : memref<10000x128xf32, #tpu.memory_space<vmem_shared>> -> memref<80x128xf32, #tpu.memory_space<vmem_shared>>
        tpu.enqueue_dma source(%dma_start3A_128 : memref<80x128xf32, #tpu.memory_space<vmem_shared>>) target(%arg8 : memref<80x128xf32, #tpu.memory_space<vmem>>) target_semaphore(%run_scoped3A : memref<!tpu.dma_semaphore, #tpu.memory_space<semaphore_mem>>)
        %dma_wait3A = arith.constant 0 : i32
        %dma_wait3A_129 = tpu.memref_slice %arg9[%mul3A_123, %dma_wait3A] : memref<10000x128xf32, #tpu.memory_space<vmem_shared>> -> memref<80x128xf32, #tpu.memory_space<vmem_shared>>
        %dma_wait3A_130 = arith.constant 0 : i32
        %dma_wait3A_131 = tpu.memref_slice %arg9[%mul3A_123, %dma_wait3A_130] : memref<10000x128xf32, #tpu.memory_space<vmem_shared>> -> memref<80x128xf32, #tpu.memory_space<vmem_shared>>
        tpu.wait_dma2 semaphore(%run_scoped3A : memref<!tpu.dma_semaphore, #tpu.memory_space<semaphore_mem>>) src(%dma_wait3A_131 : memref<80x128xf32, #tpu.memory_space<vmem_shared>>) dst(%arg8 : memref<80x128xf32, #tpu.memory_space<vmem>>)
        tpu.yield
      }) : () -> ()
      %mul3A_124 = arith.constant 80 : i32
      %mul3A_125 = arith.muli %add3A_116, %mul3A_124 : i32
      "tpu.region"() ({
        %run_scoped3A = tpu.sem_alloc : memref<!tpu.dma_semaphore, #tpu.memory_space<semaphore_mem>>
        %dma_start3A = arith.constant 0 : i32
        %dma_start3A_126 = tpu.memref_slice %arg5[%arg0, %mul3A_125, %dma_start3A] : memref<2x10000x128xf32, #tpu.memory_space<hbm>> -> memref<1x80x128xf32, #tpu.memory_space<hbm>>
        %dma_start3A_127 = tpu.memref_squeeze %dma_start3A_126 : memref<1x80x128xf32, #tpu.memory_space<hbm>> -> memref<80x128xf32, #tpu.memory_space<hbm>>
        %dma_start3A_128 = arith.constant 0 : i32
        %dma_start3A_129 = tpu.memref_slice %arg5[%arg0, %mul3A_125, %dma_start3A_128] : memref<2x10000x128xf32, #tpu.memory_space<hbm>> -> memref<1x80x128xf32, #tpu.memory_space<hbm>>
        %dma_start3A_130 = tpu.memref_squeeze %dma_start3A_129 : memref<1x80x128xf32, #tpu.memory_space<hbm>> -> memref<80x128xf32, #tpu.memory_space<hbm>>
        tpu.enqueue_dma source(%arg8 : memref<80x128xf32, #tpu.memory_space<vmem>>) target(%dma_start3A_130 : memref<80x128xf32, #tpu.memory_space<hbm>>) target_semaphore(%run_scoped3A : memref<!tpu.dma_semaphore, #tpu.memory_space<semaphore_mem>>)
        %dma_wait3A = arith.constant 0 : i32
        %dma_wait3A_131 = tpu.memref_slice %arg5[%arg0, %mul3A_125, %dma_wait3A] : memref<2x10000x128xf32, #tpu.memory_space<hbm>> -> memref<1x80x128xf32, #tpu.memory_space<hbm>>
        %dma_wait3A_132 = tpu.memref_squeeze %dma_wait3A_131 : memref<1x80x128xf32, #tpu.memory_space<hbm>> -> memref<80x128xf32, #tpu.memory_space<hbm>>
        %dma_wait3A_133 = arith.constant 0 : i32
        %dma_wait3A_134 = tpu.memref_slice %arg5[%arg0, %mul3A_125, %dma_wait3A_133] : memref<2x10000x128xf32, #tpu.memory_space<hbm>> -> memref<1x80x128xf32, #tpu.memory_space<hbm>>
        %dma_wait3A_135 = tpu.memref_squeeze %dma_wait3A_134 : memref<1x80x128xf32, #tpu.memory_space<hbm>> -> memref<80x128xf32, #tpu.memory_space<hbm>>
        tpu.wait_dma2 semaphore(%run_scoped3A : memref<!tpu.dma_semaphore, #tpu.memory_space<semaphore_mem>>) src(%arg8 : memref<80x128xf32, #tpu.memory_space<vmem>>) dst(%dma_wait3A_135 : memref<80x128xf32, #tpu.memory_space<hbm>>)
        tpu.yield
      }) : () -> ()
    } else {
    }
    return
  }
}

module attributes {stable_mosaic.version = 14 : i64} {
  func.func @_combine_body(%arg0: i32, %arg1: memref<2x2000x128xf32, #tpu.memory_space<vmem>>, %arg2: memref<2000x128xf32, #tpu.memory_space<vmem>>) attributes {dimension_semantics = [#tpu.dimension_semantics<arbitrary>], iteration_bounds = array<i64: 5>, scalar_prefetch = 0 : i64, scratch_operands = 0 : i64, tpu.core_type = #tpu.core_type<tc>, window_params = [{transform_indices = @transform_0, window_bounds = array<i64: 2, 2000, 128>}, {transform_indices = @transform_1, window_bounds = array<i64: 2000, 128>}]} {
    %get3A = arith.constant 0 : index
    %get3A_0 = arith.constant 0 : index
    %get3A_1 = arith.constant 0 : index
    %get3A_2 = vector.load %arg1[%get3A, %get3A_0, %get3A_1] : memref<2x2000x128xf32, #tpu.memory_space<vmem>>, vector<1x2000x128xf32>
    %get3A_3 = vector.shape_cast %get3A_2 : vector<1x2000x128xf32> to vector<2000x128xf32>
    %get3A_4 = arith.constant 1 : index
    %get3A_5 = arith.constant 0 : index
    %get3A_6 = arith.constant 0 : index
    %get3A_7 = vector.load %arg1[%get3A_4, %get3A_5, %get3A_6] : memref<2x2000x128xf32, #tpu.memory_space<vmem>>, vector<1x2000x128xf32>
    %get3A_8 = vector.shape_cast %get3A_7 : vector<1x2000x128xf32> to vector<2000x128xf32>
    %add3A = arith.addf %get3A_3, %get3A_8 : vector<2000x128xf32>
    %swap3A = arith.constant 0 : index
    %swap3A_9 = arith.constant 0 : index
    %swap3A_10 = vector.load %arg2[%swap3A, %swap3A_9] : memref<2000x128xf32, #tpu.memory_space<vmem>>, vector<2000x128xf32>
    tpu.vector_store %arg2[%swap3A, %swap3A_9], %add3A {strides = array<i32>} : memref<2000x128xf32, #tpu.memory_space<vmem>>, vector<2000x128xf32>,
    return
  }
  func.func @transform_0(%arg0: i32) -> (i32, i32, i32) {
    %c0_i32 = arith.constant 0 : i32
    %c0_i32_0 = arith.constant 0 : i32
    %c0_i32_1 = arith.constant 0 : i32
    return %c0_i32, %arg0, %c0_i32_0 : i32, i32, i32
  }
  func.func @transform_1(%arg0: i32) -> (i32, i32) {
    %c0_i32 = arith.constant 0 : i32
    %c0_i32_0 = arith.constant 0 : i32
    return %arg0, %c0_i32 : i32, i32
  }
}

module attributes {stable_mosaic.version = 14 : i64} {
  func.func @_pre_body(%arg0: i32, %arg1: memref<2000x128xf32, #tpu.memory_space<vmem>>, %arg2: memref<128x128xf32, #tpu.memory_space<vmem>>, %arg3: memref<1x128xf32, #tpu.memory_space<vmem>>, %arg4: memref<1x128xf32, #tpu.memory_space<vmem>>, %arg5: memref<1x128xf32, #tpu.memory_space<vmem>>, %arg6: memref<128x128xf32, #tpu.memory_space<vmem>>, %arg7: memref<1x128xf32, #tpu.memory_space<vmem>>, %arg8: memref<2000x128xf32, #tpu.memory_space<vmem>>, %arg9: memref<2000x128xf32, #tpu.memory_space<vmem>>) attributes {dimension_semantics = [#tpu.dimension_semantics<arbitrary>], iteration_bounds = array<i64: 5>, scalar_prefetch = 0 : i64, scratch_operands = 0 : i64, tpu.core_type = #tpu.core_type<tc>, window_params = [{transform_indices = @transform_0, window_bounds = array<i64: 2000, 128>}, {pipeline_mode = #tpu.pipeline_mode<synchronous>, transform_indices = @transform_1, window_bounds = array<i64: 128, 128>}, {pipeline_mode = #tpu.pipeline_mode<synchronous>, transform_indices = @transform_2, window_bounds = array<i64: 1, 128>}, {pipeline_mode = #tpu.pipeline_mode<synchronous>, transform_indices = @transform_3, window_bounds = array<i64: 1, 128>}, {pipeline_mode = #tpu.pipeline_mode<synchronous>, transform_indices = @transform_4, window_bounds = array<i64: 1, 128>}, {pipeline_mode = #tpu.pipeline_mode<synchronous>, transform_indices = @transform_5, window_bounds = array<i64: 128, 128>}, {pipeline_mode = #tpu.pipeline_mode<synchronous>, transform_indices = @transform_6, window_bounds = array<i64: 1, 128>}, {transform_indices = @transform_7, window_bounds = array<i64: 2000, 128>}, {transform_indices = @transform_8, window_bounds = array<i64: 2000, 128>}]} {
    %get3A = arith.constant 0 : index
    %get3A_0 = arith.constant 0 : index
    %get3A_1 = vector.load %arg1[%get3A, %get3A_0] : memref<2000x128xf32, #tpu.memory_space<vmem>>, vector<2000x128xf32>
    %get3A_2 = arith.constant 0 : index
    %get3A_3 = arith.constant 0 : index
    %get3A_4 = vector.load %arg2[%get3A_2, %get3A_3] : memref<128x128xf32, #tpu.memory_space<vmem>>, vector<128x128xf32>
    %dot_general3A = arith.constant dense<0.000000e+00> : vector<2000x128xf32>
    %dot_general3A_5 = tpu.matmul %get3A_1, %get3A_4, %dot_general3A {dimension_numbers = #tpu.dot_dimension_numbers<[1], [0], [0], [1], [0, 0, 1, 1], [], []>, transpose_lhs_hint = false} : vector<2000x128xf32>, vector<128x128xf32>, vector<2000x128xf32> -> vector<2000x128xf32>
    %get3A_6 = arith.constant 0 : index
    %get3A_7 = arith.constant 0 : index
    %get3A_8 = vector.load %arg3[%get3A_6, %get3A_7] : memref<1x128xf32, #tpu.memory_space<vmem>>, vector<1x128xf32>
    %add3A = vector.broadcast %get3A_8 : vector<1x128xf32> to vector<2000x128xf32>
    %add3A_9 = arith.addf %dot_general3A_5, %add3A : vector<2000x128xf32>
    %max3A = arith.constant 0.000000e+00 : f32
    %max3A_10 = vector.broadcast %max3A : f32 to vector<2000x128xf32>
    %max3A_11 = arith.maximumf %add3A_9, %max3A_10 : vector<2000x128xf32>
    %swap3A = arith.constant 0 : index
    %swap3A_12 = arith.constant 0 : index
    %swap3A_13 = vector.load %arg8[%swap3A, %swap3A_12] : memref<2000x128xf32, #tpu.memory_space<vmem>>, vector<2000x128xf32>
    tpu.vector_store %arg8[%swap3A, %swap3A_12], %max3A_11 {strides = array<i32>} : memref<2000x128xf32, #tpu.memory_space<vmem>>, vector<2000x128xf32>,
    %get3A_14 = arith.constant 0 : index
    %get3A_15 = arith.constant 0 : index
    %get3A_16 = vector.load %arg4[%get3A_14, %get3A_15] : memref<1x128xf32, #tpu.memory_space<vmem>>, vector<1x128xf32>
    %get3A_17 = arith.constant 0 : index
    %get3A_18 = arith.constant 0 : index
    %get3A_19 = vector.load %arg5[%get3A_17, %get3A_18] : memref<1x128xf32, #tpu.memory_space<vmem>>, vector<1x128xf32>
    %reduce_sum3A = arith.constant dense<0.000000e+00> : vector<2000xf32>
    %reduce_sum3A_20 = vector.multi_reduction <add>, %max3A_11, %reduce_sum3A [1] : vector<2000x128xf32> to vector<2000xf32>
    %broadcast_in_dim3A = vector.shape_cast %reduce_sum3A_20 : vector<2000xf32> to vector<2000x1xf32>
    %div3A = arith.constant 1.280000e+02 : f32
    %div3A_21 = vector.broadcast %div3A : f32 to vector<2000x1xf32>
    %div3A_22 = arith.divf %broadcast_in_dim3A, %div3A_21 : vector<2000x1xf32>
    %sub3A = vector.broadcast %div3A_22 : vector<2000x1xf32> to vector<2000x128xf32>
    %sub3A_23 = arith.subf %max3A_11, %sub3A : vector<2000x128xf32>
    %integer_pow3A = arith.mulf %sub3A_23, %sub3A_23 : vector<2000x128xf32>
    %reduce_sum3A_24 = arith.constant dense<0.000000e+00> : vector<2000xf32>
    %reduce_sum3A_25 = vector.multi_reduction <add>, %integer_pow3A, %reduce_sum3A_24 [1] : vector<2000x128xf32> to vector<2000xf32>
    %broadcast_in_dim3A_26 = vector.shape_cast %reduce_sum3A_25 : vector<2000xf32> to vector<2000x1xf32>
    %div3A_27 = arith.constant 1.280000e+02 : f32
    %div3A_28 = vector.broadcast %div3A_27 : f32 to vector<2000x1xf32>
    %div3A_29 = arith.divf %broadcast_in_dim3A_26, %div3A_28 : vector<2000x1xf32>
    %sub3A_30 = vector.broadcast %div3A_22 : vector<2000x1xf32> to vector<2000x128xf32>
    %sub3A_31 = arith.subf %max3A_11, %sub3A_30 : vector<2000x128xf32>
    %add3A_32 = arith.constant 9.99999974E-6 : f32
    %add3A_33 = vector.broadcast %add3A_32 : f32 to vector<2000x1xf32>
    %add3A_34 = arith.addf %div3A_29, %add3A_33 : vector<2000x1xf32>
    %sqrt3A = math.sqrt %add3A_34 : vector<2000x1xf32>
    %div3A_35 = vector.broadcast %sqrt3A : vector<2000x1xf32> to vector<2000x128xf32>
    %div3A_36 = arith.divf %sub3A_31, %div3A_35 : vector<2000x128xf32>
    %mul3A = vector.broadcast %get3A_16 : vector<1x128xf32> to vector<2000x128xf32>
    %mul3A_37 = arith.mulf %div3A_36, %mul3A : vector<2000x128xf32>
    %add3A_38 = vector.broadcast %get3A_19 : vector<1x128xf32> to vector<2000x128xf32>
    %add3A_39 = arith.addf %mul3A_37, %add3A_38 : vector<2000x128xf32>
    %get3A_40 = arith.constant 0 : index
    %get3A_41 = arith.constant 0 : index
    %get3A_42 = vector.load %arg6[%get3A_40, %get3A_41] : memref<128x128xf32, #tpu.memory_space<vmem>>, vector<128x128xf32>
    %dot_general3A_43 = arith.constant dense<0.000000e+00> : vector<2000x128xf32>
    %dot_general3A_44 = tpu.matmul %add3A_39, %get3A_42, %dot_general3A_43 {dimension_numbers = #tpu.dot_dimension_numbers<[1], [0], [0], [1], [0, 0, 1, 1], [], []>, transpose_lhs_hint = false} : vector<2000x128xf32>, vector<128x128xf32>, vector<2000x128xf32> -> vector<2000x128xf32>
    %get3A_45 = arith.constant 0 : index
    %get3A_46 = arith.constant 0 : index
    %get3A_47 = vector.load %arg7[%get3A_45, %get3A_46] : memref<1x128xf32, #tpu.memory_space<vmem>>, vector<1x128xf32>
    %add3A_48 = vector.broadcast %get3A_47 : vector<1x128xf32> to vector<2000x128xf32>
    %add3A_49 = arith.addf %dot_general3A_44, %add3A_48 : vector<2000x128xf32>
    %swap3A_50 = arith.constant 0 : index
    %swap3A_51 = arith.constant 0 : index
    %swap3A_52 = vector.load %arg9[%swap3A_50, %swap3A_51] : memref<2000x128xf32, #tpu.memory_space<vmem>>, vector<2000x128xf32>
    tpu.vector_store %arg9[%swap3A_50, %swap3A_51], %add3A_49 {strides = array<i32>} : memref<2000x128xf32, #tpu.memory_space<vmem>>, vector<2000x128xf32>,
    return
  }
  func.func @transform_0(%arg0: i32) -> (i32, i32) {
    %c0_i32 = arith.constant 0 : i32
    %c0_i32_0 = arith.constant 0 : i32
    return %arg0, %c0_i32 : i32, i32
  }
  func.func @transform_1(%arg0: i32) -> (i32, i32) {
    %c0_i32 = arith.constant 0 : i32
    %c0_i32_0 = arith.constant 0 : i32
    %c0_i32_1 = arith.constant 0 : i32
    return %c0_i32, %c0_i32_0 : i32, i32
  }
  func.func @transform_2(%arg0: i32) -> (i32, i32) {
    %c0_i32 = arith.constant 0 : i32
    %c0_i32_0 = arith.constant 0 : i32
    %c0_i32_1 = arith.constant 0 : i32
    return %c0_i32, %c0_i32_0 : i32, i32
  }
  func.func @transform_3(%arg0: i32) -> (i32, i32) {
    %c0_i32 = arith.constant 0 : i32
    %c0_i32_0 = arith.constant 0 : i32
    %c0_i32_1 = arith.constant 0 : i32
    return %c0_i32, %c0_i32_0 : i32, i32
  }
  func.func @transform_4(%arg0: i32) -> (i32, i32) {
    %c0_i32 = arith.constant 0 : i32
    %c0_i32_0 = arith.constant 0 : i32
    %c0_i32_1 = arith.constant 0 : i32
    return %c0_i32, %c0_i32_0 : i32, i32
  }
  func.func @transform_5(%arg0: i32) -> (i32, i32) {
    %c0_i32 = arith.constant 0 : i32
    %c0_i32_0 = arith.constant 0 : i32
    %c0_i32_1 = arith.constant 0 : i32
    return %c0_i32, %c0_i32_0 : i32, i32
  }
  func.func @transform_6(%arg0: i32) -> (i32, i32) {
    %c0_i32 = arith.constant 0 : i32
    %c0_i32_0 = arith.constant 0 : i32
    %c0_i32_1 = arith.constant 0 : i32
    return %c0_i32, %c0_i32_0 : i32, i32
  }
  func.func @transform_7(%arg0: i32) -> (i32, i32) {
    %c0_i32 = arith.constant 0 : i32
    %c0_i32_0 = arith.constant 0 : i32
    return %arg0, %c0_i32 : i32, i32
  }
  func.func @transform_8(%arg0: i32) -> (i32, i32) {
    %c0_i32 = arith.constant 0 : i32
    %c0_i32_0 = arith.constant 0 : i32
    return %arg0, %c0_i32 : i32, i32
  }
}

module attributes {stable_mosaic.version = 14 : i64} {
  func.func @_mid_body(%arg0: i32, %arg1: memref<2x2000x128xf32, #tpu.memory_space<vmem>>, %arg2: memref<2000x128xf32, #tpu.memory_space<vmem>>, %arg3: memref<1x128xf32, #tpu.memory_space<vmem>>, %arg4: memref<1x128xf32, #tpu.memory_space<vmem>>, %arg5: memref<128x128xf32, #tpu.memory_space<vmem>>, %arg6: memref<1x128xf32, #tpu.memory_space<vmem>>, %arg7: memref<1x128xf32, #tpu.memory_space<vmem>>, %arg8: memref<1x128xf32, #tpu.memory_space<vmem>>, %arg9: memref<128x128xf32, #tpu.memory_space<vmem>>, %arg10: memref<1x128xf32, #tpu.memory_space<vmem>>, %arg11: memref<2000x128xf32, #tpu.memory_space<vmem>>) attributes {dimension_semantics = [#tpu.dimension_semantics<arbitrary>], iteration_bounds = array<i64: 5>, scalar_prefetch = 0 : i64, scratch_operands = 0 : i64, tpu.core_type = #tpu.core_type<tc>, window_params = [{transform_indices = @transform_0, window_bounds = array<i64: 2, 2000, 128>}, {transform_indices = @transform_1, window_bounds = array<i64: 2000, 128>}, {pipeline_mode = #tpu.pipeline_mode<synchronous>, transform_indices = @transform_2, window_bounds = array<i64: 1, 128>}, {pipeline_mode = #tpu.pipeline_mode<synchronous>, transform_indices = @transform_3, window_bounds = array<i64: 1, 128>}, {pipeline_mode = #tpu.pipeline_mode<synchronous>, transform_indices = @transform_4, window_bounds = array<i64: 128, 128>}, {pipeline_mode = #tpu.pipeline_mode<synchronous>, transform_indices = @transform_5, window_bounds = array<i64: 1, 128>}, {pipeline_mode = #tpu.pipeline_mode<synchronous>, transform_indices = @transform_6, window_bounds = array<i64: 1, 128>}, {pipeline_mode = #tpu.pipeline_mode<synchronous>, transform_indices = @transform_7, window_bounds = array<i64: 1, 128>}, {pipeline_mode = #tpu.pipeline_mode<synchronous>, transform_indices = @transform_8, window_bounds = array<i64: 128, 128>}, {pipeline_mode = #tpu.pipeline_mode<synchronous>, transform_indices = @transform_9, window_bounds = array<i64: 1, 128>}, {transform_indices = @transform_10, window_bounds = array<i64: 2000, 128>}]} {
    %get3A = arith.constant 0 : index
    %get3A_0 = arith.constant 0 : index
    %get3A_1 = arith.constant 0 : index
    %get3A_2 = vector.load %arg1[%get3A, %get3A_0, %get3A_1] : memref<2x2000x128xf32, #tpu.memory_space<vmem>>, vector<1x2000x128xf32>
    %get3A_3 = vector.shape_cast %get3A_2 : vector<1x2000x128xf32> to vector<2000x128xf32>
    %get3A_4 = arith.constant 1 : index
    %get3A_5 = arith.constant 0 : index
    %get3A_6 = arith.constant 0 : index
    %get3A_7 = vector.load %arg1[%get3A_4, %get3A_5, %get3A_6] : memref<2x2000x128xf32, #tpu.memory_space<vmem>>, vector<1x2000x128xf32>
    %get3A_8 = vector.shape_cast %get3A_7 : vector<1x2000x128xf32> to vector<2000x128xf32>
    %add3A = arith.addf %get3A_3, %get3A_8 : vector<2000x128xf32>
    %mul3A = arith.constant 5.000000e-01 : f32
    %mul3A_9 = vector.broadcast %mul3A : f32 to vector<2000x128xf32>
    %mul3A_10 = arith.mulf %mul3A_9, %add3A : vector<2000x128xf32>
    %get3A_11 = arith.constant 0 : index
    %get3A_12 = arith.constant 0 : index
    %get3A_13 = vector.load %arg2[%get3A_11, %get3A_12] : memref<2000x128xf32, #tpu.memory_space<vmem>>, vector<2000x128xf32>
    %mul3A_14 = arith.constant 5.000000e-01 : f32
    %mul3A_15 = vector.broadcast %mul3A_14 : f32 to vector<2000x128xf32>
    %mul3A_16 = arith.mulf %mul3A_15, %get3A_13 : vector<2000x128xf32>
    %add3A_17 = arith.addf %mul3A_10, %mul3A_16 : vector<2000x128xf32>
    %get3A_18 = arith.constant 0 : index
    %get3A_19 = arith.constant 0 : index
    %get3A_20 = vector.load %arg3[%get3A_18, %get3A_19] : memref<1x128xf32, #tpu.memory_space<vmem>>, vector<1x128xf32>
    %get3A_21 = arith.constant 0 : index
    %get3A_22 = arith.constant 0 : index
    %get3A_23 = vector.load %arg4[%get3A_21, %get3A_22] : memref<1x128xf32, #tpu.memory_space<vmem>>, vector<1x128xf32>
    %reduce_sum3A = arith.constant dense<0.000000e+00> : vector<2000xf32>
    %reduce_sum3A_24 = vector.multi_reduction <add>, %add3A_17, %reduce_sum3A [1] : vector<2000x128xf32> to vector<2000xf32>
    %broadcast_in_dim3A = vector.shape_cast %reduce_sum3A_24 : vector<2000xf32> to vector<2000x1xf32>
    %div3A = arith.constant 1.280000e+02 : f32
    %div3A_25 = vector.broadcast %div3A : f32 to vector<2000x1xf32>
    %div3A_26 = arith.divf %broadcast_in_dim3A, %div3A_25 : vector<2000x1xf32>
    %sub3A = vector.broadcast %div3A_26 : vector<2000x1xf32> to vector<2000x128xf32>
    %sub3A_27 = arith.subf %add3A_17, %sub3A : vector<2000x128xf32>
    %integer_pow3A = arith.mulf %sub3A_27, %sub3A_27 : vector<2000x128xf32>
    %reduce_sum3A_28 = arith.constant dense<0.000000e+00> : vector<2000xf32>
    %reduce_sum3A_29 = vector.multi_reduction <add>, %integer_pow3A, %reduce_sum3A_28 [1] : vector<2000x128xf32> to vector<2000xf32>
    %broadcast_in_dim3A_30 = vector.shape_cast %reduce_sum3A_29 : vector<2000xf32> to vector<2000x1xf32>
    %div3A_31 = arith.constant 1.280000e+02 : f32
    %div3A_32 = vector.broadcast %div3A_31 : f32 to vector<2000x1xf32>
    %div3A_33 = arith.divf %broadcast_in_dim3A_30, %div3A_32 : vector<2000x1xf32>
    %sub3A_34 = vector.broadcast %div3A_26 : vector<2000x1xf32> to vector<2000x128xf32>
    %sub3A_35 = arith.subf %add3A_17, %sub3A_34 : vector<2000x128xf32>
    %add3A_36 = arith.constant 9.99999974E-6 : f32
    %add3A_37 = vector.broadcast %add3A_36 : f32 to vector<2000x1xf32>
    %add3A_38 = arith.addf %div3A_33, %add3A_37 : vector<2000x1xf32>
    %sqrt3A = math.sqrt %add3A_38 : vector<2000x1xf32>
    %div3A_39 = vector.broadcast %sqrt3A : vector<2000x1xf32> to vector<2000x128xf32>
    %div3A_40 = arith.divf %sub3A_35, %div3A_39 : vector<2000x128xf32>
    %mul3A_41 = vector.broadcast %get3A_20 : vector<1x128xf32> to vector<2000x128xf32>
    %mul3A_42 = arith.mulf %div3A_40, %mul3A_41 : vector<2000x128xf32>
    %add3A_43 = vector.broadcast %get3A_23 : vector<1x128xf32> to vector<2000x128xf32>
    %add3A_44 = arith.addf %mul3A_42, %add3A_43 : vector<2000x128xf32>
    %get3A_45 = arith.constant 0 : index
    %get3A_46 = arith.constant 0 : index
    %get3A_47 = vector.load %arg5[%get3A_45, %get3A_46] : memref<128x128xf32, #tpu.memory_space<vmem>>, vector<128x128xf32>
    %dot_general3A = arith.constant dense<0.000000e+00> : vector<2000x128xf32>
    %dot_general3A_48 = tpu.matmul %add3A_44, %get3A_47, %dot_general3A {dimension_numbers = #tpu.dot_dimension_numbers<[1], [0], [0], [1], [0, 0, 1, 1], [], []>, transpose_lhs_hint = false} : vector<2000x128xf32>, vector<128x128xf32>, vector<2000x128xf32> -> vector<2000x128xf32>
    %get3A_49 = arith.constant 0 : index
    %get3A_50 = arith.constant 0 : index
    %get3A_51 = vector.load %arg6[%get3A_49, %get3A_50] : memref<1x128xf32, #tpu.memory_space<vmem>>, vector<1x128xf32>
    %add3A_52 = vector.broadcast %get3A_51 : vector<1x128xf32> to vector<2000x128xf32>
    %add3A_53 = arith.addf %dot_general3A_48, %add3A_52 : vector<2000x128xf32>
    %max3A = arith.constant 0.000000e+00 : f32
    %max3A_54 = vector.broadcast %max3A : f32 to vector<2000x128xf32>
    %max3A_55 = arith.maximumf %add3A_53, %max3A_54 : vector<2000x128xf32>
    %get3A_56 = arith.constant 0 : index
    %get3A_57 = arith.constant 0 : index
    %get3A_58 = vector.load %arg7[%get3A_56, %get3A_57] : memref<1x128xf32, #tpu.memory_space<vmem>>, vector<1x128xf32>
    %get3A_59 = arith.constant 0 : index
    %get3A_60 = arith.constant 0 : index
    %get3A_61 = vector.load %arg8[%get3A_59, %get3A_60] : memref<1x128xf32, #tpu.memory_space<vmem>>, vector<1x128xf32>
    %reduce_sum3A_62 = arith.constant dense<0.000000e+00> : vector<2000xf32>
    %reduce_sum3A_63 = vector.multi_reduction <add>, %max3A_55, %reduce_sum3A_62 [1] : vector<2000x128xf32> to vector<2000xf32>
    %broadcast_in_dim3A_64 = vector.shape_cast %reduce_sum3A_63 : vector<2000xf32> to vector<2000x1xf32>
    %div3A_65 = arith.constant 1.280000e+02 : f32
    %div3A_66 = vector.broadcast %div3A_65 : f32 to vector<2000x1xf32>
    %div3A_67 = arith.divf %broadcast_in_dim3A_64, %div3A_66 : vector<2000x1xf32>
    %sub3A_68 = vector.broadcast %div3A_67 : vector<2000x1xf32> to vector<2000x128xf32>
    %sub3A_69 = arith.subf %max3A_55, %sub3A_68 : vector<2000x128xf32>
    %integer_pow3A_70 = arith.mulf %sub3A_69, %sub3A_69 : vector<2000x128xf32>
    %reduce_sum3A_71 = arith.constant dense<0.000000e+00> : vector<2000xf32>
    %reduce_sum3A_72 = vector.multi_reduction <add>, %integer_pow3A_70, %reduce_sum3A_71 [1] : vector<2000x128xf32> to vector<2000xf32>
    %broadcast_in_dim3A_73 = vector.shape_cast %reduce_sum3A_72 : vector<2000xf32> to vector<2000x1xf32>
    %div3A_74 = arith.constant 1.280000e+02 : f32
    %div3A_75 = vector.broadcast %div3A_74 : f32 to vector<2000x1xf32>
    %div3A_76 = arith.divf %broadcast_in_dim3A_73, %div3A_75 : vector<2000x1xf32>
    %sub3A_77 = vector.broadcast %div3A_67 : vector<2000x1xf32> to vector<2000x128xf32>
    %sub3A_78 = arith.subf %max3A_55, %sub3A_77 : vector<2000x128xf32>
    %add3A_79 = arith.constant 9.99999974E-6 : f32
    %add3A_80 = vector.broadcast %add3A_79 : f32 to vector<2000x1xf32>
    %add3A_81 = arith.addf %div3A_76, %add3A_80 : vector<2000x1xf32>
    %sqrt3A_82 = math.sqrt %add3A_81 : vector<2000x1xf32>
    %div3A_83 = vector.broadcast %sqrt3A_82 : vector<2000x1xf32> to vector<2000x128xf32>
    %div3A_84 = arith.divf %sub3A_78, %div3A_83 : vector<2000x128xf32>
    %mul3A_85 = vector.broadcast %get3A_58 : vector<1x128xf32> to vector<2000x128xf32>
    %mul3A_86 = arith.mulf %div3A_84, %mul3A_85 : vector<2000x128xf32>
    %add3A_87 = vector.broadcast %get3A_61 : vector<1x128xf32> to vector<2000x128xf32>
    %add3A_88 = arith.addf %mul3A_86, %add3A_87 : vector<2000x128xf32>
    %get3A_89 = arith.constant 0 : index
    %get3A_90 = arith.constant 0 : index
    %get3A_91 = vector.load %arg9[%get3A_89, %get3A_90] : memref<128x128xf32, #tpu.memory_space<vmem>>, vector<128x128xf32>
    %dot_general3A_92 = arith.constant dense<0.000000e+00> : vector<2000x128xf32>
    %dot_general3A_93 = tpu.matmul %add3A_88, %get3A_91, %dot_general3A_92 {dimension_numbers = #tpu.dot_dimension_numbers<[1], [0], [0], [1], [0, 0, 1, 1], [], []>, transpose_lhs_hint = false} : vector<2000x128xf32>, vector<128x128xf32>, vector<2000x128xf32> -> vector<2000x128xf32>
    %get3A_94 = arith.constant 0 : index
    %get3A_95 = arith.constant 0 : index
    %get3A_96 = vector.load %arg10[%get3A_94, %get3A_95] : memref<1x128xf32, #tpu.memory_space<vmem>>, vector<1x128xf32>
    %add3A_97 = vector.broadcast %get3A_96 : vector<1x128xf32> to vector<2000x128xf32>
    %add3A_98 = arith.addf %dot_general3A_93, %add3A_97 : vector<2000x128xf32>
    %swap3A = arith.constant 0 : index
    %swap3A_99 = arith.constant 0 : index
    %swap3A_100 = vector.load %arg11[%swap3A, %swap3A_99] : memref<2000x128xf32, #tpu.memory_space<vmem>>, vector<2000x128xf32>
    tpu.vector_store %arg11[%swap3A, %swap3A_99], %add3A_98 {strides = array<i32>} : memref<2000x128xf32, #tpu.memory_space<vmem>>, vector<2000x128xf32>,
    return
  }
  func.func @transform_0(%arg0: i32) -> (i32, i32, i32) {
    %c0_i32 = arith.constant 0 : i32
    %c0_i32_0 = arith.constant 0 : i32
    %c0_i32_1 = arith.constant 0 : i32
    return %c0_i32, %arg0, %c0_i32_0 : i32, i32, i32
  }
  func.func @transform_1(%arg0: i32) -> (i32, i32) {
    %c0_i32 = arith.constant 0 : i32
    %c0_i32_0 = arith.constant 0 : i32
    return %arg0, %c0_i32 : i32, i32
  }
  func.func @transform_2(%arg0: i32) -> (i32, i32) {
    %c0_i32 = arith.constant 0 : i32
    %c0_i32_0 = arith.constant 0 : i32
    %c0_i32_1 = arith.constant 0 : i32
    return %c0_i32, %c0_i32_0 : i32, i32
  }
  func.func @transform_3(%arg0: i32) -> (i32, i32) {
    %c0_i32 = arith.constant 0 : i32
    %c0_i32_0 = arith.constant 0 : i32
    %c0_i32_1 = arith.constant 0 : i32
    return %c0_i32, %c0_i32_0 : i32, i32
  }
  func.func @transform_4(%arg0: i32) -> (i32, i32) {
    %c0_i32 = arith.constant 0 : i32
    %c0_i32_0 = arith.constant 0 : i32
    %c0_i32_1 = arith.constant 0 : i32
    return %c0_i32, %c0_i32_0 : i32, i32
  }
  func.func @transform_5(%arg0: i32) -> (i32, i32) {
    %c0_i32 = arith.constant 0 : i32
    %c0_i32_0 = arith.constant 0 : i32
    %c0_i32_1 = arith.constant 0 : i32
    return %c0_i32, %c0_i32_0 : i32, i32
  }
  func.func @transform_6(%arg0: i32) -> (i32, i32) {
    %c0_i32 = arith.constant 0 : i32
    %c0_i32_0 = arith.constant 0 : i32
    %c0_i32_1 = arith.constant 0 : i32
    return %c0_i32, %c0_i32_0 : i32, i32
  }
  func.func @transform_7(%arg0: i32) -> (i32, i32) {
    %c0_i32 = arith.constant 0 : i32
    %c0_i32_0 = arith.constant 0 : i32
    %c0_i32_1 = arith.constant 0 : i32
    return %c0_i32, %c0_i32_0 : i32, i32
  }
  func.func @transform_8(%arg0: i32) -> (i32, i32) {
    %c0_i32 = arith.constant 0 : i32
    %c0_i32_0 = arith.constant 0 : i32
    %c0_i32_1 = arith.constant 0 : i32
    return %c0_i32, %c0_i32_0 : i32, i32
  }
  func.func @transform_9(%arg0: i32) -> (i32, i32) {
    %c0_i32 = arith.constant 0 : i32
    %c0_i32_0 = arith.constant 0 : i32
    %c0_i32_1 = arith.constant 0 : i32
    return %c0_i32, %c0_i32_0 : i32, i32
  }
  func.func @transform_10(%arg0: i32) -> (i32, i32) {
    %c0_i32 = arith.constant 0 : i32
    %c0_i32_0 = arith.constant 0 : i32
    return %arg0, %c0_i32 : i32, i32
  }
}

module attributes {stable_mosaic.version = 14 : i64} {
  func.func @_final_body(%arg0: i32, %arg1: memref<2x2000x128xf32, #tpu.memory_space<vmem>>, %arg2: memref<2000x128xf32, #tpu.memory_space<vmem>>, %arg3: memref<1x128xf32, #tpu.memory_space<vmem>>, %arg4: memref<1x128xf32, #tpu.memory_space<vmem>>, %arg5: memref<128x128xf32, #tpu.memory_space<vmem>>, %arg6: memref<1x128xf32, #tpu.memory_space<vmem>>, %arg7: memref<128x128xf32, #tpu.memory_space<vmem>>, %arg8: memref<1x128xf32, #tpu.memory_space<vmem>>, %arg9: memref<1x128xf32, #tpu.memory_space<vmem>>, %arg10: memref<1x128xf32, #tpu.memory_space<vmem>>, %arg11: memref<128x128xf32, #tpu.memory_space<vmem>>, %arg12: memref<1x128xf32, #tpu.memory_space<vmem>>, %arg13: memref<2000x128xf32, #tpu.memory_space<vmem>>) attributes {dimension_semantics = [#tpu.dimension_semantics<arbitrary>], iteration_bounds = array<i64: 5>, scalar_prefetch = 0 : i64, scratch_operands = 0 : i64, tpu.core_type = #tpu.core_type<tc>, window_params = [{transform_indices = @transform_0, window_bounds = array<i64: 2, 2000, 128>}, {transform_indices = @transform_1, window_bounds = array<i64: 2000, 128>}, {pipeline_mode = #tpu.pipeline_mode<synchronous>, transform_indices = @transform_2, window_bounds = array<i64: 1, 128>}, {pipeline_mode = #tpu.pipeline_mode<synchronous>, transform_indices = @transform_3, window_bounds = array<i64: 1, 128>}, {pipeline_mode = #tpu.pipeline_mode<synchronous>, transform_indices = @transform_4, window_bounds = array<i64: 128, 128>}, {pipeline_mode = #tpu.pipeline_mode<synchronous>, transform_indices = @transform_5, window_bounds = array<i64: 1, 128>}, {pipeline_mode = #tpu.pipeline_mode<synchronous>, transform_indices = @transform_6, window_bounds = array<i64: 128, 128>}, {pipeline_mode = #tpu.pipeline_mode<synchronous>, transform_indices = @transform_7, window_bounds = array<i64: 1, 128>}, {pipeline_mode = #tpu.pipeline_mode<synchronous>, transform_indices = @transform_8, window_bounds = array<i64: 1, 128>}, {pipeline_mode = #tpu.pipeline_mode<synchronous>, transform_indices = @transform_9, window_bounds = array<i64: 1, 128>}, {pipeline_mode = #tpu.pipeline_mode<synchronous>, transform_indices = @transform_10, window_bounds = array<i64: 128, 128>}, {pipeline_mode = #tpu.pipeline_mode<synchronous>, transform_indices = @transform_11, window_bounds = array<i64: 1, 128>}, {transform_indices = @transform_12, window_bounds = array<i64: 2000, 128>}]} {
    %get3A = arith.constant 0 : index
    %get3A_0 = arith.constant 0 : index
    %get3A_1 = arith.constant 0 : index
    %get3A_2 = vector.load %arg1[%get3A, %get3A_0, %get3A_1] : memref<2x2000x128xf32, #tpu.memory_space<vmem>>, vector<1x2000x128xf32>
    %get3A_3 = vector.shape_cast %get3A_2 : vector<1x2000x128xf32> to vector<2000x128xf32>
    %get3A_4 = arith.constant 1 : index
    %get3A_5 = arith.constant 0 : index
    %get3A_6 = arith.constant 0 : index
    %get3A_7 = vector.load %arg1[%get3A_4, %get3A_5, %get3A_6] : memref<2x2000x128xf32, #tpu.memory_space<vmem>>, vector<1x2000x128xf32>
    %get3A_8 = vector.shape_cast %get3A_7 : vector<1x2000x128xf32> to vector<2000x128xf32>
    %add3A = arith.addf %get3A_3, %get3A_8 : vector<2000x128xf32>
    %mul3A = arith.constant 5.000000e-01 : f32
    %mul3A_9 = vector.broadcast %mul3A : f32 to vector<2000x128xf32>
    %mul3A_10 = arith.mulf %mul3A_9, %add3A : vector<2000x128xf32>
    %get3A_11 = arith.constant 0 : index
    %get3A_12 = arith.constant 0 : index
    %get3A_13 = vector.load %arg2[%get3A_11, %get3A_12] : memref<2000x128xf32, #tpu.memory_space<vmem>>, vector<2000x128xf32>
    %mul3A_14 = arith.constant 5.000000e-01 : f32
    %mul3A_15 = vector.broadcast %mul3A_14 : f32 to vector<2000x128xf32>
    %mul3A_16 = arith.mulf %mul3A_15, %get3A_13 : vector<2000x128xf32>
    %add3A_17 = arith.addf %mul3A_10, %mul3A_16 : vector<2000x128xf32>
    %get3A_18 = arith.constant 0 : index
    %get3A_19 = arith.constant 0 : index
    %get3A_20 = vector.load %arg3[%get3A_18, %get3A_19] : memref<1x128xf32, #tpu.memory_space<vmem>>, vector<1x128xf32>
    %get3A_21 = arith.constant 0 : index
    %get3A_22 = arith.constant 0 : index
    %get3A_23 = vector.load %arg4[%get3A_21, %get3A_22] : memref<1x128xf32, #tpu.memory_space<vmem>>, vector<1x128xf32>
    %reduce_sum3A = arith.constant dense<0.000000e+00> : vector<2000xf32>
    %reduce_sum3A_24 = vector.multi_reduction <add>, %add3A_17, %reduce_sum3A [1] : vector<2000x128xf32> to vector<2000xf32>
    %broadcast_in_dim3A = vector.shape_cast %reduce_sum3A_24 : vector<2000xf32> to vector<2000x1xf32>
    %div3A = arith.constant 1.280000e+02 : f32
    %div3A_25 = vector.broadcast %div3A : f32 to vector<2000x1xf32>
    %div3A_26 = arith.divf %broadcast_in_dim3A, %div3A_25 : vector<2000x1xf32>
    %sub3A = vector.broadcast %div3A_26 : vector<2000x1xf32> to vector<2000x128xf32>
    %sub3A_27 = arith.subf %add3A_17, %sub3A : vector<2000x128xf32>
    %integer_pow3A = arith.mulf %sub3A_27, %sub3A_27 : vector<2000x128xf32>
    %reduce_sum3A_28 = arith.constant dense<0.000000e+00> : vector<2000xf32>
    %reduce_sum3A_29 = vector.multi_reduction <add>, %integer_pow3A, %reduce_sum3A_28 [1] : vector<2000x128xf32> to vector<2000xf32>
    %broadcast_in_dim3A_30 = vector.shape_cast %reduce_sum3A_29 : vector<2000xf32> to vector<2000x1xf32>
    %div3A_31 = arith.constant 1.280000e+02 : f32
    %div3A_32 = vector.broadcast %div3A_31 : f32 to vector<2000x1xf32>
    %div3A_33 = arith.divf %broadcast_in_dim3A_30, %div3A_32 : vector<2000x1xf32>
    %sub3A_34 = vector.broadcast %div3A_26 : vector<2000x1xf32> to vector<2000x128xf32>
    %sub3A_35 = arith.subf %add3A_17, %sub3A_34 : vector<2000x128xf32>
    %add3A_36 = arith.constant 9.99999974E-6 : f32
    %add3A_37 = vector.broadcast %add3A_36 : f32 to vector<2000x1xf32>
    %add3A_38 = arith.addf %div3A_33, %add3A_37 : vector<2000x1xf32>
    %sqrt3A = math.sqrt %add3A_38 : vector<2000x1xf32>
    %div3A_39 = vector.broadcast %sqrt3A : vector<2000x1xf32> to vector<2000x128xf32>
    %div3A_40 = arith.divf %sub3A_35, %div3A_39 : vector<2000x128xf32>
    %mul3A_41 = vector.broadcast %get3A_20 : vector<1x128xf32> to vector<2000x128xf32>
    %mul3A_42 = arith.mulf %div3A_40, %mul3A_41 : vector<2000x128xf32>
    %add3A_43 = vector.broadcast %get3A_23 : vector<1x128xf32> to vector<2000x128xf32>
    %add3A_44 = arith.addf %mul3A_42, %add3A_43 : vector<2000x128xf32>
    %get3A_45 = arith.constant 0 : index
    %get3A_46 = arith.constant 0 : index
    %get3A_47 = vector.load %arg5[%get3A_45, %get3A_46] : memref<128x128xf32, #tpu.memory_space<vmem>>, vector<128x128xf32>
    %dot_general3A = arith.constant dense<0.000000e+00> : vector<2000x128xf32>
    %dot_general3A_48 = tpu.matmul %add3A_44, %get3A_47, %dot_general3A {dimension_numbers = #tpu.dot_dimension_numbers<[1], [0], [0], [1], [0, 0, 1, 1], [], []>, transpose_lhs_hint = false} : vector<2000x128xf32>, vector<128x128xf32>, vector<2000x128xf32> -> vector<2000x128xf32>
    %get3A_49 = arith.constant 0 : index
    %get3A_50 = arith.constant 0 : index
    %get3A_51 = vector.load %arg6[%get3A_49, %get3A_50] : memref<1x128xf32, #tpu.memory_space<vmem>>, vector<1x128xf32>
    %add3A_52 = vector.broadcast %get3A_51 : vector<1x128xf32> to vector<2000x128xf32>
    %add3A_53 = arith.addf %dot_general3A_48, %add3A_52 : vector<2000x128xf32>
    %max3A = arith.constant 0.000000e+00 : f32
    %max3A_54 = vector.broadcast %max3A : f32 to vector<2000x128xf32>
    %max3A_55 = arith.maximumf %add3A_53, %max3A_54 : vector<2000x128xf32>
    %get3A_56 = arith.constant 0 : index
    %get3A_57 = arith.constant 0 : index
    %get3A_58 = vector.load %arg7[%get3A_56, %get3A_57] : memref<128x128xf32, #tpu.memory_space<vmem>>, vector<128x128xf32>
    %dot_general3A_59 = arith.constant dense<0.000000e+00> : vector<2000x128xf32>
    %dot_general3A_60 = tpu.matmul %max3A_55, %get3A_58, %dot_general3A_59 {dimension_numbers = #tpu.dot_dimension_numbers<[1], [0], [0], [1], [0, 0, 1, 1], [], []>, transpose_lhs_hint = false} : vector<2000x128xf32>, vector<128x128xf32>, vector<2000x128xf32> -> vector<2000x128xf32>
    %get3A_61 = arith.constant 0 : index
    %get3A_62 = arith.constant 0 : index
    %get3A_63 = vector.load %arg8[%get3A_61, %get3A_62] : memref<1x128xf32, #tpu.memory_space<vmem>>, vector<1x128xf32>
    %add3A_64 = vector.broadcast %get3A_63 : vector<1x128xf32> to vector<2000x128xf32>
    %add3A_65 = arith.addf %dot_general3A_60, %add3A_64 : vector<2000x128xf32>
    %max3A_66 = arith.constant 0.000000e+00 : f32
    %max3A_67 = vector.broadcast %max3A_66 : f32 to vector<2000x128xf32>
    %max3A_68 = arith.maximumf %add3A_65, %max3A_67 : vector<2000x128xf32>
    %get3A_69 = arith.constant 0 : index
    %get3A_70 = arith.constant 0 : index
    %get3A_71 = vector.load %arg9[%get3A_69, %get3A_70] : memref<1x128xf32, #tpu.memory_space<vmem>>, vector<1x128xf32>
    %get3A_72 = arith.constant 0 : index
    %get3A_73 = arith.constant 0 : index
    %get3A_74 = vector.load %arg10[%get3A_72, %get3A_73] : memref<1x128xf32, #tpu.memory_space<vmem>>, vector<1x128xf32>
    %reduce_sum3A_75 = arith.constant dense<0.000000e+00> : vector<2000xf32>
    %reduce_sum3A_76 = vector.multi_reduction <add>, %max3A_68, %reduce_sum3A_75 [1] : vector<2000x128xf32> to vector<2000xf32>
    %broadcast_in_dim3A_77 = vector.shape_cast %reduce_sum3A_76 : vector<2000xf32> to vector<2000x1xf32>
    %div3A_78 = arith.constant 1.280000e+02 : f32
    %div3A_79 = vector.broadcast %div3A_78 : f32 to vector<2000x1xf32>
    %div3A_80 = arith.divf %broadcast_in_dim3A_77, %div3A_79 : vector<2000x1xf32>
    %sub3A_81 = vector.broadcast %div3A_80 : vector<2000x1xf32> to vector<2000x128xf32>
    %sub3A_82 = arith.subf %max3A_68, %sub3A_81 : vector<2000x128xf32>
    %integer_pow3A_83 = arith.mulf %sub3A_82, %sub3A_82 : vector<2000x128xf32>
    %reduce_sum3A_84 = arith.constant dense<0.000000e+00> : vector<2000xf32>
    %reduce_sum3A_85 = vector.multi_reduction <add>, %integer_pow3A_83, %reduce_sum3A_84 [1] : vector<2000x128xf32> to vector<2000xf32>
    %broadcast_in_dim3A_86 = vector.shape_cast %reduce_sum3A_85 : vector<2000xf32> to vector<2000x1xf32>
    %div3A_87 = arith.constant 1.280000e+02 : f32
    %div3A_88 = vector.broadcast %div3A_87 : f32 to vector<2000x1xf32>
    %div3A_89 = arith.divf %broadcast_in_dim3A_86, %div3A_88 : vector<2000x1xf32>
    %sub3A_90 = vector.broadcast %div3A_80 : vector<2000x1xf32> to vector<2000x128xf32>
    %sub3A_91 = arith.subf %max3A_68, %sub3A_90 : vector<2000x128xf32>
    %add3A_92 = arith.constant 9.99999974E-6 : f32
    %add3A_93 = vector.broadcast %add3A_92 : f32 to vector<2000x1xf32>
    %add3A_94 = arith.addf %div3A_89, %add3A_93 : vector<2000x1xf32>
    %sqrt3A_95 = math.sqrt %add3A_94 : vector<2000x1xf32>
    %div3A_96 = vector.broadcast %sqrt3A_95 : vector<2000x1xf32> to vector<2000x128xf32>
    %div3A_97 = arith.divf %sub3A_91, %div3A_96 : vector<2000x128xf32>
    %mul3A_98 = vector.broadcast %get3A_71 : vector<1x128xf32> to vector<2000x128xf32>
    %mul3A_99 = arith.mulf %div3A_97, %mul3A_98 : vector<2000x128xf32>
    %add3A_100 = vector.broadcast %get3A_74 : vector<1x128xf32> to vector<2000x128xf32>
    %add3A_101 = arith.addf %mul3A_99, %add3A_100 : vector<2000x128xf32>
    %get3A_102 = arith.constant 0 : index
    %get3A_103 = arith.constant 0 : index
    %get3A_104 = vector.load %arg11[%get3A_102, %get3A_103] : memref<128x128xf32, #tpu.memory_space<vmem>>, vector<128x128xf32>
    %dot_general3A_105 = arith.constant dense<0.000000e+00> : vector<2000x128xf32>
    %dot_general3A_106 = tpu.matmul %add3A_101, %get3A_104, %dot_general3A_105 {dimension_numbers = #tpu.dot_dimension_numbers<[1], [0], [0], [1], [0, 0, 1, 1], [], []>, transpose_lhs_hint = false} : vector<2000x128xf32>, vector<128x128xf32>, vector<2000x128xf32> -> vector<2000x128xf32>
    %get3A_107 = arith.constant 0 : index
    %get3A_108 = arith.constant 0 : index
    %get3A_109 = vector.load %arg12[%get3A_107, %get3A_108] : memref<1x128xf32, #tpu.memory_space<vmem>>, vector<1x128xf32>
    %add3A_110 = vector.broadcast %get3A_109 : vector<1x128xf32> to vector<2000x128xf32>
    %add3A_111 = arith.addf %dot_general3A_106, %add3A_110 : vector<2000x128xf32>
    %swap3A = arith.constant 0 : index
    %swap3A_112 = arith.constant 0 : index
    %swap3A_113 = vector.load %arg13[%swap3A, %swap3A_112] : memref<2000x128xf32, #tpu.memory_space<vmem>>, vector<2000x128xf32>
    tpu.vector_store %arg13[%swap3A, %swap3A_112], %add3A_111 {strides = array<i32>} : memref<2000x128xf32, #tpu.memory_space<vmem>>, vector<2000x128xf32>,
    return
  }
  func.func @transform_0(%arg0: i32) -> (i32, i32, i32) {
    %c0_i32 = arith.constant 0 : i32
    %c0_i32_0 = arith.constant 0 : i32
    %c0_i32_1 = arith.constant 0 : i32
    return %c0_i32, %arg0, %c0_i32_0 : i32, i32, i32
  }
  func.func @transform_1(%arg0: i32) -> (i32, i32) {
    %c0_i32 = arith.constant 0 : i32
    %c0_i32_0 = arith.constant 0 : i32
    return %arg0, %c0_i32 : i32, i32
  }
  func.func @transform_2(%arg0: i32) -> (i32, i32) {
    %c0_i32 = arith.constant 0 : i32
    %c0_i32_0 = arith.constant 0 : i32
    %c0_i32_1 = arith.constant 0 : i32
    return %c0_i32, %c0_i32_0 : i32, i32
  }
  func.func @transform_3(%arg0: i32) -> (i32, i32) {
    %c0_i32 = arith.constant 0 : i32
    %c0_i32_0 = arith.constant 0 : i32
    %c0_i32_1 = arith.constant 0 : i32
    return %c0_i32, %c0_i32_0 : i32, i32
  }
  func.func @transform_4(%arg0: i32) -> (i32, i32) {
    %c0_i32 = arith.constant 0 : i32
    %c0_i32_0 = arith.constant 0 : i32
    %c0_i32_1 = arith.constant 0 : i32
    return %c0_i32, %c0_i32_0 : i32, i32
  }
  func.func @transform_5(%arg0: i32) -> (i32, i32) {
    %c0_i32 = arith.constant 0 : i32
    %c0_i32_0 = arith.constant 0 : i32
    %c0_i32_1 = arith.constant 0 : i32
    return %c0_i32, %c0_i32_0 : i32, i32
  }
  func.func @transform_6(%arg0: i32) -> (i32, i32) {
    %c0_i32 = arith.constant 0 : i32
    %c0_i32_0 = arith.constant 0 : i32
    %c0_i32_1 = arith.constant 0 : i32
    return %c0_i32, %c0_i32_0 : i32, i32
  }
  func.func @transform_7(%arg0: i32) -> (i32, i32) {
    %c0_i32 = arith.constant 0 : i32
    %c0_i32_0 = arith.constant 0 : i32
    %c0_i32_1 = arith.constant 0 : i32
    return %c0_i32, %c0_i32_0 : i32, i32
  }
  func.func @transform_8(%arg0: i32) -> (i32, i32) {
    %c0_i32 = arith.constant 0 : i32
    %c0_i32_0 = arith.constant 0 : i32
    %c0_i32_1 = arith.constant 0 : i32
    return %c0_i32, %c0_i32_0 : i32, i32
  }
  func.func @transform_9(%arg0: i32) -> (i32, i32) {
    %c0_i32 = arith.constant 0 : i32
    %c0_i32_0 = arith.constant 0 : i32
    %c0_i32_1 = arith.constant 0 : i32
    return %c0_i32, %c0_i32_0 : i32, i32
  }
  func.func @transform_10(%arg0: i32) -> (i32, i32) {
    %c0_i32 = arith.constant 0 : i32
    %c0_i32_0 = arith.constant 0 : i32
    %c0_i32_1 = arith.constant 0 : i32
    return %c0_i32, %c0_i32_0 : i32, i32
  }
  func.func @transform_11(%arg0: i32) -> (i32, i32) {
    %c0_i32 = arith.constant 0 : i32
    %c0_i32_0 = arith.constant 0 : i32
    %c0_i32_1 = arith.constant 0 : i32
    return %c0_i32, %c0_i32_0 : i32, i32
  }
  func.func @transform_12(%arg0: i32) -> (i32, i32) {
    %c0_i32 = arith.constant 0 : i32
    %c0_i32_0 = arith.constant 0 : i32
    return %arg0, %c0_i32 : i32, i32
  }
}

</mosaic_0001>

<sc_bundles>
// kernel: kernel.11.cloned.1.call-start
scs
__scs_entry_jumppad:
0x0: {  	(pc) =	sbr.rel $0x88, $3  }
0x1: {  	(tag) =	ssettag $0x0;
	lr =	simm.s32 $0x1  }
0x2: {  	[smem:$0x3F8F] =	sst lr;
	_ =	strace $0xD0000000  }
0x3: {  	_ = 	snop  }
0x4: {  	_ = 	snop  }
0x5: {  	_ = 	snop  }
0x6: {  	_ = 	snop  }
0x7: {  	_ = 	snop  }
__scs_overlays_trampoline_lowered:
0x8: {  	[smem:$0x3F9E] =	sst s0  }
0x9: {  	[smem:$0x3F9F] =	sst s1  }
0xa: {  	[smem:$0x3FA0] =	sst s2  }
0xb: {  	[smem:$0x3FA1] =	sst s3  }
0xc: {  	[smem:$0x3FA2] =	sst s4  }
0xd: {  	[smem:$0x3FA3] =	sst s5  }
0xe: {  	[smem:$0x3FA4] =	sst s6  }
0xf: {  	[smem:$0x3FA5] =	sst s7  }
0x10: {  	[smem:$0x3FA6] =	sst s8  }
0x11: {  	[smem:$0x3FA7] =	sst s9;
	s0 =	simm.s32 @!p0 $0x0  }
0x12: {  	s1 =	sld [smem:$0x3F8D];
	s0 =	simm.s32 @p0 $0x1  }
0x13: {  	[smem:$0x3FA8] =	sst s0;
	s0 =	simm.s32 @!p1 $0x0  }
0x14: {  	s2 =	sld [smem:$0x3F8C];
	s0 =	simm.s32 @p1 $0x1  }
0x15: {  	[smem:$0x3FA9] =	sst s0;
	s0 =	simm.s32 @!p2 $0x0  }
0x16: {  	s3 =	sld [smem:$0x3FDB];
	s0 =	simm.s32 @p2 $0x1  }
0x17: {  	s4 =	simm.s32 $0x1BF5;
	[smem:$0x3FAB] =	sst s0  }
0x18: {  	s0 =	sld [smem:$0x3F8E];
	_ =	swait.ge [sflag:s4], $0x0  }
0x19: {  	s7 =	sld [smem:$0x3F8F]  }
0x1a: {  	s8 =	sadd.s32 $0xFFFFE003, lr  }
0x1b: {  	s9 =	sadd.s32 $0xFFFFFEF7, lr;
	s5 =	simm.s32 $0xFFFFFFFF;
	p2 =	slt.u32 s8, $0xFFFFF086  }
0x1c: {  	p1 =	slt.u32 s9, $0xF7A;
	s5 =	simm.s32 @!p2 $0x0  }
0x1d: {  	s5 =	simm.s32 @p1 $0x1;
	p0 =	seq.s32 s7, s2  }
0x1e: {  	s7 =	smul.u32 @!p0 $0xF7A, s2;
	p2 =	seq.s32 @!p0 s5, $0x0  }
0x1f: {  	s9 =	smul.u32 $0xF7A, s1;
	s8 =	simm.s32 @!p0 $0x1BF5;
	p2 =	por !p2, p0  }
0x20: {  	[sflag:s8] =	ssyncset.s32 @!p0 $0xFFFFF086;
	s6 =	sadd.s32 @!p0 s3, s7;
	s7 =	simm.s32 @!p0 $0x108  }
0x21: {  	s3 =	sadd.s32 s3, s9;
	s6 =	sadd.s32 @!p0 $0x88, s6;
	s7 =	simm.s32 @p2 $0x1082  }
0x22: {  	[simem:s7], [sflag:s8] =	dma.local @!p0 [hbm:s6], $0xF7A  }
0x23: {  	s9 =	sor.u32 $0xD0000000, s2;
	s6 =	simm.s32 $0x108;
	_ =	swait.ge @!p0 [sflag:s8], $0x0  }
0x24: {  	s3 =	sadd.s32 $0x88, s3;
	s6 =	simm.s32 @!p1 $0x1082;
	[sflag:s4] =	ssyncset.s32 $0xFFFFF086  }
0x25: {  	[simem:s6], [sflag:s4] =	dma.local [hbm:s3], $0xF7A  }
0x26: {  	[smem:$0x3F8F] =	sst s1;
	(tag) =	ssettag s2;
	_ =	strace s9  }
0x27: {  	s1 =	sld [smem:$0x3F9F]  }
0x28: {  	s2 =	sld [smem:$0x3FA0]  }
0x29: {  	s4 =	sld [smem:$0x3FA2]  }
0x2a: {  	p0 =	seq.s32 s5, $0x0;
	s5 =	sld [smem:$0x3FA3]  }
0x2b: {  	s6 =	sld [smem:$0x3FA4]  }
0x2c: {  	s7 =	sld [smem:$0x3FA5]  }
0x2d: {  	s3 =	simm.s32 $0x108;
	s8 =	sld [smem:$0x3FA6]  }
0x2e: {  	s3 =	simm.s32 @!p0 $0x1082;
	s9 =	sld [smem:$0x3FA7]  }
0x2f: {  	lr =	sadd.s32 s0, s3;
	s0 =	sld [smem:$0x3F9E]  }
0x30: {  	s3 =	sld [smem:$0x3FA1]  }
0x31: {  	[smem:$0x3FAA] =	sst s10  }
0x32: {  	s10 =	sld [smem:$0x3FA8];
	_ =	sdelay $0x3  }
0x33: {  	p0 =	seq.s32 s10, $0x1;
	s10 =	sld [smem:$0x3FAA];
	_ =	sdelay $0x3  }
0x34: {  	[smem:$0x3FAA] =	sst s10  }
0x35: {  	s10 =	sld [smem:$0x3FA9];
	_ =	sdelay $0x3  }
0x36: {  	p1 =	seq.s32 s10, $0x1;
	s10 =	sld [smem:$0x3FAA];
	_ =	sdelay $0x3  }
0x37: {  	[smem:$0x3FAA] =	sst s10  }
0x38: {  	s10 =	sld [smem:$0x3FAB]  }
0x39: {  	_ = 	snop;
	(pc) =	sbr.ind lr, $3  }
0x3a: {  	_ = 	snop  }
0x3b: {  	_ = 	snop  }
0x3c: {  	p2 =	seq.s32 s10, $0x1;
	s10 =	sld [smem:$0x3FAA]  }
0x3d: {  	_ =	shalt  }
0x3e: {  	_ =	shalt  }
0x3f: {  	_ =	shalt  }
0x40: {  	_ =	shalt  }
0x41: {  	_ =	shalt  }
0x42: {  	_ =	shalt  }
0x43: {  	_ =	shalt  }
0x44: {  	_ =	shalt  }
0x45: {  	_ =	shalt  }
0x46: {  	_ =	shalt  }
0x47: {  	_ =	shalt  }
0x48: {  	_ =	shalt  }
0x49: {  	_ =	shalt  }
0x4a: {  	_ =	shalt  }
0x4b: {  	_ =	shalt  }
0x4c: {  	_ =	shalt  }
0x4d: {  	_ =	shalt  }
0x4e: {  	_ =	shalt  }
0x4f: {  	_ =	shalt  }
0x50: {  	_ =	shalt  }
0x51: {  	_ =	shalt  }
0x52: {  	_ =	shalt  }
0x53: {  	_ =	shalt  }
0x54: {  	_ =	shalt  }
0x55: {  	_ =	shalt  }
0x56: {  	_ =	shalt  }
0x57: {  	_ =	shalt  }
0x58: {  	_ =	shalt  }
0x59: {  	_ =	shalt  }
0x5a: {  	_ =	shalt  }
0x5b: {  	_ =	shalt  }
0x5c: {  	_ =	shalt  }
0x5d: {  	_ =	shalt  }
0x5e: {  	_ =	shalt  }
0x5f: {  	_ =	shalt  }
0x60: {  	_ =	shalt  }
0x61: {  	_ =	shalt  }
0x62: {  	_ =	shalt  }
0x63: {  	_ =	shalt  }
0x64: {  	_ =	shalt  }
0x65: {  	_ =	shalt  }
0x66: {  	_ =	shalt  }
0x67: {  	_ =	shalt  }
0x68: {  	_ =	shalt  }
0x69: {  	_ =	shalt  }
0x6a: {  	_ =	shalt  }
0x6b: {  	_ =	shalt  }
0x6c: {  	_ =	shalt  }
0x6d: {  	_ =	shalt  }
0x6e: {  	_ =	shalt  }
0x6f: {  	_ =	shalt  }
0x70: {  	_ =	shalt  }
0x71: {  	_ =	shalt  }
0x72: {  	_ =	shalt  }
0x73: {  	_ =	shalt  }
0x74: {  	_ =	shalt  }
0x75: {  	_ =	shalt  }
0x76: {  	_ =	shalt  }
0x77: {  	_ =	shalt  }
0x78: {  	_ =	shalt  }
0x79: {  	_ =	shalt  }
0x7a: {  	_ =	shalt  }
0x7b: {  	_ =	shalt  }
0x7c: {  	_ =	shalt  }
0x7d: {  	_ =	shalt  }
0x7e: {  	_ =	shalt  }
0x7f: {  	_ =	shalt  }
0x80: {  	_ =	shalt  }
0x81: {  	_ =	shalt  }
0x82: {  	_ =	shalt  }
0x83: {  	_ =	shalt  }
0x84: {  	_ =	shalt  }
0x85: {  	_ =	shalt  }
0x86: {  	_ =	shalt  }
0x87: {  	_ =	shalt  }
.Lfunc_end0:
.L_simem_size_0:
called_computation_lowered:
.L_overlay_start_0:
0x88: {  	s2 =	sld [smem:$0x3FD9]  }
0x89: {  	s3 =	sld [smem:$0x3FFE];
	_ =	sdelay $0x1  }
0x8a: {  	s1 =	srdreg.scid  }
0x8b: {  	s0 =	sand.u32 $0x1, s1  }
0x8c: {  	s16 =	sshll.u32 s0, $0xA;
	s2 =	sadd.s32 s3, s2  }
0x8d: {  	s2 =	sadd.s32 s2, s16  }
0x8e: {  	[smem:$0x3FB6] =	sst s2  }
0x8f: {  	_ = 	snop  }
0x90: {  	(tm) =	ssettm $0x1  }
0x91: {  	s17 =	sld [smem:$0x3FFB];
	_ =	sdelay $0x3  }
0x92: {  	_ =	strace s17  }
0x93: {  	s2 =	sld [smem:$0x3FFC];
	_ =	sdelay $0x3  }
0x94: {  	_ =	strace s2  }
0x95: {  	s2 =	sld [smem:$0x3FFD];
	_ =	sdelay $0x3  }
0x96: {  	_ =	strace s2  }
0x97: {  	_ =	strace $0x8FFFFFFF  }
0x98: {  	s18 =	sld [smem:$0x3FDB];
	_ =	sdelay $0x1  }
0x99: {  	s19 =	simm.s32 $_scs_section_size  }
0x9a: {  	s4 =	simm.s32 $_size__tile_overlayer_lowered;
	s5 =	simm.s32 $_tile_overlayer_lowered  }
0x9b: {  	s22 =	simm.s32 $0x1BFF;
	s21 =	sshll.u32 s5, $0x1;
	s2 =	sadd.s32 s19, s18  }
0x9c: {  	s6 =	simm.s32 $0x0;
	s20 =	sshll.u32 s4, $0x1;
	s4 =	sadd.s32 s21, s2  }
0x9d: {  	[timem:s6], [sflag:s22] =	dma.local [hbm:s4], s20  }
0x9e: {  	_ =	swait.ge [sflag:s22], s20  }
0x9f: {  	s3 =	ssub.s32 $0x0, s20;
	[sflag:s22] =	ssyncset.done $0x0  }
0xa0: {  	[sflag:s22] =	ssyncadd.s32 s3;
	_ =	sdelay $0x1  }
0xa1: {  	s23 =	simm.s32 $0x1B8B  }
0xa2: {  	_ =	swait.ge [sflag:s23], $0x1  }
0xa3: {  	[sflag:s23] =	ssyncset.done $0x0  }
0xa4: {  	s25 =	simm.s32 $0x1B8E;
	s24 =	sld [smem:$0x3FFE];
	[sflag:s23] =	ssyncadd.s32 $0xFFFFFFFF  }
0xa5: {  	s26 =	simm.s32 $execute0_lowered;
	[smem:$0x3FD2] =	sst s25  }
0xa6: {  	s4 =	sshll.u32 s26, $0x1;
	_ =	strace $0x80000046;
	[dreg:$0x1] =	wrdreg $0xFFFFFFFF  }
0xa7: {  	s28 =	simm.s32 $_size_execute0_lowered;
	s2 =	sadd.s32 s2, s4;
	[dreg:$0x0] =	wrdreg $0x0  }
0xa8: {  	s4 =	sshll.u32 s28, $0x1;
	[dreg:$0x2] =	wrdreg s2  }
0xa9: {  	[dreg:$0x3] =	wrdreg s4  }
0xaa: {  	[dreg:$0x4] =	wrdreg $0xC0  }
0xab: {  	_ =	task [dreg:s6], $0x5FFFF  }
0xac: {  	[dreg:$0x1] =	wrdreg $0xFFFFFFFF  }
0xad: {  	[dreg:$0x0] =	wrdreg $0x60  }
0xae: {  	[dreg:$0x2] =	wrdreg s24  }
0xaf: {  	[dreg:$0x3] =	wrdreg $0xA8000  }
0xb0: {  	[dreg:$0x4] =	wrdreg $0x9  }
0xb1: {  	_ =	task.clear_ibuf [dreg:s6], $0x5FFFF;
	_ =	strace $0x90000046  }
0xb2: {  	s29 =	simm.s32 $0x9;
	_ =	strace $0x80000048  }
0xb3: {  	_ =	swait.ge [sflag:s29], $0x1  }
0xb4: {  	[sflag:s29] =	ssyncadd.s32 $0xFFFFFFFF  }
0xb5: {  	_ =	strace $0x90000048  }
0xb6: {  	_ =	sfence  }
0xb7: {  	s30 =	sld [smem:$0x0];
	_ =	sdelay $0x2  }
0xb8: {  	s31 =	sshll.u32 s1, $0xD;
	s1 =	sshrl.u32 s1, $0x2  }
0xb9: {  	s3 =	sand.u32 $0x4000, s31;
	s1 =	sadd.s32 s1, s30  }
0xba: {  	s0 =	sor.u32 s3, s0;
	s1 =	sshll.u32 s1, $0x11  }
0xbb: {  	s0 =	sor.u32 s1, s0  }
0xbc: {  	s0 =	sadd.s32 $0x8F2B, s0  }
0xbd: {  	[sflag:s0] =	ssyncadd.remote.s32 $0x1  }
0xbe: {  	_ =	sfence.sel $0xFFFF  }
0xbf: {  	[dreg:$0x0] =	wrdreg $0xFFFFFFFF;
	(pc) =	sbr.abs _section_cstart, $3  }
0xc0: {  	[dreg:$0x1] =	wrdreg $0xFFFFFFFF  }
0xc1: {  	_ =	task.clear_ibuf [dreg:s6], $0x2FFFF;
	_ =	strace $0x9FFFFFFF  }
0xc2: {  	(tm) =	ssettm $0x7FFFFFFF  }
0xc3: {  	_ =	shalt  }
tec
execute0_lowered:
.L_overlay_start_1:
0x0: {  	(tag) =	ssettag $0x1  }
0x1: {  	s0 =	rddreg [dreg:$0x0]  }
0x2: {  	s1 =	rddreg [dreg:$0x1];
	s3 =	simm.s32 $0x0  }
0x3: {  	s2 =	srdreg.scid;
	s26 =	stileid.u32;
	s28 =	simm.s32 $0x50  }
0x4: {  	s29 =	simm.s32 $0x1;
	s30 =	simm.s32 $0x0;
	s8 =	smul.u32 $0xA000, s26  }
0x5: {  	[smem:$0x7FF] =	sst s3;
	s31 =	sor.u32 $0x10, s26;
	s15 =	smul.u32 $0x2800, s26  }
0x6: {  	s2 =	sand.u32 $0x1, s2;
	s14 =	sor.u32 $0x20, s26;
	s9 =	smul.u32 $0xA000, s31  }
0x7: {  	s5 =	sshll.u32 s26, $0xC;
	s16 =	sor.u32 $0x30, s26;
	s21 =	smul.u32 $0xA000, s14  }
0x8: {  	s4 =	sadd.s32 $0x23C00, s0;
	s17 =	sor.u32 $0x40, s26;
	s10 =	smul.u32 $0xA000, s16  }
0x9: {  	s22 =	sadd.s32 $0x4AE00, s0;
	s18 =	sor.u32 $0x50, s26;
	s11 =	smul.u32 $0xA000, s17  }
0xa: {  	s19 =	sor.u32 $0x60, s26;
	p0 =	sgt.u32 s26, $0xC;
	s12 =	smul.u32 $0xA000, s18  }
0xb: {  	_ =	strace $0x80000047;
	s6 =	sshll.u32 s2, $0xB;
	s13 =	smul.u32 $0xA000, s19  }
0xc: {  	s24 =	ssub.s32 $0x2, s2;
	s2 =	smul.u32 $0x138800, s2;
	s5 =	sor.u32 s6, s5  }
0xd: {  	s25 =	sshrl.u32 s24, $0x1;
	s8 =	sshrl.u32 s8, $0x2;
	s7 =	sadd.s32 s5, s0  }
0xe: {  	s23 =	ssub.s32 s24, s25;
	s20 =	sshrl.u32 s9, $0x2;
	s9 =	sshrl.u32 s21, $0x2  }
0xf: {  	s10 =	sshrl.u32 s10, $0x2;
	s11 =	sshrl.u32 s11, $0x2;
	s0 =	smul.u32 $0x2800, s31  }
0x10: {  	s12 =	sshrl.u32 s12, $0x2;
	s13 =	sshrl.u32 s13, $0x2;
	s24 =	smul.u32 $0x2800, s14  }
0x11: {  	s15 =	sadd.s32 s15, s2;
	s25 =	smul.u32 $0x2800, s16;
	s5 =	sadd.s32 $0x3C00, s7  }
0x12: {  	s6 =	sadd.s32 $0x13C00, s7;
	s7 =	sadd.s32 s8, s1;
	s8 =	sadd.s32 s20, s1  }
0x13: {  	s9 =	sadd.s32 s9, s1;
	s10 =	sadd.s32 s10, s1;
	s11 =	sadd.s32 s11, s1  }
0x14: {  	s20 =	sor.u32 $0x70, s26;
	s12 =	sadd.s32 s12, s1;
	s13 =	sadd.s32 s13, s1  }
0x15: {  	s15 =	sshrl.u32 s15, $0x3;
	s23 =	smax.u32 s23, $0x1;
	s21 =	smul.u32 $0xA000, s20  }
0x16: {  	s0 =	sadd.s32 s2, s0;
	s24 =	sadd.s32 s2, s24;
	s25 =	sadd.s32 s2, s25  }
0x17: {  	s20 =	smul.u32 $0x2800, s20;
	s0 =	sshrl.u32 s0, $0x3;
	s21 =	sshrl.u32 s21, $0x2  }
0x18: {  	s16 =	sadd.s32 s22, s0;
	s0 =	sshrl.u32 s25, $0x3;
	s25 =	smul.u32 $0x2800, s19  }
0x19: {  	s31 =	sshrl.u32 s24, $0x3;
	s14 =	sadd.s32 s21, s1;
	s21 =	smul.u32 $0x2800, s17  }
0x1a: {  	s26 =	simm.s32 $0x8000;
	s17 =	sadd.s32 s22, s31;
	s31 =	smul.u32 $0x2800, s18  }
0x1b: {  	s15 =	sadd.s32 s22, s15;
	s18 =	sadd.s32 s22, s0;
	s25 =	sadd.s32 s2, s25  }
0x1c: {  	s21 =	sadd.s32 s2, s21;
	s24 =	sadd.s32 s2, s31;
	s2 =	sadd.s32 s2, s20  }
0x1d: {  	s21 =	sshrl.u32 s21, $0x3;
	s0 =	sshrl.u32 s24, $0x3;
	s31 =	sshrl.u32 s2, $0x3  }
0x1e: {  	s24 =	simm.s32 $0x2;
	s19 =	sadd.s32 s22, s21;
	s21 =	sshrl.u32 s25, $0x3  }
0x1f: {  	v0 =	vimm.f32 $0.0e+00;
	s20 =	sadd.s32 s22, s0;
	s21 =	sadd.s32 s22, s21;
	s22 =	sadd.s32 s22, s31  }
.LBB2_1:
0x20: {  	[tilespmem:s3], [sflag:$0x2] =	stream.linear.gather [hbm4b:s5+s3], $0x3E80, $0x38;
	[tilespmem:$0x1E080] =	vst v63  }
0x21: {  	_ =	swait.ge [sflag:s24], $0x3E80  }
0x22: {  	[sflag:s24] =	ssyncset.done $0x0  }
0x23: {  	s0 =	simm.s32 $0x4000;
	[sflag:s24] =	ssyncadd.s32 $0xFFFFC180  }
0x24: {  	[tilespmem:s0], [sflag:$0x2] =	stream.linear.gather [hbm4b:s6+s3], $0x3E80, $0x38;
	[tilespmem:$0x1E080] =	vst v63  }
0x25: {  	s25 =	sand.u32 $0xFE00, s3;
	s2 =	sand.u32 $0x70, s3;
	_ =	swait.ge [sflag:s24], $0x3E80  }
0x26: {  	s31 =	simm.s32 $0x40;
	s0 =	sshrl.u32 s25, $0x2;
	[sflag:s24] =	ssyncset.done $0x0  }
0x27: {  	s2 =	sor.u32 s2, s0;
	s0 =	simm.s32 $0x0;
	[sflag:s24] =	ssyncadd.s32 $0xFFFFC180  }
.LBB2_2:
0x28: {  	p1 =	sne.s32 s31, $0x9FC0  }
0x29: {  	[tilespmem:s2+$0x8000] =	vst v0;
	s0 =	sadd.s32 $0x10, s0;
	s2 =	smov.u32 s31;
	s31 =	sadd.s32 $0x40, s31  }
.Ltmp0:
0x2a: {  	(pc) =	sbr.rel @p1 .LBB2_2-.Ltmp0, $4  }
0x2b: {  	_ = 	snop  }
0x2c: {  	s2 =	sand.u32 $0xFE00, s2  }
0x2d: {  	s25 =	sand.u32 $0x70, s0;
	s2 =	sshrl.u32 s2, $0x2  }
0x2e: {  	s2 =	sor.u32 s25, s2  }
0x2f: {  	[tilespmem:s2+$0x8000] =	vst v0  }
0x30: {  	[spmem:s7] =	stream.linear.scatter [tilespmem:s26], [sflag:$0x2], $0x2800, $0x38;
	[tilespmem:$0x1E080] =	vst v63  }
0x31: {  	_ =	swait.ge [sflag:s24], $0x2800  }
0x32: {  	[sflag:s24] =	ssyncset.done $0x0  }
0x33: {  	[sflag:s24] =	ssyncadd.s32 $0xFFFFD800  }
0x34: {  	[spmem:s8] =	stream.linear.scatter [tilespmem:s26], [sflag:$0x2], $0x2800, $0x38;
	[tilespmem:$0x1E080] =	vst v63  }
0x35: {  	_ =	swait.ge [sflag:s24], $0x2800  }
0x36: {  	[sflag:s24] =	ssyncset.done $0x0  }
0x37: {  	[sflag:s24] =	ssyncadd.s32 $0xFFFFD800  }
0x38: {  	[spmem:s9] =	stream.linear.scatter [tilespmem:s26], [sflag:$0x2], $0x2800, $0x38;
	[tilespmem:$0x1E080] =	vst v63  }
0x39: {  	_ =	swait.ge [sflag:s24], $0x2800  }
0x3a: {  	[sflag:s24] =	ssyncset.done $0x0  }
0x3b: {  	[sflag:s24] =	ssyncadd.s32 $0xFFFFD800  }
0x3c: {  	[spmem:s10] =	stream.linear.scatter [tilespmem:s26], [sflag:$0x2], $0x2800, $0x38;
	[tilespmem:$0x1E080] =	vst v63  }
0x3d: {  	_ =	swait.ge [sflag:s24], $0x2800  }
0x3e: {  	[sflag:s24] =	ssyncset.done $0x0  }
0x3f: {  	[sflag:s24] =	ssyncadd.s32 $0xFFFFD800  }
0x40: {  	[spmem:s11] =	stream.linear.scatter [tilespmem:s26], [sflag:$0x2], $0x2800, $0x38;
	[tilespmem:$0x1E080] =	vst v63  }
0x41: {  	_ =	swait.ge [sflag:s24], $0x2800  }
0x42: {  	[sflag:s24] =	ssyncset.done $0x0  }
0x43: {  	[sflag:s24] =	ssyncadd.s32 $0xFFFFD800  }
0x44: {  	[spmem:s12] =	stream.linear.scatter [tilespmem:s26], [sflag:$0x2], $0x2800, $0x38;
	[tilespmem:$0x1E080] =	vst v63  }
0x45: {  	_ =	swait.ge [sflag:s24], $0x2800  }
0x46: {  	[sflag:s24] =	ssyncset.done $0x0  }
0x47: {  	[sflag:s24] =	ssyncadd.s32 $0xFFFFD800  }
0x48: {  	[spmem:s13] =	stream.linear.scatter [tilespmem:s26], [sflag:$0x2], $0x2800, $0x38;
	[tilespmem:$0x1E080] =	vst v63  }
0x49: {  	_ =	swait.ge [sflag:s24], $0x2800  }
0x4a: {  	[sflag:s24] =	ssyncset.done $0x0  }
0x4b: {  	s0 =	simm.s32 @!p0 $0x8000;
	[sflag:s24] =	ssyncadd.s32 $0xFFFFD800  }
0x4c: {  	[spmem:s14] =	stream.linear.scatter @!p0 [tilespmem:s0], [sflag:$0x2], $0x2800, $0x38;
	[tilespmem:$0x1E080] =	vst v63  }
0x4d: {  	s0 =	simm.s32 @!p0 $0x2  }
0x4e: {  	_ =	swait.ge @!p0 [sflag:s0], $0x2800  }
0x4f: {  	[sflag:s0] =	ssyncset.done @!p0 $0x0  }
0x50: {  	[sflag:s0] =	ssyncadd.s32 @!p0 $0xFFFFD800  }
0x51: {  	s2 =	simm.s32 $0x0;
	[bflag:$0x0] =	sbarrier.arrive $0xFFFF  }
0x52: {  	[tilespmem:s26], [sflag:$0x1] =	stream.indirect.gather [hbm4b:s4+s28], $0x80, s2, s28, $0xb8;
	[tilespmem:$0x1E080] =	vst v63  }
0x53: {  	_ =	swait.ge [sflag:s29], $0x2800  }
0x54: {  	[sflag:s29] =	ssyncset.done $0x0  }
0x55: {  	s25 =	simm.s32 $0x4000;
	[sflag:s29] =	ssyncadd.s32 $0xFFFFD800  }
0x56: {  	[spmem:s1] =	stream.indirect.scatter.add.f32 [tilespmem:s26], [sflag:$0x2], $0x80, s25, s28, $0xb8;
	[tilespmem:$0x1E080] =	vst v63  }
0x57: {  	_ =	swait.ge [sflag:s24], $0x2800  }
0x58: {  	s31 =	simm.s32 $0x200;
	s0 =	simm.s32 $0x400;
	[sflag:s24] =	ssyncset.done $0x0  }
.LBB2_4:
0x59: {  	s2 =	sshra.s32 s31, $0x2  }
0x5a: {  	[sflag:s24] =	ssyncadd.s32 $0xFFFFD800;
	s31 =	smov.u32 s0;
	s25 =	sadd.s32 $0x200, s0  }
0x5b: {  	[tilespmem:s26], [sflag:$0x1] =	stream.indirect.gather [hbm4b:s4+s28], $0x80, s2, s28, $0xb8;
	[tilespmem:$0x1E080] =	vst v63  }
0x5c: {  	p1 =	sne.s32 s0, $0xF800;
	_ =	swait.ge [sflag:s29], $0x2800  }
.Ltmp1:
0x5d: {  	[sflag:s29] =	ssyncset.done $0x0;
	(pc) =	sbr.rel @p1 .LBB2_4-.Ltmp1, $4  }
0x5e: {  	s0 =	sadd.s32 $0x4000, s2;
	[sflag:s29] =	ssyncadd.s32 $0xFFFFD800  }
0x5f: {  	[spmem:s1] =	stream.indirect.scatter.add.f32 [tilespmem:s26], [sflag:$0x2], $0x80, s0, s28, $0xb8;
	[tilespmem:$0x1E080] =	vst v63  }
0x60: {  	_ =	swait.ge [sflag:s24], $0x2800  }
0x61: {  	s0 =	smov.u32 s25;
	[sflag:s24] =	ssyncset.done $0x0  }
0x62: {  	s0 =	sshra.s32 s31, $0x2;
	[sflag:s24] =	ssyncadd.s32 $0xFFFFD800  }
0x63: {  	[tilespmem:s26], [sflag:$0x1] =	stream.indirect.gather [hbm4b:s4+s28], $0x80, s0, s28, $0xb8;
	[tilespmem:$0x1E080] =	vst v63  }
0x64: {  	_ =	swait.ge [sflag:s29], $0x2800  }
0x65: {  	[sflag:s29] =	ssyncset.done $0x0  }
0x66: {  	s0 =	sadd.s32 $0x4000, s0;
	[sflag:s29] =	ssyncadd.s32 $0xFFFFD800  }
0x67: {  	[spmem:s1] =	stream.indirect.scatter.add.f32 [tilespmem:s26], [sflag:$0x2], $0x80, s0, s28, $0xb8;
	[tilespmem:$0x1E080] =	vst v63  }
0x68: {  	_ =	swait.ge [sflag:s24], $0x2800  }
0x69: {  	[sflag:s24] =	ssyncset.done $0x0  }
0x6a: {  	[sflag:s24] =	ssyncadd.s32 $0xFFFFD800  }
0x6b: {  	[bflag:$0x0] =	sbarrier.arrive $0xFFFF  }
0x6c: {  	[tilespmem:s26], [sflag:$0x2] =	stream.linear.gather [spmem:s7], $0x2800, $0x38;
	[tilespmem:$0x1E080] =	vst v63  }
0x6d: {  	_ =	swait.ge [sflag:s24], $0x2800  }
0x6e: {  	[sflag:s24] =	ssyncset.done $0x0  }
0x6f: {  	[sflag:s24] =	ssyncadd.s32 $0xFFFFD800  }
0x70: {  	[hbm4b:s15+s3] =	stream.linear.scatter [tilespmem:s26], [sflag:$0x2], $0x2800, $0x38;
	[tilespmem:$0x1E080] =	vst v63  }
0x71: {  	_ =	swait.ge [sflag:s24], $0x2800  }
0x72: {  	[sflag:s24] =	ssyncset.done $0x0  }
0x73: {  	[sflag:s24] =	ssyncadd.s32 $0xFFFFD800  }
0x74: {  	[tilespmem:s26], [sflag:$0x2] =	stream.linear.gather [spmem:s8], $0x2800, $0x38;
	[tilespmem:$0x1E080] =	vst v63  }
0x75: {  	_ =	swait.ge [sflag:s24], $0x2800  }
0x76: {  	[sflag:s24] =	ssyncset.done $0x0  }
0x77: {  	[sflag:s24] =	ssyncadd.s32 $0xFFFFD800  }
0x78: {  	[hbm4b:s16+s3] =	stream.linear.scatter [tilespmem:s26], [sflag:$0x2], $0x2800, $0x38;
	[tilespmem:$0x1E080] =	vst v63  }
0x79: {  	_ =	swait.ge [sflag:s24], $0x2800  }
0x7a: {  	[sflag:s24] =	ssyncset.done $0x0  }
0x7b: {  	[sflag:s24] =	ssyncadd.s32 $0xFFFFD800  }
0x7c: {  	[tilespmem:s26], [sflag:$0x2] =	stream.linear.gather [spmem:s9], $0x2800, $0x38;
	[tilespmem:$0x1E080] =	vst v63  }
0x7d: {  	_ =	swait.ge [sflag:s24], $0x2800  }
0x7e: {  	[sflag:s24] =	ssyncset.done $0x0  }
0x7f: {  	[sflag:s24] =	ssyncadd.s32 $0xFFFFD800  }
0x80: {  	[hbm4b:s17+s3] =	stream.linear.scatter [tilespmem:s26], [sflag:$0x2], $0x2800, $0x38;
	[tilespmem:$0x1E080] =	vst v63  }
0x81: {  	_ =	swait.ge [sflag:s24], $0x2800  }
0x82: {  	[sflag:s24] =	ssyncset.done $0x0  }
0x83: {  	[sflag:s24] =	ssyncadd.s32 $0xFFFFD800  }
0x84: {  	[tilespmem:s26], [sflag:$0x2] =	stream.linear.gather [spmem:s10], $0x2800, $0x38;
	[tilespmem:$0x1E080] =	vst v63  }
0x85: {  	_ =	swait.ge [sflag:s24], $0x2800  }
0x86: {  	[sflag:s24] =	ssyncset.done $0x0  }
0x87: {  	[sflag:s24] =	ssyncadd.s32 $0xFFFFD800  }
0x88: {  	[hbm4b:s18+s3] =	stream.linear.scatter [tilespmem:s26], [sflag:$0x2], $0x2800, $0x38;
	[tilespmem:$0x1E080] =	vst v63  }
0x89: {  	_ =	swait.ge [sflag:s24], $0x2800  }
0x8a: {  	[sflag:s24] =	ssyncset.done $0x0  }
0x8b: {  	[sflag:s24] =	ssyncadd.s32 $0xFFFFD800  }
0x8c: {  	[tilespmem:s26], [sflag:$0x2] =	stream.linear.gather [spmem:s11], $0x2800, $0x38;
	[tilespmem:$0x1E080] =	vst v63  }
0x8d: {  	_ =	swait.ge [sflag:s24], $0x2800  }
0x8e: {  	[sflag:s24] =	ssyncset.done $0x0  }
0x8f: {  	[sflag:s24] =	ssyncadd.s32 $0xFFFFD800  }
0x90: {  	[hbm4b:s19+s3] =	stream.linear.scatter [tilespmem:s26], [sflag:$0x2], $0x2800, $0x38;
	[tilespmem:$0x1E080] =	vst v63  }
0x91: {  	_ =	swait.ge [sflag:s24], $0x2800  }
0x92: {  	[sflag:s24] =	ssyncset.done $0x0  }
0x93: {  	[sflag:s24] =	ssyncadd.s32 $0xFFFFD800  }
0x94: {  	[tilespmem:s26], [sflag:$0x2] =	stream.linear.gather [spmem:s12], $0x2800, $0x38;
	[tilespmem:$0x1E080] =	vst v63  }
0x95: {  	_ =	swait.ge [sflag:s24], $0x2800  }
0x96: {  	[sflag:s24] =	ssyncset.done $0x0  }
0x97: {  	[sflag:s24] =	ssyncadd.s32 $0xFFFFD800  }
0x98: {  	[hbm4b:s20+s3] =	stream.linear.scatter [tilespmem:s26], [sflag:$0x2], $0x2800, $0x38;
	[tilespmem:$0x1E080] =	vst v63  }
0x99: {  	_ =	swait.ge [sflag:s24], $0x2800  }
0x9a: {  	[sflag:s24] =	ssyncset.done $0x0  }
0x9b: {  	[sflag:s24] =	ssyncadd.s32 $0xFFFFD800  }
0x9c: {  	[tilespmem:s26], [sflag:$0x2] =	stream.linear.gather [spmem:s13], $0x2800, $0x38;
	[tilespmem:$0x1E080] =	vst v63  }
0x9d: {  	_ =	swait.ge [sflag:s24], $0x2800  }
0x9e: {  	[sflag:s24] =	ssyncset.done $0x0  }
0x9f: {  	[sflag:s24] =	ssyncadd.s32 $0xFFFFD800  }
0xa0: {  	[hbm4b:s21+s3] =	stream.linear.scatter [tilespmem:s26], [sflag:$0x2], $0x2800, $0x38;
	[tilespmem:$0x1E080] =	vst v63  }
0xa1: {  	_ =	swait.ge [sflag:s24], $0x2800  }
0xa2: {  	[sflag:s24] =	ssyncset.done $0x0  }
0xa3: {  	s2 =	simm.s32 @!p0 $0x2;
	s0 =	simm.s32 @!p0 $0x8000;
	[sflag:s24] =	ssyncadd.s32 $0xFFFFD800  }
0xa4: {  	[tilespmem:s0], [sflag:$0x2] =	stream.linear.gather @!p0 [spmem:s14], $0x2800, $0x38;
	[tilespmem:$0x1E080] =	vst v63  }
0xa5: {  	s30 =	sadd.s32 $0x1, s30;
	_ =	swait.ge @!p0 [sflag:s2], $0x2800  }
0xa6: {  	p1 =	sne.s32 s30, s23;
	[sflag:s2] =	ssyncset.done @!p0 $0x0  }
.Ltmp2:
0xa7: {  	s25 =	simm.s32 @!p0 $0x0;
	[sflag:s2] =	ssyncadd.s32 @!p0 $0xFFFFD800;
	(pc) =	sbr.rel @p1 .LBB2_1-.Ltmp2, $4  }
0xa8: {  	[hbm4b:s22+s25] =	stream.linear.scatter @!p0 [tilespmem:s0], [sflag:$0x2], $0x2800, $0x38;
	[tilespmem:$0x1E080] =	vst v63  }
0xa9: {  	_ =	swait.ge @!p0 [sflag:s2], $0x2800  }
0xaa: {  	[sflag:s2] =	ssyncset.done @!p0 $0x0  }
0xab: {  	[sflag:s2] =	ssyncadd.s32 @!p0 $0xFFFFD800  }
0xac: {  	_ =	sfence.sel $0x180000  }
0xad: {  	[bflag:$0x0] =	sbarrier.arrive $0xFFFF  }
0xae: {  	_ =	strace $0x90000047  }
0xaf: {  	s0 =	stileid.u32;
	[bflag:$0x2] =	sbarrier.arrive $0xFFFF  }
0xb0: {  	p0 =	sne.s32 s0, $0x0;
	s0 =	rddreg [dreg:$0x2]  }
0xb1: {  	s0 =	sadd.s32 @!p0 $0x100000, s0  }
0xb2: {  	[sflag:s0] =	ssyncadd.tile.s32 @!p0 $0x1;
	_ =	shalt  }
.Lfunc_end2:
_tile_overlayer_lowered:
.L_overlay_start_2:
0xb3: {  	(tag) =	ssettag $0x2  }
0xb4: {  	s0 =	rddreg [dreg:$0x0];
	s2 =	stileid.u32  }
0xb5: {  	s1 =	rddreg [dreg:$0x1];
	p0 =	sne.s32 s2, $0x0  }
0xb6: {  	s3 =	rddreg [dreg:$0x2];
	[bflag:$0x3] =	sbarrier.arrive $0xFFFF;
	s2 =	simm.s32 @!p0 $0x1C02  }
0xb7: {  	[timem:s3], [sflag:s2] =	dma.local @!p0 [hbm:s0], s1  }
0xb8: {  	s0 =	simm.s32 @!p0 $0x2  }
0xb9: {  	_ =	swait.ge @!p0 [sflag:s0], s1  }
0xba: {  	s1 =	ssub.s32 @!p0 $0x0, s1;
	[sflag:s0] =	ssyncset.done @!p0 $0x0  }
0xbb: {  	[sflag:s0] =	ssyncadd.s32 @!p0 s1  }
0xbc: {  	[bflag:$0x3] =	sbarrier.arrive $0xFFFF  }
0xbd: {  	_ =	shalt  }

// kernel: kernel.14.cloned.1.call-start
scs
__scs_entry_jumppad:
0x0: {  	(pc) =	sbr.rel $0x88, $3  }
0x1: {  	(tag) =	ssettag $0x0;
	lr =	simm.s32 $0x1  }
0x2: {  	[smem:$0x3F8F] =	sst lr;
	_ =	strace $0xD0000000  }
0x3: {  	_ = 	snop  }
0x4: {  	_ = 	snop  }
0x5: {  	_ = 	snop  }
0x6: {  	_ = 	snop  }
0x7: {  	_ = 	snop  }
__scs_overlays_trampoline_lowered:
0x8: {  	[smem:$0x3F9E] =	sst s0  }
0x9: {  	[smem:$0x3F9F] =	sst s1  }
0xa: {  	[smem:$0x3FA0] =	sst s2  }
0xb: {  	[smem:$0x3FA1] =	sst s3  }
0xc: {  	[smem:$0x3FA2] =	sst s4  }
0xd: {  	[smem:$0x3FA3] =	sst s5  }
0xe: {  	[smem:$0x3FA4] =	sst s6  }
0xf: {  	[smem:$0x3FA5] =	sst s7  }
0x10: {  	[smem:$0x3FA6] =	sst s8  }
0x11: {  	[smem:$0x3FA7] =	sst s9;
	s0 =	simm.s32 @!p0 $0x0  }
0x12: {  	s1 =	sld [smem:$0x3F8D];
	s0 =	simm.s32 @p0 $0x1  }
0x13: {  	[smem:$0x3FA8] =	sst s0;
	s0 =	simm.s32 @!p1 $0x0  }
0x14: {  	s2 =	sld [smem:$0x3F8C];
	s0 =	simm.s32 @p1 $0x1  }
0x15: {  	[smem:$0x3FA9] =	sst s0;
	s0 =	simm.s32 @!p2 $0x0  }
0x16: {  	s3 =	sld [smem:$0x3FDB];
	s0 =	simm.s32 @p2 $0x1  }
0x17: {  	s4 =	simm.s32 $0x1BF5;
	[smem:$0x3FAB] =	sst s0  }
0x18: {  	s0 =	sld [smem:$0x3F8E];
	_ =	swait.ge [sflag:s4], $0x0  }
0x19: {  	s7 =	sld [smem:$0x3F8F]  }
0x1a: {  	s8 =	sadd.s32 $0xFFFFE003, lr  }
0x1b: {  	s9 =	sadd.s32 $0xFFFFFEF7, lr;
	s5 =	simm.s32 $0xFFFFFFFF;
	p2 =	slt.u32 s8, $0xFFFFF086  }
0x1c: {  	p1 =	slt.u32 s9, $0xF7A;
	s5 =	simm.s32 @!p2 $0x0  }
0x1d: {  	s5 =	simm.s32 @p1 $0x1;
	p0 =	seq.s32 s7, s2  }
0x1e: {  	s7 =	smul.u32 @!p0 $0xF7A, s2;
	p2 =	seq.s32 @!p0 s5, $0x0  }
0x1f: {  	s9 =	smul.u32 $0xF7A, s1;
	s8 =	simm.s32 @!p0 $0x1BF5;
	p2 =	por !p2, p0  }
0x20: {  	[sflag:s8] =	ssyncset.s32 @!p0 $0xFFFFF086;
	s6 =	sadd.s32 @!p0 s3, s7;
	s7 =	simm.s32 @!p0 $0x108  }
0x21: {  	s3 =	sadd.s32 s3, s9;
	s6 =	sadd.s32 @!p0 $0x88, s6;
	s7 =	simm.s32 @p2 $0x1082  }
0x22: {  	[simem:s7], [sflag:s8] =	dma.local @!p0 [hbm:s6], $0xF7A  }
0x23: {  	s9 =	sor.u32 $0xD0000000, s2;
	s6 =	simm.s32 $0x108;
	_ =	swait.ge @!p0 [sflag:s8], $0x0  }
0x24: {  	s3 =	sadd.s32 $0x88, s3;
	s6 =	simm.s32 @!p1 $0x1082;
	[sflag:s4] =	ssyncset.s32 $0xFFFFF086  }
0x25: {  	[simem:s6], [sflag:s4] =	dma.local [hbm:s3], $0xF7A  }
0x26: {  	[smem:$0x3F8F] =	sst s1;
	(tag) =	ssettag s2;
	_ =	strace s9  }
0x27: {  	s1 =	sld [smem:$0x3F9F]  }
0x28: {  	s2 =	sld [smem:$0x3FA0]  }
0x29: {  	s4 =	sld [smem:$0x3FA2]  }
0x2a: {  	p0 =	seq.s32 s5, $0x0;
	s5 =	sld [smem:$0x3FA3]  }
0x2b: {  	s6 =	sld [smem:$0x3FA4]  }
0x2c: {  	s7 =	sld [smem:$0x3FA5]  }
0x2d: {  	s3 =	simm.s32 $0x108;
	s8 =	sld [smem:$0x3FA6]  }
0x2e: {  	s3 =	simm.s32 @!p0 $0x1082;
	s9 =	sld [smem:$0x3FA7]  }
0x2f: {  	lr =	sadd.s32 s0, s3;
	s0 =	sld [smem:$0x3F9E]  }
0x30: {  	s3 =	sld [smem:$0x3FA1]  }
0x31: {  	[smem:$0x3FAA] =	sst s10  }
0x32: {  	s10 =	sld [smem:$0x3FA8];
	_ =	sdelay $0x3  }
0x33: {  	p0 =	seq.s32 s10, $0x1;
	s10 =	sld [smem:$0x3FAA];
	_ =	sdelay $0x3  }
0x34: {  	[smem:$0x3FAA] =	sst s10  }
0x35: {  	s10 =	sld [smem:$0x3FA9];
	_ =	sdelay $0x3  }
0x36: {  	p1 =	seq.s32 s10, $0x1;
	s10 =	sld [smem:$0x3FAA];
	_ =	sdelay $0x3  }
0x37: {  	[smem:$0x3FAA] =	sst s10  }
0x38: {  	s10 =	sld [smem:$0x3FAB]  }
0x39: {  	_ = 	snop;
	(pc) =	sbr.ind lr, $3  }
0x3a: {  	_ = 	snop  }
0x3b: {  	_ = 	snop  }
0x3c: {  	p2 =	seq.s32 s10, $0x1;
	s10 =	sld [smem:$0x3FAA]  }
0x3d: {  	_ =	shalt  }
0x3e: {  	_ =	shalt  }
0x3f: {  	_ =	shalt  }
0x40: {  	_ =	shalt  }
0x41: {  	_ =	shalt  }
0x42: {  	_ =	shalt  }
0x43: {  	_ =	shalt  }
0x44: {  	_ =	shalt  }
0x45: {  	_ =	shalt  }
0x46: {  	_ =	shalt  }
0x47: {  	_ =	shalt  }
0x48: {  	_ =	shalt  }
0x49: {  	_ =	shalt  }
0x4a: {  	_ =	shalt  }
0x4b: {  	_ =	shalt  }
0x4c: {  	_ =	shalt  }
0x4d: {  	_ =	shalt  }
0x4e: {  	_ =	shalt  }
0x4f: {  	_ =	shalt  }
0x50: {  	_ =	shalt  }
0x51: {  	_ =	shalt  }
0x52: {  	_ =	shalt  }
0x53: {  	_ =	shalt  }
0x54: {  	_ =	shalt  }
0x55: {  	_ =	shalt  }
0x56: {  	_ =	shalt  }
0x57: {  	_ =	shalt  }
0x58: {  	_ =	shalt  }
0x59: {  	_ =	shalt  }
0x5a: {  	_ =	shalt  }
0x5b: {  	_ =	shalt  }
0x5c: {  	_ =	shalt  }
0x5d: {  	_ =	shalt  }
0x5e: {  	_ =	shalt  }
0x5f: {  	_ =	shalt  }
0x60: {  	_ =	shalt  }
0x61: {  	_ =	shalt  }
0x62: {  	_ =	shalt  }
0x63: {  	_ =	shalt  }
0x64: {  	_ =	shalt  }
0x65: {  	_ =	shalt  }
0x66: {  	_ =	shalt  }
0x67: {  	_ =	shalt  }
0x68: {  	_ =	shalt  }
0x69: {  	_ =	shalt  }
0x6a: {  	_ =	shalt  }
0x6b: {  	_ =	shalt  }
0x6c: {  	_ =	shalt  }
0x6d: {  	_ =	shalt  }
0x6e: {  	_ =	shalt  }
0x6f: {  	_ =	shalt  }
0x70: {  	_ =	shalt  }
0x71: {  	_ =	shalt  }
0x72: {  	_ =	shalt  }
0x73: {  	_ =	shalt  }
0x74: {  	_ =	shalt  }
0x75: {  	_ =	shalt  }
0x76: {  	_ =	shalt  }
0x77: {  	_ =	shalt  }
0x78: {  	_ =	shalt  }
0x79: {  	_ =	shalt  }
0x7a: {  	_ =	shalt  }
0x7b: {  	_ =	shalt  }
0x7c: {  	_ =	shalt  }
0x7d: {  	_ =	shalt  }
0x7e: {  	_ =	shalt  }
0x7f: {  	_ =	shalt  }
0x80: {  	_ =	shalt  }
0x81: {  	_ =	shalt  }
0x82: {  	_ =	shalt  }
0x83: {  	_ =	shalt  }
0x84: {  	_ =	shalt  }
0x85: {  	_ =	shalt  }
0x86: {  	_ =	shalt  }
0x87: {  	_ =	shalt  }
.Lfunc_end0:
.L_simem_size_0:
called_computation.1_lowered:
.L_overlay_start_0:
0x88: {  	s2 =	sld [smem:$0x3FD9]  }
0x89: {  	s3 =	sld [smem:$0x3FFE];
	_ =	sdelay $0x1  }
0x8a: {  	s1 =	srdreg.scid  }
0x8b: {  	s0 =	sand.u32 $0x1, s1  }
0x8c: {  	s16 =	sshll.u32 s0, $0xA;
	s2 =	sadd.s32 s3, s2  }
0x8d: {  	s2 =	sadd.s32 s2, s16  }
0x8e: {  	[smem:$0x3FB6] =	sst s2  }
0x8f: {  	_ = 	snop  }
0x90: {  	(tm) =	ssettm $0x1  }
0x91: {  	s17 =	sld [smem:$0x3FFB];
	_ =	sdelay $0x3  }
0x92: {  	_ =	strace s17  }
0x93: {  	s2 =	sld [smem:$0x3FFC];
	_ =	sdelay $0x3  }
0x94: {  	_ =	strace s2  }
0x95: {  	s2 =	sld [smem:$0x3FFD];
	_ =	sdelay $0x3  }
0x96: {  	_ =	strace s2  }
0x97: {  	_ =	strace $0x8FFFFFFF  }
0x98: {  	s18 =	sld [smem:$0x3FDB];
	_ =	sdelay $0x1  }
0x99: {  	s19 =	simm.s32 $_scs_section_size  }
0x9a: {  	s4 =	simm.s32 $_size__tile_overlayer_lowered;
	s5 =	simm.s32 $_tile_overlayer_lowered  }
0x9b: {  	s22 =	simm.s32 $0x1BFF;
	s21 =	sshll.u32 s5, $0x1;
	s2 =	sadd.s32 s19, s18  }
0x9c: {  	s6 =	simm.s32 $0x0;
	s20 =	sshll.u32 s4, $0x1;
	s4 =	sadd.s32 s21, s2  }
0x9d: {  	[timem:s6], [sflag:s22] =	dma.local [hbm:s4], s20  }
0x9e: {  	_ =	swait.ge [sflag:s22], s20  }
0x9f: {  	s3 =	ssub.s32 $0x0, s20;
	[sflag:s22] =	ssyncset.done $0x0  }
0xa0: {  	[sflag:s22] =	ssyncadd.s32 s3;
	_ =	sdelay $0x1  }
0xa1: {  	s23 =	simm.s32 $0x1B8B  }
0xa2: {  	_ =	swait.ge [sflag:s23], $0x1  }
0xa3: {  	[sflag:s23] =	ssyncset.done $0x0  }
0xa4: {  	s25 =	simm.s32 $0x1B8E;
	s24 =	sld [smem:$0x3FFE];
	[sflag:s23] =	ssyncadd.s32 $0xFFFFFFFF  }
0xa5: {  	s26 =	simm.s32 $execute0_lowered;
	[smem:$0x3FD2] =	sst s25  }
0xa6: {  	s4 =	sshll.u32 s26, $0x1;
	_ =	strace $0x80000049;
	[dreg:$0x1] =	wrdreg $0xFFFFFFFF  }
0xa7: {  	s28 =	simm.s32 $_size_execute0_lowered;
	s2 =	sadd.s32 s2, s4;
	[dreg:$0x0] =	wrdreg $0x0  }
0xa8: {  	s4 =	sshll.u32 s28, $0x1;
	[dreg:$0x2] =	wrdreg s2  }
0xa9: {  	[dreg:$0x3] =	wrdreg s4  }
0xaa: {  	[dreg:$0x4] =	wrdreg $0xC0  }
0xab: {  	_ =	task [dreg:s6], $0x5FFFF  }
0xac: {  	[dreg:$0x1] =	wrdreg $0xFFFFFFFF  }
0xad: {  	[dreg:$0x0] =	wrdreg $0x60  }
0xae: {  	[dreg:$0x2] =	wrdreg s24  }
0xaf: {  	[dreg:$0x3] =	wrdreg $0xA8000  }
0xb0: {  	[dreg:$0x4] =	wrdreg $0x9  }
0xb1: {  	_ =	task.clear_ibuf [dreg:s6], $0x5FFFF;
	_ =	strace $0x90000049  }
0xb2: {  	s29 =	simm.s32 $0x9;
	_ =	strace $0x8000004B  }
0xb3: {  	_ =	swait.ge [sflag:s29], $0x1  }
0xb4: {  	[sflag:s29] =	ssyncadd.s32 $0xFFFFFFFF  }
0xb5: {  	_ =	strace $0x9000004B  }
0xb6: {  	_ =	sfence  }
0xb7: {  	s30 =	sld [smem:$0x0];
	_ =	sdelay $0x2  }
0xb8: {  	s31 =	sshll.u32 s1, $0xD;
	s1 =	sshrl.u32 s1, $0x2  }
0xb9: {  	s3 =	sand.u32 $0x4000, s31;
	s1 =	sadd.s32 s1, s30  }
0xba: {  	s0 =	sor.u32 s3, s0;
	s1 =	sshll.u32 s1, $0x11  }
0xbb: {  	s0 =	sor.u32 s1, s0  }
0xbc: {  	s0 =	sadd.s32 $0x8F2B, s0  }
0xbd: {  	[sflag:s0] =	ssyncadd.remote.s32 $0x1  }
0xbe: {  	_ =	sfence.sel $0xFFFF  }
0xbf: {  	[dreg:$0x0] =	wrdreg $0xFFFFFFFF;
	(pc) =	sbr.abs _section_cstart, $3  }
0xc0: {  	[dreg:$0x1] =	wrdreg $0xFFFFFFFF  }
0xc1: {  	_ =	task.clear_ibuf [dreg:s6], $0x2FFFF;
	_ =	strace $0x9FFFFFFF  }
0xc2: {  	(tm) =	ssettm $0x7FFFFFFF  }
0xc3: {  	_ =	shalt  }
tec
execute0_lowered:
.L_overlay_start_1:
0x0: {  	(tag) =	ssettag $0x1  }
0x1: {  	s0 =	rddreg [dreg:$0x0]  }
0x2: {  	s1 =	rddreg [dreg:$0x1];
	s3 =	simm.s32 $0x0  }
0x3: {  	s2 =	srdreg.scid;
	s26 =	stileid.u32;
	s28 =	simm.s32 $0x50  }
0x4: {  	s29 =	simm.s32 $0x1;
	s30 =	simm.s32 $0x0;
	s8 =	smul.u32 $0xA000, s26  }
0x5: {  	[smem:$0x7FF] =	sst s3;
	s31 =	sor.u32 $0x10, s26;
	s15 =	smul.u32 $0x2800, s26  }
0x6: {  	s2 =	sand.u32 $0x1, s2;
	s14 =	sor.u32 $0x20, s26;
	s9 =	smul.u32 $0xA000, s31  }
0x7: {  	s5 =	sshll.u32 s26, $0xC;
	s16 =	sor.u32 $0x30, s26;
	s21 =	smul.u32 $0xA000, s14  }
0x8: {  	s4 =	sadd.s32 $0x23C00, s0;
	s17 =	sor.u32 $0x40, s26;
	s10 =	smul.u32 $0xA000, s16  }
0x9: {  	s22 =	sadd.s32 $0x4AE00, s0;
	s18 =	sor.u32 $0x50, s26;
	s11 =	smul.u32 $0xA000, s17  }
0xa: {  	s19 =	sor.u32 $0x60, s26;
	p0 =	sgt.u32 s26, $0xC;
	s12 =	smul.u32 $0xA000, s18  }
0xb: {  	_ =	strace $0x8000004A;
	s6 =	sshll.u32 s2, $0xB;
	s13 =	smul.u32 $0xA000, s19  }
0xc: {  	s24 =	ssub.s32 $0x2, s2;
	s2 =	smul.u32 $0x138800, s2;
	s5 =	sor.u32 s6, s5  }
0xd: {  	s25 =	sshrl.u32 s24, $0x1;
	s8 =	sshrl.u32 s8, $0x2;
	s7 =	sadd.s32 s5, s0  }
0xe: {  	s23 =	ssub.s32 s24, s25;
	s20 =	sshrl.u32 s9, $0x2;
	s9 =	sshrl.u32 s21, $0x2  }
0xf: {  	s10 =	sshrl.u32 s10, $0x2;
	s11 =	sshrl.u32 s11, $0x2;
	s0 =	smul.u32 $0x2800, s31  }
0x10: {  	s12 =	sshrl.u32 s12, $0x2;
	s13 =	sshrl.u32 s13, $0x2;
	s24 =	smul.u32 $0x2800, s14  }
0x11: {  	s15 =	sadd.s32 s15, s2;
	s25 =	smul.u32 $0x2800, s16;
	s5 =	sadd.s32 $0x13C00, s7  }
0x12: {  	s6 =	sadd.s32 $0x3C00, s7;
	s7 =	sadd.s32 s8, s1;
	s8 =	sadd.s32 s20, s1  }
0x13: {  	s9 =	sadd.s32 s9, s1;
	s10 =	sadd.s32 s10, s1;
	s11 =	sadd.s32 s11, s1  }
0x14: {  	s20 =	sor.u32 $0x70, s26;
	s12 =	sadd.s32 s12, s1;
	s13 =	sadd.s32 s13, s1  }
0x15: {  	s15 =	sshrl.u32 s15, $0x3;
	s23 =	smax.u32 s23, $0x1;
	s21 =	smul.u32 $0xA000, s20  }
0x16: {  	s0 =	sadd.s32 s2, s0;
	s24 =	sadd.s32 s2, s24;
	s25 =	sadd.s32 s2, s25  }
0x17: {  	s20 =	smul.u32 $0x2800, s20;
	s0 =	sshrl.u32 s0, $0x3;
	s21 =	sshrl.u32 s21, $0x2  }
0x18: {  	s16 =	sadd.s32 s22, s0;
	s0 =	sshrl.u32 s25, $0x3;
	s25 =	smul.u32 $0x2800, s19  }
0x19: {  	s31 =	sshrl.u32 s24, $0x3;
	s14 =	sadd.s32 s21, s1;
	s21 =	smul.u32 $0x2800, s17  }
0x1a: {  	s26 =	simm.s32 $0x8000;
	s17 =	sadd.s32 s22, s31;
	s31 =	smul.u32 $0x2800, s18  }
0x1b: {  	s15 =	sadd.s32 s22, s15;
	s18 =	sadd.s32 s22, s0;
	s25 =	sadd.s32 s2, s25  }
0x1c: {  	s21 =	sadd.s32 s2, s21;
	s24 =	sadd.s32 s2, s31;
	s2 =	sadd.s32 s2, s20  }
0x1d: {  	s21 =	sshrl.u32 s21, $0x3;
	s0 =	sshrl.u32 s24, $0x3;
	s31 =	sshrl.u32 s2, $0x3  }
0x1e: {  	s24 =	simm.s32 $0x2;
	s19 =	sadd.s32 s22, s21;
	s21 =	sshrl.u32 s25, $0x3  }
0x1f: {  	v0 =	vimm.f32 $0.0e+00;
	s20 =	sadd.s32 s22, s0;
	s21 =	sadd.s32 s22, s21;
	s22 =	sadd.s32 s22, s31  }
.LBB2_1:
0x20: {  	[tilespmem:s3], [sflag:$0x2] =	stream.linear.gather [hbm4b:s5+s3], $0x3E80, $0x38;
	[tilespmem:$0x1E080] =	vst v63  }
0x21: {  	_ =	swait.ge [sflag:s24], $0x3E80  }
0x22: {  	[sflag:s24] =	ssyncset.done $0x0  }
0x23: {  	s0 =	simm.s32 $0x4000;
	[sflag:s24] =	ssyncadd.s32 $0xFFFFC180  }
0x24: {  	[tilespmem:s0], [sflag:$0x2] =	stream.linear.gather [hbm4b:s6+s3], $0x3E80, $0x38;
	[tilespmem:$0x1E080] =	vst v63  }
0x25: {  	s25 =	sand.u32 $0xFE00, s3;
	s2 =	sand.u32 $0x70, s3;
	_ =	swait.ge [sflag:s24], $0x3E80  }
0x26: {  	s31 =	simm.s32 $0x40;
	s0 =	sshrl.u32 s25, $0x2;
	[sflag:s24] =	ssyncset.done $0x0  }
0x27: {  	s2 =	sor.u32 s2, s0;
	s0 =	simm.s32 $0x0;
	[sflag:s24] =	ssyncadd.s32 $0xFFFFC180  }
.LBB2_2:
0x28: {  	p1 =	sne.s32 s31, $0x9FC0  }
0x29: {  	[tilespmem:s2+$0x8000] =	vst v0;
	s0 =	sadd.s32 $0x10, s0;
	s2 =	smov.u32 s31;
	s31 =	sadd.s32 $0x40, s31  }
.Ltmp0:
0x2a: {  	(pc) =	sbr.rel @p1 .LBB2_2-.Ltmp0, $4  }
0x2b: {  	_ = 	snop  }
0x2c: {  	s2 =	sand.u32 $0xFE00, s2  }
0x2d: {  	s25 =	sand.u32 $0x70, s0;
	s2 =	sshrl.u32 s2, $0x2  }
0x2e: {  	s2 =	sor.u32 s25, s2  }
0x2f: {  	[tilespmem:s2+$0x8000] =	vst v0  }
0x30: {  	[spmem:s7] =	stream.linear.scatter [tilespmem:s26], [sflag:$0x2], $0x2800, $0x38;
	[tilespmem:$0x1E080] =	vst v63  }
0x31: {  	_ =	swait.ge [sflag:s24], $0x2800  }
0x32: {  	[sflag:s24] =	ssyncset.done $0x0  }
0x33: {  	[sflag:s24] =	ssyncadd.s32 $0xFFFFD800  }
0x34: {  	[spmem:s8] =	stream.linear.scatter [tilespmem:s26], [sflag:$0x2], $0x2800, $0x38;
	[tilespmem:$0x1E080] =	vst v63  }
0x35: {  	_ =	swait.ge [sflag:s24], $0x2800  }
0x36: {  	[sflag:s24] =	ssyncset.done $0x0  }
0x37: {  	[sflag:s24] =	ssyncadd.s32 $0xFFFFD800  }
0x38: {  	[spmem:s9] =	stream.linear.scatter [tilespmem:s26], [sflag:$0x2], $0x2800, $0x38;
	[tilespmem:$0x1E080] =	vst v63  }
0x39: {  	_ =	swait.ge [sflag:s24], $0x2800  }
0x3a: {  	[sflag:s24] =	ssyncset.done $0x0  }
0x3b: {  	[sflag:s24] =	ssyncadd.s32 $0xFFFFD800  }
0x3c: {  	[spmem:s10] =	stream.linear.scatter [tilespmem:s26], [sflag:$0x2], $0x2800, $0x38;
	[tilespmem:$0x1E080] =	vst v63  }
0x3d: {  	_ =	swait.ge [sflag:s24], $0x2800  }
0x3e: {  	[sflag:s24] =	ssyncset.done $0x0  }
0x3f: {  	[sflag:s24] =	ssyncadd.s32 $0xFFFFD800  }
0x40: {  	[spmem:s11] =	stream.linear.scatter [tilespmem:s26], [sflag:$0x2], $0x2800, $0x38;
	[tilespmem:$0x1E080] =	vst v63  }
0x41: {  	_ =	swait.ge [sflag:s24], $0x2800  }
0x42: {  	[sflag:s24] =	ssyncset.done $0x0  }
0x43: {  	[sflag:s24] =	ssyncadd.s32 $0xFFFFD800  }
0x44: {  	[spmem:s12] =	stream.linear.scatter [tilespmem:s26], [sflag:$0x2], $0x2800, $0x38;
	[tilespmem:$0x1E080] =	vst v63  }
0x45: {  	_ =	swait.ge [sflag:s24], $0x2800  }
0x46: {  	[sflag:s24] =	ssyncset.done $0x0  }
0x47: {  	[sflag:s24] =	ssyncadd.s32 $0xFFFFD800  }
0x48: {  	[spmem:s13] =	stream.linear.scatter [tilespmem:s26], [sflag:$0x2], $0x2800, $0x38;
	[tilespmem:$0x1E080] =	vst v63  }
0x49: {  	_ =	swait.ge [sflag:s24], $0x2800  }
0x4a: {  	[sflag:s24] =	ssyncset.done $0x0  }
0x4b: {  	s0 =	simm.s32 @!p0 $0x8000;
	[sflag:s24] =	ssyncadd.s32 $0xFFFFD800  }
0x4c: {  	[spmem:s14] =	stream.linear.scatter @!p0 [tilespmem:s0], [sflag:$0x2], $0x2800, $0x38;
	[tilespmem:$0x1E080] =	vst v63  }
0x4d: {  	s0 =	simm.s32 @!p0 $0x2  }
0x4e: {  	_ =	swait.ge @!p0 [sflag:s0], $0x2800  }
0x4f: {  	[sflag:s0] =	ssyncset.done @!p0 $0x0  }
0x50: {  	[sflag:s0] =	ssyncadd.s32 @!p0 $0xFFFFD800  }
0x51: {  	s2 =	simm.s32 $0x0;
	[bflag:$0x0] =	sbarrier.arrive $0xFFFF  }
0x52: {  	[tilespmem:s26], [sflag:$0x1] =	stream.indirect.gather [hbm4b:s4+s28], $0x80, s2, s28, $0xb8;
	[tilespmem:$0x1E080] =	vst v63  }
0x53: {  	_ =	swait.ge [sflag:s29], $0x2800  }
0x54: {  	[sflag:s29] =	ssyncset.done $0x0  }
0x55: {  	s25 =	simm.s32 $0x4000;
	[sflag:s29] =	ssyncadd.s32 $0xFFFFD800  }
0x56: {  	[spmem:s1] =	stream.indirect.scatter.add.f32 [tilespmem:s26], [sflag:$0x2], $0x80, s25, s28, $0xb8;
	[tilespmem:$0x1E080] =	vst v63  }
0x57: {  	_ =	swait.ge [sflag:s24], $0x2800  }
0x58: {  	s31 =	simm.s32 $0x200;
	s0 =	simm.s32 $0x400;
	[sflag:s24] =	ssyncset.done $0x0  }
.LBB2_4:
0x59: {  	s2 =	sshra.s32 s31, $0x2  }
0x5a: {  	[sflag:s24] =	ssyncadd.s32 $0xFFFFD800;
	s31 =	smov.u32 s0;
	s25 =	sadd.s32 $0x200, s0  }
0x5b: {  	[tilespmem:s26], [sflag:$0x1] =	stream.indirect.gather [hbm4b:s4+s28], $0x80, s2, s28, $0xb8;
	[tilespmem:$0x1E080] =	vst v63  }
0x5c: {  	p1 =	sne.s32 s0, $0xF800;
	_ =	swait.ge [sflag:s29], $0x2800  }
.Ltmp1:
0x5d: {  	[sflag:s29] =	ssyncset.done $0x0;
	(pc) =	sbr.rel @p1 .LBB2_4-.Ltmp1, $4  }
0x5e: {  	s0 =	sadd.s32 $0x4000, s2;
	[sflag:s29] =	ssyncadd.s32 $0xFFFFD800  }
0x5f: {  	[spmem:s1] =	stream.indirect.scatter.add.f32 [tilespmem:s26], [sflag:$0x2], $0x80, s0, s28, $0xb8;
	[tilespmem:$0x1E080] =	vst v63  }
0x60: {  	_ =	swait.ge [sflag:s24], $0x2800  }
0x61: {  	s0 =	smov.u32 s25;
	[sflag:s24] =	ssyncset.done $0x0  }
0x62: {  	s0 =	sshra.s32 s31, $0x2;
	[sflag:s24] =	ssyncadd.s32 $0xFFFFD800  }
0x63: {  	[tilespmem:s26], [sflag:$0x1] =	stream.indirect.gather [hbm4b:s4+s28], $0x80, s0, s28, $0xb8;
	[tilespmem:$0x1E080] =	vst v63  }
0x64: {  	_ =	swait.ge [sflag:s29], $0x2800  }
0x65: {  	[sflag:s29] =	ssyncset.done $0x0  }
0x66: {  	s0 =	sadd.s32 $0x4000, s0;
	[sflag:s29] =	ssyncadd.s32 $0xFFFFD800  }
0x67: {  	[spmem:s1] =	stream.indirect.scatter.add.f32 [tilespmem:s26], [sflag:$0x2], $0x80, s0, s28, $0xb8;
	[tilespmem:$0x1E080] =	vst v63  }
0x68: {  	_ =	swait.ge [sflag:s24], $0x2800  }
0x69: {  	[sflag:s24] =	ssyncset.done $0x0  }
0x6a: {  	[sflag:s24] =	ssyncadd.s32 $0xFFFFD800  }
0x6b: {  	[bflag:$0x0] =	sbarrier.arrive $0xFFFF  }
0x6c: {  	[tilespmem:s26], [sflag:$0x2] =	stream.linear.gather [spmem:s7], $0x2800, $0x38;
	[tilespmem:$0x1E080] =	vst v63  }
0x6d: {  	_ =	swait.ge [sflag:s24], $0x2800  }
0x6e: {  	[sflag:s24] =	ssyncset.done $0x0  }
0x6f: {  	[sflag:s24] =	ssyncadd.s32 $0xFFFFD800  }
0x70: {  	[hbm4b:s15+s3] =	stream.linear.scatter [tilespmem:s26], [sflag:$0x2], $0x2800, $0x38;
	[tilespmem:$0x1E080] =	vst v63  }
0x71: {  	_ =	swait.ge [sflag:s24], $0x2800  }
0x72: {  	[sflag:s24] =	ssyncset.done $0x0  }
0x73: {  	[sflag:s24] =	ssyncadd.s32 $0xFFFFD800  }
0x74: {  	[tilespmem:s26], [sflag:$0x2] =	stream.linear.gather [spmem:s8], $0x2800, $0x38;
	[tilespmem:$0x1E080] =	vst v63  }
0x75: {  	_ =	swait.ge [sflag:s24], $0x2800  }
0x76: {  	[sflag:s24] =	ssyncset.done $0x0  }
0x77: {  	[sflag:s24] =	ssyncadd.s32 $0xFFFFD800  }
0x78: {  	[hbm4b:s16+s3] =	stream.linear.scatter [tilespmem:s26], [sflag:$0x2], $0x2800, $0x38;
	[tilespmem:$0x1E080] =	vst v63  }
0x79: {  	_ =	swait.ge [sflag:s24], $0x2800  }
0x7a: {  	[sflag:s24] =	ssyncset.done $0x0  }
0x7b: {  	[sflag:s24] =	ssyncadd.s32 $0xFFFFD800  }
0x7c: {  	[tilespmem:s26], [sflag:$0x2] =	stream.linear.gather [spmem:s9], $0x2800, $0x38;
	[tilespmem:$0x1E080] =	vst v63  }
0x7d: {  	_ =	swait.ge [sflag:s24], $0x2800  }
0x7e: {  	[sflag:s24] =	ssyncset.done $0x0  }
0x7f: {  	[sflag:s24] =	ssyncadd.s32 $0xFFFFD800  }
0x80: {  	[hbm4b:s17+s3] =	stream.linear.scatter [tilespmem:s26], [sflag:$0x2], $0x2800, $0x38;
	[tilespmem:$0x1E080] =	vst v63  }
0x81: {  	_ =	swait.ge [sflag:s24], $0x2800  }
0x82: {  	[sflag:s24] =	ssyncset.done $0x0  }
0x83: {  	[sflag:s24] =	ssyncadd.s32 $0xFFFFD800  }
0x84: {  	[tilespmem:s26], [sflag:$0x2] =	stream.linear.gather [spmem:s10], $0x2800, $0x38;
	[tilespmem:$0x1E080] =	vst v63  }
0x85: {  	_ =	swait.ge [sflag:s24], $0x2800  }
0x86: {  	[sflag:s24] =	ssyncset.done $0x0  }
0x87: {  	[sflag:s24] =	ssyncadd.s32 $0xFFFFD800  }
0x88: {  	[hbm4b:s18+s3] =	stream.linear.scatter [tilespmem:s26], [sflag:$0x2], $0x2800, $0x38;
	[tilespmem:$0x1E080] =	vst v63  }
0x89: {  	_ =	swait.ge [sflag:s24], $0x2800  }
0x8a: {  	[sflag:s24] =	ssyncset.done $0x0  }
0x8b: {  	[sflag:s24] =	ssyncadd.s32 $0xFFFFD800  }
0x8c: {  	[tilespmem:s26], [sflag:$0x2] =	stream.linear.gather [spmem:s11], $0x2800, $0x38;
	[tilespmem:$0x1E080] =	vst v63  }
0x8d: {  	_ =	swait.ge [sflag:s24], $0x2800  }
0x8e: {  	[sflag:s24] =	ssyncset.done $0x0  }
0x8f: {  	[sflag:s24] =	ssyncadd.s32 $0xFFFFD800  }
0x90: {  	[hbm4b:s19+s3] =	stream.linear.scatter [tilespmem:s26], [sflag:$0x2], $0x2800, $0x38;
	[tilespmem:$0x1E080] =	vst v63  }
0x91: {  	_ =	swait.ge [sflag:s24], $0x2800  }
0x92: {  	[sflag:s24] =	ssyncset.done $0x0  }
0x93: {  	[sflag:s24] =	ssyncadd.s32 $0xFFFFD800  }
0x94: {  	[tilespmem:s26], [sflag:$0x2] =	stream.linear.gather [spmem:s12], $0x2800, $0x38;
	[tilespmem:$0x1E080] =	vst v63  }
0x95: {  	_ =	swait.ge [sflag:s24], $0x2800  }
0x96: {  	[sflag:s24] =	ssyncset.done $0x0  }
0x97: {  	[sflag:s24] =	ssyncadd.s32 $0xFFFFD800  }
0x98: {  	[hbm4b:s20+s3] =	stream.linear.scatter [tilespmem:s26], [sflag:$0x2], $0x2800, $0x38;
	[tilespmem:$0x1E080] =	vst v63  }
0x99: {  	_ =	swait.ge [sflag:s24], $0x2800  }
0x9a: {  	[sflag:s24] =	ssyncset.done $0x0  }
0x9b: {  	[sflag:s24] =	ssyncadd.s32 $0xFFFFD800  }
0x9c: {  	[tilespmem:s26], [sflag:$0x2] =	stream.linear.gather [spmem:s13], $0x2800, $0x38;
	[tilespmem:$0x1E080] =	vst v63  }
0x9d: {  	_ =	swait.ge [sflag:s24], $0x2800  }
0x9e: {  	[sflag:s24] =	ssyncset.done $0x0  }
0x9f: {  	[sflag:s24] =	ssyncadd.s32 $0xFFFFD800  }
0xa0: {  	[hbm4b:s21+s3] =	stream.linear.scatter [tilespmem:s26], [sflag:$0x2], $0x2800, $0x38;
	[tilespmem:$0x1E080] =	vst v63  }
0xa1: {  	_ =	swait.ge [sflag:s24], $0x2800  }
0xa2: {  	[sflag:s24] =	ssyncset.done $0x0  }
0xa3: {  	s2 =	simm.s32 @!p0 $0x2;
	s0 =	simm.s32 @!p0 $0x8000;
	[sflag:s24] =	ssyncadd.s32 $0xFFFFD800  }
0xa4: {  	[tilespmem:s0], [sflag:$0x2] =	stream.linear.gather @!p0 [spmem:s14], $0x2800, $0x38;
	[tilespmem:$0x1E080] =	vst v63  }
0xa5: {  	s30 =	sadd.s32 $0x1, s30;
	_ =	swait.ge @!p0 [sflag:s2], $0x2800  }
0xa6: {  	p1 =	sne.s32 s30, s23;
	[sflag:s2] =	ssyncset.done @!p0 $0x0  }
.Ltmp2:
0xa7: {  	s25 =	simm.s32 @!p0 $0x0;
	[sflag:s2] =	ssyncadd.s32 @!p0 $0xFFFFD800;
	(pc) =	sbr.rel @p1 .LBB2_1-.Ltmp2, $4  }
0xa8: {  	[hbm4b:s22+s25] =	stream.linear.scatter @!p0 [tilespmem:s0], [sflag:$0x2], $0x2800, $0x38;
	[tilespmem:$0x1E080] =	vst v63  }
0xa9: {  	_ =	swait.ge @!p0 [sflag:s2], $0x2800  }
0xaa: {  	[sflag:s2] =	ssyncset.done @!p0 $0x0  }
0xab: {  	[sflag:s2] =	ssyncadd.s32 @!p0 $0xFFFFD800  }
0xac: {  	_ =	sfence.sel $0x180000  }
0xad: {  	[bflag:$0x0] =	sbarrier.arrive $0xFFFF  }
0xae: {  	_ =	strace $0x9000004A  }
0xaf: {  	s0 =	stileid.u32;
	[bflag:$0x2] =	sbarrier.arrive $0xFFFF  }
0xb0: {  	p0 =	sne.s32 s0, $0x0;
	s0 =	rddreg [dreg:$0x2]  }
0xb1: {  	s0 =	sadd.s32 @!p0 $0x100000, s0  }
0xb2: {  	[sflag:s0] =	ssyncadd.tile.s32 @!p0 $0x1;
	_ =	shalt  }
.Lfunc_end2:
_tile_overlayer_lowered:
.L_overlay_start_2:
0xb3: {  	(tag) =	ssettag $0x2  }
0xb4: {  	s0 =	rddreg [dreg:$0x0];
	s2 =	stileid.u32  }
0xb5: {  	s1 =	rddreg [dreg:$0x1];
	p0 =	sne.s32 s2, $0x0  }
0xb6: {  	s3 =	rddreg [dreg:$0x2];
	[bflag:$0x3] =	sbarrier.arrive $0xFFFF;
	s2 =	simm.s32 @!p0 $0x1C02  }
0xb7: {  	[timem:s3], [sflag:s2] =	dma.local @!p0 [hbm:s0], s1  }
0xb8: {  	s0 =	simm.s32 @!p0 $0x2  }
0xb9: {  	_ =	swait.ge @!p0 [sflag:s0], s1  }
0xba: {  	s1 =	ssub.s32 @!p0 $0x0, s1;
	[sflag:s0] =	ssyncset.done @!p0 $0x0  }
0xbb: {  	[sflag:s0] =	ssyncadd.s32 @!p0 s1  }
0xbc: {  	[bflag:$0x3] =	sbarrier.arrive $0xFFFF  }
0xbd: {  	_ =	shalt  }

// kernel: kernel.17.cloned.1.call-start
scs
__scs_entry_jumppad:
0x0: {  	(pc) =	sbr.rel $0x88, $3  }
0x1: {  	(tag) =	ssettag $0x0;
	lr =	simm.s32 $0x1  }
0x2: {  	[smem:$0x3F8F] =	sst lr;
	_ =	strace $0xD0000000  }
0x3: {  	_ = 	snop  }
0x4: {  	_ = 	snop  }
0x5: {  	_ = 	snop  }
0x6: {  	_ = 	snop  }
0x7: {  	_ = 	snop  }
__scs_overlays_trampoline_lowered:
0x8: {  	[smem:$0x3F9E] =	sst s0  }
0x9: {  	[smem:$0x3F9F] =	sst s1  }
0xa: {  	[smem:$0x3FA0] =	sst s2  }
0xb: {  	[smem:$0x3FA1] =	sst s3  }
0xc: {  	[smem:$0x3FA2] =	sst s4  }
0xd: {  	[smem:$0x3FA3] =	sst s5  }
0xe: {  	[smem:$0x3FA4] =	sst s6  }
0xf: {  	[smem:$0x3FA5] =	sst s7  }
0x10: {  	[smem:$0x3FA6] =	sst s8  }
0x11: {  	[smem:$0x3FA7] =	sst s9;
	s0 =	simm.s32 @!p0 $0x0  }
0x12: {  	s1 =	sld [smem:$0x3F8D];
	s0 =	simm.s32 @p0 $0x1  }
0x13: {  	[smem:$0x3FA8] =	sst s0;
	s0 =	simm.s32 @!p1 $0x0  }
0x14: {  	s2 =	sld [smem:$0x3F8C];
	s0 =	simm.s32 @p1 $0x1  }
0x15: {  	[smem:$0x3FA9] =	sst s0;
	s0 =	simm.s32 @!p2 $0x0  }
0x16: {  	s3 =	sld [smem:$0x3FDB];
	s0 =	simm.s32 @p2 $0x1  }
0x17: {  	s4 =	simm.s32 $0x1BF5;
	[smem:$0x3FAB] =	sst s0  }
0x18: {  	s0 =	sld [smem:$0x3F8E];
	_ =	swait.ge [sflag:s4], $0x0  }
0x19: {  	s7 =	sld [smem:$0x3F8F]  }
0x1a: {  	s8 =	sadd.s32 $0xFFFFE003, lr  }
0x1b: {  	s9 =	sadd.s32 $0xFFFFFEF7, lr;
	s5 =	simm.s32 $0xFFFFFFFF;
	p2 =	slt.u32 s8, $0xFFFFF086  }
0x1c: {  	p1 =	slt.u32 s9, $0xF7A;
	s5 =	simm.s32 @!p2 $0x0  }
0x1d: {  	s5 =	simm.s32 @p1 $0x1;
	p0 =	seq.s32 s7, s2  }
0x1e: {  	s7 =	smul.u32 @!p0 $0xF7A, s2;
	p2 =	seq.s32 @!p0 s5, $0x0  }
0x1f: {  	s9 =	smul.u32 $0xF7A, s1;
	s8 =	simm.s32 @!p0 $0x1BF5;
	p2 =	por !p2, p0  }
0x20: {  	[sflag:s8] =	ssyncset.s32 @!p0 $0xFFFFF086;
	s6 =	sadd.s32 @!p0 s3, s7;
	s7 =	simm.s32 @!p0 $0x108  }
0x21: {  	s3 =	sadd.s32 s3, s9;
	s6 =	sadd.s32 @!p0 $0x88, s6;
	s7 =	simm.s32 @p2 $0x1082  }
0x22: {  	[simem:s7], [sflag:s8] =	dma.local @!p0 [hbm:s6], $0xF7A  }
0x23: {  	s9 =	sor.u32 $0xD0000000, s2;
	s6 =	simm.s32 $0x108;
	_ =	swait.ge @!p0 [sflag:s8], $0x0  }
0x24: {  	s3 =	sadd.s32 $0x88, s3;
	s6 =	simm.s32 @!p1 $0x1082;
	[sflag:s4] =	ssyncset.s32 $0xFFFFF086  }
0x25: {  	[simem:s6], [sflag:s4] =	dma.local [hbm:s3], $0xF7A  }
0x26: {  	[smem:$0x3F8F] =	sst s1;
	(tag) =	ssettag s2;
	_ =	strace s9  }
0x27: {  	s1 =	sld [smem:$0x3F9F]  }
0x28: {  	s2 =	sld [smem:$0x3FA0]  }
0x29: {  	s4 =	sld [smem:$0x3FA2]  }
0x2a: {  	p0 =	seq.s32 s5, $0x0;
	s5 =	sld [smem:$0x3FA3]  }
0x2b: {  	s6 =	sld [smem:$0x3FA4]  }
0x2c: {  	s7 =	sld [smem:$0x3FA5]  }
0x2d: {  	s3 =	simm.s32 $0x108;
	s8 =	sld [smem:$0x3FA6]  }
0x2e: {  	s3 =	simm.s32 @!p0 $0x1082;
	s9 =	sld [smem:$0x3FA7]  }
0x2f: {  	lr =	sadd.s32 s0, s3;
	s0 =	sld [smem:$0x3F9E]  }
0x30: {  	s3 =	sld [smem:$0x3FA1]  }
0x31: {  	[smem:$0x3FAA] =	sst s10  }
0x32: {  	s10 =	sld [smem:$0x3FA8];
	_ =	sdelay $0x3  }
0x33: {  	p0 =	seq.s32 s10, $0x1;
	s10 =	sld [smem:$0x3FAA];
	_ =	sdelay $0x3  }
0x34: {  	[smem:$0x3FAA] =	sst s10  }
0x35: {  	s10 =	sld [smem:$0x3FA9];
	_ =	sdelay $0x3  }
0x36: {  	p1 =	seq.s32 s10, $0x1;
	s10 =	sld [smem:$0x3FAA];
	_ =	sdelay $0x3  }
0x37: {  	[smem:$0x3FAA] =	sst s10  }
0x38: {  	s10 =	sld [smem:$0x3FAB]  }
0x39: {  	_ = 	snop;
	(pc) =	sbr.ind lr, $3  }
0x3a: {  	_ = 	snop  }
0x3b: {  	_ = 	snop  }
0x3c: {  	p2 =	seq.s32 s10, $0x1;
	s10 =	sld [smem:$0x3FAA]  }
0x3d: {  	_ =	shalt  }
0x3e: {  	_ =	shalt  }
0x3f: {  	_ =	shalt  }
0x40: {  	_ =	shalt  }
0x41: {  	_ =	shalt  }
0x42: {  	_ =	shalt  }
0x43: {  	_ =	shalt  }
0x44: {  	_ =	shalt  }
0x45: {  	_ =	shalt  }
0x46: {  	_ =	shalt  }
0x47: {  	_ =	shalt  }
0x48: {  	_ =	shalt  }
0x49: {  	_ =	shalt  }
0x4a: {  	_ =	shalt  }
0x4b: {  	_ =	shalt  }
0x4c: {  	_ =	shalt  }
0x4d: {  	_ =	shalt  }
0x4e: {  	_ =	shalt  }
0x4f: {  	_ =	shalt  }
0x50: {  	_ =	shalt  }
0x51: {  	_ =	shalt  }
0x52: {  	_ =	shalt  }
0x53: {  	_ =	shalt  }
0x54: {  	_ =	shalt  }
0x55: {  	_ =	shalt  }
0x56: {  	_ =	shalt  }
0x57: {  	_ =	shalt  }
0x58: {  	_ =	shalt  }
0x59: {  	_ =	shalt  }
0x5a: {  	_ =	shalt  }
0x5b: {  	_ =	shalt  }
0x5c: {  	_ =	shalt  }
0x5d: {  	_ =	shalt  }
0x5e: {  	_ =	shalt  }
0x5f: {  	_ =	shalt  }
0x60: {  	_ =	shalt  }
0x61: {  	_ =	shalt  }
0x62: {  	_ =	shalt  }
0x63: {  	_ =	shalt  }
0x64: {  	_ =	shalt  }
0x65: {  	_ =	shalt  }
0x66: {  	_ =	shalt  }
0x67: {  	_ =	shalt  }
0x68: {  	_ =	shalt  }
0x69: {  	_ =	shalt  }
0x6a: {  	_ =	shalt  }
0x6b: {  	_ =	shalt  }
0x6c: {  	_ =	shalt  }
0x6d: {  	_ =	shalt  }
0x6e: {  	_ =	shalt  }
0x6f: {  	_ =	shalt  }
0x70: {  	_ =	shalt  }
0x71: {  	_ =	shalt  }
0x72: {  	_ =	shalt  }
0x73: {  	_ =	shalt  }
0x74: {  	_ =	shalt  }
0x75: {  	_ =	shalt  }
0x76: {  	_ =	shalt  }
0x77: {  	_ =	shalt  }
0x78: {  	_ =	shalt  }
0x79: {  	_ =	shalt  }
0x7a: {  	_ =	shalt  }
0x7b: {  	_ =	shalt  }
0x7c: {  	_ =	shalt  }
0x7d: {  	_ =	shalt  }
0x7e: {  	_ =	shalt  }
0x7f: {  	_ =	shalt  }
0x80: {  	_ =	shalt  }
0x81: {  	_ =	shalt  }
0x82: {  	_ =	shalt  }
0x83: {  	_ =	shalt  }
0x84: {  	_ =	shalt  }
0x85: {  	_ =	shalt  }
0x86: {  	_ =	shalt  }
0x87: {  	_ =	shalt  }
.Lfunc_end0:
.L_simem_size_0:
called_computation.2_lowered:
.L_overlay_start_0:
0x88: {  	s2 =	sld [smem:$0x3FD9]  }
0x89: {  	s3 =	sld [smem:$0x3FFE];
	_ =	sdelay $0x1  }
0x8a: {  	s1 =	srdreg.scid  }
0x8b: {  	s0 =	sand.u32 $0x1, s1  }
0x8c: {  	s16 =	sshll.u32 s0, $0xA;
	s2 =	sadd.s32 s3, s2  }
0x8d: {  	s2 =	sadd.s32 s2, s16  }
0x8e: {  	[smem:$0x3FB6] =	sst s2  }
0x8f: {  	_ = 	snop  }
0x90: {  	(tm) =	ssettm $0x1  }
0x91: {  	s17 =	sld [smem:$0x3FFB];
	_ =	sdelay $0x3  }
0x92: {  	_ =	strace s17  }
0x93: {  	s2 =	sld [smem:$0x3FFC];
	_ =	sdelay $0x3  }
0x94: {  	_ =	strace s2  }
0x95: {  	s2 =	sld [smem:$0x3FFD];
	_ =	sdelay $0x3  }
0x96: {  	_ =	strace s2  }
0x97: {  	_ =	strace $0x8FFFFFFF  }
0x98: {  	s18 =	sld [smem:$0x3FDB];
	_ =	sdelay $0x1  }
0x99: {  	s19 =	simm.s32 $_scs_section_size  }
0x9a: {  	s4 =	simm.s32 $_size__tile_overlayer_lowered;
	s5 =	simm.s32 $_tile_overlayer_lowered  }
0x9b: {  	s22 =	simm.s32 $0x1BFF;
	s21 =	sshll.u32 s5, $0x1;
	s2 =	sadd.s32 s19, s18  }
0x9c: {  	s6 =	simm.s32 $0x0;
	s20 =	sshll.u32 s4, $0x1;
	s4 =	sadd.s32 s21, s2  }
0x9d: {  	[timem:s6], [sflag:s22] =	dma.local [hbm:s4], s20  }
0x9e: {  	_ =	swait.ge [sflag:s22], s20  }
0x9f: {  	s3 =	ssub.s32 $0x0, s20;
	[sflag:s22] =	ssyncset.done $0x0  }
0xa0: {  	[sflag:s22] =	ssyncadd.s32 s3;
	_ =	sdelay $0x1  }
0xa1: {  	s23 =	simm.s32 $0x1B8B  }
0xa2: {  	_ =	swait.ge [sflag:s23], $0x1  }
0xa3: {  	[sflag:s23] =	ssyncset.done $0x0  }
0xa4: {  	s25 =	simm.s32 $0x1B8E;
	s24 =	sld [smem:$0x3FFE];
	[sflag:s23] =	ssyncadd.s32 $0xFFFFFFFF  }
0xa5: {  	s26 =	simm.s32 $execute0_lowered;
	[smem:$0x3FD2] =	sst s25  }
0xa6: {  	s4 =	sshll.u32 s26, $0x1;
	_ =	strace $0x8000004C;
	[dreg:$0x1] =	wrdreg $0xFFFFFFFF  }
0xa7: {  	s28 =	simm.s32 $_size_execute0_lowered;
	s2 =	sadd.s32 s2, s4;
	[dreg:$0x0] =	wrdreg $0x0  }
0xa8: {  	s4 =	sshll.u32 s28, $0x1;
	[dreg:$0x2] =	wrdreg s2  }
0xa9: {  	[dreg:$0x3] =	wrdreg s4  }
0xaa: {  	[dreg:$0x4] =	wrdreg $0xC0  }
0xab: {  	_ =	task [dreg:s6], $0x5FFFF  }
0xac: {  	[dreg:$0x1] =	wrdreg $0xFFFFFFFF  }
0xad: {  	[dreg:$0x0] =	wrdreg $0x60  }
0xae: {  	[dreg:$0x2] =	wrdreg s24  }
0xaf: {  	[dreg:$0x3] =	wrdreg $0xA8000  }
0xb0: {  	[dreg:$0x4] =	wrdreg $0x9  }
0xb1: {  	_ =	task.clear_ibuf [dreg:s6], $0x5FFFF;
	_ =	strace $0x9000004C  }
0xb2: {  	s29 =	simm.s32 $0x9;
	_ =	strace $0x8000004E  }
0xb3: {  	_ =	swait.ge [sflag:s29], $0x1  }
0xb4: {  	[sflag:s29] =	ssyncadd.s32 $0xFFFFFFFF  }
0xb5: {  	_ =	strace $0x9000004E  }
0xb6: {  	_ =	sfence  }
0xb7: {  	s30 =	sld [smem:$0x0];
	_ =	sdelay $0x2  }
0xb8: {  	s31 =	sshll.u32 s1, $0xD;
	s1 =	sshrl.u32 s1, $0x2  }
0xb9: {  	s3 =	sand.u32 $0x4000, s31;
	s1 =	sadd.s32 s1, s30  }
0xba: {  	s0 =	sor.u32 s3, s0;
	s1 =	sshll.u32 s1, $0x11  }
0xbb: {  	s0 =	sor.u32 s1, s0  }
0xbc: {  	s0 =	sadd.s32 $0x8F2B, s0  }
0xbd: {  	[sflag:s0] =	ssyncadd.remote.s32 $0x1  }
0xbe: {  	_ =	sfence.sel $0xFFFF  }
0xbf: {  	[dreg:$0x0] =	wrdreg $0xFFFFFFFF;
	(pc) =	sbr.abs _section_cstart, $3  }
0xc0: {  	[dreg:$0x1] =	wrdreg $0xFFFFFFFF  }
0xc1: {  	_ =	task.clear_ibuf [dreg:s6], $0x2FFFF;
	_ =	strace $0x9FFFFFFF  }
0xc2: {  	(tm) =	ssettm $0x7FFFFFFF  }
0xc3: {  	_ =	shalt  }
tec
execute0_lowered:
.L_overlay_start_1:
0x0: {  	(tag) =	ssettag $0x1  }
0x1: {  	s0 =	rddreg [dreg:$0x0]  }
0x2: {  	s1 =	rddreg [dreg:$0x1];
	s3 =	simm.s32 $0x0  }
0x3: {  	s2 =	srdreg.scid;
	s26 =	stileid.u32;
	s28 =	simm.s32 $0x50  }
0x4: {  	s29 =	simm.s32 $0x1;
	s30 =	simm.s32 $0x0;
	s8 =	smul.u32 $0xA000, s26  }
0x5: {  	[smem:$0x7FF] =	sst s3;
	s31 =	sor.u32 $0x10, s26;
	s15 =	smul.u32 $0x2800, s26  }
0x6: {  	s2 =	sand.u32 $0x1, s2;
	s14 =	sor.u32 $0x20, s26;
	s9 =	smul.u32 $0xA000, s31  }
0x7: {  	s5 =	sshll.u32 s26, $0xC;
	s16 =	sor.u32 $0x30, s26;
	s21 =	smul.u32 $0xA000, s14  }
0x8: {  	s4 =	sadd.s32 $0x23C00, s0;
	s17 =	sor.u32 $0x40, s26;
	s10 =	smul.u32 $0xA000, s16  }
0x9: {  	s22 =	sadd.s32 $0x4AE00, s0;
	s18 =	sor.u32 $0x50, s26;
	s11 =	smul.u32 $0xA000, s17  }
0xa: {  	s19 =	sor.u32 $0x60, s26;
	p0 =	sgt.u32 s26, $0xC;
	s12 =	smul.u32 $0xA000, s18  }
0xb: {  	_ =	strace $0x8000004D;
	s6 =	sshll.u32 s2, $0xB;
	s13 =	smul.u32 $0xA000, s19  }
0xc: {  	s24 =	ssub.s32 $0x2, s2;
	s2 =	smul.u32 $0x138800, s2;
	s5 =	sor.u32 s6, s5  }
0xd: {  	s25 =	sshrl.u32 s24, $0x1;
	s8 =	sshrl.u32 s8, $0x2;
	s7 =	sadd.s32 s5, s0  }
0xe: {  	s23 =	ssub.s32 s24, s25;
	s20 =	sshrl.u32 s9, $0x2;
	s9 =	sshrl.u32 s21, $0x2  }
0xf: {  	s10 =	sshrl.u32 s10, $0x2;
	s11 =	sshrl.u32 s11, $0x2;
	s0 =	smul.u32 $0x2800, s31  }
0x10: {  	s12 =	sshrl.u32 s12, $0x2;
	s13 =	sshrl.u32 s13, $0x2;
	s24 =	smul.u32 $0x2800, s14  }
0x11: {  	s15 =	sadd.s32 s15, s2;
	s25 =	smul.u32 $0x2800, s16;
	s5 =	sadd.s32 $0x3C00, s7  }
0x12: {  	s6 =	sadd.s32 $0x13C00, s7;
	s7 =	sadd.s32 s8, s1;
	s8 =	sadd.s32 s20, s1  }
0x13: {  	s9 =	sadd.s32 s9, s1;
	s10 =	sadd.s32 s10, s1;
	s11 =	sadd.s32 s11, s1  }
0x14: {  	s20 =	sor.u32 $0x70, s26;
	s12 =	sadd.s32 s12, s1;
	s13 =	sadd.s32 s13, s1  }
0x15: {  	s15 =	sshrl.u32 s15, $0x3;
	s23 =	smax.u32 s23, $0x1;
	s21 =	smul.u32 $0xA000, s20  }
0x16: {  	s0 =	sadd.s32 s2, s0;
	s24 =	sadd.s32 s2, s24;
	s25 =	sadd.s32 s2, s25  }
0x17: {  	s20 =	smul.u32 $0x2800, s20;
	s0 =	sshrl.u32 s0, $0x3;
	s21 =	sshrl.u32 s21, $0x2  }
0x18: {  	s16 =	sadd.s32 s22, s0;
	s0 =	sshrl.u32 s25, $0x3;
	s25 =	smul.u32 $0x2800, s19  }
0x19: {  	s31 =	sshrl.u32 s24, $0x3;
	s14 =	sadd.s32 s21, s1;
	s21 =	smul.u32 $0x2800, s17  }
0x1a: {  	s26 =	simm.s32 $0x8000;
	s17 =	sadd.s32 s22, s31;
	s31 =	smul.u32 $0x2800, s18  }
0x1b: {  	s15 =	sadd.s32 s22, s15;
	s18 =	sadd.s32 s22, s0;
	s25 =	sadd.s32 s2, s25  }
0x1c: {  	s21 =	sadd.s32 s2, s21;
	s24 =	sadd.s32 s2, s31;
	s2 =	sadd.s32 s2, s20  }
0x1d: {  	s21 =	sshrl.u32 s21, $0x3;
	s0 =	sshrl.u32 s24, $0x3;
	s31 =	sshrl.u32 s2, $0x3  }
0x1e: {  	s24 =	simm.s32 $0x2;
	s19 =	sadd.s32 s22, s21;
	s21 =	sshrl.u32 s25, $0x3  }
0x1f: {  	v0 =	vimm.f32 $0.0e+00;
	s20 =	sadd.s32 s22, s0;
	s21 =	sadd.s32 s22, s21;
	s22 =	sadd.s32 s22, s31  }
.LBB2_1:
0x20: {  	[tilespmem:s3], [sflag:$0x2] =	stream.linear.gather [hbm4b:s5+s3], $0x3E80, $0x38;
	[tilespmem:$0x1E080] =	vst v63  }
0x21: {  	_ =	swait.ge [sflag:s24], $0x3E80  }
0x22: {  	[sflag:s24] =	ssyncset.done $0x0  }
0x23: {  	s0 =	simm.s32 $0x4000;
	[sflag:s24] =	ssyncadd.s32 $0xFFFFC180  }
0x24: {  	[tilespmem:s0], [sflag:$0x2] =	stream.linear.gather [hbm4b:s6+s3], $0x3E80, $0x38;
	[tilespmem:$0x1E080] =	vst v63  }
0x25: {  	s25 =	sand.u32 $0xFE00, s3;
	s2 =	sand.u32 $0x70, s3;
	_ =	swait.ge [sflag:s24], $0x3E80  }
0x26: {  	s31 =	simm.s32 $0x40;
	s0 =	sshrl.u32 s25, $0x2;
	[sflag:s24] =	ssyncset.done $0x0  }
0x27: {  	s2 =	sor.u32 s2, s0;
	s0 =	simm.s32 $0x0;
	[sflag:s24] =	ssyncadd.s32 $0xFFFFC180  }
.LBB2_2:
0x28: {  	p1 =	sne.s32 s31, $0x9FC0  }
0x29: {  	[tilespmem:s2+$0x8000] =	vst v0;
	s0 =	sadd.s32 $0x10, s0;
	s2 =	smov.u32 s31;
	s31 =	sadd.s32 $0x40, s31  }
.Ltmp0:
0x2a: {  	(pc) =	sbr.rel @p1 .LBB2_2-.Ltmp0, $4  }
0x2b: {  	_ = 	snop  }
0x2c: {  	s2 =	sand.u32 $0xFE00, s2  }
0x2d: {  	s25 =	sand.u32 $0x70, s0;
	s2 =	sshrl.u32 s2, $0x2  }
0x2e: {  	s2 =	sor.u32 s25, s2  }
0x2f: {  	[tilespmem:s2+$0x8000] =	vst v0  }
0x30: {  	[spmem:s7] =	stream.linear.scatter [tilespmem:s26], [sflag:$0x2], $0x2800, $0x38;
	[tilespmem:$0x1E080] =	vst v63  }
0x31: {  	_ =	swait.ge [sflag:s24], $0x2800  }
0x32: {  	[sflag:s24] =	ssyncset.done $0x0  }
0x33: {  	[sflag:s24] =	ssyncadd.s32 $0xFFFFD800  }
0x34: {  	[spmem:s8] =	stream.linear.scatter [tilespmem:s26], [sflag:$0x2], $0x2800, $0x38;
	[tilespmem:$0x1E080] =	vst v63  }
0x35: {  	_ =	swait.ge [sflag:s24], $0x2800  }
0x36: {  	[sflag:s24] =	ssyncset.done $0x0  }
0x37: {  	[sflag:s24] =	ssyncadd.s32 $0xFFFFD800  }
0x38: {  	[spmem:s9] =	stream.linear.scatter [tilespmem:s26], [sflag:$0x2], $0x2800, $0x38;
	[tilespmem:$0x1E080] =	vst v63  }
0x39: {  	_ =	swait.ge [sflag:s24], $0x2800  }
0x3a: {  	[sflag:s24] =	ssyncset.done $0x0  }
0x3b: {  	[sflag:s24] =	ssyncadd.s32 $0xFFFFD800  }
0x3c: {  	[spmem:s10] =	stream.linear.scatter [tilespmem:s26], [sflag:$0x2], $0x2800, $0x38;
	[tilespmem:$0x1E080] =	vst v63  }
0x3d: {  	_ =	swait.ge [sflag:s24], $0x2800  }
0x3e: {  	[sflag:s24] =	ssyncset.done $0x0  }
0x3f: {  	[sflag:s24] =	ssyncadd.s32 $0xFFFFD800  }
0x40: {  	[spmem:s11] =	stream.linear.scatter [tilespmem:s26], [sflag:$0x2], $0x2800, $0x38;
	[tilespmem:$0x1E080] =	vst v63  }
0x41: {  	_ =	swait.ge [sflag:s24], $0x2800  }
0x42: {  	[sflag:s24] =	ssyncset.done $0x0  }
0x43: {  	[sflag:s24] =	ssyncadd.s32 $0xFFFFD800  }
0x44: {  	[spmem:s12] =	stream.linear.scatter [tilespmem:s26], [sflag:$0x2], $0x2800, $0x38;
	[tilespmem:$0x1E080] =	vst v63  }
0x45: {  	_ =	swait.ge [sflag:s24], $0x2800  }
0x46: {  	[sflag:s24] =	ssyncset.done $0x0  }
0x47: {  	[sflag:s24] =	ssyncadd.s32 $0xFFFFD800  }
0x48: {  	[spmem:s13] =	stream.linear.scatter [tilespmem:s26], [sflag:$0x2], $0x2800, $0x38;
	[tilespmem:$0x1E080] =	vst v63  }
0x49: {  	_ =	swait.ge [sflag:s24], $0x2800  }
0x4a: {  	[sflag:s24] =	ssyncset.done $0x0  }
0x4b: {  	s0 =	simm.s32 @!p0 $0x8000;
	[sflag:s24] =	ssyncadd.s32 $0xFFFFD800  }
0x4c: {  	[spmem:s14] =	stream.linear.scatter @!p0 [tilespmem:s0], [sflag:$0x2], $0x2800, $0x38;
	[tilespmem:$0x1E080] =	vst v63  }
0x4d: {  	s0 =	simm.s32 @!p0 $0x2  }
0x4e: {  	_ =	swait.ge @!p0 [sflag:s0], $0x2800  }
0x4f: {  	[sflag:s0] =	ssyncset.done @!p0 $0x0  }
0x50: {  	[sflag:s0] =	ssyncadd.s32 @!p0 $0xFFFFD800  }
0x51: {  	s2 =	simm.s32 $0x0;
	[bflag:$0x0] =	sbarrier.arrive $0xFFFF  }
0x52: {  	[tilespmem:s26], [sflag:$0x1] =	stream.indirect.gather [hbm4b:s4+s28], $0x80, s2, s28, $0xb8;
	[tilespmem:$0x1E080] =	vst v63  }
0x53: {  	_ =	swait.ge [sflag:s29], $0x2800  }
0x54: {  	[sflag:s29] =	ssyncset.done $0x0  }
0x55: {  	s25 =	simm.s32 $0x4000;
	[sflag:s29] =	ssyncadd.s32 $0xFFFFD800  }
0x56: {  	[spmem:s1] =	stream.indirect.scatter.add.f32 [tilespmem:s26], [sflag:$0x2], $0x80, s25, s28, $0xb8;
	[tilespmem:$0x1E080] =	vst v63  }
0x57: {  	_ =	swait.ge [sflag:s24], $0x2800  }
0x58: {  	s31 =	simm.s32 $0x200;
	s0 =	simm.s32 $0x400;
	[sflag:s24] =	ssyncset.done $0x0  }
.LBB2_4:
0x59: {  	s2 =	sshra.s32 s31, $0x2  }
0x5a: {  	[sflag:s24] =	ssyncadd.s32 $0xFFFFD800;
	s31 =	smov.u32 s0;
	s25 =	sadd.s32 $0x200, s0  }
0x5b: {  	[tilespmem:s26], [sflag:$0x1] =	stream.indirect.gather [hbm4b:s4+s28], $0x80, s2, s28, $0xb8;
	[tilespmem:$0x1E080] =	vst v63  }
0x5c: {  	p1 =	sne.s32 s0, $0xF800;
	_ =	swait.ge [sflag:s29], $0x2800  }
.Ltmp1:
0x5d: {  	[sflag:s29] =	ssyncset.done $0x0;
	(pc) =	sbr.rel @p1 .LBB2_4-.Ltmp1, $4  }
0x5e: {  	s0 =	sadd.s32 $0x4000, s2;
	[sflag:s29] =	ssyncadd.s32 $0xFFFFD800  }
0x5f: {  	[spmem:s1] =	stream.indirect.scatter.add.f32 [tilespmem:s26], [sflag:$0x2], $0x80, s0, s28, $0xb8;
	[tilespmem:$0x1E080] =	vst v63  }
0x60: {  	_ =	swait.ge [sflag:s24], $0x2800  }
0x61: {  	s0 =	smov.u32 s25;
	[sflag:s24] =	ssyncset.done $0x0  }
0x62: {  	s0 =	sshra.s32 s31, $0x2;
	[sflag:s24] =	ssyncadd.s32 $0xFFFFD800  }
0x63: {  	[tilespmem:s26], [sflag:$0x1] =	stream.indirect.gather [hbm4b:s4+s28], $0x80, s0, s28, $0xb8;
	[tilespmem:$0x1E080] =	vst v63  }
0x64: {  	_ =	swait.ge [sflag:s29], $0x2800  }
0x65: {  	[sflag:s29] =	ssyncset.done $0x0  }
0x66: {  	s0 =	sadd.s32 $0x4000, s0;
	[sflag:s29] =	ssyncadd.s32 $0xFFFFD800  }
0x67: {  	[spmem:s1] =	stream.indirect.scatter.add.f32 [tilespmem:s26], [sflag:$0x2], $0x80, s0, s28, $0xb8;
	[tilespmem:$0x1E080] =	vst v63  }
0x68: {  	_ =	swait.ge [sflag:s24], $0x2800  }
0x69: {  	[sflag:s24] =	ssyncset.done $0x0  }
0x6a: {  	[sflag:s24] =	ssyncadd.s32 $0xFFFFD800  }
0x6b: {  	[bflag:$0x0] =	sbarrier.arrive $0xFFFF  }
0x6c: {  	[tilespmem:s26], [sflag:$0x2] =	stream.linear.gather [spmem:s7], $0x2800, $0x38;
	[tilespmem:$0x1E080] =	vst v63  }
0x6d: {  	_ =	swait.ge [sflag:s24], $0x2800  }
0x6e: {  	[sflag:s24] =	ssyncset.done $0x0  }
0x6f: {  	[sflag:s24] =	ssyncadd.s32 $0xFFFFD800  }
0x70: {  	[hbm4b:s15+s3] =	stream.linear.scatter [tilespmem:s26], [sflag:$0x2], $0x2800, $0x38;
	[tilespmem:$0x1E080] =	vst v63  }
0x71: {  	_ =	swait.ge [sflag:s24], $0x2800  }
0x72: {  	[sflag:s24] =	ssyncset.done $0x0  }
0x73: {  	[sflag:s24] =	ssyncadd.s32 $0xFFFFD800  }
0x74: {  	[tilespmem:s26], [sflag:$0x2] =	stream.linear.gather [spmem:s8], $0x2800, $0x38;
	[tilespmem:$0x1E080] =	vst v63  }
0x75: {  	_ =	swait.ge [sflag:s24], $0x2800  }
0x76: {  	[sflag:s24] =	ssyncset.done $0x0  }
0x77: {  	[sflag:s24] =	ssyncadd.s32 $0xFFFFD800  }
0x78: {  	[hbm4b:s16+s3] =	stream.linear.scatter [tilespmem:s26], [sflag:$0x2], $0x2800, $0x38;
	[tilespmem:$0x1E080] =	vst v63  }
0x79: {  	_ =	swait.ge [sflag:s24], $0x2800  }
0x7a: {  	[sflag:s24] =	ssyncset.done $0x0  }
0x7b: {  	[sflag:s24] =	ssyncadd.s32 $0xFFFFD800  }
0x7c: {  	[tilespmem:s26], [sflag:$0x2] =	stream.linear.gather [spmem:s9], $0x2800, $0x38;
	[tilespmem:$0x1E080] =	vst v63  }
0x7d: {  	_ =	swait.ge [sflag:s24], $0x2800  }
0x7e: {  	[sflag:s24] =	ssyncset.done $0x0  }
0x7f: {  	[sflag:s24] =	ssyncadd.s32 $0xFFFFD800  }
0x80: {  	[hbm4b:s17+s3] =	stream.linear.scatter [tilespmem:s26], [sflag:$0x2], $0x2800, $0x38;
	[tilespmem:$0x1E080] =	vst v63  }
0x81: {  	_ =	swait.ge [sflag:s24], $0x2800  }
0x82: {  	[sflag:s24] =	ssyncset.done $0x0  }
0x83: {  	[sflag:s24] =	ssyncadd.s32 $0xFFFFD800  }
0x84: {  	[tilespmem:s26], [sflag:$0x2] =	stream.linear.gather [spmem:s10], $0x2800, $0x38;
	[tilespmem:$0x1E080] =	vst v63  }
0x85: {  	_ =	swait.ge [sflag:s24], $0x2800  }
0x86: {  	[sflag:s24] =	ssyncset.done $0x0  }
0x87: {  	[sflag:s24] =	ssyncadd.s32 $0xFFFFD800  }
0x88: {  	[hbm4b:s18+s3] =	stream.linear.scatter [tilespmem:s26], [sflag:$0x2], $0x2800, $0x38;
	[tilespmem:$0x1E080] =	vst v63  }
0x89: {  	_ =	swait.ge [sflag:s24], $0x2800  }
0x8a: {  	[sflag:s24] =	ssyncset.done $0x0  }
0x8b: {  	[sflag:s24] =	ssyncadd.s32 $0xFFFFD800  }
0x8c: {  	[tilespmem:s26], [sflag:$0x2] =	stream.linear.gather [spmem:s11], $0x2800, $0x38;
	[tilespmem:$0x1E080] =	vst v63  }
0x8d: {  	_ =	swait.ge [sflag:s24], $0x2800  }
0x8e: {  	[sflag:s24] =	ssyncset.done $0x0  }
0x8f: {  	[sflag:s24] =	ssyncadd.s32 $0xFFFFD800  }
0x90: {  	[hbm4b:s19+s3] =	stream.linear.scatter [tilespmem:s26], [sflag:$0x2], $0x2800, $0x38;
	[tilespmem:$0x1E080] =	vst v63  }
0x91: {  	_ =	swait.ge [sflag:s24], $0x2800  }
0x92: {  	[sflag:s24] =	ssyncset.done $0x0  }
0x93: {  	[sflag:s24] =	ssyncadd.s32 $0xFFFFD800  }
0x94: {  	[tilespmem:s26], [sflag:$0x2] =	stream.linear.gather [spmem:s12], $0x2800, $0x38;
	[tilespmem:$0x1E080] =	vst v63  }
0x95: {  	_ =	swait.ge [sflag:s24], $0x2800  }
0x96: {  	[sflag:s24] =	ssyncset.done $0x0  }
0x97: {  	[sflag:s24] =	ssyncadd.s32 $0xFFFFD800  }
0x98: {  	[hbm4b:s20+s3] =	stream.linear.scatter [tilespmem:s26], [sflag:$0x2], $0x2800, $0x38;
	[tilespmem:$0x1E080] =	vst v63  }
0x99: {  	_ =	swait.ge [sflag:s24], $0x2800  }
0x9a: {  	[sflag:s24] =	ssyncset.done $0x0  }
0x9b: {  	[sflag:s24] =	ssyncadd.s32 $0xFFFFD800  }
0x9c: {  	[tilespmem:s26], [sflag:$0x2] =	stream.linear.gather [spmem:s13], $0x2800, $0x38;
	[tilespmem:$0x1E080] =	vst v63  }
0x9d: {  	_ =	swait.ge [sflag:s24], $0x2800  }
0x9e: {  	[sflag:s24] =	ssyncset.done $0x0  }
0x9f: {  	[sflag:s24] =	ssyncadd.s32 $0xFFFFD800  }
0xa0: {  	[hbm4b:s21+s3] =	stream.linear.scatter [tilespmem:s26], [sflag:$0x2], $0x2800, $0x38;
	[tilespmem:$0x1E080] =	vst v63  }
0xa1: {  	_ =	swait.ge [sflag:s24], $0x2800  }
0xa2: {  	[sflag:s24] =	ssyncset.done $0x0  }
0xa3: {  	s2 =	simm.s32 @!p0 $0x2;
	s0 =	simm.s32 @!p0 $0x8000;
	[sflag:s24] =	ssyncadd.s32 $0xFFFFD800  }
0xa4: {  	[tilespmem:s0], [sflag:$0x2] =	stream.linear.gather @!p0 [spmem:s14], $0x2800, $0x38;
	[tilespmem:$0x1E080] =	vst v63  }
0xa5: {  	s30 =	sadd.s32 $0x1, s30;
	_ =	swait.ge @!p0 [sflag:s2], $0x2800  }
0xa6: {  	p1 =	sne.s32 s30, s23;
	[sflag:s2] =	ssyncset.done @!p0 $0x0  }
.Ltmp2:
0xa7: {  	s25 =	simm.s32 @!p0 $0x0;
	[sflag:s2] =	ssyncadd.s32 @!p0 $0xFFFFD800;
	(pc) =	sbr.rel @p1 .LBB2_1-.Ltmp2, $4  }
0xa8: {  	[hbm4b:s22+s25] =	stream.linear.scatter @!p0 [tilespmem:s0], [sflag:$0x2], $0x2800, $0x38;
	[tilespmem:$0x1E080] =	vst v63  }
0xa9: {  	_ =	swait.ge @!p0 [sflag:s2], $0x2800  }
0xaa: {  	[sflag:s2] =	ssyncset.done @!p0 $0x0  }
0xab: {  	[sflag:s2] =	ssyncadd.s32 @!p0 $0xFFFFD800  }
0xac: {  	_ =	sfence.sel $0x180000  }
0xad: {  	[bflag:$0x0] =	sbarrier.arrive $0xFFFF  }
0xae: {  	_ =	strace $0x9000004D  }
0xaf: {  	s0 =	stileid.u32;
	[bflag:$0x2] =	sbarrier.arrive $0xFFFF  }
0xb0: {  	p0 =	sne.s32 s0, $0x0;
	s0 =	rddreg [dreg:$0x2]  }
0xb1: {  	s0 =	sadd.s32 @!p0 $0x100000, s0  }
0xb2: {  	[sflag:s0] =	ssyncadd.tile.s32 @!p0 $0x1;
	_ =	shalt  }
.Lfunc_end2:
_tile_overlayer_lowered:
.L_overlay_start_2:
0xb3: {  	(tag) =	ssettag $0x2  }
0xb4: {  	s0 =	rddreg [dreg:$0x0];
	s2 =	stileid.u32  }
0xb5: {  	s1 =	rddreg [dreg:$0x1];
	p0 =	sne.s32 s2, $0x0  }
0xb6: {  	s3 =	rddreg [dreg:$0x2];
	[bflag:$0x3] =	sbarrier.arrive $0xFFFF;
	s2 =	simm.s32 @!p0 $0x1C02  }
0xb7: {  	[timem:s3], [sflag:s2] =	dma.local @!p0 [hbm:s0], s1  }
0xb8: {  	s0 =	simm.s32 @!p0 $0x2  }
0xb9: {  	_ =	swait.ge @!p0 [sflag:s0], s1  }
0xba: {  	s1 =	ssub.s32 @!p0 $0x0, s1;
	[sflag:s0] =	ssyncset.done @!p0 $0x0  }
0xbb: {  	[sflag:s0] =	ssyncadd.s32 @!p0 s1  }
0xbc: {  	[bflag:$0x3] =	sbarrier.arrive $0xFFFF  }
0xbd: {  	_ =	shalt  }

// kernel: kernel.20.cloned.1.call-start
scs
__scs_entry_jumppad:
0x0: {  	(pc) =	sbr.rel $0x88, $3  }
0x1: {  	(tag) =	ssettag $0x0;
	lr =	simm.s32 $0x1  }
0x2: {  	[smem:$0x3F8F] =	sst lr;
	_ =	strace $0xD0000000  }
0x3: {  	_ = 	snop  }
0x4: {  	_ = 	snop  }
0x5: {  	_ = 	snop  }
0x6: {  	_ = 	snop  }
0x7: {  	_ = 	snop  }
__scs_overlays_trampoline_lowered:
0x8: {  	[smem:$0x3F9E] =	sst s0  }
0x9: {  	[smem:$0x3F9F] =	sst s1  }
0xa: {  	[smem:$0x3FA0] =	sst s2  }
0xb: {  	[smem:$0x3FA1] =	sst s3  }
0xc: {  	[smem:$0x3FA2] =	sst s4  }
0xd: {  	[smem:$0x3FA3] =	sst s5  }
0xe: {  	[smem:$0x3FA4] =	sst s6  }
0xf: {  	[smem:$0x3FA5] =	sst s7  }
0x10: {  	[smem:$0x3FA6] =	sst s8  }
0x11: {  	[smem:$0x3FA7] =	sst s9;
	s0 =	simm.s32 @!p0 $0x0  }
0x12: {  	s1 =	sld [smem:$0x3F8D];
	s0 =	simm.s32 @p0 $0x1  }
0x13: {  	[smem:$0x3FA8] =	sst s0;
	s0 =	simm.s32 @!p1 $0x0  }
0x14: {  	s2 =	sld [smem:$0x3F8C];
	s0 =	simm.s32 @p1 $0x1  }
0x15: {  	[smem:$0x3FA9] =	sst s0;
	s0 =	simm.s32 @!p2 $0x0  }
0x16: {  	s3 =	sld [smem:$0x3FDB];
	s0 =	simm.s32 @p2 $0x1  }
0x17: {  	s4 =	simm.s32 $0x1BF5;
	[smem:$0x3FAB] =	sst s0  }
0x18: {  	s0 =	sld [smem:$0x3F8E];
	_ =	swait.ge [sflag:s4], $0x0  }
0x19: {  	s7 =	sld [smem:$0x3F8F]  }
0x1a: {  	s8 =	sadd.s32 $0xFFFFE003, lr  }
0x1b: {  	s9 =	sadd.s32 $0xFFFFFEF7, lr;
	s5 =	simm.s32 $0xFFFFFFFF;
	p2 =	slt.u32 s8, $0xFFFFF086  }
0x1c: {  	p1 =	slt.u32 s9, $0xF7A;
	s5 =	simm.s32 @!p2 $0x0  }
0x1d: {  	s5 =	simm.s32 @p1 $0x1;
	p0 =	seq.s32 s7, s2  }
0x1e: {  	s7 =	smul.u32 @!p0 $0xF7A, s2;
	p2 =	seq.s32 @!p0 s5, $0x0  }
0x1f: {  	s9 =	smul.u32 $0xF7A, s1;
	s8 =	simm.s32 @!p0 $0x1BF5;
	p2 =	por !p2, p0  }
0x20: {  	[sflag:s8] =	ssyncset.s32 @!p0 $0xFFFFF086;
	s6 =	sadd.s32 @!p0 s3, s7;
	s7 =	simm.s32 @!p0 $0x108  }
0x21: {  	s3 =	sadd.s32 s3, s9;
	s6 =	sadd.s32 @!p0 $0x88, s6;
	s7 =	simm.s32 @p2 $0x1082  }
0x22: {  	[simem:s7], [sflag:s8] =	dma.local @!p0 [hbm:s6], $0xF7A  }
0x23: {  	s9 =	sor.u32 $0xD0000000, s2;
	s6 =	simm.s32 $0x108;
	_ =	swait.ge @!p0 [sflag:s8], $0x0  }
0x24: {  	s3 =	sadd.s32 $0x88, s3;
	s6 =	simm.s32 @!p1 $0x1082;
	[sflag:s4] =	ssyncset.s32 $0xFFFFF086  }
0x25: {  	[simem:s6], [sflag:s4] =	dma.local [hbm:s3], $0xF7A  }
0x26: {  	[smem:$0x3F8F] =	sst s1;
	(tag) =	ssettag s2;
	_ =	strace s9  }
0x27: {  	s1 =	sld [smem:$0x3F9F]  }
0x28: {  	s2 =	sld [smem:$0x3FA0]  }
0x29: {  	s4 =	sld [smem:$0x3FA2]  }
0x2a: {  	p0 =	seq.s32 s5, $0x0;
	s5 =	sld [smem:$0x3FA3]  }
0x2b: {  	s6 =	sld [smem:$0x3FA4]  }
0x2c: {  	s7 =	sld [smem:$0x3FA5]  }
0x2d: {  	s3 =	simm.s32 $0x108;
	s8 =	sld [smem:$0x3FA6]  }
0x2e: {  	s3 =	simm.s32 @!p0 $0x1082;
	s9 =	sld [smem:$0x3FA7]  }
0x2f: {  	lr =	sadd.s32 s0, s3;
	s0 =	sld [smem:$0x3F9E]  }
0x30: {  	s3 =	sld [smem:$0x3FA1]  }
0x31: {  	[smem:$0x3FAA] =	sst s10  }
0x32: {  	s10 =	sld [smem:$0x3FA8];
	_ =	sdelay $0x3  }
0x33: {  	p0 =	seq.s32 s10, $0x1;
	s10 =	sld [smem:$0x3FAA];
	_ =	sdelay $0x3  }
0x34: {  	[smem:$0x3FAA] =	sst s10  }
0x35: {  	s10 =	sld [smem:$0x3FA9];
	_ =	sdelay $0x3  }
0x36: {  	p1 =	seq.s32 s10, $0x1;
	s10 =	sld [smem:$0x3FAA];
	_ =	sdelay $0x3  }
0x37: {  	[smem:$0x3FAA] =	sst s10  }
0x38: {  	s10 =	sld [smem:$0x3FAB]  }
0x39: {  	_ = 	snop;
	(pc) =	sbr.ind lr, $3  }
0x3a: {  	_ = 	snop  }
0x3b: {  	_ = 	snop  }
0x3c: {  	p2 =	seq.s32 s10, $0x1;
	s10 =	sld [smem:$0x3FAA]  }
0x3d: {  	_ =	shalt  }
0x3e: {  	_ =	shalt  }
0x3f: {  	_ =	shalt  }
0x40: {  	_ =	shalt  }
0x41: {  	_ =	shalt  }
0x42: {  	_ =	shalt  }
0x43: {  	_ =	shalt  }
0x44: {  	_ =	shalt  }
0x45: {  	_ =	shalt  }
0x46: {  	_ =	shalt  }
0x47: {  	_ =	shalt  }
0x48: {  	_ =	shalt  }
0x49: {  	_ =	shalt  }
0x4a: {  	_ =	shalt  }
0x4b: {  	_ =	shalt  }
0x4c: {  	_ =	shalt  }
0x4d: {  	_ =	shalt  }
0x4e: {  	_ =	shalt  }
0x4f: {  	_ =	shalt  }
0x50: {  	_ =	shalt  }
0x51: {  	_ =	shalt  }
0x52: {  	_ =	shalt  }
0x53: {  	_ =	shalt  }
0x54: {  	_ =	shalt  }
0x55: {  	_ =	shalt  }
0x56: {  	_ =	shalt  }
0x57: {  	_ =	shalt  }
0x58: {  	_ =	shalt  }
0x59: {  	_ =	shalt  }
0x5a: {  	_ =	shalt  }
0x5b: {  	_ =	shalt  }
0x5c: {  	_ =	shalt  }
0x5d: {  	_ =	shalt  }
0x5e: {  	_ =	shalt  }
0x5f: {  	_ =	shalt  }
0x60: {  	_ =	shalt  }
0x61: {  	_ =	shalt  }
0x62: {  	_ =	shalt  }
0x63: {  	_ =	shalt  }
0x64: {  	_ =	shalt  }
0x65: {  	_ =	shalt  }
0x66: {  	_ =	shalt  }
0x67: {  	_ =	shalt  }
0x68: {  	_ =	shalt  }
0x69: {  	_ =	shalt  }
0x6a: {  	_ =	shalt  }
0x6b: {  	_ =	shalt  }
0x6c: {  	_ =	shalt  }
0x6d: {  	_ =	shalt  }
0x6e: {  	_ =	shalt  }
0x6f: {  	_ =	shalt  }
0x70: {  	_ =	shalt  }
0x71: {  	_ =	shalt  }
0x72: {  	_ =	shalt  }
0x73: {  	_ =	shalt  }
0x74: {  	_ =	shalt  }
0x75: {  	_ =	shalt  }
0x76: {  	_ =	shalt  }
0x77: {  	_ =	shalt  }
0x78: {  	_ =	shalt  }
0x79: {  	_ =	shalt  }
0x7a: {  	_ =	shalt  }
0x7b: {  	_ =	shalt  }
0x7c: {  	_ =	shalt  }
0x7d: {  	_ =	shalt  }
0x7e: {  	_ =	shalt  }
0x7f: {  	_ =	shalt  }
0x80: {  	_ =	shalt  }
0x81: {  	_ =	shalt  }
0x82: {  	_ =	shalt  }
0x83: {  	_ =	shalt  }
0x84: {  	_ =	shalt  }
0x85: {  	_ =	shalt  }
0x86: {  	_ =	shalt  }
0x87: {  	_ =	shalt  }
.Lfunc_end0:
.L_simem_size_0:
called_computation.3_lowered:
.L_overlay_start_0:
0x88: {  	s2 =	sld [smem:$0x3FD9]  }
0x89: {  	s3 =	sld [smem:$0x3FFE];
	_ =	sdelay $0x1  }
0x8a: {  	s1 =	srdreg.scid  }
0x8b: {  	s0 =	sand.u32 $0x1, s1  }
0x8c: {  	s16 =	sshll.u32 s0, $0xA;
	s2 =	sadd.s32 s3, s2  }
0x8d: {  	s2 =	sadd.s32 s2, s16  }
0x8e: {  	[smem:$0x3FB6] =	sst s2  }
0x8f: {  	_ = 	snop  }
0x90: {  	(tm) =	ssettm $0x1  }
0x91: {  	s17 =	sld [smem:$0x3FFB];
	_ =	sdelay $0x3  }
0x92: {  	_ =	strace s17  }
0x93: {  	s2 =	sld [smem:$0x3FFC];
	_ =	sdelay $0x3  }
0x94: {  	_ =	strace s2  }
0x95: {  	s2 =	sld [smem:$0x3FFD];
	_ =	sdelay $0x3  }
0x96: {  	_ =	strace s2  }
0x97: {  	_ =	strace $0x8FFFFFFF  }
0x98: {  	s18 =	sld [smem:$0x3FDB];
	_ =	sdelay $0x1  }
0x99: {  	s19 =	simm.s32 $_scs_section_size  }
0x9a: {  	s4 =	simm.s32 $_size__tile_overlayer_lowered;
	s5 =	simm.s32 $_tile_overlayer_lowered  }
0x9b: {  	s22 =	simm.s32 $0x1BFF;
	s21 =	sshll.u32 s5, $0x1;
	s2 =	sadd.s32 s19, s18  }
0x9c: {  	s6 =	simm.s32 $0x0;
	s20 =	sshll.u32 s4, $0x1;
	s4 =	sadd.s32 s21, s2  }
0x9d: {  	[timem:s6], [sflag:s22] =	dma.local [hbm:s4], s20  }
0x9e: {  	_ =	swait.ge [sflag:s22], s20  }
0x9f: {  	s3 =	ssub.s32 $0x0, s20;
	[sflag:s22] =	ssyncset.done $0x0  }
0xa0: {  	[sflag:s22] =	ssyncadd.s32 s3;
	_ =	sdelay $0x1  }
0xa1: {  	s23 =	simm.s32 $0x1B8B  }
0xa2: {  	_ =	swait.ge [sflag:s23], $0x1  }
0xa3: {  	[sflag:s23] =	ssyncset.done $0x0  }
0xa4: {  	s25 =	simm.s32 $0x1B8E;
	s24 =	sld [smem:$0x3FFE];
	[sflag:s23] =	ssyncadd.s32 $0xFFFFFFFF  }
0xa5: {  	s26 =	simm.s32 $execute0_lowered;
	[smem:$0x3FD2] =	sst s25  }
0xa6: {  	s4 =	sshll.u32 s26, $0x1;
	_ =	strace $0x8000004F;
	[dreg:$0x1] =	wrdreg $0xFFFFFFFF  }
0xa7: {  	s28 =	simm.s32 $_size_execute0_lowered;
	s2 =	sadd.s32 s2, s4;
	[dreg:$0x0] =	wrdreg $0x0  }
0xa8: {  	s4 =	sshll.u32 s28, $0x1;
	[dreg:$0x2] =	wrdreg s2  }
0xa9: {  	[dreg:$0x3] =	wrdreg s4  }
0xaa: {  	[dreg:$0x4] =	wrdreg $0xC0  }
0xab: {  	_ =	task [dreg:s6], $0x5FFFF  }
0xac: {  	[dreg:$0x1] =	wrdreg $0xFFFFFFFF  }
0xad: {  	[dreg:$0x0] =	wrdreg $0x60  }
0xae: {  	[dreg:$0x2] =	wrdreg s24  }
0xaf: {  	[dreg:$0x3] =	wrdreg $0xA8000  }
0xb0: {  	[dreg:$0x4] =	wrdreg $0x9  }
0xb1: {  	_ =	task.clear_ibuf [dreg:s6], $0x5FFFF;
	_ =	strace $0x9000004F  }
0xb2: {  	s29 =	simm.s32 $0x9;
	_ =	strace $0x80000051  }
0xb3: {  	_ =	swait.ge [sflag:s29], $0x1  }
0xb4: {  	[sflag:s29] =	ssyncadd.s32 $0xFFFFFFFF  }
0xb5: {  	_ =	strace $0x90000051  }
0xb6: {  	_ =	sfence  }
0xb7: {  	s30 =	sld [smem:$0x0];
	_ =	sdelay $0x2  }
0xb8: {  	s31 =	sshll.u32 s1, $0xD;
	s1 =	sshrl.u32 s1, $0x2  }
0xb9: {  	s3 =	sand.u32 $0x4000, s31;
	s1 =	sadd.s32 s1, s30  }
0xba: {  	s0 =	sor.u32 s3, s0;
	s1 =	sshll.u32 s1, $0x11  }
0xbb: {  	s0 =	sor.u32 s1, s0  }
0xbc: {  	s0 =	sadd.s32 $0x8F2B, s0  }
0xbd: {  	[sflag:s0] =	ssyncadd.remote.s32 $0x1  }
0xbe: {  	_ =	sfence.sel $0xFFFF  }
0xbf: {  	[dreg:$0x0] =	wrdreg $0xFFFFFFFF;
	(pc) =	sbr.abs _section_cstart, $3  }
0xc0: {  	[dreg:$0x1] =	wrdreg $0xFFFFFFFF  }
0xc1: {  	_ =	task.clear_ibuf [dreg:s6], $0x2FFFF;
	_ =	strace $0x9FFFFFFF  }
0xc2: {  	(tm) =	ssettm $0x7FFFFFFF  }
0xc3: {  	_ =	shalt  }
tec
execute0_lowered:
.L_overlay_start_1:
0x0: {  	(tag) =	ssettag $0x1  }
0x1: {  	s0 =	rddreg [dreg:$0x0]  }
0x2: {  	s1 =	rddreg [dreg:$0x1];
	s3 =	simm.s32 $0x0  }
0x3: {  	s2 =	srdreg.scid;
	s26 =	stileid.u32;
	s28 =	simm.s32 $0x50  }
0x4: {  	s29 =	simm.s32 $0x1;
	s30 =	simm.s32 $0x0;
	s8 =	smul.u32 $0xA000, s26  }
0x5: {  	[smem:$0x7FF] =	sst s3;
	s31 =	sor.u32 $0x10, s26;
	s15 =	smul.u32 $0x2800, s26  }
0x6: {  	s2 =	sand.u32 $0x1, s2;
	s14 =	sor.u32 $0x20, s26;
	s9 =	smul.u32 $0xA000, s31  }
0x7: {  	s5 =	sshll.u32 s26, $0xC;
	s16 =	sor.u32 $0x30, s26;
	s21 =	smul.u32 $0xA000, s14  }
0x8: {  	s4 =	sadd.s32 $0x23C00, s0;
	s17 =	sor.u32 $0x40, s26;
	s10 =	smul.u32 $0xA000, s16  }
0x9: {  	s22 =	sadd.s32 $0x4AE00, s0;
	s18 =	sor.u32 $0x50, s26;
	s11 =	smul.u32 $0xA000, s17  }
0xa: {  	s19 =	sor.u32 $0x60, s26;
	p0 =	sgt.u32 s26, $0xC;
	s12 =	smul.u32 $0xA000, s18  }
0xb: {  	_ =	strace $0x80000050;
	s6 =	sshll.u32 s2, $0xB;
	s13 =	smul.u32 $0xA000, s19  }
0xc: {  	s24 =	ssub.s32 $0x2, s2;
	s2 =	smul.u32 $0x138800, s2;
	s5 =	sor.u32 s6, s5  }
0xd: {  	s25 =	sshrl.u32 s24, $0x1;
	s8 =	sshrl.u32 s8, $0x2;
	s7 =	sadd.s32 s5, s0  }
0xe: {  	s23 =	ssub.s32 s24, s25;
	s20 =	sshrl.u32 s9, $0x2;
	s9 =	sshrl.u32 s21, $0x2  }
0xf: {  	s10 =	sshrl.u32 s10, $0x2;
	s11 =	sshrl.u32 s11, $0x2;
	s0 =	smul.u32 $0x2800, s31  }
0x10: {  	s12 =	sshrl.u32 s12, $0x2;
	s13 =	sshrl.u32 s13, $0x2;
	s24 =	smul.u32 $0x2800, s14  }
0x11: {  	s15 =	sadd.s32 s15, s2;
	s25 =	smul.u32 $0x2800, s16;
	s5 =	sadd.s32 $0x13C00, s7  }
0x12: {  	s6 =	sadd.s32 $0x3C00, s7;
	s7 =	sadd.s32 s8, s1;
	s8 =	sadd.s32 s20, s1  }
0x13: {  	s9 =	sadd.s32 s9, s1;
	s10 =	sadd.s32 s10, s1;
	s11 =	sadd.s32 s11, s1  }
0x14: {  	s20 =	sor.u32 $0x70, s26;
	s12 =	sadd.s32 s12, s1;
	s13 =	sadd.s32 s13, s1  }
0x15: {  	s15 =	sshrl.u32 s15, $0x3;
	s23 =	smax.u32 s23, $0x1;
	s21 =	smul.u32 $0xA000, s20  }
0x16: {  	s0 =	sadd.s32 s2, s0;
	s24 =	sadd.s32 s2, s24;
	s25 =	sadd.s32 s2, s25  }
0x17: {  	s20 =	smul.u32 $0x2800, s20;
	s0 =	sshrl.u32 s0, $0x3;
	s21 =	sshrl.u32 s21, $0x2  }
0x18: {  	s16 =	sadd.s32 s22, s0;
	s0 =	sshrl.u32 s25, $0x3;
	s25 =	smul.u32 $0x2800, s19  }
0x19: {  	s31 =	sshrl.u32 s24, $0x3;
	s14 =	sadd.s32 s21, s1;
	s21 =	smul.u32 $0x2800, s17  }
0x1a: {  	s26 =	simm.s32 $0x8000;
	s17 =	sadd.s32 s22, s31;
	s31 =	smul.u32 $0x2800, s18  }
0x1b: {  	s15 =	sadd.s32 s22, s15;
	s18 =	sadd.s32 s22, s0;
	s25 =	sadd.s32 s2, s25  }
0x1c: {  	s21 =	sadd.s32 s2, s21;
	s24 =	sadd.s32 s2, s31;
	s2 =	sadd.s32 s2, s20  }
0x1d: {  	s21 =	sshrl.u32 s21, $0x3;
	s0 =	sshrl.u32 s24, $0x3;
	s31 =	sshrl.u32 s2, $0x3  }
0x1e: {  	s24 =	simm.s32 $0x2;
	s19 =	sadd.s32 s22, s21;
	s21 =	sshrl.u32 s25, $0x3  }
0x1f: {  	v0 =	vimm.f32 $0.0e+00;
	s20 =	sadd.s32 s22, s0;
	s21 =	sadd.s32 s22, s21;
	s22 =	sadd.s32 s22, s31  }
.LBB2_1:
0x20: {  	[tilespmem:s3], [sflag:$0x2] =	stream.linear.gather [hbm4b:s5+s3], $0x3E80, $0x38;
	[tilespmem:$0x1E080] =	vst v63  }
0x21: {  	_ =	swait.ge [sflag:s24], $0x3E80  }
0x22: {  	[sflag:s24] =	ssyncset.done $0x0  }
0x23: {  	s0 =	simm.s32 $0x4000;
	[sflag:s24] =	ssyncadd.s32 $0xFFFFC180  }
0x24: {  	[tilespmem:s0], [sflag:$0x2] =	stream.linear.gather [hbm4b:s6+s3], $0x3E80, $0x38;
	[tilespmem:$0x1E080] =	vst v63  }
0x25: {  	s25 =	sand.u32 $0xFE00, s3;
	s2 =	sand.u32 $0x70, s3;
	_ =	swait.ge [sflag:s24], $0x3E80  }
0x26: {  	s31 =	simm.s32 $0x40;
	s0 =	sshrl.u32 s25, $0x2;
	[sflag:s24] =	ssyncset.done $0x0  }
0x27: {  	s2 =	sor.u32 s2, s0;
	s0 =	simm.s32 $0x0;
	[sflag:s24] =	ssyncadd.s32 $0xFFFFC180  }
.LBB2_2:
0x28: {  	p1 =	sne.s32 s31, $0x9FC0  }
0x29: {  	[tilespmem:s2+$0x8000] =	vst v0;
	s0 =	sadd.s32 $0x10, s0;
	s2 =	smov.u32 s31;
	s31 =	sadd.s32 $0x40, s31  }
.Ltmp0:
0x2a: {  	(pc) =	sbr.rel @p1 .LBB2_2-.Ltmp0, $4  }
0x2b: {  	_ = 	snop  }
0x2c: {  	s2 =	sand.u32 $0xFE00, s2  }
0x2d: {  	s25 =	sand.u32 $0x70, s0;
	s2 =	sshrl.u32 s2, $0x2  }
0x2e: {  	s2 =	sor.u32 s25, s2  }
0x2f: {  	[tilespmem:s2+$0x8000] =	vst v0  }
0x30: {  	[spmem:s7] =	stream.linear.scatter [tilespmem:s26], [sflag:$0x2], $0x2800, $0x38;
	[tilespmem:$0x1E080] =	vst v63  }
0x31: {  	_ =	swait.ge [sflag:s24], $0x2800  }
0x32: {  	[sflag:s24] =	ssyncset.done $0x0  }
0x33: {  	[sflag:s24] =	ssyncadd.s32 $0xFFFFD800  }
0x34: {  	[spmem:s8] =	stream.linear.scatter [tilespmem:s26], [sflag:$0x2], $0x2800, $0x38;
	[tilespmem:$0x1E080] =	vst v63  }
0x35: {  	_ =	swait.ge [sflag:s24], $0x2800  }
0x36: {  	[sflag:s24] =	ssyncset.done $0x0  }
0x37: {  	[sflag:s24] =	ssyncadd.s32 $0xFFFFD800  }
0x38: {  	[spmem:s9] =	stream.linear.scatter [tilespmem:s26], [sflag:$0x2], $0x2800, $0x38;
	[tilespmem:$0x1E080] =	vst v63  }
0x39: {  	_ =	swait.ge [sflag:s24], $0x2800  }
0x3a: {  	[sflag:s24] =	ssyncset.done $0x0  }
0x3b: {  	[sflag:s24] =	ssyncadd.s32 $0xFFFFD800  }
0x3c: {  	[spmem:s10] =	stream.linear.scatter [tilespmem:s26], [sflag:$0x2], $0x2800, $0x38;
	[tilespmem:$0x1E080] =	vst v63  }
0x3d: {  	_ =	swait.ge [sflag:s24], $0x2800  }
0x3e: {  	[sflag:s24] =	ssyncset.done $0x0  }
0x3f: {  	[sflag:s24] =	ssyncadd.s32 $0xFFFFD800  }
0x40: {  	[spmem:s11] =	stream.linear.scatter [tilespmem:s26], [sflag:$0x2], $0x2800, $0x38;
	[tilespmem:$0x1E080] =	vst v63  }
0x41: {  	_ =	swait.ge [sflag:s24], $0x2800  }
0x42: {  	[sflag:s24] =	ssyncset.done $0x0  }
0x43: {  	[sflag:s24] =	ssyncadd.s32 $0xFFFFD800  }
0x44: {  	[spmem:s12] =	stream.linear.scatter [tilespmem:s26], [sflag:$0x2], $0x2800, $0x38;
	[tilespmem:$0x1E080] =	vst v63  }
0x45: {  	_ =	swait.ge [sflag:s24], $0x2800  }
0x46: {  	[sflag:s24] =	ssyncset.done $0x0  }
0x47: {  	[sflag:s24] =	ssyncadd.s32 $0xFFFFD800  }
0x48: {  	[spmem:s13] =	stream.linear.scatter [tilespmem:s26], [sflag:$0x2], $0x2800, $0x38;
	[tilespmem:$0x1E080] =	vst v63  }
0x49: {  	_ =	swait.ge [sflag:s24], $0x2800  }
0x4a: {  	[sflag:s24] =	ssyncset.done $0x0  }
0x4b: {  	s0 =	simm.s32 @!p0 $0x8000;
	[sflag:s24] =	ssyncadd.s32 $0xFFFFD800  }
0x4c: {  	[spmem:s14] =	stream.linear.scatter @!p0 [tilespmem:s0], [sflag:$0x2], $0x2800, $0x38;
	[tilespmem:$0x1E080] =	vst v63  }
0x4d: {  	s0 =	simm.s32 @!p0 $0x2  }
0x4e: {  	_ =	swait.ge @!p0 [sflag:s0], $0x2800  }
0x4f: {  	[sflag:s0] =	ssyncset.done @!p0 $0x0  }
0x50: {  	[sflag:s0] =	ssyncadd.s32 @!p0 $0xFFFFD800  }
0x51: {  	s2 =	simm.s32 $0x0;
	[bflag:$0x0] =	sbarrier.arrive $0xFFFF  }
0x52: {  	[tilespmem:s26], [sflag:$0x1] =	stream.indirect.gather [hbm4b:s4+s28], $0x80, s2, s28, $0xb8;
	[tilespmem:$0x1E080] =	vst v63  }
0x53: {  	_ =	swait.ge [sflag:s29], $0x2800  }
0x54: {  	[sflag:s29] =	ssyncset.done $0x0  }
0x55: {  	s25 =	simm.s32 $0x4000;
	[sflag:s29] =	ssyncadd.s32 $0xFFFFD800  }
0x56: {  	[spmem:s1] =	stream.indirect.scatter.add.f32 [tilespmem:s26], [sflag:$0x2], $0x80, s25, s28, $0xb8;
	[tilespmem:$0x1E080] =	vst v63  }
0x57: {  	_ =	swait.ge [sflag:s24], $0x2800  }
0x58: {  	s31 =	simm.s32 $0x200;
	s0 =	simm.s32 $0x400;
	[sflag:s24] =	ssyncset.done $0x0  }
.LBB2_4:
0x59: {  	s2 =	sshra.s32 s31, $0x2  }
0x5a: {  	[sflag:s24] =	ssyncadd.s32 $0xFFFFD800;
	s31 =	smov.u32 s0;
	s25 =	sadd.s32 $0x200, s0  }
0x5b: {  	[tilespmem:s26], [sflag:$0x1] =	stream.indirect.gather [hbm4b:s4+s28], $0x80, s2, s28, $0xb8;
	[tilespmem:$0x1E080] =	vst v63  }
0x5c: {  	p1 =	sne.s32 s0, $0xF800;
	_ =	swait.ge [sflag:s29], $0x2800  }
.Ltmp1:
0x5d: {  	[sflag:s29] =	ssyncset.done $0x0;
	(pc) =	sbr.rel @p1 .LBB2_4-.Ltmp1, $4  }
0x5e: {  	s0 =	sadd.s32 $0x4000, s2;
	[sflag:s29] =	ssyncadd.s32 $0xFFFFD800  }
0x5f: {  	[spmem:s1] =	stream.indirect.scatter.add.f32 [tilespmem:s26], [sflag:$0x2], $0x80, s0, s28, $0xb8;
	[tilespmem:$0x1E080] =	vst v63  }
0x60: {  	_ =	swait.ge [sflag:s24], $0x2800  }
0x61: {  	s0 =	smov.u32 s25;
	[sflag:s24] =	ssyncset.done $0x0  }
0x62: {  	s0 =	sshra.s32 s31, $0x2;
	[sflag:s24] =	ssyncadd.s32 $0xFFFFD800  }
0x63: {  	[tilespmem:s26], [sflag:$0x1] =	stream.indirect.gather [hbm4b:s4+s28], $0x80, s0, s28, $0xb8;
	[tilespmem:$0x1E080] =	vst v63  }
0x64: {  	_ =	swait.ge [sflag:s29], $0x2800  }
0x65: {  	[sflag:s29] =	ssyncset.done $0x0  }
0x66: {  	s0 =	sadd.s32 $0x4000, s0;
	[sflag:s29] =	ssyncadd.s32 $0xFFFFD800  }
0x67: {  	[spmem:s1] =	stream.indirect.scatter.add.f32 [tilespmem:s26], [sflag:$0x2], $0x80, s0, s28, $0xb8;
	[tilespmem:$0x1E080] =	vst v63  }
0x68: {  	_ =	swait.ge [sflag:s24], $0x2800  }
0x69: {  	[sflag:s24] =	ssyncset.done $0x0  }
0x6a: {  	[sflag:s24] =	ssyncadd.s32 $0xFFFFD800  }
0x6b: {  	[bflag:$0x0] =	sbarrier.arrive $0xFFFF  }
0x6c: {  	[tilespmem:s26], [sflag:$0x2] =	stream.linear.gather [spmem:s7], $0x2800, $0x38;
	[tilespmem:$0x1E080] =	vst v63  }
0x6d: {  	_ =	swait.ge [sflag:s24], $0x2800  }
0x6e: {  	[sflag:s24] =	ssyncset.done $0x0  }
0x6f: {  	[sflag:s24] =	ssyncadd.s32 $0xFFFFD800  }
0x70: {  	[hbm4b:s15+s3] =	stream.linear.scatter [tilespmem:s26], [sflag:$0x2], $0x2800, $0x38;
	[tilespmem:$0x1E080] =	vst v63  }
0x71: {  	_ =	swait.ge [sflag:s24], $0x2800  }
0x72: {  	[sflag:s24] =	ssyncset.done $0x0  }
0x73: {  	[sflag:s24] =	ssyncadd.s32 $0xFFFFD800  }
0x74: {  	[tilespmem:s26], [sflag:$0x2] =	stream.linear.gather [spmem:s8], $0x2800, $0x38;
	[tilespmem:$0x1E080] =	vst v63  }
0x75: {  	_ =	swait.ge [sflag:s24], $0x2800  }
0x76: {  	[sflag:s24] =	ssyncset.done $0x0  }
0x77: {  	[sflag:s24] =	ssyncadd.s32 $0xFFFFD800  }
0x78: {  	[hbm4b:s16+s3] =	stream.linear.scatter [tilespmem:s26], [sflag:$0x2], $0x2800, $0x38;
	[tilespmem:$0x1E080] =	vst v63  }
0x79: {  	_ =	swait.ge [sflag:s24], $0x2800  }
0x7a: {  	[sflag:s24] =	ssyncset.done $0x0  }
0x7b: {  	[sflag:s24] =	ssyncadd.s32 $0xFFFFD800  }
0x7c: {  	[tilespmem:s26], [sflag:$0x2] =	stream.linear.gather [spmem:s9], $0x2800, $0x38;
	[tilespmem:$0x1E080] =	vst v63  }
0x7d: {  	_ =	swait.ge [sflag:s24], $0x2800  }
0x7e: {  	[sflag:s24] =	ssyncset.done $0x0  }
0x7f: {  	[sflag:s24] =	ssyncadd.s32 $0xFFFFD800  }
0x80: {  	[hbm4b:s17+s3] =	stream.linear.scatter [tilespmem:s26], [sflag:$0x2], $0x2800, $0x38;
	[tilespmem:$0x1E080] =	vst v63  }
0x81: {  	_ =	swait.ge [sflag:s24], $0x2800  }
0x82: {  	[sflag:s24] =	ssyncset.done $0x0  }
0x83: {  	[sflag:s24] =	ssyncadd.s32 $0xFFFFD800  }
0x84: {  	[tilespmem:s26], [sflag:$0x2] =	stream.linear.gather [spmem:s10], $0x2800, $0x38;
	[tilespmem:$0x1E080] =	vst v63  }
0x85: {  	_ =	swait.ge [sflag:s24], $0x2800  }
0x86: {  	[sflag:s24] =	ssyncset.done $0x0  }
0x87: {  	[sflag:s24] =	ssyncadd.s32 $0xFFFFD800  }
0x88: {  	[hbm4b:s18+s3] =	stream.linear.scatter [tilespmem:s26], [sflag:$0x2], $0x2800, $0x38;
	[tilespmem:$0x1E080] =	vst v63  }
0x89: {  	_ =	swait.ge [sflag:s24], $0x2800  }
0x8a: {  	[sflag:s24] =	ssyncset.done $0x0  }
0x8b: {  	[sflag:s24] =	ssyncadd.s32 $0xFFFFD800  }
0x8c: {  	[tilespmem:s26], [sflag:$0x2] =	stream.linear.gather [spmem:s11], $0x2800, $0x38;
	[tilespmem:$0x1E080] =	vst v63  }
0x8d: {  	_ =	swait.ge [sflag:s24], $0x2800  }
0x8e: {  	[sflag:s24] =	ssyncset.done $0x0  }
0x8f: {  	[sflag:s24] =	ssyncadd.s32 $0xFFFFD800  }
0x90: {  	[hbm4b:s19+s3] =	stream.linear.scatter [tilespmem:s26], [sflag:$0x2], $0x2800, $0x38;
	[tilespmem:$0x1E080] =	vst v63  }
0x91: {  	_ =	swait.ge [sflag:s24], $0x2800  }
0x92: {  	[sflag:s24] =	ssyncset.done $0x0  }
0x93: {  	[sflag:s24] =	ssyncadd.s32 $0xFFFFD800  }
0x94: {  	[tilespmem:s26], [sflag:$0x2] =	stream.linear.gather [spmem:s12], $0x2800, $0x38;
	[tilespmem:$0x1E080] =	vst v63  }
0x95: {  	_ =	swait.ge [sflag:s24], $0x2800  }
0x96: {  	[sflag:s24] =	ssyncset.done $0x0  }
0x97: {  	[sflag:s24] =	ssyncadd.s32 $0xFFFFD800  }
0x98: {  	[hbm4b:s20+s3] =	stream.linear.scatter [tilespmem:s26], [sflag:$0x2], $0x2800, $0x38;
	[tilespmem:$0x1E080] =	vst v63  }
0x99: {  	_ =	swait.ge [sflag:s24], $0x2800  }
0x9a: {  	[sflag:s24] =	ssyncset.done $0x0  }
0x9b: {  	[sflag:s24] =	ssyncadd.s32 $0xFFFFD800  }
0x9c: {  	[tilespmem:s26], [sflag:$0x2] =	stream.linear.gather [spmem:s13], $0x2800, $0x38;
	[tilespmem:$0x1E080] =	vst v63  }
0x9d: {  	_ =	swait.ge [sflag:s24], $0x2800  }
0x9e: {  	[sflag:s24] =	ssyncset.done $0x0  }
0x9f: {  	[sflag:s24] =	ssyncadd.s32 $0xFFFFD800  }
0xa0: {  	[hbm4b:s21+s3] =	stream.linear.scatter [tilespmem:s26], [sflag:$0x2], $0x2800, $0x38;
	[tilespmem:$0x1E080] =	vst v63  }
0xa1: {  	_ =	swait.ge [sflag:s24], $0x2800  }
0xa2: {  	[sflag:s24] =	ssyncset.done $0x0  }
0xa3: {  	s2 =	simm.s32 @!p0 $0x2;
	s0 =	simm.s32 @!p0 $0x8000;
	[sflag:s24] =	ssyncadd.s32 $0xFFFFD800  }
0xa4: {  	[tilespmem:s0], [sflag:$0x2] =	stream.linear.gather @!p0 [spmem:s14], $0x2800, $0x38;
	[tilespmem:$0x1E080] =	vst v63  }
0xa5: {  	s30 =	sadd.s32 $0x1, s30;
	_ =	swait.ge @!p0 [sflag:s2], $0x2800  }
0xa6: {  	p1 =	sne.s32 s30, s23;
	[sflag:s2] =	ssyncset.done @!p0 $0x0  }
.Ltmp2:
0xa7: {  	s25 =	simm.s32 @!p0 $0x0;
	[sflag:s2] =	ssyncadd.s32 @!p0 $0xFFFFD800;
	(pc) =	sbr.rel @p1 .LBB2_1-.Ltmp2, $4  }
0xa8: {  	[hbm4b:s22+s25] =	stream.linear.scatter @!p0 [tilespmem:s0], [sflag:$0x2], $0x2800, $0x38;
	[tilespmem:$0x1E080] =	vst v63  }
0xa9: {  	_ =	swait.ge @!p0 [sflag:s2], $0x2800  }
0xaa: {  	[sflag:s2] =	ssyncset.done @!p0 $0x0  }
0xab: {  	[sflag:s2] =	ssyncadd.s32 @!p0 $0xFFFFD800  }
0xac: {  	_ =	sfence.sel $0x180000  }
0xad: {  	[bflag:$0x0] =	sbarrier.arrive $0xFFFF  }
0xae: {  	_ =	strace $0x90000050  }
0xaf: {  	s0 =	stileid.u32;
	[bflag:$0x2] =	sbarrier.arrive $0xFFFF  }
0xb0: {  	p0 =	sne.s32 s0, $0x0;
	s0 =	rddreg [dreg:$0x2]  }
0xb1: {  	s0 =	sadd.s32 @!p0 $0x100000, s0  }
0xb2: {  	[sflag:s0] =	ssyncadd.tile.s32 @!p0 $0x1;
	_ =	shalt  }
.Lfunc_end2:
_tile_overlayer_lowered:
.L_overlay_start_2:
0xb3: {  	(tag) =	ssettag $0x2  }
0xb4: {  	s0 =	rddreg [dreg:$0x0];
	s2 =	stileid.u32  }
0xb5: {  	s1 =	rddreg [dreg:$0x1];
	p0 =	sne.s32 s2, $0x0  }
0xb6: {  	s3 =	rddreg [dreg:$0x2];
	[bflag:$0x3] =	sbarrier.arrive $0xFFFF;
	s2 =	simm.s32 @!p0 $0x1C02  }
0xb7: {  	[timem:s3], [sflag:s2] =	dma.local @!p0 [hbm:s0], s1  }
0xb8: {  	s0 =	simm.s32 @!p0 $0x2  }
0xb9: {  	_ =	swait.ge @!p0 [sflag:s0], s1  }
0xba: {  	s1 =	ssub.s32 @!p0 $0x0, s1;
	[sflag:s0] =	ssyncset.done @!p0 $0x0  }
0xbb: {  	[sflag:s0] =	ssyncadd.s32 @!p0 s1  }
0xbc: {  	[bflag:$0x3] =	sbarrier.arrive $0xFFFF  }
0xbd: {  	_ =	shalt  }

</sc_bundles>
